<compile_context>
chip_gen: v7x
topology: tpu7x:2x2x1
jax: 0.10.2.dev20260603
libtpu: 0.0.44.dev20260713+nightly
codegen_flags: <defaults>
</compile_context>

<pallas_src>
import jax
import jax.numpy as jnp
from jax import lax
from jax.experimental import pallas as pl
from jax.experimental.pallas import tpu as pltpu
from jax.experimental.pallas import tpu_sc as plsc

B, T, C, K = 16, 512, 256, 4
NROWS = B * K
WIN = 16
NIT = 256
L = 16
NC, NS = 2, 16
NPAIR = (B * T) // (NC * NS)
NCHUNK = 8
PCHUNK = NPAIR // NCHUNK


def _sc_body(v_hbm, xs_hbm, ys_hbm, func_hbm,
             vp, vs, vs1, phi, f4, func_v, wbuf, idx_all,
             grows_a, grows_b, orow_a, orow_b, shared,
             sema, semb, osema, osemb, semf):
    c = lax.axis_index("c")
    s = lax.axis_index("s")
    w = c * NS + s
    iot = lax.iota(jnp.int32, L)

    b_loc = s // 2
    h = s % 2
    b = c * (B // NC) + b_loc

    pltpu.async_copy(v_hbm.at[2 * w], vp.at[0], sema)
    pltpu.async_copy(v_hbm.at[2 * w + 1], vp.at[1], semb)

    for rowi in range(2):
        r = 2 * w + rowi
        lr = 2 * s + rowi
        pltpu.make_async_copy(v_hbm.at[r], vp.at[rowi],
                              sema if rowi == 0 else semb).wait()
        rvec = jnp.full((L,), rowi, jnp.int32)

        def smooth_body(j, carry):
            base = j * L + iot - (WIN // 2)
            acc = plsc.load_gather(vp, [rvec, jnp.maximum(base, 0)])
            for d in range(1, WIN):
                acc = acc + plsc.load_gather(
                    vp, [rvec, jnp.clip(base + d, 0, T - 1)])
            sm = acc * (1.0 / (WIN * K * NIT))
            vs[pl.ds(j * L, L)] = sm
            plsc.store_scatter(vs1, [j * L + iot - 1], sm,
                               mask=(j * L + iot) >= 1)
            return carry
        lax.fori_loop(0, T // L, smooth_body, 0)
        v_last = plsc.load_gather(vs, [jnp.full((L,), T - 1, jnp.int32)])
        plsc.store_scatter(vs1, [jnp.full((L,), T - 1, jnp.int32)], v_last,
                           mask=iot < 1)

        G = 8

        def grp_body(gg, carry):
            base = gg * (G * L)
            ps = tuple(
                (base + u * L + iot).astype(jnp.float32) for u in range(G))

            def euler_body(n, ps):
                for _ in range(2):
                    out = []
                    for u in range(G):
                        p = ps[u]
                        i0 = p.astype(jnp.int32)
                        t = p - i0.astype(jnp.float32)
                        h0 = plsc.load_gather(vs, [i0])
                        h1 = plsc.load_gather(vs1, [i0])
                        pn = p + (h0 + t * (h1 - h0))
                        out.append(jnp.minimum(pn, float(T - 1)))
                    ps = tuple(out)
                return ps
            ps = lax.fori_loop(0, NIT // 2, euler_body, ps)
            for u in range(G):
                phi[rowi, pl.ds(base + u * L, L)] = ps[u]
            return carry
        lax.fori_loop(0, T // (G * L), grp_body, 0)
        pltpu.async_copy(phi.at[rowi], shared.at[lr],
                         osema if rowi == 0 else osemb)
    pltpu.make_async_copy(phi.at[0], shared.at[2 * s], osema).wait()
    pltpu.make_async_copy(phi.at[1], shared.at[2 * s + 1], osemb).wait()
    plsc.subcore_barrier()

    for k in range(K):
        pltpu.async_copy(shared.at[4 * b_loc + k], f4.at[k], sema)
    for k in range(K):
        pltpu.make_async_copy(shared.at[4 * b_loc + k], f4.at[k],
                              sema).wait()

    def comp_body(g, carry):
        pos = f4[0, pl.ds(h * NPAIR + g * L, L)]
        for k in range(1, K):
            i0 = jnp.clip(pos.astype(jnp.int32), 0, T - 2)
            t = pos - i0.astype(jnp.float32)
            kvec = jnp.full((L,), k, jnp.int32)
            vm1 = plsc.load_gather(f4, [kvec, jnp.maximum(i0 - 1, 0)])
            v0 = plsc.load_gather(f4, [kvec, i0])
            v1 = plsc.load_gather(f4, [kvec, i0 + 1])
            v2 = plsc.load_gather(f4, [kvec, jnp.minimum(i0 + 2, T - 1)])
            t2 = t * t
            t3 = t2 * t
            w0 = -0.5 * t3 + t2 - 0.5 * t
            w1 = 1.5 * t3 - 2.5 * t2 + 1.0
            w2 = -1.5 * t3 + 2.0 * t2 + 0.5 * t
            w3 = 0.5 * t3 - 0.5 * t2
            pos = w0 * vm1 + w1 * v0 + w2 * v1 + w3 * v2
        func_v[pl.ds(g * L, L)] = pos
        i0 = jnp.clip(pos.astype(jnp.int32), 0, T - 2)
        t = pos - i0.astype(jnp.float32)
        t2 = t * t
        t3 = t2 * t
        wbuf[0, pl.ds(g * L, L)] = -0.5 * t3 + t2 - 0.5 * t
        wbuf[1, pl.ds(g * L, L)] = 1.5 * t3 - 2.5 * t2 + 1.0
        wbuf[2, pl.ds(g * L, L)] = -1.5 * t3 + 2.0 * t2 + 0.5 * t
        wbuf[3, pl.ds(g * L, L)] = 0.5 * t3 - 0.5 * t2
        base_row = b * T
        m = g // 2
        qoff = (g % 2) * L
        idx_all[m, pl.ds(qoff, L)] = base_row + jnp.maximum(i0 - 1, 0)
        idx_all[m, pl.ds(PCHUNK + qoff, L)] = base_row + i0
        idx_all[m, pl.ds(2 * PCHUNK + qoff, L)] = base_row + i0 + 1
        idx_all[m, pl.ds(3 * PCHUNK + qoff, L)] = (
            base_row + jnp.minimum(i0 + 2, T - 1))

        @pl.when(g == 1)
        def _():
            pltpu.async_copy(xs_hbm.at[idx_all.at[0]], grows_a, sema)

        @pl.when(g == 3)
        def _():
            pltpu.async_copy(xs_hbm.at[idx_all.at[1]], grows_b, semb)
        return carry
    lax.fori_loop(0, NPAIR // L, comp_body, 0)
    pltpu.async_copy(func_v, func_hbm.at[b, pl.ds(h * NPAIR, NPAIR)], semf)

    out_base = b * T + h * NPAIR

    def _combine(m, grows_x, orow_x):
        def pair_body(q, c2):
            qs = jnp.full((L,), 0, jnp.int32) + (m * PCHUNK + q)
            w0v = plsc.load_gather(wbuf, [jnp.full((L,), 0, jnp.int32), qs])
            w1v = plsc.load_gather(wbuf, [jnp.full((L,), 1, jnp.int32), qs])
            w2v = plsc.load_gather(wbuf, [jnp.full((L,), 2, jnp.int32), qs])
            w3v = plsc.load_gather(wbuf, [jnp.full((L,), 3, jnp.int32), qs])
            for cc in range(C // L):
                sl = pl.ds(cc * L, L)
                o = (w0v * grows_x[q, sl]
                     + w1v * grows_x[PCHUNK + q, sl]) + (
                    w2v * grows_x[2 * PCHUNK + q, sl]
                    + w3v * grows_x[3 * PCHUNK + q, sl])
                orow_x[q, sl] = o
            return c2
        lax.fori_loop(0, PCHUNK, pair_body, 0)

    def chunk_body(mm, carry):
        for par, (gr, se, orw, ose) in enumerate(
                ((grows_a, sema, orow_a, osema),
                 (grows_b, semb, orow_b, osemb))):
            m = 2 * mm + par
            pltpu.make_async_copy(xs_hbm.at[idx_all.at[m]], gr, se).wait()

            @pl.when(mm > 0)
            def _():
                pltpu.make_async_copy(
                    orw, ys_hbm.at[pl.ds(out_base + (m - 2) * PCHUNK,
                                         PCHUNK)], ose).wait()
            _combine(m, gr, orw)
            pltpu.async_copy(
                orw, ys_hbm.at[pl.ds(out_base + m * PCHUNK, PCHUNK)], ose)

            @pl.when(mm < NCHUNK // 2 - 1)
            def _():
                pltpu.async_copy(xs_hbm.at[idx_all.at[m + 2]], gr, se)
        return carry
    lax.fori_loop(0, NCHUNK // 2, chunk_body, 0)
    pltpu.make_async_copy(
        orow_a, ys_hbm.at[pl.ds(out_base + (NCHUNK - 2) * PCHUNK, PCHUNK)],
        osema).wait()
    pltpu.make_async_copy(
        orow_b, ys_hbm.at[pl.ds(out_base + (NCHUNK - 1) * PCHUNK, PCHUNK)],
        osemb).wait()
    pltpu.make_async_copy(
        func_v, func_hbm.at[b, pl.ds(h * NPAIR, NPAIR)], semf).wait()


def kernel(xs, ds, is_inference):
    xs_flat = xs.reshape(B * T, C)
    v64 = jnp.swapaxes(ds, -1, -2).reshape(NROWS, T)
    mesh = plsc.VectorSubcoreMesh(core_axis_name="c", subcore_axis_name="s")
    f = pl.kernel(
        _sc_body,
        out_type=(jax.ShapeDtypeStruct((B * T, C), jnp.float32),
                  jax.ShapeDtypeStruct((B, T), jnp.float32)),
        mesh=mesh,
        scratch_types=[
            pltpu.VMEM((2, T), jnp.float32),
            pltpu.VMEM((T,), jnp.float32),
            pltpu.VMEM((T,), jnp.float32),
            pltpu.VMEM((2, T), jnp.float32),
            pltpu.VMEM((K, T), jnp.float32),
            pltpu.VMEM((NPAIR,), jnp.float32),
            pltpu.VMEM((K, NPAIR), jnp.float32),
            pltpu.VMEM((NCHUNK, 4 * PCHUNK), jnp.int32),
            pltpu.VMEM((4 * PCHUNK, C), jnp.float32),
            pltpu.VMEM((4 * PCHUNK, C), jnp.float32),
            pltpu.VMEM((PCHUNK, C), jnp.float32),
            pltpu.VMEM((PCHUNK, C), jnp.float32),
            pltpu.VMEM_SHARED((2 * NS, T), jnp.float32),
            pltpu.SemaphoreType.DMA,
            pltpu.SemaphoreType.DMA,
            pltpu.SemaphoreType.DMA,
            pltpu.SemaphoreType.DMA,
            pltpu.SemaphoreType.DMA,
        ],
        compiler_params=pltpu.CompilerParams(needs_layout_passes=False),
    )
    ys_flat, func = f(v64, xs_flat)
    return ys_flat.reshape(B, T, C), func

# --- scband reference (transcript-rebuilt; emitter-appended) ---
"""Pipeline reference for scband-length-regulator-37821482008736 (READ-ONLY COPY).

The authoritative reference and input builder live on the scoring server;
editing this copy changes nothing except your own understanding.
"""

import jax, jax.numpy as jnp
import numpy as np

WINDOW_SIZE = 16
N_ITER = 256
SR = 4


def _smooth(v, w):
    # moving-average smoothing of the velocity field over window_size
    pad = w // 2
    vp = jnp.pad(v, ((0, 0), (pad, w - 1 - pad)), mode='edge')
    c = jnp.cumsum(vp, axis=1)
    c = jnp.pad(c, ((0, 0), (1, 0)))
    return (c[:, w:] - c[:, :-w]) / w


def _linear_interp(v, pos):
    # v: (N, T) values, pos: (N, T) fractional index positions
    T = v.shape[1]
    i0 = jnp.clip(jnp.floor(pos).astype(jnp.int32), 0, T - 2)
    t = pos - i0.astype(pos.dtype)
    g0 = jnp.take_along_axis(v, i0, axis=1)
    g1 = jnp.take_along_axis(v, i0 + 1, axis=1)
    return g0 * (1.0 - t) + g1 * t


def gw_ode(v):
    # Integrate the velocity field v to obtain a monotone warping function phi.
    # phi' (x) = v(phi(x)), Euler integration with n_iter steps, identity init.
    v = _smooth(v, WINDOW_SIZE)
    N, T = v.shape
    base = jnp.broadcast_to(jnp.arange(T, dtype=v.dtype), (N, T))
    dt = 1.0 / N_ITER

    def step(phi, _):
        phi = phi + dt * _linear_interp(v, phi)
        phi = jnp.clip(phi, 0.0, T - 1.0)
        return phi, None

    phi, _ = jax.lax.scan(step, base, None, length=N_ITER)
    return phi


def cubic_interpolation(values, pos):
    # values: (N, C, T), pos: (N, T) in index coordinates -> (N, C, T)
    N, C, T = values.shape
    i = jnp.clip(jnp.floor(pos).astype(jnp.int32), 0, T - 2)
    t = (pos - i.astype(pos.dtype))[:, None, :]

    def g(idx):
        idx = jnp.clip(idx, 0, T - 1)
        return jnp.take_along_axis(values, jnp.broadcast_to(idx[:, None, :], (N, C, T)), axis=2)

    vm1, v0, v1, v2 = g(i - 1), g(i), g(i + 1), g(i + 2)
    t2 = t * t
    t3 = t2 * t
    w0 = -0.5 * t3 + t2 - 0.5 * t
    w1 = 1.5 * t3 - 2.5 * t2 + 1.0
    w2 = -1.5 * t3 + 2.0 * t2 + 0.5 * t
    w3 = 0.5 * t3 - 0.5 * t2
    return w0 * vm1 + w1 * v0 + w2 * v1 + w3 * v2


def setup_inputs(seed: int = 0):
    key = jax.random.key(seed)
    k1, k2 = jax.random.split(key)
    xs = jax.random.normal(k1, (16, 512, 256), dtype=jnp.float32)
    ds = jax.random.uniform(k2, (16, 512, 4), dtype=jnp.float32)
    return {"xs": xs, "ds": ds, "is_inference": 0}


def reference(xs, ds, is_inference):
    ds = ds / ds.shape[-1]
    ds = jnp.swapaxes(ds, -1, -2)  # (B, K, T)
    size = ds.shape[:2]
    ds_flat = ds.reshape((-1, ds.shape[-1]))  # (B*K, T)
    f = gw_ode(ds_flat)
    f = f.reshape(size + (f.shape[-1],))  # (B, K, T)
    f = jnp.swapaxes(f, 0, 1)  # (K, B, T)
    func = f[0]
    for i in range(1, f.shape[0]):
        func = cubic_interpolation(f[i][:, None, :], func)[:, 0, :]
    ys = jnp.swapaxes(cubic_interpolation(jnp.swapaxes(xs, -1, -2), func), -1, -2)
    return (ys, func)

if __name__ == "__main__":
    import jax
    _d = setup_inputs()
    print(jax.jit(kernel)(*tuple(_d.values())))

</pallas_src>

<mosaic_0001>
#map = affine_map<(d0, d1) -> (0, 0)>
module attributes {stable_mosaic.version = 14 : i64} {
  func.func @_sc_body(%arg0: i32, %arg1: i32, %arg2: memref<64x512xf32, #tpu.memory_space<hbm>>, %arg3: memref<8192x256xf32, #tpu.memory_space<hbm>>, %arg4: memref<8192x256xf32, #tpu.memory_space<hbm>>, %arg5: memref<16x512xf32, #tpu.memory_space<hbm>>, %arg6: memref<2x512xf32, #tpu.memory_space<vmem>>, %arg7: memref<512xf32, #tpu.memory_space<vmem>>, %arg8: memref<512xf32, #tpu.memory_space<vmem>>, %arg9: memref<2x512xf32, #tpu.memory_space<vmem>>, %arg10: memref<4x512xf32, #tpu.memory_space<vmem>>, %arg11: memref<256xf32, #tpu.memory_space<vmem>>, %arg12: memref<4x256xf32, #tpu.memory_space<vmem>>, %arg13: memref<8x128xi32, #tpu.memory_space<vmem>>, %arg14: memref<128x256xf32, #tpu.memory_space<vmem>>, %arg15: memref<128x256xf32, #tpu.memory_space<vmem>>, %arg16: memref<32x256xf32, #tpu.memory_space<vmem>>, %arg17: memref<32x256xf32, #tpu.memory_space<vmem>>, %arg18: memref<32x512xf32, #tpu.memory_space<vmem_shared>>, %arg19: memref<!tpu.dma_semaphore, #tpu.memory_space<semaphore_mem>>, %arg20: memref<!tpu.dma_semaphore, #tpu.memory_space<semaphore_mem>>, %arg21: memref<!tpu.dma_semaphore, #tpu.memory_space<semaphore_mem>>, %arg22: memref<!tpu.dma_semaphore, #tpu.memory_space<semaphore_mem>>, %arg23: memref<!tpu.dma_semaphore, #tpu.memory_space<semaphore_mem>>) attributes {dimension_semantics = [#tpu.dimension_semantics<core_parallel>, #tpu.dimension_semantics<subcore_parallel>], iteration_bounds = array<i64: 2, 16>, scalar_prefetch = 0 : i64, scratch_operands = 18 : i64, tpu.core_type = #tpu.core_type<sc_vector_subcore>, window_params = [{transform_indices = #map}, {transform_indices = #map}, {transform_indices = #map}, {transform_indices = #map}]} {
    %mul3A = arith.constant 16 : i32
    %mul3A_0 = arith.muli %arg0, %mul3A : i32
    %add3A = arith.addi %mul3A_0, %arg1 : i32
    %iota3A = tpu.iota {dimensions = array<i32: 0>} : vector<16xi32>
    %jit3A = arith.constant 2 : i32
    %div3A = arith.divsi %arg1, %jit3A : i32
    %sign3A = arith.constant 0 : i32
    %sign3A_1 = arith.cmpi sgt, %arg1, %sign3A : i32
    %sign3A_2 = arith.extui %sign3A_1 : i1 to i32
    %sign3A_3 = arith.constant 0 : i32
    %sign3A_4 = arith.cmpi slt, %arg1, %sign3A_3 : i32
    %sign3A_5 = arith.extui %sign3A_4 : i1 to i32
    %sign3A_6 = arith.subi %sign3A_2, %sign3A_5 : i32
    %sign3A_7 = arith.constant 0 : i32
    %sign3A_8 = arith.cmpi sgt, %jit3A, %sign3A_7 : i32
    %sign3A_9 = arith.extui %sign3A_8 : i1 to i32
    %sign3A_10 = arith.constant 0 : i32
    %sign3A_11 = arith.cmpi slt, %jit3A, %sign3A_10 : i32
    %sign3A_12 = arith.extui %sign3A_11 : i1 to i32
    %sign3A_13 = arith.subi %sign3A_9, %sign3A_12 : i32
    %ne3A = arith.cmpi ne, %sign3A_6, %sign3A_13 : i32
    %rem3A = arith.remsi %arg1, %jit3A : i32
    %ne3A_14 = arith.constant 0 : i32
    %ne3A_15 = arith.cmpi ne, %rem3A, %ne3A_14 : i32
    %and3A = arith.andi %ne3A, %ne3A_15 : i1
    %sub3A = arith.constant 1 : i32
    %sub3A_16 = arith.subi %div3A, %sub3A : i32
    %select_n3A = arith.select %and3A, %sub3A_16, %div3A : i32
    %jit3A_17 = arith.constant 2 : i32
    %eq3A = arith.constant 0 : i32
    %eq3A_18 = arith.cmpi eq, %jit3A_17, %eq3A : i32
    %jit3A_19 = arith.constant 1 : i32
    %select_n3A_20 = arith.select %eq3A_18, %jit3A_19, %jit3A_17 : i32
    %rem3A_21 = arith.remsi %arg1, %select_n3A_20 : i32
    %ne3A_22 = arith.constant 0 : i32
    %ne3A_23 = arith.cmpi ne, %rem3A_21, %ne3A_22 : i32
    %lt3A = arith.constant 0 : i32
    %lt3A_24 = arith.cmpi slt, %rem3A_21, %lt3A : i32
    %lt3A_25 = arith.constant 0 : i32
    %lt3A_26 = arith.cmpi slt, %select_n3A_20, %lt3A_25 : i32
    %ne3A_27 = arith.xori %lt3A_24, %lt3A_26 : i1
    %and3A_28 = arith.andi %ne3A_27, %ne3A_23 : i1
    %add3A_29 = arith.addi %rem3A_21, %select_n3A_20 : i32
    %select_n3A_30 = arith.select %and3A_28, %add3A_29, %rem3A_21 : i32
    %mul3A_31 = arith.constant 8 : i32
    %mul3A_32 = arith.muli %arg0, %mul3A_31 : i32
    %add3A_33 = arith.addi %mul3A_32, %select_n3A : i32
    %mul3A_34 = arith.constant 2 : i32
    %mul3A_35 = arith.muli %mul3A_34, %add3A : i32
    %dma_start3A = arith.constant 0 : i32
    %dma_start3A_36 = arith.constant 0 : i32
    %dma_start3A_37 = tpu.memref_slice %arg6[%dma_start3A, %dma_start3A_36] : memref<2x512xf32, #tpu.memory_space<vmem>> -> memref<1x512xf32, #tpu.memory_space<vmem>>
    %dma_start3A_38 = tpu.memref_squeeze %dma_start3A_37 : memref<1x512xf32, #tpu.memory_space<vmem>> -> memref<512xf32, #tpu.memory_space<vmem>>
    %dma_start3A_39 = arith.constant 0 : i32
    %dma_start3A_40 = tpu.memref_slice %arg2[%mul3A_35, %dma_start3A_39] : memref<64x512xf32, #tpu.memory_space<hbm>> -> memref<1x512xf32, #tpu.memory_space<hbm>>
    %dma_start3A_41 = tpu.memref_squeeze %dma_start3A_40 : memref<1x512xf32, #tpu.memory_space<hbm>> -> memref<512xf32, #tpu.memory_space<hbm>>
    %dma_start3A_42 = arith.constant 0 : i32
    %dma_start3A_43 = tpu.memref_slice %arg6[%dma_start3A, %dma_start3A_42] : memref<2x512xf32, #tpu.memory_space<vmem>> -> memref<1x512xf32, #tpu.memory_space<vmem>>
    %dma_start3A_44 = tpu.memref_squeeze %dma_start3A_43 : memref<1x512xf32, #tpu.memory_space<vmem>> -> memref<512xf32, #tpu.memory_space<vmem>>
    %dma_start3A_45 = arith.constant 0 : i32
    %dma_start3A_46 = tpu.memref_slice %arg2[%mul3A_35, %dma_start3A_45] : memref<64x512xf32, #tpu.memory_space<hbm>> -> memref<1x512xf32, #tpu.memory_space<hbm>>
    %dma_start3A_47 = tpu.memref_squeeze %dma_start3A_46 : memref<1x512xf32, #tpu.memory_space<hbm>> -> memref<512xf32, #tpu.memory_space<hbm>>
    tpu.enqueue_dma source(%dma_start3A_47 : memref<512xf32, #tpu.memory_space<hbm>>) target(%dma_start3A_44 : memref<512xf32, #tpu.memory_space<vmem>>) target_semaphore(%arg19 : memref<!tpu.dma_semaphore, #tpu.memory_space<semaphore_mem>>)
    %mul3A_48 = arith.constant 2 : i32
    %mul3A_49 = arith.muli %mul3A_48, %add3A : i32
    %add3A_50 = arith.constant 1 : i32
    %add3A_51 = arith.addi %mul3A_49, %add3A_50 : i32
    %dma_start3A_52 = arith.constant 1 : i32
    %dma_start3A_53 = arith.constant 0 : i32
    %dma_start3A_54 = tpu.memref_slice %arg6[%dma_start3A_52, %dma_start3A_53] : memref<2x512xf32, #tpu.memory_space<vmem>> -> memref<1x512xf32, #tpu.memory_space<vmem>>
    %dma_start3A_55 = tpu.memref_squeeze %dma_start3A_54 : memref<1x512xf32, #tpu.memory_space<vmem>> -> memref<512xf32, #tpu.memory_space<vmem>>
    %dma_start3A_56 = arith.constant 0 : i32
    %dma_start3A_57 = tpu.memref_slice %arg2[%add3A_51, %dma_start3A_56] : memref<64x512xf32, #tpu.memory_space<hbm>> -> memref<1x512xf32, #tpu.memory_space<hbm>>
    %dma_start3A_58 = tpu.memref_squeeze %dma_start3A_57 : memref<1x512xf32, #tpu.memory_space<hbm>> -> memref<512xf32, #tpu.memory_space<hbm>>
    %dma_start3A_59 = arith.constant 0 : i32
    %dma_start3A_60 = tpu.memref_slice %arg6[%dma_start3A_52, %dma_start3A_59] : memref<2x512xf32, #tpu.memory_space<vmem>> -> memref<1x512xf32, #tpu.memory_space<vmem>>
    %dma_start3A_61 = tpu.memref_squeeze %dma_start3A_60 : memref<1x512xf32, #tpu.memory_space<vmem>> -> memref<512xf32, #tpu.memory_space<vmem>>
    %dma_start3A_62 = arith.constant 0 : i32
    %dma_start3A_63 = tpu.memref_slice %arg2[%add3A_51, %dma_start3A_62] : memref<64x512xf32, #tpu.memory_space<hbm>> -> memref<1x512xf32, #tpu.memory_space<hbm>>
    %dma_start3A_64 = tpu.memref_squeeze %dma_start3A_63 : memref<1x512xf32, #tpu.memory_space<hbm>> -> memref<512xf32, #tpu.memory_space<hbm>>
    tpu.enqueue_dma source(%dma_start3A_64 : memref<512xf32, #tpu.memory_space<hbm>>) target(%dma_start3A_61 : memref<512xf32, #tpu.memory_space<vmem>>) target_semaphore(%arg20 : memref<!tpu.dma_semaphore, #tpu.memory_space<semaphore_mem>>)
    %mul3A_65 = arith.constant 2 : i32
    %mul3A_66 = arith.muli %mul3A_65, %add3A : i32
    %add3A_67 = arith.constant 0 : i32
    %add3A_68 = arith.addi %mul3A_66, %add3A_67 : i32
    %mul3A_69 = arith.constant 2 : i32
    %mul3A_70 = arith.muli %mul3A_69, %arg1 : i32
    %add3A_71 = arith.constant 0 : i32
    %add3A_72 = arith.addi %mul3A_70, %add3A_71 : i32
    %dma_wait3A = arith.constant 0 : i32
    %dma_wait3A_73 = arith.constant 0 : i32
    %dma_wait3A_74 = tpu.memref_slice %arg6[%dma_wait3A, %dma_wait3A_73] : memref<2x512xf32, #tpu.memory_space<vmem>> -> memref<1x512xf32, #tpu.memory_space<vmem>>
    %dma_wait3A_75 = tpu.memref_squeeze %dma_wait3A_74 : memref<1x512xf32, #tpu.memory_space<vmem>> -> memref<512xf32, #tpu.memory_space<vmem>>
    %dma_wait3A_76 = arith.constant 0 : i32
    %dma_wait3A_77 = tpu.memref_slice %arg2[%add3A_68, %dma_wait3A_76] : memref<64x512xf32, #tpu.memory_space<hbm>> -> memref<1x512xf32, #tpu.memory_space<hbm>>
    %dma_wait3A_78 = tpu.memref_squeeze %dma_wait3A_77 : memref<1x512xf32, #tpu.memory_space<hbm>> -> memref<512xf32, #tpu.memory_space<hbm>>
    %dma_wait3A_79 = arith.constant 0 : i32
    %dma_wait3A_80 = tpu.memref_slice %arg6[%dma_wait3A, %dma_wait3A_79] : memref<2x512xf32, #tpu.memory_space<vmem>> -> memref<1x512xf32, #tpu.memory_space<vmem>>
    %dma_wait3A_81 = tpu.memref_squeeze %dma_wait3A_80 : memref<1x512xf32, #tpu.memory_space<vmem>> -> memref<512xf32, #tpu.memory_space<vmem>>
    %dma_wait3A_82 = arith.constant 0 : i32
    %dma_wait3A_83 = tpu.memref_slice %arg2[%add3A_68, %dma_wait3A_82] : memref<64x512xf32, #tpu.memory_space<hbm>> -> memref<1x512xf32, #tpu.memory_space<hbm>>
    %dma_wait3A_84 = tpu.memref_squeeze %dma_wait3A_83 : memref<1x512xf32, #tpu.memory_space<hbm>> -> memref<512xf32, #tpu.memory_space<hbm>>
    tpu.wait_dma2 semaphore(%arg19 : memref<!tpu.dma_semaphore, #tpu.memory_space<semaphore_mem>>) src(%dma_wait3A_84 : memref<512xf32, #tpu.memory_space<hbm>>) dst(%dma_wait3A_81 : memref<512xf32, #tpu.memory_space<vmem>>)
    %broadcast_in_dim3A = arith.constant 0 : i32
    %broadcast_in_dim3A_85 = vector.broadcast %broadcast_in_dim3A : i32 to vector<16xi32>
    %scan3A = arith.constant 0 : i32
    %scan3A_86 = arith.constant 0 : i32
    %scan3A_87 = arith.constant 32 : i32
    %scan3A_88 = arith.addi %scan3A_86, %scan3A_87 : i32
    %scan3A_89 = arith.constant 1 : i32
    scf.for %scan3A_382 = %scan3A_86 to %scan3A_88 step %scan3A_89  : i32 {
      %mul3A_383 = arith.constant 16 : i32
      %mul3A_384 = arith.muli %scan3A_382, %mul3A_383 : i32
      %add3A_385 = vector.broadcast %mul3A_384 : i32 to vector<16xi32>
      %add3A_386 = arith.addi %add3A_385, %iota3A : vector<16xi32>
      %sub3A_387 = arith.constant 8 : i32
      %sub3A_388 = vector.broadcast %sub3A_387 : i32 to vector<16xi32>
      %sub3A_389 = arith.subi %add3A_386, %sub3A_388 : vector<16xi32>
      %max3A = arith.constant 0 : i32
      %max3A_390 = vector.broadcast %max3A : i32 to vector<16xi32>
      %max3A_391 = arith.maxsi %sub3A_389, %max3A_390 : vector<16xi32>
      %gather3A_392 = tpu.vector_load_idx %arg6[%broadcast_in_dim3A_85, %max3A_391] : memref<2x512xf32, #tpu.memory_space<vmem>>[vector<16xi32>, vector<16xi32>], vector<16xf32>,
      %add3A_393 = arith.constant 1 : i32
      %add3A_394 = vector.broadcast %add3A_393 : i32 to vector<16xi32>
      %add3A_395 = arith.addi %sub3A_389, %add3A_394 : vector<16xi32>
      %jit3A_396 = arith.constant 0 : i32
      %jit3A_397 = arith.constant 511 : i32
      %max3A_398 = vector.broadcast %jit3A_396 : i32 to vector<16xi32>
      %max3A_399 = arith.maxsi %max3A_398, %add3A_395 : vector<16xi32>
      %min3A = vector.broadcast %jit3A_397 : i32 to vector<16xi32>
      %min3A_400 = arith.minsi %min3A, %max3A_399 : vector<16xi32>
      %gather3A_401 = tpu.vector_load_idx %arg6[%broadcast_in_dim3A_85, %min3A_400] : memref<2x512xf32, #tpu.memory_space<vmem>>[vector<16xi32>, vector<16xi32>], vector<16xf32>,
      %add3A_402 = arith.addf %gather3A_392, %gather3A_401 : vector<16xf32>
      %add3A_403 = arith.constant 2 : i32
      %add3A_404 = vector.broadcast %add3A_403 : i32 to vector<16xi32>
      %add3A_405 = arith.addi %sub3A_389, %add3A_404 : vector<16xi32>
      %jit3A_406 = arith.constant 0 : i32
      %jit3A_407 = arith.constant 511 : i32
      %max3A_408 = vector.broadcast %jit3A_406 : i32 to vector<16xi32>
      %max3A_409 = arith.maxsi %max3A_408, %add3A_405 : vector<16xi32>
      %min3A_410 = vector.broadcast %jit3A_407 : i32 to vector<16xi32>
      %min3A_411 = arith.minsi %min3A_410, %max3A_409 : vector<16xi32>
      %gather3A_412 = tpu.vector_load_idx %arg6[%broadcast_in_dim3A_85, %min3A_411] : memref<2x512xf32, #tpu.memory_space<vmem>>[vector<16xi32>, vector<16xi32>], vector<16xf32>,
      %add3A_413 = arith.addf %add3A_402, %gather3A_412 : vector<16xf32>
      %add3A_414 = arith.constant 3 : i32
      %add3A_415 = vector.broadcast %add3A_414 : i32 to vector<16xi32>
      %add3A_416 = arith.addi %sub3A_389, %add3A_415 : vector<16xi32>
      %jit3A_417 = arith.constant 0 : i32
      %jit3A_418 = arith.constant 511 : i32
      %max3A_419 = vector.broadcast %jit3A_417 : i32 to vector<16xi32>
      %max3A_420 = arith.maxsi %max3A_419, %add3A_416 : vector<16xi32>
      %min3A_421 = vector.broadcast %jit3A_418 : i32 to vector<16xi32>
      %min3A_422 = arith.minsi %min3A_421, %max3A_420 : vector<16xi32>
      %gather3A_423 = tpu.vector_load_idx %arg6[%broadcast_in_dim3A_85, %min3A_422] : memref<2x512xf32, #tpu.memory_space<vmem>>[vector<16xi32>, vector<16xi32>], vector<16xf32>,
      %add3A_424 = arith.addf %add3A_413, %gather3A_423 : vector<16xf32>
      %add3A_425 = arith.constant 4 : i32
      %add3A_426 = vector.broadcast %add3A_425 : i32 to vector<16xi32>
      %add3A_427 = arith.addi %sub3A_389, %add3A_426 : vector<16xi32>
      %jit3A_428 = arith.constant 0 : i32
      %jit3A_429 = arith.constant 511 : i32
      %max3A_430 = vector.broadcast %jit3A_428 : i32 to vector<16xi32>
      %max3A_431 = arith.maxsi %max3A_430, %add3A_427 : vector<16xi32>
      %min3A_432 = vector.broadcast %jit3A_429 : i32 to vector<16xi32>
      %min3A_433 = arith.minsi %min3A_432, %max3A_431 : vector<16xi32>
      %gather3A_434 = tpu.vector_load_idx %arg6[%broadcast_in_dim3A_85, %min3A_433] : memref<2x512xf32, #tpu.memory_space<vmem>>[vector<16xi32>, vector<16xi32>], vector<16xf32>,
      %add3A_435 = arith.addf %add3A_424, %gather3A_434 : vector<16xf32>
      %add3A_436 = arith.constant 5 : i32
      %add3A_437 = vector.broadcast %add3A_436 : i32 to vector<16xi32>
      %add3A_438 = arith.addi %sub3A_389, %add3A_437 : vector<16xi32>
      %jit3A_439 = arith.constant 0 : i32
      %jit3A_440 = arith.constant 511 : i32
      %max3A_441 = vector.broadcast %jit3A_439 : i32 to vector<16xi32>
      %max3A_442 = arith.maxsi %max3A_441, %add3A_438 : vector<16xi32>
      %min3A_443 = vector.broadcast %jit3A_440 : i32 to vector<16xi32>
      %min3A_444 = arith.minsi %min3A_443, %max3A_442 : vector<16xi32>
      %gather3A_445 = tpu.vector_load_idx %arg6[%broadcast_in_dim3A_85, %min3A_444] : memref<2x512xf32, #tpu.memory_space<vmem>>[vector<16xi32>, vector<16xi32>], vector<16xf32>,
      %add3A_446 = arith.addf %add3A_435, %gather3A_445 : vector<16xf32>
      %add3A_447 = arith.constant 6 : i32
      %add3A_448 = vector.broadcast %add3A_447 : i32 to vector<16xi32>
      %add3A_449 = arith.addi %sub3A_389, %add3A_448 : vector<16xi32>
      %jit3A_450 = arith.constant 0 : i32
      %jit3A_451 = arith.constant 511 : i32
      %max3A_452 = vector.broadcast %jit3A_450 : i32 to vector<16xi32>
      %max3A_453 = arith.maxsi %max3A_452, %add3A_449 : vector<16xi32>
      %min3A_454 = vector.broadcast %jit3A_451 : i32 to vector<16xi32>
      %min3A_455 = arith.minsi %min3A_454, %max3A_453 : vector<16xi32>
      %gather3A_456 = tpu.vector_load_idx %arg6[%broadcast_in_dim3A_85, %min3A_455] : memref<2x512xf32, #tpu.memory_space<vmem>>[vector<16xi32>, vector<16xi32>], vector<16xf32>,
      %add3A_457 = arith.addf %add3A_446, %gather3A_456 : vector<16xf32>
      %add3A_458 = arith.constant 7 : i32
      %add3A_459 = vector.broadcast %add3A_458 : i32 to vector<16xi32>
      %add3A_460 = arith.addi %sub3A_389, %add3A_459 : vector<16xi32>
      %jit3A_461 = arith.constant 0 : i32
      %jit3A_462 = arith.constant 511 : i32
      %max3A_463 = vector.broadcast %jit3A_461 : i32 to vector<16xi32>
      %max3A_464 = arith.maxsi %max3A_463, %add3A_460 : vector<16xi32>
      %min3A_465 = vector.broadcast %jit3A_462 : i32 to vector<16xi32>
      %min3A_466 = arith.minsi %min3A_465, %max3A_464 : vector<16xi32>
      %gather3A_467 = tpu.vector_load_idx %arg6[%broadcast_in_dim3A_85, %min3A_466] : memref<2x512xf32, #tpu.memory_space<vmem>>[vector<16xi32>, vector<16xi32>], vector<16xf32>,
      %add3A_468 = arith.addf %add3A_457, %gather3A_467 : vector<16xf32>
      %add3A_469 = arith.constant 8 : i32
      %add3A_470 = vector.broadcast %add3A_469 : i32 to vector<16xi32>
      %add3A_471 = arith.addi %sub3A_389, %add3A_470 : vector<16xi32>
      %jit3A_472 = arith.constant 0 : i32
      %jit3A_473 = arith.constant 511 : i32
      %max3A_474 = vector.broadcast %jit3A_472 : i32 to vector<16xi32>
      %max3A_475 = arith.maxsi %max3A_474, %add3A_471 : vector<16xi32>
      %min3A_476 = vector.broadcast %jit3A_473 : i32 to vector<16xi32>
      %min3A_477 = arith.minsi %min3A_476, %max3A_475 : vector<16xi32>
      %gather3A_478 = tpu.vector_load_idx %arg6[%broadcast_in_dim3A_85, %min3A_477] : memref<2x512xf32, #tpu.memory_space<vmem>>[vector<16xi32>, vector<16xi32>], vector<16xf32>,
      %add3A_479 = arith.addf %add3A_468, %gather3A_478 : vector<16xf32>
      %add3A_480 = arith.constant 9 : i32
      %add3A_481 = vector.broadcast %add3A_480 : i32 to vector<16xi32>
      %add3A_482 = arith.addi %sub3A_389, %add3A_481 : vector<16xi32>
      %jit3A_483 = arith.constant 0 : i32
      %jit3A_484 = arith.constant 511 : i32
      %max3A_485 = vector.broadcast %jit3A_483 : i32 to vector<16xi32>
      %max3A_486 = arith.maxsi %max3A_485, %add3A_482 : vector<16xi32>
      %min3A_487 = vector.broadcast %jit3A_484 : i32 to vector<16xi32>
      %min3A_488 = arith.minsi %min3A_487, %max3A_486 : vector<16xi32>
      %gather3A_489 = tpu.vector_load_idx %arg6[%broadcast_in_dim3A_85, %min3A_488] : memref<2x512xf32, #tpu.memory_space<vmem>>[vector<16xi32>, vector<16xi32>], vector<16xf32>,
      %add3A_490 = arith.addf %add3A_479, %gather3A_489 : vector<16xf32>
      %add3A_491 = arith.constant 10 : i32
      %add3A_492 = vector.broadcast %add3A_491 : i32 to vector<16xi32>
      %add3A_493 = arith.addi %sub3A_389, %add3A_492 : vector<16xi32>
      %jit3A_494 = arith.constant 0 : i32
      %jit3A_495 = arith.constant 511 : i32
      %max3A_496 = vector.broadcast %jit3A_494 : i32 to vector<16xi32>
      %max3A_497 = arith.maxsi %max3A_496, %add3A_493 : vector<16xi32>
      %min3A_498 = vector.broadcast %jit3A_495 : i32 to vector<16xi32>
      %min3A_499 = arith.minsi %min3A_498, %max3A_497 : vector<16xi32>
      %gather3A_500 = tpu.vector_load_idx %arg6[%broadcast_in_dim3A_85, %min3A_499] : memref<2x512xf32, #tpu.memory_space<vmem>>[vector<16xi32>, vector<16xi32>], vector<16xf32>,
      %add3A_501 = arith.addf %add3A_490, %gather3A_500 : vector<16xf32>
      %add3A_502 = arith.constant 11 : i32
      %add3A_503 = vector.broadcast %add3A_502 : i32 to vector<16xi32>
      %add3A_504 = arith.addi %sub3A_389, %add3A_503 : vector<16xi32>
      %jit3A_505 = arith.constant 0 : i32
      %jit3A_506 = arith.constant 511 : i32
      %max3A_507 = vector.broadcast %jit3A_505 : i32 to vector<16xi32>
      %max3A_508 = arith.maxsi %max3A_507, %add3A_504 : vector<16xi32>
      %min3A_509 = vector.broadcast %jit3A_506 : i32 to vector<16xi32>
      %min3A_510 = arith.minsi %min3A_509, %max3A_508 : vector<16xi32>
      %gather3A_511 = tpu.vector_load_idx %arg6[%broadcast_in_dim3A_85, %min3A_510] : memref<2x512xf32, #tpu.memory_space<vmem>>[vector<16xi32>, vector<16xi32>], vector<16xf32>,
      %add3A_512 = arith.addf %add3A_501, %gather3A_511 : vector<16xf32>
      %add3A_513 = arith.constant 12 : i32
      %add3A_514 = vector.broadcast %add3A_513 : i32 to vector<16xi32>
      %add3A_515 = arith.addi %sub3A_389, %add3A_514 : vector<16xi32>
      %jit3A_516 = arith.constant 0 : i32
      %jit3A_517 = arith.constant 511 : i32
      %max3A_518 = vector.broadcast %jit3A_516 : i32 to vector<16xi32>
      %max3A_519 = arith.maxsi %max3A_518, %add3A_515 : vector<16xi32>
      %min3A_520 = vector.broadcast %jit3A_517 : i32 to vector<16xi32>
      %min3A_521 = arith.minsi %min3A_520, %max3A_519 : vector<16xi32>
      %gather3A_522 = tpu.vector_load_idx %arg6[%broadcast_in_dim3A_85, %min3A_521] : memref<2x512xf32, #tpu.memory_space<vmem>>[vector<16xi32>, vector<16xi32>], vector<16xf32>,
      %add3A_523 = arith.addf %add3A_512, %gather3A_522 : vector<16xf32>
      %add3A_524 = arith.constant 13 : i32
      %add3A_525 = vector.broadcast %add3A_524 : i32 to vector<16xi32>
      %add3A_526 = arith.addi %sub3A_389, %add3A_525 : vector<16xi32>
      %jit3A_527 = arith.constant 0 : i32
      %jit3A_528 = arith.constant 511 : i32
      %max3A_529 = vector.broadcast %jit3A_527 : i32 to vector<16xi32>
      %max3A_530 = arith.maxsi %max3A_529, %add3A_526 : vector<16xi32>
      %min3A_531 = vector.broadcast %jit3A_528 : i32 to vector<16xi32>
      %min3A_532 = arith.minsi %min3A_531, %max3A_530 : vector<16xi32>
      %gather3A_533 = tpu.vector_load_idx %arg6[%broadcast_in_dim3A_85, %min3A_532] : memref<2x512xf32, #tpu.memory_space<vmem>>[vector<16xi32>, vector<16xi32>], vector<16xf32>,
      %add3A_534 = arith.addf %add3A_523, %gather3A_533 : vector<16xf32>
      %add3A_535 = arith.constant 14 : i32
      %add3A_536 = vector.broadcast %add3A_535 : i32 to vector<16xi32>
      %add3A_537 = arith.addi %sub3A_389, %add3A_536 : vector<16xi32>
      %jit3A_538 = arith.constant 0 : i32
      %jit3A_539 = arith.constant 511 : i32
      %max3A_540 = vector.broadcast %jit3A_538 : i32 to vector<16xi32>
      %max3A_541 = arith.maxsi %max3A_540, %add3A_537 : vector<16xi32>
      %min3A_542 = vector.broadcast %jit3A_539 : i32 to vector<16xi32>
      %min3A_543 = arith.minsi %min3A_542, %max3A_541 : vector<16xi32>
      %gather3A_544 = tpu.vector_load_idx %arg6[%broadcast_in_dim3A_85, %min3A_543] : memref<2x512xf32, #tpu.memory_space<vmem>>[vector<16xi32>, vector<16xi32>], vector<16xf32>,
      %add3A_545 = arith.addf %add3A_534, %gather3A_544 : vector<16xf32>
      %add3A_546 = arith.constant 15 : i32
      %add3A_547 = vector.broadcast %add3A_546 : i32 to vector<16xi32>
      %add3A_548 = arith.addi %sub3A_389, %add3A_547 : vector<16xi32>
      %jit3A_549 = arith.constant 0 : i32
      %jit3A_550 = arith.constant 511 : i32
      %max3A_551 = vector.broadcast %jit3A_549 : i32 to vector<16xi32>
      %max3A_552 = arith.maxsi %max3A_551, %add3A_548 : vector<16xi32>
      %min3A_553 = vector.broadcast %jit3A_550 : i32 to vector<16xi32>
      %min3A_554 = arith.minsi %min3A_553, %max3A_552 : vector<16xi32>
      %gather3A_555 = tpu.vector_load_idx %arg6[%broadcast_in_dim3A_85, %min3A_554] : memref<2x512xf32, #tpu.memory_space<vmem>>[vector<16xi32>, vector<16xi32>], vector<16xf32>,
      %add3A_556 = arith.addf %add3A_545, %gather3A_555 : vector<16xf32>
      %mul3A_557 = arith.constant 6.10351563E-5 : f32
      %mul3A_558 = vector.broadcast %mul3A_557 : f32 to vector<16xf32>
      %mul3A_559 = arith.mulf %add3A_556, %mul3A_558 : vector<16xf32>
      %mul3A_560 = arith.constant 16 : i32
      %mul3A_561 = arith.muli %scan3A_382, %mul3A_560 : i32
      %swap3A = arith.index_cast %mul3A_561 : i32 to index
      %swap3A_562 = tpu.vector_load %arg7[%swap3A] {strides = array<i32>} : memref<512xf32, #tpu.memory_space<vmem>>, vector<16xf32>,
      tpu.vector_store %arg7[%swap3A], %mul3A_559 {strides = array<i32>} : memref<512xf32, #tpu.memory_space<vmem>>, vector<16xf32>,
      %mul3A_563 = arith.constant 16 : i32
      %mul3A_564 = arith.muli %scan3A_382, %mul3A_563 : i32
      %add3A_565 = vector.broadcast %mul3A_564 : i32 to vector<16xi32>
      %add3A_566 = arith.addi %add3A_565, %iota3A : vector<16xi32>
      %sub3A_567 = arith.constant 1 : i32
      %sub3A_568 = vector.broadcast %sub3A_567 : i32 to vector<16xi32>
      %sub3A_569 = arith.subi %add3A_566, %sub3A_568 : vector<16xi32>
      %mul3A_570 = arith.constant 16 : i32
      %mul3A_571 = arith.muli %scan3A_382, %mul3A_570 : i32
      %add3A_572 = vector.broadcast %mul3A_571 : i32 to vector<16xi32>
      %add3A_573 = arith.addi %add3A_572, %iota3A : vector<16xi32>
      %ge3A = arith.constant 1 : i32
      %ge3A_574 = vector.broadcast %ge3A : i32 to vector<16xi32>
      %ge3A_575 = arith.cmpi sge, %add3A_573, %ge3A_574 : vector<16xi32>
      tpu.vector_store_idx %arg8[%sub3A_569], %mul3A_559 masked %ge3A_575 : memref<512xf32, #tpu.memory_space<vmem>>[vector<16xi32>], vector<16xf32>, vector<16xi1>
    }
    %scan3A_90 = arith.constant 32 : i32
    %broadcast_in_dim3A_91 = arith.constant 511 : i32
    %broadcast_in_dim3A_92 = vector.broadcast %broadcast_in_dim3A_91 : i32 to vector<16xi32>
    %gather3A = tpu.vector_load_idx %arg7[%broadcast_in_dim3A_92] : memref<512xf32, #tpu.memory_space<vmem>>[vector<16xi32>], vector<16xf32>,
    %broadcast_in_dim3A_93 = arith.constant 511 : i32
    %broadcast_in_dim3A_94 = vector.broadcast %broadcast_in_dim3A_93 : i32 to vector<16xi32>
    %lt3A_95 = arith.constant 1 : i32
    %lt3A_96 = vector.broadcast %lt3A_95 : i32 to vector<16xi32>
    %lt3A_97 = arith.cmpi slt, %iota3A, %lt3A_96 : vector<16xi32>
    tpu.vector_store_idx %arg8[%broadcast_in_dim3A_94], %gather3A masked %lt3A_97 : memref<512xf32, #tpu.memory_space<vmem>>[vector<16xi32>], vector<16xf32>, vector<16xi1>
    %scan3A_98 = arith.constant 0 : i32
    %scan3A_99 = arith.constant 0 : i32
    %scan3A_100 = arith.constant 4 : i32
    %scan3A_101 = arith.addi %scan3A_99, %scan3A_100 : i32
    %scan3A_102 = arith.constant 1 : i32
    scf.for %scan3A_382 = %scan3A_99 to %scan3A_101 step %scan3A_102  : i32 {
      %mul3A_383 = arith.constant 128 : i32
      %mul3A_384 = arith.muli %scan3A_382, %mul3A_383 : i32
      %add3A_385 = arith.constant 0 : i32
      %add3A_386 = arith.addi %mul3A_384, %add3A_385 : i32
      %add3A_387 = vector.broadcast %add3A_386 : i32 to vector<16xi32>
      %add3A_388 = arith.addi %add3A_387, %iota3A : vector<16xi32>
      %convert_element_type3A = arith.sitofp %add3A_388 : vector<16xi32> to vector<16xf32>
      %add3A_389 = arith.constant 16 : i32
      %add3A_390 = arith.addi %mul3A_384, %add3A_389 : i32
      %add3A_391 = vector.broadcast %add3A_390 : i32 to vector<16xi32>
      %add3A_392 = arith.addi %add3A_391, %iota3A : vector<16xi32>
      %convert_element_type3A_393 = arith.sitofp %add3A_392 : vector<16xi32> to vector<16xf32>
      %add3A_394 = arith.constant 32 : i32
      %add3A_395 = arith.addi %mul3A_384, %add3A_394 : i32
      %add3A_396 = vector.broadcast %add3A_395 : i32 to vector<16xi32>
      %add3A_397 = arith.addi %add3A_396, %iota3A : vector<16xi32>
      %convert_element_type3A_398 = arith.sitofp %add3A_397 : vector<16xi32> to vector<16xf32>
      %add3A_399 = arith.constant 48 : i32
      %add3A_400 = arith.addi %mul3A_384, %add3A_399 : i32
      %add3A_401 = vector.broadcast %add3A_400 : i32 to vector<16xi32>
      %add3A_402 = arith.addi %add3A_401, %iota3A : vector<16xi32>
      %convert_element_type3A_403 = arith.sitofp %add3A_402 : vector<16xi32> to vector<16xf32>
      %add3A_404 = arith.constant 64 : i32
      %add3A_405 = arith.addi %mul3A_384, %add3A_404 : i32
      %add3A_406 = vector.broadcast %add3A_405 : i32 to vector<16xi32>
      %add3A_407 = arith.addi %add3A_406, %iota3A : vector<16xi32>
      %convert_element_type3A_408 = arith.sitofp %add3A_407 : vector<16xi32> to vector<16xf32>
      %add3A_409 = arith.constant 80 : i32
      %add3A_410 = arith.addi %mul3A_384, %add3A_409 : i32
      %add3A_411 = vector.broadcast %add3A_410 : i32 to vector<16xi32>
      %add3A_412 = arith.addi %add3A_411, %iota3A : vector<16xi32>
      %convert_element_type3A_413 = arith.sitofp %add3A_412 : vector<16xi32> to vector<16xf32>
      %add3A_414 = arith.constant 96 : i32
      %add3A_415 = arith.addi %mul3A_384, %add3A_414 : i32
      %add3A_416 = vector.broadcast %add3A_415 : i32 to vector<16xi32>
      %add3A_417 = arith.addi %add3A_416, %iota3A : vector<16xi32>
      %convert_element_type3A_418 = arith.sitofp %add3A_417 : vector<16xi32> to vector<16xf32>
      %add3A_419 = arith.constant 112 : i32
      %add3A_420 = arith.addi %mul3A_384, %add3A_419 : i32
      %add3A_421 = vector.broadcast %add3A_420 : i32 to vector<16xi32>
      %add3A_422 = arith.addi %add3A_421, %iota3A : vector<16xi32>
      %convert_element_type3A_423 = arith.sitofp %add3A_422 : vector<16xi32> to vector<16xf32>
      %scan3A_424 = arith.constant 0 : i32
      %scan3A_425 = arith.constant 128 : i32
      %scan3A_426 = arith.addi %scan3A_424, %scan3A_425 : i32
      %scan3A_427 = arith.constant 1 : i32
      %scan3A_428:8 = scf.for %scan3A_477 = %scan3A_424 to %scan3A_426 step %scan3A_427 iter_args(%scan3A_478 = %convert_element_type3A, %scan3A_479 = %convert_element_type3A_393, %scan3A_480 = %convert_element_type3A_398, %scan3A_481 = %convert_element_type3A_403, %scan3A_482 = %convert_element_type3A_408, %scan3A_483 = %convert_element_type3A_413, %scan3A_484 = %convert_element_type3A_418, %scan3A_485 = %convert_element_type3A_423) -> (vector<16xf32>, vector<16xf32>, vector<16xf32>, vector<16xf32>, vector<16xf32>, vector<16xf32>, vector<16xf32>, vector<16xf32>)  : i32 {
        %convert_element_type3A_486 = arith.fptosi %scan3A_478 : vector<16xf32> to vector<16xi32>
        %convert_element_type3A_487 = arith.sitofp %convert_element_type3A_486 : vector<16xi32> to vector<16xf32>
        %sub3A_488 = arith.subf %scan3A_478, %convert_element_type3A_487 : vector<16xf32>
        %gather3A_489 = tpu.vector_load_idx %arg7[%convert_element_type3A_486] : memref<512xf32, #tpu.memory_space<vmem>>[vector<16xi32>], vector<16xf32>,
        %gather3A_490 = tpu.vector_load_idx %arg8[%convert_element_type3A_486] : memref<512xf32, #tpu.memory_space<vmem>>[vector<16xi32>], vector<16xf32>,
        %sub3A_491 = arith.subf %gather3A_490, %gather3A_489 : vector<16xf32>
        %mul3A_492 = arith.mulf %sub3A_488, %sub3A_491 : vector<16xf32>
        %add3A_493 = arith.addf %gather3A_489, %mul3A_492 : vector<16xf32>
        %add3A_494 = arith.addf %scan3A_478, %add3A_493 : vector<16xf32>
        %min3A = arith.constant 5.110000e+02 : f32
        %min3A_495 = vector.broadcast %min3A : f32 to vector<16xf32>
        %min3A_496 = arith.minimumf %add3A_494, %min3A_495 : vector<16xf32>
        %convert_element_type3A_497 = arith.fptosi %scan3A_479 : vector<16xf32> to vector<16xi32>
        %convert_element_type3A_498 = arith.sitofp %convert_element_type3A_497 : vector<16xi32> to vector<16xf32>
        %sub3A_499 = arith.subf %scan3A_479, %convert_element_type3A_498 : vector<16xf32>
        %gather3A_500 = tpu.vector_load_idx %arg7[%convert_element_type3A_497] : memref<512xf32, #tpu.memory_space<vmem>>[vector<16xi32>], vector<16xf32>,
        %gather3A_501 = tpu.vector_load_idx %arg8[%convert_element_type3A_497] : memref<512xf32, #tpu.memory_space<vmem>>[vector<16xi32>], vector<16xf32>,
        %sub3A_502 = arith.subf %gather3A_501, %gather3A_500 : vector<16xf32>
        %mul3A_503 = arith.mulf %sub3A_499, %sub3A_502 : vector<16xf32>
        %add3A_504 = arith.addf %gather3A_500, %mul3A_503 : vector<16xf32>
        %add3A_505 = arith.addf %scan3A_479, %add3A_504 : vector<16xf32>
        %min3A_506 = arith.constant 5.110000e+02 : f32
        %min3A_507 = vector.broadcast %min3A_506 : f32 to vector<16xf32>
        %min3A_508 = arith.minimumf %add3A_505, %min3A_507 : vector<16xf32>
        %convert_element_type3A_509 = arith.fptosi %scan3A_480 : vector<16xf32> to vector<16xi32>
        %convert_element_type3A_510 = arith.sitofp %convert_element_type3A_509 : vector<16xi32> to vector<16xf32>
        %sub3A_511 = arith.subf %scan3A_480, %convert_element_type3A_510 : vector<16xf32>
        %gather3A_512 = tpu.vector_load_idx %arg7[%convert_element_type3A_509] : memref<512xf32, #tpu.memory_space<vmem>>[vector<16xi32>], vector<16xf32>,
        %gather3A_513 = tpu.vector_load_idx %arg8[%convert_element_type3A_509] : memref<512xf32, #tpu.memory_space<vmem>>[vector<16xi32>], vector<16xf32>,
        %sub3A_514 = arith.subf %gather3A_513, %gather3A_512 : vector<16xf32>
        %mul3A_515 = arith.mulf %sub3A_511, %sub3A_514 : vector<16xf32>
        %add3A_516 = arith.addf %gather3A_512, %mul3A_515 : vector<16xf32>
        %add3A_517 = arith.addf %scan3A_480, %add3A_516 : vector<16xf32>
        %min3A_518 = arith.constant 5.110000e+02 : f32
        %min3A_519 = vector.broadcast %min3A_518 : f32 to vector<16xf32>
        %min3A_520 = arith.minimumf %add3A_517, %min3A_519 : vector<16xf32>
        %convert_element_type3A_521 = arith.fptosi %scan3A_481 : vector<16xf32> to vector<16xi32>
        %convert_element_type3A_522 = arith.sitofp %convert_element_type3A_521 : vector<16xi32> to vector<16xf32>
        %sub3A_523 = arith.subf %scan3A_481, %convert_element_type3A_522 : vector<16xf32>
        %gather3A_524 = tpu.vector_load_idx %arg7[%convert_element_type3A_521] : memref<512xf32, #tpu.memory_space<vmem>>[vector<16xi32>], vector<16xf32>,
        %gather3A_525 = tpu.vector_load_idx %arg8[%convert_element_type3A_521] : memref<512xf32, #tpu.memory_space<vmem>>[vector<16xi32>], vector<16xf32>,
        %sub3A_526 = arith.subf %gather3A_525, %gather3A_524 : vector<16xf32>
        %mul3A_527 = arith.mulf %sub3A_523, %sub3A_526 : vector<16xf32>
        %add3A_528 = arith.addf %gather3A_524, %mul3A_527 : vector<16xf32>
        %add3A_529 = arith.addf %scan3A_481, %add3A_528 : vector<16xf32>
        %min3A_530 = arith.constant 5.110000e+02 : f32
        %min3A_531 = vector.broadcast %min3A_530 : f32 to vector<16xf32>
        %min3A_532 = arith.minimumf %add3A_529, %min3A_531 : vector<16xf32>
        %convert_element_type3A_533 = arith.fptosi %scan3A_482 : vector<16xf32> to vector<16xi32>
        %convert_element_type3A_534 = arith.sitofp %convert_element_type3A_533 : vector<16xi32> to vector<16xf32>
        %sub3A_535 = arith.subf %scan3A_482, %convert_element_type3A_534 : vector<16xf32>
        %gather3A_536 = tpu.vector_load_idx %arg7[%convert_element_type3A_533] : memref<512xf32, #tpu.memory_space<vmem>>[vector<16xi32>], vector<16xf32>,
        %gather3A_537 = tpu.vector_load_idx %arg8[%convert_element_type3A_533] : memref<512xf32, #tpu.memory_space<vmem>>[vector<16xi32>], vector<16xf32>,
        %sub3A_538 = arith.subf %gather3A_537, %gather3A_536 : vector<16xf32>
        %mul3A_539 = arith.mulf %sub3A_535, %sub3A_538 : vector<16xf32>
        %add3A_540 = arith.addf %gather3A_536, %mul3A_539 : vector<16xf32>
        %add3A_541 = arith.addf %scan3A_482, %add3A_540 : vector<16xf32>
        %min3A_542 = arith.constant 5.110000e+02 : f32
        %min3A_543 = vector.broadcast %min3A_542 : f32 to vector<16xf32>
        %min3A_544 = arith.minimumf %add3A_541, %min3A_543 : vector<16xf32>
        %convert_element_type3A_545 = arith.fptosi %scan3A_483 : vector<16xf32> to vector<16xi32>
        %convert_element_type3A_546 = arith.sitofp %convert_element_type3A_545 : vector<16xi32> to vector<16xf32>
        %sub3A_547 = arith.subf %scan3A_483, %convert_element_type3A_546 : vector<16xf32>
        %gather3A_548 = tpu.vector_load_idx %arg7[%convert_element_type3A_545] : memref<512xf32, #tpu.memory_space<vmem>>[vector<16xi32>], vector<16xf32>,
        %gather3A_549 = tpu.vector_load_idx %arg8[%convert_element_type3A_545] : memref<512xf32, #tpu.memory_space<vmem>>[vector<16xi32>], vector<16xf32>,
        %sub3A_550 = arith.subf %gather3A_549, %gather3A_548 : vector<16xf32>
        %mul3A_551 = arith.mulf %sub3A_547, %sub3A_550 : vector<16xf32>
        %add3A_552 = arith.addf %gather3A_548, %mul3A_551 : vector<16xf32>
        %add3A_553 = arith.addf %scan3A_483, %add3A_552 : vector<16xf32>
        %min3A_554 = arith.constant 5.110000e+02 : f32
        %min3A_555 = vector.broadcast %min3A_554 : f32 to vector<16xf32>
        %min3A_556 = arith.minimumf %add3A_553, %min3A_555 : vector<16xf32>
        %convert_element_type3A_557 = arith.fptosi %scan3A_484 : vector<16xf32> to vector<16xi32>
        %convert_element_type3A_558 = arith.sitofp %convert_element_type3A_557 : vector<16xi32> to vector<16xf32>
        %sub3A_559 = arith.subf %scan3A_484, %convert_element_type3A_558 : vector<16xf32>
        %gather3A_560 = tpu.vector_load_idx %arg7[%convert_element_type3A_557] : memref<512xf32, #tpu.memory_space<vmem>>[vector<16xi32>], vector<16xf32>,
        %gather3A_561 = tpu.vector_load_idx %arg8[%convert_element_type3A_557] : memref<512xf32, #tpu.memory_space<vmem>>[vector<16xi32>], vector<16xf32>,
        %sub3A_562 = arith.subf %gather3A_561, %gather3A_560 : vector<16xf32>
        %mul3A_563 = arith.mulf %sub3A_559, %sub3A_562 : vector<16xf32>
        %add3A_564 = arith.addf %gather3A_560, %mul3A_563 : vector<16xf32>
        %add3A_565 = arith.addf %scan3A_484, %add3A_564 : vector<16xf32>
        %min3A_566 = arith.constant 5.110000e+02 : f32
        %min3A_567 = vector.broadcast %min3A_566 : f32 to vector<16xf32>
        %min3A_568 = arith.minimumf %add3A_565, %min3A_567 : vector<16xf32>
        %convert_element_type3A_569 = arith.fptosi %scan3A_485 : vector<16xf32> to vector<16xi32>
        %convert_element_type3A_570 = arith.sitofp %convert_element_type3A_569 : vector<16xi32> to vector<16xf32>
        %sub3A_571 = arith.subf %scan3A_485, %convert_element_type3A_570 : vector<16xf32>
        %gather3A_572 = tpu.vector_load_idx %arg7[%convert_element_type3A_569] : memref<512xf32, #tpu.memory_space<vmem>>[vector<16xi32>], vector<16xf32>,
        %gather3A_573 = tpu.vector_load_idx %arg8[%convert_element_type3A_569] : memref<512xf32, #tpu.memory_space<vmem>>[vector<16xi32>], vector<16xf32>,
        %sub3A_574 = arith.subf %gather3A_573, %gather3A_572 : vector<16xf32>
        %mul3A_575 = arith.mulf %sub3A_571, %sub3A_574 : vector<16xf32>
        %add3A_576 = arith.addf %gather3A_572, %mul3A_575 : vector<16xf32>
        %add3A_577 = arith.addf %scan3A_485, %add3A_576 : vector<16xf32>
        %min3A_578 = arith.constant 5.110000e+02 : f32
        %min3A_579 = vector.broadcast %min3A_578 : f32 to vector<16xf32>
        %min3A_580 = arith.minimumf %add3A_577, %min3A_579 : vector<16xf32>
        %convert_element_type3A_581 = arith.fptosi %min3A_496 : vector<16xf32> to vector<16xi32>
        %convert_element_type3A_582 = arith.sitofp %convert_element_type3A_581 : vector<16xi32> to vector<16xf32>
        %sub3A_583 = arith.subf %min3A_496, %convert_element_type3A_582 : vector<16xf32>
        %gather3A_584 = tpu.vector_load_idx %arg7[%convert_element_type3A_581] : memref<512xf32, #tpu.memory_space<vmem>>[vector<16xi32>], vector<16xf32>,
        %gather3A_585 = tpu.vector_load_idx %arg8[%convert_element_type3A_581] : memref<512xf32, #tpu.memory_space<vmem>>[vector<16xi32>], vector<16xf32>,
        %sub3A_586 = arith.subf %gather3A_585, %gather3A_584 : vector<16xf32>
        %mul3A_587 = arith.mulf %sub3A_583, %sub3A_586 : vector<16xf32>
        %add3A_588 = arith.addf %gather3A_584, %mul3A_587 : vector<16xf32>
        %add3A_589 = arith.addf %min3A_496, %add3A_588 : vector<16xf32>
        %min3A_590 = arith.constant 5.110000e+02 : f32
        %min3A_591 = vector.broadcast %min3A_590 : f32 to vector<16xf32>
        %min3A_592 = arith.minimumf %add3A_589, %min3A_591 : vector<16xf32>
        %convert_element_type3A_593 = arith.fptosi %min3A_508 : vector<16xf32> to vector<16xi32>
        %convert_element_type3A_594 = arith.sitofp %convert_element_type3A_593 : vector<16xi32> to vector<16xf32>
        %sub3A_595 = arith.subf %min3A_508, %convert_element_type3A_594 : vector<16xf32>
        %gather3A_596 = tpu.vector_load_idx %arg7[%convert_element_type3A_593] : memref<512xf32, #tpu.memory_space<vmem>>[vector<16xi32>], vector<16xf32>,
        %gather3A_597 = tpu.vector_load_idx %arg8[%convert_element_type3A_593] : memref<512xf32, #tpu.memory_space<vmem>>[vector<16xi32>], vector<16xf32>,
        %sub3A_598 = arith.subf %gather3A_597, %gather3A_596 : vector<16xf32>
        %mul3A_599 = arith.mulf %sub3A_595, %sub3A_598 : vector<16xf32>
        %add3A_600 = arith.addf %gather3A_596, %mul3A_599 : vector<16xf32>
        %add3A_601 = arith.addf %min3A_508, %add3A_600 : vector<16xf32>
        %min3A_602 = arith.constant 5.110000e+02 : f32
        %min3A_603 = vector.broadcast %min3A_602 : f32 to vector<16xf32>
        %min3A_604 = arith.minimumf %add3A_601, %min3A_603 : vector<16xf32>
        %convert_element_type3A_605 = arith.fptosi %min3A_520 : vector<16xf32> to vector<16xi32>
        %convert_element_type3A_606 = arith.sitofp %convert_element_type3A_605 : vector<16xi32> to vector<16xf32>
        %sub3A_607 = arith.subf %min3A_520, %convert_element_type3A_606 : vector<16xf32>
        %gather3A_608 = tpu.vector_load_idx %arg7[%convert_element_type3A_605] : memref<512xf32, #tpu.memory_space<vmem>>[vector<16xi32>], vector<16xf32>,
        %gather3A_609 = tpu.vector_load_idx %arg8[%convert_element_type3A_605] : memref<512xf32, #tpu.memory_space<vmem>>[vector<16xi32>], vector<16xf32>,
        %sub3A_610 = arith.subf %gather3A_609, %gather3A_608 : vector<16xf32>
        %mul3A_611 = arith.mulf %sub3A_607, %sub3A_610 : vector<16xf32>
        %add3A_612 = arith.addf %gather3A_608, %mul3A_611 : vector<16xf32>
        %add3A_613 = arith.addf %min3A_520, %add3A_612 : vector<16xf32>
        %min3A_614 = arith.constant 5.110000e+02 : f32
        %min3A_615 = vector.broadcast %min3A_614 : f32 to vector<16xf32>
        %min3A_616 = arith.minimumf %add3A_613, %min3A_615 : vector<16xf32>
        %convert_element_type3A_617 = arith.fptosi %min3A_532 : vector<16xf32> to vector<16xi32>
        %convert_element_type3A_618 = arith.sitofp %convert_element_type3A_617 : vector<16xi32> to vector<16xf32>
        %sub3A_619 = arith.subf %min3A_532, %convert_element_type3A_618 : vector<16xf32>
        %gather3A_620 = tpu.vector_load_idx %arg7[%convert_element_type3A_617] : memref<512xf32, #tpu.memory_space<vmem>>[vector<16xi32>], vector<16xf32>,
        %gather3A_621 = tpu.vector_load_idx %arg8[%convert_element_type3A_617] : memref<512xf32, #tpu.memory_space<vmem>>[vector<16xi32>], vector<16xf32>,
        %sub3A_622 = arith.subf %gather3A_621, %gather3A_620 : vector<16xf32>
        %mul3A_623 = arith.mulf %sub3A_619, %sub3A_622 : vector<16xf32>
        %add3A_624 = arith.addf %gather3A_620, %mul3A_623 : vector<16xf32>
        %add3A_625 = arith.addf %min3A_532, %add3A_624 : vector<16xf32>
        %min3A_626 = arith.constant 5.110000e+02 : f32
        %min3A_627 = vector.broadcast %min3A_626 : f32 to vector<16xf32>
        %min3A_628 = arith.minimumf %add3A_625, %min3A_627 : vector<16xf32>
        %convert_element_type3A_629 = arith.fptosi %min3A_544 : vector<16xf32> to vector<16xi32>
        %convert_element_type3A_630 = arith.sitofp %convert_element_type3A_629 : vector<16xi32> to vector<16xf32>
        %sub3A_631 = arith.subf %min3A_544, %convert_element_type3A_630 : vector<16xf32>
        %gather3A_632 = tpu.vector_load_idx %arg7[%convert_element_type3A_629] : memref<512xf32, #tpu.memory_space<vmem>>[vector<16xi32>], vector<16xf32>,
        %gather3A_633 = tpu.vector_load_idx %arg8[%convert_element_type3A_629] : memref<512xf32, #tpu.memory_space<vmem>>[vector<16xi32>], vector<16xf32>,
        %sub3A_634 = arith.subf %gather3A_633, %gather3A_632 : vector<16xf32>
        %mul3A_635 = arith.mulf %sub3A_631, %sub3A_634 : vector<16xf32>
        %add3A_636 = arith.addf %gather3A_632, %mul3A_635 : vector<16xf32>
        %add3A_637 = arith.addf %min3A_544, %add3A_636 : vector<16xf32>
        %min3A_638 = arith.constant 5.110000e+02 : f32
        %min3A_639 = vector.broadcast %min3A_638 : f32 to vector<16xf32>
        %min3A_640 = arith.minimumf %add3A_637, %min3A_639 : vector<16xf32>
        %convert_element_type3A_641 = arith.fptosi %min3A_556 : vector<16xf32> to vector<16xi32>
        %convert_element_type3A_642 = arith.sitofp %convert_element_type3A_641 : vector<16xi32> to vector<16xf32>
        %sub3A_643 = arith.subf %min3A_556, %convert_element_type3A_642 : vector<16xf32>
        %gather3A_644 = tpu.vector_load_idx %arg7[%convert_element_type3A_641] : memref<512xf32, #tpu.memory_space<vmem>>[vector<16xi32>], vector<16xf32>,
        %gather3A_645 = tpu.vector_load_idx %arg8[%convert_element_type3A_641] : memref<512xf32, #tpu.memory_space<vmem>>[vector<16xi32>], vector<16xf32>,
        %sub3A_646 = arith.subf %gather3A_645, %gather3A_644 : vector<16xf32>
        %mul3A_647 = arith.mulf %sub3A_643, %sub3A_646 : vector<16xf32>
        %add3A_648 = arith.addf %gather3A_644, %mul3A_647 : vector<16xf32>
        %add3A_649 = arith.addf %min3A_556, %add3A_648 : vector<16xf32>
        %min3A_650 = arith.constant 5.110000e+02 : f32
        %min3A_651 = vector.broadcast %min3A_650 : f32 to vector<16xf32>
        %min3A_652 = arith.minimumf %add3A_649, %min3A_651 : vector<16xf32>
        %convert_element_type3A_653 = arith.fptosi %min3A_568 : vector<16xf32> to vector<16xi32>
        %convert_element_type3A_654 = arith.sitofp %convert_element_type3A_653 : vector<16xi32> to vector<16xf32>
        %sub3A_655 = arith.subf %min3A_568, %convert_element_type3A_654 : vector<16xf32>
        %gather3A_656 = tpu.vector_load_idx %arg7[%convert_element_type3A_653] : memref<512xf32, #tpu.memory_space<vmem>>[vector<16xi32>], vector<16xf32>,
        %gather3A_657 = tpu.vector_load_idx %arg8[%convert_element_type3A_653] : memref<512xf32, #tpu.memory_space<vmem>>[vector<16xi32>], vector<16xf32>,
        %sub3A_658 = arith.subf %gather3A_657, %gather3A_656 : vector<16xf32>
        %mul3A_659 = arith.mulf %sub3A_655, %sub3A_658 : vector<16xf32>
        %add3A_660 = arith.addf %gather3A_656, %mul3A_659 : vector<16xf32>
        %add3A_661 = arith.addf %min3A_568, %add3A_660 : vector<16xf32>
        %min3A_662 = arith.constant 5.110000e+02 : f32
        %min3A_663 = vector.broadcast %min3A_662 : f32 to vector<16xf32>
        %min3A_664 = arith.minimumf %add3A_661, %min3A_663 : vector<16xf32>
        %convert_element_type3A_665 = arith.fptosi %min3A_580 : vector<16xf32> to vector<16xi32>
        %convert_element_type3A_666 = arith.sitofp %convert_element_type3A_665 : vector<16xi32> to vector<16xf32>
        %sub3A_667 = arith.subf %min3A_580, %convert_element_type3A_666 : vector<16xf32>
        %gather3A_668 = tpu.vector_load_idx %arg7[%convert_element_type3A_665] : memref<512xf32, #tpu.memory_space<vmem>>[vector<16xi32>], vector<16xf32>,
        %gather3A_669 = tpu.vector_load_idx %arg8[%convert_element_type3A_665] : memref<512xf32, #tpu.memory_space<vmem>>[vector<16xi32>], vector<16xf32>,
        %sub3A_670 = arith.subf %gather3A_669, %gather3A_668 : vector<16xf32>
        %mul3A_671 = arith.mulf %sub3A_667, %sub3A_670 : vector<16xf32>
        %add3A_672 = arith.addf %gather3A_668, %mul3A_671 : vector<16xf32>
        %add3A_673 = arith.addf %min3A_580, %add3A_672 : vector<16xf32>
        %min3A_674 = arith.constant 5.110000e+02 : f32
        %min3A_675 = vector.broadcast %min3A_674 : f32 to vector<16xf32>
        %min3A_676 = arith.minimumf %add3A_673, %min3A_675 : vector<16xf32>
        scf.yield %min3A_592, %min3A_604, %min3A_616, %min3A_628, %min3A_640, %min3A_652, %min3A_664, %min3A_676 : vector<16xf32>, vector<16xf32>, vector<16xf32>, vector<16xf32>, vector<16xf32>, vector<16xf32>, vector<16xf32>, vector<16xf32>
      }
      %scan3A_429 = arith.constant 128 : i32
      %add3A_430 = arith.constant 0 : i32
      %add3A_431 = arith.addi %mul3A_384, %add3A_430 : i32
      %swap3A = arith.constant 0 : i32
      %swap3A_432 = arith.index_cast %swap3A : i32 to index
      %swap3A_433 = arith.index_cast %add3A_431 : i32 to index
      %swap3A_434 = tpu.vector_load %arg9[%swap3A_432, %swap3A_433] {strides = array<i32>} : memref<2x512xf32, #tpu.memory_space<vmem>>, vector<16xf32>,
      tpu.vector_store %arg9[%swap3A_432, %swap3A_433], %scan3A_428#0 {strides = array<i32>} : memref<2x512xf32, #tpu.memory_space<vmem>>, vector<16xf32>,
      %add3A_435 = arith.constant 16 : i32
      %add3A_436 = arith.addi %mul3A_384, %add3A_435 : i32
      %swap3A_437 = arith.constant 0 : i32
      %swap3A_438 = arith.index_cast %swap3A_437 : i32 to index
      %swap3A_439 = arith.index_cast %add3A_436 : i32 to index
      %swap3A_440 = tpu.vector_load %arg9[%swap3A_438, %swap3A_439] {strides = array<i32>} : memref<2x512xf32, #tpu.memory_space<vmem>>, vector<16xf32>,
      tpu.vector_store %arg9[%swap3A_438, %swap3A_439], %scan3A_428#1 {strides = array<i32>} : memref<2x512xf32, #tpu.memory_space<vmem>>, vector<16xf32>,
      %add3A_441 = arith.constant 32 : i32
      %add3A_442 = arith.addi %mul3A_384, %add3A_441 : i32
      %swap3A_443 = arith.constant 0 : i32
      %swap3A_444 = arith.index_cast %swap3A_443 : i32 to index
      %swap3A_445 = arith.index_cast %add3A_442 : i32 to index
      %swap3A_446 = tpu.vector_load %arg9[%swap3A_444, %swap3A_445] {strides = array<i32>} : memref<2x512xf32, #tpu.memory_space<vmem>>, vector<16xf32>,
      tpu.vector_store %arg9[%swap3A_444, %swap3A_445], %scan3A_428#2 {strides = array<i32>} : memref<2x512xf32, #tpu.memory_space<vmem>>, vector<16xf32>,
      %add3A_447 = arith.constant 48 : i32
      %add3A_448 = arith.addi %mul3A_384, %add3A_447 : i32
      %swap3A_449 = arith.constant 0 : i32
      %swap3A_450 = arith.index_cast %swap3A_449 : i32 to index
      %swap3A_451 = arith.index_cast %add3A_448 : i32 to index
      %swap3A_452 = tpu.vector_load %arg9[%swap3A_450, %swap3A_451] {strides = array<i32>} : memref<2x512xf32, #tpu.memory_space<vmem>>, vector<16xf32>,
      tpu.vector_store %arg9[%swap3A_450, %swap3A_451], %scan3A_428#3 {strides = array<i32>} : memref<2x512xf32, #tpu.memory_space<vmem>>, vector<16xf32>,
      %add3A_453 = arith.constant 64 : i32
      %add3A_454 = arith.addi %mul3A_384, %add3A_453 : i32
      %swap3A_455 = arith.constant 0 : i32
      %swap3A_456 = arith.index_cast %swap3A_455 : i32 to index
      %swap3A_457 = arith.index_cast %add3A_454 : i32 to index
      %swap3A_458 = tpu.vector_load %arg9[%swap3A_456, %swap3A_457] {strides = array<i32>} : memref<2x512xf32, #tpu.memory_space<vmem>>, vector<16xf32>,
      tpu.vector_store %arg9[%swap3A_456, %swap3A_457], %scan3A_428#4 {strides = array<i32>} : memref<2x512xf32, #tpu.memory_space<vmem>>, vector<16xf32>,
      %add3A_459 = arith.constant 80 : i32
      %add3A_460 = arith.addi %mul3A_384, %add3A_459 : i32
      %swap3A_461 = arith.constant 0 : i32
      %swap3A_462 = arith.index_cast %swap3A_461 : i32 to index
      %swap3A_463 = arith.index_cast %add3A_460 : i32 to index
      %swap3A_464 = tpu.vector_load %arg9[%swap3A_462, %swap3A_463] {strides = array<i32>} : memref<2x512xf32, #tpu.memory_space<vmem>>, vector<16xf32>,
      tpu.vector_store %arg9[%swap3A_462, %swap3A_463], %scan3A_428#5 {strides = array<i32>} : memref<2x512xf32, #tpu.memory_space<vmem>>, vector<16xf32>,
      %add3A_465 = arith.constant 96 : i32
      %add3A_466 = arith.addi %mul3A_384, %add3A_465 : i32
      %swap3A_467 = arith.constant 0 : i32
      %swap3A_468 = arith.index_cast %swap3A_467 : i32 to index
      %swap3A_469 = arith.index_cast %add3A_466 : i32 to index
      %swap3A_470 = tpu.vector_load %arg9[%swap3A_468, %swap3A_469] {strides = array<i32>} : memref<2x512xf32, #tpu.memory_space<vmem>>, vector<16xf32>,
      tpu.vector_store %arg9[%swap3A_468, %swap3A_469], %scan3A_428#6 {strides = array<i32>} : memref<2x512xf32, #tpu.memory_space<vmem>>, vector<16xf32>,
      %add3A_471 = arith.constant 112 : i32
      %add3A_472 = arith.addi %mul3A_384, %add3A_471 : i32
      %swap3A_473 = arith.constant 0 : i32
      %swap3A_474 = arith.index_cast %swap3A_473 : i32 to index
      %swap3A_475 = arith.index_cast %add3A_472 : i32 to index
      %swap3A_476 = tpu.vector_load %arg9[%swap3A_474, %swap3A_475] {strides = array<i32>} : memref<2x512xf32, #tpu.memory_space<vmem>>, vector<16xf32>,
      tpu.vector_store %arg9[%swap3A_474, %swap3A_475], %scan3A_428#7 {strides = array<i32>} : memref<2x512xf32, #tpu.memory_space<vmem>>, vector<16xf32>,
    }
    %scan3A_103 = arith.constant 4 : i32
    %dma_start3A_104 = arith.constant 0 : i32
    %dma_start3A_105 = arith.constant 0 : i32
    %dma_start3A_106 = tpu.memref_slice %arg9[%dma_start3A_104, %dma_start3A_105] : memref<2x512xf32, #tpu.memory_space<vmem>> -> memref<1x512xf32, #tpu.memory_space<vmem>>
    %dma_start3A_107 = tpu.memref_squeeze %dma_start3A_106 : memref<1x512xf32, #tpu.memory_space<vmem>> -> memref<512xf32, #tpu.memory_space<vmem>>
    %dma_start3A_108 = arith.constant 0 : i32
    %dma_start3A_109 = tpu.memref_slice %arg18[%add3A_72, %dma_start3A_108] : memref<32x512xf32, #tpu.memory_space<vmem_shared>> -> memref<1x512xf32, #tpu.memory_space<vmem_shared>>
    %dma_start3A_110 = tpu.memref_squeeze %dma_start3A_109 : memref<1x512xf32, #tpu.memory_space<vmem_shared>> -> memref<512xf32, #tpu.memory_space<vmem_shared>>
    %dma_start3A_111 = arith.constant 0 : i32
    %dma_start3A_112 = tpu.memref_slice %arg18[%add3A_72, %dma_start3A_111] : memref<32x512xf32, #tpu.memory_space<vmem_shared>> -> memref<1x512xf32, #tpu.memory_space<vmem_shared>>
    %dma_start3A_113 = tpu.memref_squeeze %dma_start3A_112 : memref<1x512xf32, #tpu.memory_space<vmem_shared>> -> memref<512xf32, #tpu.memory_space<vmem_shared>>
    %dma_start3A_114 = arith.constant 0 : i32
    %dma_start3A_115 = tpu.memref_slice %arg9[%dma_start3A_104, %dma_start3A_114] : memref<2x512xf32, #tpu.memory_space<vmem>> -> memref<1x512xf32, #tpu.memory_space<vmem>>
    %dma_start3A_116 = tpu.memref_squeeze %dma_start3A_115 : memref<1x512xf32, #tpu.memory_space<vmem>> -> memref<512xf32, #tpu.memory_space<vmem>>
    tpu.enqueue_dma source(%dma_start3A_116 : memref<512xf32, #tpu.memory_space<vmem>>) target(%dma_start3A_113 : memref<512xf32, #tpu.memory_space<vmem_shared>>) target_semaphore(%arg21 : memref<!tpu.dma_semaphore, #tpu.memory_space<semaphore_mem>>)
    %mul3A_117 = arith.constant 2 : i32
    %mul3A_118 = arith.muli %mul3A_117, %add3A : i32
    %add3A_119 = arith.constant 1 : i32
    %add3A_120 = arith.addi %mul3A_118, %add3A_119 : i32
    %mul3A_121 = arith.constant 2 : i32
    %mul3A_122 = arith.muli %mul3A_121, %arg1 : i32
    %add3A_123 = arith.constant 1 : i32
    %add3A_124 = arith.addi %mul3A_122, %add3A_123 : i32
    %dma_wait3A_125 = arith.constant 1 : i32
    %dma_wait3A_126 = arith.constant 0 : i32
    %dma_wait3A_127 = tpu.memref_slice %arg6[%dma_wait3A_125, %dma_wait3A_126] : memref<2x512xf32, #tpu.memory_space<vmem>> -> memref<1x512xf32, #tpu.memory_space<vmem>>
    %dma_wait3A_128 = tpu.memref_squeeze %dma_wait3A_127 : memref<1x512xf32, #tpu.memory_space<vmem>> -> memref<512xf32, #tpu.memory_space<vmem>>
    %dma_wait3A_129 = arith.constant 0 : i32
    %dma_wait3A_130 = tpu.memref_slice %arg2[%add3A_120, %dma_wait3A_129] : memref<64x512xf32, #tpu.memory_space<hbm>> -> memref<1x512xf32, #tpu.memory_space<hbm>>
    %dma_wait3A_131 = tpu.memref_squeeze %dma_wait3A_130 : memref<1x512xf32, #tpu.memory_space<hbm>> -> memref<512xf32, #tpu.memory_space<hbm>>
    %dma_wait3A_132 = arith.constant 0 : i32
    %dma_wait3A_133 = tpu.memref_slice %arg6[%dma_wait3A_125, %dma_wait3A_132] : memref<2x512xf32, #tpu.memory_space<vmem>> -> memref<1x512xf32, #tpu.memory_space<vmem>>
    %dma_wait3A_134 = tpu.memref_squeeze %dma_wait3A_133 : memref<1x512xf32, #tpu.memory_space<vmem>> -> memref<512xf32, #tpu.memory_space<vmem>>
    %dma_wait3A_135 = arith.constant 0 : i32
    %dma_wait3A_136 = tpu.memref_slice %arg2[%add3A_120, %dma_wait3A_135] : memref<64x512xf32, #tpu.memory_space<hbm>> -> memref<1x512xf32, #tpu.memory_space<hbm>>
    %dma_wait3A_137 = tpu.memref_squeeze %dma_wait3A_136 : memref<1x512xf32, #tpu.memory_space<hbm>> -> memref<512xf32, #tpu.memory_space<hbm>>
    tpu.wait_dma2 semaphore(%arg20 : memref<!tpu.dma_semaphore, #tpu.memory_space<semaphore_mem>>) src(%dma_wait3A_137 : memref<512xf32, #tpu.memory_space<hbm>>) dst(%dma_wait3A_134 : memref<512xf32, #tpu.memory_space<vmem>>)
    %broadcast_in_dim3A_138 = arith.constant 1 : i32
    %broadcast_in_dim3A_139 = vector.broadcast %broadcast_in_dim3A_138 : i32 to vector<16xi32>
    %scan3A_140 = arith.constant 0 : i32
    %scan3A_141 = arith.constant 0 : i32
    %scan3A_142 = arith.constant 32 : i32
    %scan3A_143 = arith.addi %scan3A_141, %scan3A_142 : i32
    %scan3A_144 = arith.constant 1 : i32
    scf.for %scan3A_382 = %scan3A_141 to %scan3A_143 step %scan3A_144  : i32 {
      %mul3A_383 = arith.constant 16 : i32
      %mul3A_384 = arith.muli %scan3A_382, %mul3A_383 : i32
      %add3A_385 = vector.broadcast %mul3A_384 : i32 to vector<16xi32>
      %add3A_386 = arith.addi %add3A_385, %iota3A : vector<16xi32>
      %sub3A_387 = arith.constant 8 : i32
      %sub3A_388 = vector.broadcast %sub3A_387 : i32 to vector<16xi32>
      %sub3A_389 = arith.subi %add3A_386, %sub3A_388 : vector<16xi32>
      %max3A = arith.constant 0 : i32
      %max3A_390 = vector.broadcast %max3A : i32 to vector<16xi32>
      %max3A_391 = arith.maxsi %sub3A_389, %max3A_390 : vector<16xi32>
      %gather3A_392 = tpu.vector_load_idx %arg6[%broadcast_in_dim3A_139, %max3A_391] : memref<2x512xf32, #tpu.memory_space<vmem>>[vector<16xi32>, vector<16xi32>], vector<16xf32>,
      %add3A_393 = arith.constant 1 : i32
      %add3A_394 = vector.broadcast %add3A_393 : i32 to vector<16xi32>
      %add3A_395 = arith.addi %sub3A_389, %add3A_394 : vector<16xi32>
      %jit3A_396 = arith.constant 0 : i32
      %jit3A_397 = arith.constant 511 : i32
      %max3A_398 = vector.broadcast %jit3A_396 : i32 to vector<16xi32>
      %max3A_399 = arith.maxsi %max3A_398, %add3A_395 : vector<16xi32>
      %min3A = vector.broadcast %jit3A_397 : i32 to vector<16xi32>
      %min3A_400 = arith.minsi %min3A, %max3A_399 : vector<16xi32>
      %gather3A_401 = tpu.vector_load_idx %arg6[%broadcast_in_dim3A_139, %min3A_400] : memref<2x512xf32, #tpu.memory_space<vmem>>[vector<16xi32>, vector<16xi32>], vector<16xf32>,
      %add3A_402 = arith.addf %gather3A_392, %gather3A_401 : vector<16xf32>
      %add3A_403 = arith.constant 2 : i32
      %add3A_404 = vector.broadcast %add3A_403 : i32 to vector<16xi32>
      %add3A_405 = arith.addi %sub3A_389, %add3A_404 : vector<16xi32>
      %jit3A_406 = arith.constant 0 : i32
      %jit3A_407 = arith.constant 511 : i32
      %max3A_408 = vector.broadcast %jit3A_406 : i32 to vector<16xi32>
      %max3A_409 = arith.maxsi %max3A_408, %add3A_405 : vector<16xi32>
      %min3A_410 = vector.broadcast %jit3A_407 : i32 to vector<16xi32>
      %min3A_411 = arith.minsi %min3A_410, %max3A_409 : vector<16xi32>
      %gather3A_412 = tpu.vector_load_idx %arg6[%broadcast_in_dim3A_139, %min3A_411] : memref<2x512xf32, #tpu.memory_space<vmem>>[vector<16xi32>, vector<16xi32>], vector<16xf32>,
      %add3A_413 = arith.addf %add3A_402, %gather3A_412 : vector<16xf32>
      %add3A_414 = arith.constant 3 : i32
      %add3A_415 = vector.broadcast %add3A_414 : i32 to vector<16xi32>
      %add3A_416 = arith.addi %sub3A_389, %add3A_415 : vector<16xi32>
      %jit3A_417 = arith.constant 0 : i32
      %jit3A_418 = arith.constant 511 : i32
      %max3A_419 = vector.broadcast %jit3A_417 : i32 to vector<16xi32>
      %max3A_420 = arith.maxsi %max3A_419, %add3A_416 : vector<16xi32>
      %min3A_421 = vector.broadcast %jit3A_418 : i32 to vector<16xi32>
      %min3A_422 = arith.minsi %min3A_421, %max3A_420 : vector<16xi32>
      %gather3A_423 = tpu.vector_load_idx %arg6[%broadcast_in_dim3A_139, %min3A_422] : memref<2x512xf32, #tpu.memory_space<vmem>>[vector<16xi32>, vector<16xi32>], vector<16xf32>,
      %add3A_424 = arith.addf %add3A_413, %gather3A_423 : vector<16xf32>
      %add3A_425 = arith.constant 4 : i32
      %add3A_426 = vector.broadcast %add3A_425 : i32 to vector<16xi32>
      %add3A_427 = arith.addi %sub3A_389, %add3A_426 : vector<16xi32>
      %jit3A_428 = arith.constant 0 : i32
      %jit3A_429 = arith.constant 511 : i32
      %max3A_430 = vector.broadcast %jit3A_428 : i32 to vector<16xi32>
      %max3A_431 = arith.maxsi %max3A_430, %add3A_427 : vector<16xi32>
      %min3A_432 = vector.broadcast %jit3A_429 : i32 to vector<16xi32>
      %min3A_433 = arith.minsi %min3A_432, %max3A_431 : vector<16xi32>
      %gather3A_434 = tpu.vector_load_idx %arg6[%broadcast_in_dim3A_139, %min3A_433] : memref<2x512xf32, #tpu.memory_space<vmem>>[vector<16xi32>, vector<16xi32>], vector<16xf32>,
      %add3A_435 = arith.addf %add3A_424, %gather3A_434 : vector<16xf32>
      %add3A_436 = arith.constant 5 : i32
      %add3A_437 = vector.broadcast %add3A_436 : i32 to vector<16xi32>
      %add3A_438 = arith.addi %sub3A_389, %add3A_437 : vector<16xi32>
      %jit3A_439 = arith.constant 0 : i32
      %jit3A_440 = arith.constant 511 : i32
      %max3A_441 = vector.broadcast %jit3A_439 : i32 to vector<16xi32>
      %max3A_442 = arith.maxsi %max3A_441, %add3A_438 : vector<16xi32>
      %min3A_443 = vector.broadcast %jit3A_440 : i32 to vector<16xi32>
      %min3A_444 = arith.minsi %min3A_443, %max3A_442 : vector<16xi32>
      %gather3A_445 = tpu.vector_load_idx %arg6[%broadcast_in_dim3A_139, %min3A_444] : memref<2x512xf32, #tpu.memory_space<vmem>>[vector<16xi32>, vector<16xi32>], vector<16xf32>,
      %add3A_446 = arith.addf %add3A_435, %gather3A_445 : vector<16xf32>
      %add3A_447 = arith.constant 6 : i32
      %add3A_448 = vector.broadcast %add3A_447 : i32 to vector<16xi32>
      %add3A_449 = arith.addi %sub3A_389, %add3A_448 : vector<16xi32>
      %jit3A_450 = arith.constant 0 : i32
      %jit3A_451 = arith.constant 511 : i32
      %max3A_452 = vector.broadcast %jit3A_450 : i32 to vector<16xi32>
      %max3A_453 = arith.maxsi %max3A_452, %add3A_449 : vector<16xi32>
      %min3A_454 = vector.broadcast %jit3A_451 : i32 to vector<16xi32>
      %min3A_455 = arith.minsi %min3A_454, %max3A_453 : vector<16xi32>
      %gather3A_456 = tpu.vector_load_idx %arg6[%broadcast_in_dim3A_139, %min3A_455] : memref<2x512xf32, #tpu.memory_space<vmem>>[vector<16xi32>, vector<16xi32>], vector<16xf32>,
      %add3A_457 = arith.addf %add3A_446, %gather3A_456 : vector<16xf32>
      %add3A_458 = arith.constant 7 : i32
      %add3A_459 = vector.broadcast %add3A_458 : i32 to vector<16xi32>
      %add3A_460 = arith.addi %sub3A_389, %add3A_459 : vector<16xi32>
      %jit3A_461 = arith.constant 0 : i32
      %jit3A_462 = arith.constant 511 : i32
      %max3A_463 = vector.broadcast %jit3A_461 : i32 to vector<16xi32>
      %max3A_464 = arith.maxsi %max3A_463, %add3A_460 : vector<16xi32>
      %min3A_465 = vector.broadcast %jit3A_462 : i32 to vector<16xi32>
      %min3A_466 = arith.minsi %min3A_465, %max3A_464 : vector<16xi32>
      %gather3A_467 = tpu.vector_load_idx %arg6[%broadcast_in_dim3A_139, %min3A_466] : memref<2x512xf32, #tpu.memory_space<vmem>>[vector<16xi32>, vector<16xi32>], vector<16xf32>,
      %add3A_468 = arith.addf %add3A_457, %gather3A_467 : vector<16xf32>
      %add3A_469 = arith.constant 8 : i32
      %add3A_470 = vector.broadcast %add3A_469 : i32 to vector<16xi32>
      %add3A_471 = arith.addi %sub3A_389, %add3A_470 : vector<16xi32>
      %jit3A_472 = arith.constant 0 : i32
      %jit3A_473 = arith.constant 511 : i32
      %max3A_474 = vector.broadcast %jit3A_472 : i32 to vector<16xi32>
      %max3A_475 = arith.maxsi %max3A_474, %add3A_471 : vector<16xi32>
      %min3A_476 = vector.broadcast %jit3A_473 : i32 to vector<16xi32>
      %min3A_477 = arith.minsi %min3A_476, %max3A_475 : vector<16xi32>
      %gather3A_478 = tpu.vector_load_idx %arg6[%broadcast_in_dim3A_139, %min3A_477] : memref<2x512xf32, #tpu.memory_space<vmem>>[vector<16xi32>, vector<16xi32>], vector<16xf32>,
      %add3A_479 = arith.addf %add3A_468, %gather3A_478 : vector<16xf32>
      %add3A_480 = arith.constant 9 : i32
      %add3A_481 = vector.broadcast %add3A_480 : i32 to vector<16xi32>
      %add3A_482 = arith.addi %sub3A_389, %add3A_481 : vector<16xi32>
      %jit3A_483 = arith.constant 0 : i32
      %jit3A_484 = arith.constant 511 : i32
      %max3A_485 = vector.broadcast %jit3A_483 : i32 to vector<16xi32>
      %max3A_486 = arith.maxsi %max3A_485, %add3A_482 : vector<16xi32>
      %min3A_487 = vector.broadcast %jit3A_484 : i32 to vector<16xi32>
      %min3A_488 = arith.minsi %min3A_487, %max3A_486 : vector<16xi32>
      %gather3A_489 = tpu.vector_load_idx %arg6[%broadcast_in_dim3A_139, %min3A_488] : memref<2x512xf32, #tpu.memory_space<vmem>>[vector<16xi32>, vector<16xi32>], vector<16xf32>,
      %add3A_490 = arith.addf %add3A_479, %gather3A_489 : vector<16xf32>
      %add3A_491 = arith.constant 10 : i32
      %add3A_492 = vector.broadcast %add3A_491 : i32 to vector<16xi32>
      %add3A_493 = arith.addi %sub3A_389, %add3A_492 : vector<16xi32>
      %jit3A_494 = arith.constant 0 : i32
      %jit3A_495 = arith.constant 511 : i32
      %max3A_496 = vector.broadcast %jit3A_494 : i32 to vector<16xi32>
      %max3A_497 = arith.maxsi %max3A_496, %add3A_493 : vector<16xi32>
      %min3A_498 = vector.broadcast %jit3A_495 : i32 to vector<16xi32>
      %min3A_499 = arith.minsi %min3A_498, %max3A_497 : vector<16xi32>
      %gather3A_500 = tpu.vector_load_idx %arg6[%broadcast_in_dim3A_139, %min3A_499] : memref<2x512xf32, #tpu.memory_space<vmem>>[vector<16xi32>, vector<16xi32>], vector<16xf32>,
      %add3A_501 = arith.addf %add3A_490, %gather3A_500 : vector<16xf32>
      %add3A_502 = arith.constant 11 : i32
      %add3A_503 = vector.broadcast %add3A_502 : i32 to vector<16xi32>
      %add3A_504 = arith.addi %sub3A_389, %add3A_503 : vector<16xi32>
      %jit3A_505 = arith.constant 0 : i32
      %jit3A_506 = arith.constant 511 : i32
      %max3A_507 = vector.broadcast %jit3A_505 : i32 to vector<16xi32>
      %max3A_508 = arith.maxsi %max3A_507, %add3A_504 : vector<16xi32>
      %min3A_509 = vector.broadcast %jit3A_506 : i32 to vector<16xi32>
      %min3A_510 = arith.minsi %min3A_509, %max3A_508 : vector<16xi32>
      %gather3A_511 = tpu.vector_load_idx %arg6[%broadcast_in_dim3A_139, %min3A_510] : memref<2x512xf32, #tpu.memory_space<vmem>>[vector<16xi32>, vector<16xi32>], vector<16xf32>,
      %add3A_512 = arith.addf %add3A_501, %gather3A_511 : vector<16xf32>
      %add3A_513 = arith.constant 12 : i32
      %add3A_514 = vector.broadcast %add3A_513 : i32 to vector<16xi32>
      %add3A_515 = arith.addi %sub3A_389, %add3A_514 : vector<16xi32>
      %jit3A_516 = arith.constant 0 : i32
      %jit3A_517 = arith.constant 511 : i32
      %max3A_518 = vector.broadcast %jit3A_516 : i32 to vector<16xi32>
      %max3A_519 = arith.maxsi %max3A_518, %add3A_515 : vector<16xi32>
      %min3A_520 = vector.broadcast %jit3A_517 : i32 to vector<16xi32>
      %min3A_521 = arith.minsi %min3A_520, %max3A_519 : vector<16xi32>
      %gather3A_522 = tpu.vector_load_idx %arg6[%broadcast_in_dim3A_139, %min3A_521] : memref<2x512xf32, #tpu.memory_space<vmem>>[vector<16xi32>, vector<16xi32>], vector<16xf32>,
      %add3A_523 = arith.addf %add3A_512, %gather3A_522 : vector<16xf32>
      %add3A_524 = arith.constant 13 : i32
      %add3A_525 = vector.broadcast %add3A_524 : i32 to vector<16xi32>
      %add3A_526 = arith.addi %sub3A_389, %add3A_525 : vector<16xi32>
      %jit3A_527 = arith.constant 0 : i32
      %jit3A_528 = arith.constant 511 : i32
      %max3A_529 = vector.broadcast %jit3A_527 : i32 to vector<16xi32>
      %max3A_530 = arith.maxsi %max3A_529, %add3A_526 : vector<16xi32>
      %min3A_531 = vector.broadcast %jit3A_528 : i32 to vector<16xi32>
      %min3A_532 = arith.minsi %min3A_531, %max3A_530 : vector<16xi32>
      %gather3A_533 = tpu.vector_load_idx %arg6[%broadcast_in_dim3A_139, %min3A_532] : memref<2x512xf32, #tpu.memory_space<vmem>>[vector<16xi32>, vector<16xi32>], vector<16xf32>,
      %add3A_534 = arith.addf %add3A_523, %gather3A_533 : vector<16xf32>
      %add3A_535 = arith.constant 14 : i32
      %add3A_536 = vector.broadcast %add3A_535 : i32 to vector<16xi32>
      %add3A_537 = arith.addi %sub3A_389, %add3A_536 : vector<16xi32>
      %jit3A_538 = arith.constant 0 : i32
      %jit3A_539 = arith.constant 511 : i32
      %max3A_540 = vector.broadcast %jit3A_538 : i32 to vector<16xi32>
      %max3A_541 = arith.maxsi %max3A_540, %add3A_537 : vector<16xi32>
      %min3A_542 = vector.broadcast %jit3A_539 : i32 to vector<16xi32>
      %min3A_543 = arith.minsi %min3A_542, %max3A_541 : vector<16xi32>
      %gather3A_544 = tpu.vector_load_idx %arg6[%broadcast_in_dim3A_139, %min3A_543] : memref<2x512xf32, #tpu.memory_space<vmem>>[vector<16xi32>, vector<16xi32>], vector<16xf32>,
      %add3A_545 = arith.addf %add3A_534, %gather3A_544 : vector<16xf32>
      %add3A_546 = arith.constant 15 : i32
      %add3A_547 = vector.broadcast %add3A_546 : i32 to vector<16xi32>
      %add3A_548 = arith.addi %sub3A_389, %add3A_547 : vector<16xi32>
      %jit3A_549 = arith.constant 0 : i32
      %jit3A_550 = arith.constant 511 : i32
      %max3A_551 = vector.broadcast %jit3A_549 : i32 to vector<16xi32>
      %max3A_552 = arith.maxsi %max3A_551, %add3A_548 : vector<16xi32>
      %min3A_553 = vector.broadcast %jit3A_550 : i32 to vector<16xi32>
      %min3A_554 = arith.minsi %min3A_553, %max3A_552 : vector<16xi32>
      %gather3A_555 = tpu.vector_load_idx %arg6[%broadcast_in_dim3A_139, %min3A_554] : memref<2x512xf32, #tpu.memory_space<vmem>>[vector<16xi32>, vector<16xi32>], vector<16xf32>,
      %add3A_556 = arith.addf %add3A_545, %gather3A_555 : vector<16xf32>
      %mul3A_557 = arith.constant 6.10351563E-5 : f32
      %mul3A_558 = vector.broadcast %mul3A_557 : f32 to vector<16xf32>
      %mul3A_559 = arith.mulf %add3A_556, %mul3A_558 : vector<16xf32>
      %mul3A_560 = arith.constant 16 : i32
      %mul3A_561 = arith.muli %scan3A_382, %mul3A_560 : i32
      %swap3A = arith.index_cast %mul3A_561 : i32 to index
      %swap3A_562 = tpu.vector_load %arg7[%swap3A] {strides = array<i32>} : memref<512xf32, #tpu.memory_space<vmem>>, vector<16xf32>,
      tpu.vector_store %arg7[%swap3A], %mul3A_559 {strides = array<i32>} : memref<512xf32, #tpu.memory_space<vmem>>, vector<16xf32>,
      %mul3A_563 = arith.constant 16 : i32
      %mul3A_564 = arith.muli %scan3A_382, %mul3A_563 : i32
      %add3A_565 = vector.broadcast %mul3A_564 : i32 to vector<16xi32>
      %add3A_566 = arith.addi %add3A_565, %iota3A : vector<16xi32>
      %sub3A_567 = arith.constant 1 : i32
      %sub3A_568 = vector.broadcast %sub3A_567 : i32 to vector<16xi32>
      %sub3A_569 = arith.subi %add3A_566, %sub3A_568 : vector<16xi32>
      %mul3A_570 = arith.constant 16 : i32
      %mul3A_571 = arith.muli %scan3A_382, %mul3A_570 : i32
      %add3A_572 = vector.broadcast %mul3A_571 : i32 to vector<16xi32>
      %add3A_573 = arith.addi %add3A_572, %iota3A : vector<16xi32>
      %ge3A = arith.constant 1 : i32
      %ge3A_574 = vector.broadcast %ge3A : i32 to vector<16xi32>
      %ge3A_575 = arith.cmpi sge, %add3A_573, %ge3A_574 : vector<16xi32>
      tpu.vector_store_idx %arg8[%sub3A_569], %mul3A_559 masked %ge3A_575 : memref<512xf32, #tpu.memory_space<vmem>>[vector<16xi32>], vector<16xf32>, vector<16xi1>
    }
    %scan3A_145 = arith.constant 32 : i32
    %broadcast_in_dim3A_146 = arith.constant 511 : i32
    %broadcast_in_dim3A_147 = vector.broadcast %broadcast_in_dim3A_146 : i32 to vector<16xi32>
    %gather3A_148 = tpu.vector_load_idx %arg7[%broadcast_in_dim3A_147] : memref<512xf32, #tpu.memory_space<vmem>>[vector<16xi32>], vector<16xf32>,
    %broadcast_in_dim3A_149 = arith.constant 511 : i32
    %broadcast_in_dim3A_150 = vector.broadcast %broadcast_in_dim3A_149 : i32 to vector<16xi32>
    %lt3A_151 = arith.constant 1 : i32
    %lt3A_152 = vector.broadcast %lt3A_151 : i32 to vector<16xi32>
    %lt3A_153 = arith.cmpi slt, %iota3A, %lt3A_152 : vector<16xi32>
    tpu.vector_store_idx %arg8[%broadcast_in_dim3A_150], %gather3A_148 masked %lt3A_153 : memref<512xf32, #tpu.memory_space<vmem>>[vector<16xi32>], vector<16xf32>, vector<16xi1>
    %scan3A_154 = arith.constant 0 : i32
    %scan3A_155 = arith.constant 0 : i32
    %scan3A_156 = arith.constant 4 : i32
    %scan3A_157 = arith.addi %scan3A_155, %scan3A_156 : i32
    %scan3A_158 = arith.constant 1 : i32
    scf.for %scan3A_382 = %scan3A_155 to %scan3A_157 step %scan3A_158  : i32 {
      %mul3A_383 = arith.constant 128 : i32
      %mul3A_384 = arith.muli %scan3A_382, %mul3A_383 : i32
      %add3A_385 = arith.constant 0 : i32
      %add3A_386 = arith.addi %mul3A_384, %add3A_385 : i32
      %add3A_387 = vector.broadcast %add3A_386 : i32 to vector<16xi32>
      %add3A_388 = arith.addi %add3A_387, %iota3A : vector<16xi32>
      %convert_element_type3A = arith.sitofp %add3A_388 : vector<16xi32> to vector<16xf32>
      %add3A_389 = arith.constant 16 : i32
      %add3A_390 = arith.addi %mul3A_384, %add3A_389 : i32
      %add3A_391 = vector.broadcast %add3A_390 : i32 to vector<16xi32>
      %add3A_392 = arith.addi %add3A_391, %iota3A : vector<16xi32>
      %convert_element_type3A_393 = arith.sitofp %add3A_392 : vector<16xi32> to vector<16xf32>
      %add3A_394 = arith.constant 32 : i32
      %add3A_395 = arith.addi %mul3A_384, %add3A_394 : i32
      %add3A_396 = vector.broadcast %add3A_395 : i32 to vector<16xi32>
      %add3A_397 = arith.addi %add3A_396, %iota3A : vector<16xi32>
      %convert_element_type3A_398 = arith.sitofp %add3A_397 : vector<16xi32> to vector<16xf32>
      %add3A_399 = arith.constant 48 : i32
      %add3A_400 = arith.addi %mul3A_384, %add3A_399 : i32
      %add3A_401 = vector.broadcast %add3A_400 : i32 to vector<16xi32>
      %add3A_402 = arith.addi %add3A_401, %iota3A : vector<16xi32>
      %convert_element_type3A_403 = arith.sitofp %add3A_402 : vector<16xi32> to vector<16xf32>
      %add3A_404 = arith.constant 64 : i32
      %add3A_405 = arith.addi %mul3A_384, %add3A_404 : i32
      %add3A_406 = vector.broadcast %add3A_405 : i32 to vector<16xi32>
      %add3A_407 = arith.addi %add3A_406, %iota3A : vector<16xi32>
      %convert_element_type3A_408 = arith.sitofp %add3A_407 : vector<16xi32> to vector<16xf32>
      %add3A_409 = arith.constant 80 : i32
      %add3A_410 = arith.addi %mul3A_384, %add3A_409 : i32
      %add3A_411 = vector.broadcast %add3A_410 : i32 to vector<16xi32>
      %add3A_412 = arith.addi %add3A_411, %iota3A : vector<16xi32>
      %convert_element_type3A_413 = arith.sitofp %add3A_412 : vector<16xi32> to vector<16xf32>
      %add3A_414 = arith.constant 96 : i32
      %add3A_415 = arith.addi %mul3A_384, %add3A_414 : i32
      %add3A_416 = vector.broadcast %add3A_415 : i32 to vector<16xi32>
      %add3A_417 = arith.addi %add3A_416, %iota3A : vector<16xi32>
      %convert_element_type3A_418 = arith.sitofp %add3A_417 : vector<16xi32> to vector<16xf32>
      %add3A_419 = arith.constant 112 : i32
      %add3A_420 = arith.addi %mul3A_384, %add3A_419 : i32
      %add3A_421 = vector.broadcast %add3A_420 : i32 to vector<16xi32>
      %add3A_422 = arith.addi %add3A_421, %iota3A : vector<16xi32>
      %convert_element_type3A_423 = arith.sitofp %add3A_422 : vector<16xi32> to vector<16xf32>
      %scan3A_424 = arith.constant 0 : i32
      %scan3A_425 = arith.constant 128 : i32
      %scan3A_426 = arith.addi %scan3A_424, %scan3A_425 : i32
      %scan3A_427 = arith.constant 1 : i32
      %scan3A_428:8 = scf.for %scan3A_477 = %scan3A_424 to %scan3A_426 step %scan3A_427 iter_args(%scan3A_478 = %convert_element_type3A, %scan3A_479 = %convert_element_type3A_393, %scan3A_480 = %convert_element_type3A_398, %scan3A_481 = %convert_element_type3A_403, %scan3A_482 = %convert_element_type3A_408, %scan3A_483 = %convert_element_type3A_413, %scan3A_484 = %convert_element_type3A_418, %scan3A_485 = %convert_element_type3A_423) -> (vector<16xf32>, vector<16xf32>, vector<16xf32>, vector<16xf32>, vector<16xf32>, vector<16xf32>, vector<16xf32>, vector<16xf32>)  : i32 {
        %convert_element_type3A_486 = arith.fptosi %scan3A_478 : vector<16xf32> to vector<16xi32>
        %convert_element_type3A_487 = arith.sitofp %convert_element_type3A_486 : vector<16xi32> to vector<16xf32>
        %sub3A_488 = arith.subf %scan3A_478, %convert_element_type3A_487 : vector<16xf32>
        %gather3A_489 = tpu.vector_load_idx %arg7[%convert_element_type3A_486] : memref<512xf32, #tpu.memory_space<vmem>>[vector<16xi32>], vector<16xf32>,
        %gather3A_490 = tpu.vector_load_idx %arg8[%convert_element_type3A_486] : memref<512xf32, #tpu.memory_space<vmem>>[vector<16xi32>], vector<16xf32>,
        %sub3A_491 = arith.subf %gather3A_490, %gather3A_489 : vector<16xf32>
        %mul3A_492 = arith.mulf %sub3A_488, %sub3A_491 : vector<16xf32>
        %add3A_493 = arith.addf %gather3A_489, %mul3A_492 : vector<16xf32>
        %add3A_494 = arith.addf %scan3A_478, %add3A_493 : vector<16xf32>
        %min3A = arith.constant 5.110000e+02 : f32
        %min3A_495 = vector.broadcast %min3A : f32 to vector<16xf32>
        %min3A_496 = arith.minimumf %add3A_494, %min3A_495 : vector<16xf32>
        %convert_element_type3A_497 = arith.fptosi %scan3A_479 : vector<16xf32> to vector<16xi32>
        %convert_element_type3A_498 = arith.sitofp %convert_element_type3A_497 : vector<16xi32> to vector<16xf32>
        %sub3A_499 = arith.subf %scan3A_479, %convert_element_type3A_498 : vector<16xf32>
        %gather3A_500 = tpu.vector_load_idx %arg7[%convert_element_type3A_497] : memref<512xf32, #tpu.memory_space<vmem>>[vector<16xi32>], vector<16xf32>,
        %gather3A_501 = tpu.vector_load_idx %arg8[%convert_element_type3A_497] : memref<512xf32, #tpu.memory_space<vmem>>[vector<16xi32>], vector<16xf32>,
        %sub3A_502 = arith.subf %gather3A_501, %gather3A_500 : vector<16xf32>
        %mul3A_503 = arith.mulf %sub3A_499, %sub3A_502 : vector<16xf32>
        %add3A_504 = arith.addf %gather3A_500, %mul3A_503 : vector<16xf32>
        %add3A_505 = arith.addf %scan3A_479, %add3A_504 : vector<16xf32>
        %min3A_506 = arith.constant 5.110000e+02 : f32
        %min3A_507 = vector.broadcast %min3A_506 : f32 to vector<16xf32>
        %min3A_508 = arith.minimumf %add3A_505, %min3A_507 : vector<16xf32>
        %convert_element_type3A_509 = arith.fptosi %scan3A_480 : vector<16xf32> to vector<16xi32>
        %convert_element_type3A_510 = arith.sitofp %convert_element_type3A_509 : vector<16xi32> to vector<16xf32>
        %sub3A_511 = arith.subf %scan3A_480, %convert_element_type3A_510 : vector<16xf32>
        %gather3A_512 = tpu.vector_load_idx %arg7[%convert_element_type3A_509] : memref<512xf32, #tpu.memory_space<vmem>>[vector<16xi32>], vector<16xf32>,
        %gather3A_513 = tpu.vector_load_idx %arg8[%convert_element_type3A_509] : memref<512xf32, #tpu.memory_space<vmem>>[vector<16xi32>], vector<16xf32>,
        %sub3A_514 = arith.subf %gather3A_513, %gather3A_512 : vector<16xf32>
        %mul3A_515 = arith.mulf %sub3A_511, %sub3A_514 : vector<16xf32>
        %add3A_516 = arith.addf %gather3A_512, %mul3A_515 : vector<16xf32>
        %add3A_517 = arith.addf %scan3A_480, %add3A_516 : vector<16xf32>
        %min3A_518 = arith.constant 5.110000e+02 : f32
        %min3A_519 = vector.broadcast %min3A_518 : f32 to vector<16xf32>
        %min3A_520 = arith.minimumf %add3A_517, %min3A_519 : vector<16xf32>
        %convert_element_type3A_521 = arith.fptosi %scan3A_481 : vector<16xf32> to vector<16xi32>
        %convert_element_type3A_522 = arith.sitofp %convert_element_type3A_521 : vector<16xi32> to vector<16xf32>
        %sub3A_523 = arith.subf %scan3A_481, %convert_element_type3A_522 : vector<16xf32>
        %gather3A_524 = tpu.vector_load_idx %arg7[%convert_element_type3A_521] : memref<512xf32, #tpu.memory_space<vmem>>[vector<16xi32>], vector<16xf32>,
        %gather3A_525 = tpu.vector_load_idx %arg8[%convert_element_type3A_521] : memref<512xf32, #tpu.memory_space<vmem>>[vector<16xi32>], vector<16xf32>,
        %sub3A_526 = arith.subf %gather3A_525, %gather3A_524 : vector<16xf32>
        %mul3A_527 = arith.mulf %sub3A_523, %sub3A_526 : vector<16xf32>
        %add3A_528 = arith.addf %gather3A_524, %mul3A_527 : vector<16xf32>
        %add3A_529 = arith.addf %scan3A_481, %add3A_528 : vector<16xf32>
        %min3A_530 = arith.constant 5.110000e+02 : f32
        %min3A_531 = vector.broadcast %min3A_530 : f32 to vector<16xf32>
        %min3A_532 = arith.minimumf %add3A_529, %min3A_531 : vector<16xf32>
        %convert_element_type3A_533 = arith.fptosi %scan3A_482 : vector<16xf32> to vector<16xi32>
        %convert_element_type3A_534 = arith.sitofp %convert_element_type3A_533 : vector<16xi32> to vector<16xf32>
        %sub3A_535 = arith.subf %scan3A_482, %convert_element_type3A_534 : vector<16xf32>
        %gather3A_536 = tpu.vector_load_idx %arg7[%convert_element_type3A_533] : memref<512xf32, #tpu.memory_space<vmem>>[vector<16xi32>], vector<16xf32>,
        %gather3A_537 = tpu.vector_load_idx %arg8[%convert_element_type3A_533] : memref<512xf32, #tpu.memory_space<vmem>>[vector<16xi32>], vector<16xf32>,
        %sub3A_538 = arith.subf %gather3A_537, %gather3A_536 : vector<16xf32>
        %mul3A_539 = arith.mulf %sub3A_535, %sub3A_538 : vector<16xf32>
        %add3A_540 = arith.addf %gather3A_536, %mul3A_539 : vector<16xf32>
        %add3A_541 = arith.addf %scan3A_482, %add3A_540 : vector<16xf32>
        %min3A_542 = arith.constant 5.110000e+02 : f32
        %min3A_543 = vector.broadcast %min3A_542 : f32 to vector<16xf32>
        %min3A_544 = arith.minimumf %add3A_541, %min3A_543 : vector<16xf32>
        %convert_element_type3A_545 = arith.fptosi %scan3A_483 : vector<16xf32> to vector<16xi32>
        %convert_element_type3A_546 = arith.sitofp %convert_element_type3A_545 : vector<16xi32> to vector<16xf32>
        %sub3A_547 = arith.subf %scan3A_483, %convert_element_type3A_546 : vector<16xf32>
        %gather3A_548 = tpu.vector_load_idx %arg7[%convert_element_type3A_545] : memref<512xf32, #tpu.memory_space<vmem>>[vector<16xi32>], vector<16xf32>,
        %gather3A_549 = tpu.vector_load_idx %arg8[%convert_element_type3A_545] : memref<512xf32, #tpu.memory_space<vmem>>[vector<16xi32>], vector<16xf32>,
        %sub3A_550 = arith.subf %gather3A_549, %gather3A_548 : vector<16xf32>
        %mul3A_551 = arith.mulf %sub3A_547, %sub3A_550 : vector<16xf32>
        %add3A_552 = arith.addf %gather3A_548, %mul3A_551 : vector<16xf32>
        %add3A_553 = arith.addf %scan3A_483, %add3A_552 : vector<16xf32>
        %min3A_554 = arith.constant 5.110000e+02 : f32
        %min3A_555 = vector.broadcast %min3A_554 : f32 to vector<16xf32>
        %min3A_556 = arith.minimumf %add3A_553, %min3A_555 : vector<16xf32>
        %convert_element_type3A_557 = arith.fptosi %scan3A_484 : vector<16xf32> to vector<16xi32>
        %convert_element_type3A_558 = arith.sitofp %convert_element_type3A_557 : vector<16xi32> to vector<16xf32>
        %sub3A_559 = arith.subf %scan3A_484, %convert_element_type3A_558 : vector<16xf32>
        %gather3A_560 = tpu.vector_load_idx %arg7[%convert_element_type3A_557] : memref<512xf32, #tpu.memory_space<vmem>>[vector<16xi32>], vector<16xf32>,
        %gather3A_561 = tpu.vector_load_idx %arg8[%convert_element_type3A_557] : memref<512xf32, #tpu.memory_space<vmem>>[vector<16xi32>], vector<16xf32>,
        %sub3A_562 = arith.subf %gather3A_561, %gather3A_560 : vector<16xf32>
        %mul3A_563 = arith.mulf %sub3A_559, %sub3A_562 : vector<16xf32>
        %add3A_564 = arith.addf %gather3A_560, %mul3A_563 : vector<16xf32>
        %add3A_565 = arith.addf %scan3A_484, %add3A_564 : vector<16xf32>
        %min3A_566 = arith.constant 5.110000e+02 : f32
        %min3A_567 = vector.broadcast %min3A_566 : f32 to vector<16xf32>
        %min3A_568 = arith.minimumf %add3A_565, %min3A_567 : vector<16xf32>
        %convert_element_type3A_569 = arith.fptosi %scan3A_485 : vector<16xf32> to vector<16xi32>
        %convert_element_type3A_570 = arith.sitofp %convert_element_type3A_569 : vector<16xi32> to vector<16xf32>
        %sub3A_571 = arith.subf %scan3A_485, %convert_element_type3A_570 : vector<16xf32>
        %gather3A_572 = tpu.vector_load_idx %arg7[%convert_element_type3A_569] : memref<512xf32, #tpu.memory_space<vmem>>[vector<16xi32>], vector<16xf32>,
        %gather3A_573 = tpu.vector_load_idx %arg8[%convert_element_type3A_569] : memref<512xf32, #tpu.memory_space<vmem>>[vector<16xi32>], vector<16xf32>,
        %sub3A_574 = arith.subf %gather3A_573, %gather3A_572 : vector<16xf32>
        %mul3A_575 = arith.mulf %sub3A_571, %sub3A_574 : vector<16xf32>
        %add3A_576 = arith.addf %gather3A_572, %mul3A_575 : vector<16xf32>
        %add3A_577 = arith.addf %scan3A_485, %add3A_576 : vector<16xf32>
        %min3A_578 = arith.constant 5.110000e+02 : f32
        %min3A_579 = vector.broadcast %min3A_578 : f32 to vector<16xf32>
        %min3A_580 = arith.minimumf %add3A_577, %min3A_579 : vector<16xf32>
        %convert_element_type3A_581 = arith.fptosi %min3A_496 : vector<16xf32> to vector<16xi32>
        %convert_element_type3A_582 = arith.sitofp %convert_element_type3A_581 : vector<16xi32> to vector<16xf32>
        %sub3A_583 = arith.subf %min3A_496, %convert_element_type3A_582 : vector<16xf32>
        %gather3A_584 = tpu.vector_load_idx %arg7[%convert_element_type3A_581] : memref<512xf32, #tpu.memory_space<vmem>>[vector<16xi32>], vector<16xf32>,
        %gather3A_585 = tpu.vector_load_idx %arg8[%convert_element_type3A_581] : memref<512xf32, #tpu.memory_space<vmem>>[vector<16xi32>], vector<16xf32>,
        %sub3A_586 = arith.subf %gather3A_585, %gather3A_584 : vector<16xf32>
        %mul3A_587 = arith.mulf %sub3A_583, %sub3A_586 : vector<16xf32>
        %add3A_588 = arith.addf %gather3A_584, %mul3A_587 : vector<16xf32>
        %add3A_589 = arith.addf %min3A_496, %add3A_588 : vector<16xf32>
        %min3A_590 = arith.constant 5.110000e+02 : f32
        %min3A_591 = vector.broadcast %min3A_590 : f32 to vector<16xf32>
        %min3A_592 = arith.minimumf %add3A_589, %min3A_591 : vector<16xf32>
        %convert_element_type3A_593 = arith.fptosi %min3A_508 : vector<16xf32> to vector<16xi32>
        %convert_element_type3A_594 = arith.sitofp %convert_element_type3A_593 : vector<16xi32> to vector<16xf32>
        %sub3A_595 = arith.subf %min3A_508, %convert_element_type3A_594 : vector<16xf32>
        %gather3A_596 = tpu.vector_load_idx %arg7[%convert_element_type3A_593] : memref<512xf32, #tpu.memory_space<vmem>>[vector<16xi32>], vector<16xf32>,
        %gather3A_597 = tpu.vector_load_idx %arg8[%convert_element_type3A_593] : memref<512xf32, #tpu.memory_space<vmem>>[vector<16xi32>], vector<16xf32>,
        %sub3A_598 = arith.subf %gather3A_597, %gather3A_596 : vector<16xf32>
        %mul3A_599 = arith.mulf %sub3A_595, %sub3A_598 : vector<16xf32>
        %add3A_600 = arith.addf %gather3A_596, %mul3A_599 : vector<16xf32>
        %add3A_601 = arith.addf %min3A_508, %add3A_600 : vector<16xf32>
        %min3A_602 = arith.constant 5.110000e+02 : f32
        %min3A_603 = vector.broadcast %min3A_602 : f32 to vector<16xf32>
        %min3A_604 = arith.minimumf %add3A_601, %min3A_603 : vector<16xf32>
        %convert_element_type3A_605 = arith.fptosi %min3A_520 : vector<16xf32> to vector<16xi32>
        %convert_element_type3A_606 = arith.sitofp %convert_element_type3A_605 : vector<16xi32> to vector<16xf32>
        %sub3A_607 = arith.subf %min3A_520, %convert_element_type3A_606 : vector<16xf32>
        %gather3A_608 = tpu.vector_load_idx %arg7[%convert_element_type3A_605] : memref<512xf32, #tpu.memory_space<vmem>>[vector<16xi32>], vector<16xf32>,
        %gather3A_609 = tpu.vector_load_idx %arg8[%convert_element_type3A_605] : memref<512xf32, #tpu.memory_space<vmem>>[vector<16xi32>], vector<16xf32>,
        %sub3A_610 = arith.subf %gather3A_609, %gather3A_608 : vector<16xf32>
        %mul3A_611 = arith.mulf %sub3A_607, %sub3A_610 : vector<16xf32>
        %add3A_612 = arith.addf %gather3A_608, %mul3A_611 : vector<16xf32>
        %add3A_613 = arith.addf %min3A_520, %add3A_612 : vector<16xf32>
        %min3A_614 = arith.constant 5.110000e+02 : f32
        %min3A_615 = vector.broadcast %min3A_614 : f32 to vector<16xf32>
        %min3A_616 = arith.minimumf %add3A_613, %min3A_615 : vector<16xf32>
        %convert_element_type3A_617 = arith.fptosi %min3A_532 : vector<16xf32> to vector<16xi32>
        %convert_element_type3A_618 = arith.sitofp %convert_element_type3A_617 : vector<16xi32> to vector<16xf32>
        %sub3A_619 = arith.subf %min3A_532, %convert_element_type3A_618 : vector<16xf32>
        %gather3A_620 = tpu.vector_load_idx %arg7[%convert_element_type3A_617] : memref<512xf32, #tpu.memory_space<vmem>>[vector<16xi32>], vector<16xf32>,
        %gather3A_621 = tpu.vector_load_idx %arg8[%convert_element_type3A_617] : memref<512xf32, #tpu.memory_space<vmem>>[vector<16xi32>], vector<16xf32>,
        %sub3A_622 = arith.subf %gather3A_621, %gather3A_620 : vector<16xf32>
        %mul3A_623 = arith.mulf %sub3A_619, %sub3A_622 : vector<16xf32>
        %add3A_624 = arith.addf %gather3A_620, %mul3A_623 : vector<16xf32>
        %add3A_625 = arith.addf %min3A_532, %add3A_624 : vector<16xf32>
        %min3A_626 = arith.constant 5.110000e+02 : f32
        %min3A_627 = vector.broadcast %min3A_626 : f32 to vector<16xf32>
        %min3A_628 = arith.minimumf %add3A_625, %min3A_627 : vector<16xf32>
        %convert_element_type3A_629 = arith.fptosi %min3A_544 : vector<16xf32> to vector<16xi32>
        %convert_element_type3A_630 = arith.sitofp %convert_element_type3A_629 : vector<16xi32> to vector<16xf32>
        %sub3A_631 = arith.subf %min3A_544, %convert_element_type3A_630 : vector<16xf32>
        %gather3A_632 = tpu.vector_load_idx %arg7[%convert_element_type3A_629] : memref<512xf32, #tpu.memory_space<vmem>>[vector<16xi32>], vector<16xf32>,
        %gather3A_633 = tpu.vector_load_idx %arg8[%convert_element_type3A_629] : memref<512xf32, #tpu.memory_space<vmem>>[vector<16xi32>], vector<16xf32>,
        %sub3A_634 = arith.subf %gather3A_633, %gather3A_632 : vector<16xf32>
        %mul3A_635 = arith.mulf %sub3A_631, %sub3A_634 : vector<16xf32>
        %add3A_636 = arith.addf %gather3A_632, %mul3A_635 : vector<16xf32>
        %add3A_637 = arith.addf %min3A_544, %add3A_636 : vector<16xf32>
        %min3A_638 = arith.constant 5.110000e+02 : f32
        %min3A_639 = vector.broadcast %min3A_638 : f32 to vector<16xf32>
        %min3A_640 = arith.minimumf %add3A_637, %min3A_639 : vector<16xf32>
        %convert_element_type3A_641 = arith.fptosi %min3A_556 : vector<16xf32> to vector<16xi32>
        %convert_element_type3A_642 = arith.sitofp %convert_element_type3A_641 : vector<16xi32> to vector<16xf32>
        %sub3A_643 = arith.subf %min3A_556, %convert_element_type3A_642 : vector<16xf32>
        %gather3A_644 = tpu.vector_load_idx %arg7[%convert_element_type3A_641] : memref<512xf32, #tpu.memory_space<vmem>>[vector<16xi32>], vector<16xf32>,
        %gather3A_645 = tpu.vector_load_idx %arg8[%convert_element_type3A_641] : memref<512xf32, #tpu.memory_space<vmem>>[vector<16xi32>], vector<16xf32>,
        %sub3A_646 = arith.subf %gather3A_645, %gather3A_644 : vector<16xf32>
        %mul3A_647 = arith.mulf %sub3A_643, %sub3A_646 : vector<16xf32>
        %add3A_648 = arith.addf %gather3A_644, %mul3A_647 : vector<16xf32>
        %add3A_649 = arith.addf %min3A_556, %add3A_648 : vector<16xf32>
        %min3A_650 = arith.constant 5.110000e+02 : f32
        %min3A_651 = vector.broadcast %min3A_650 : f32 to vector<16xf32>
        %min3A_652 = arith.minimumf %add3A_649, %min3A_651 : vector<16xf32>
        %convert_element_type3A_653 = arith.fptosi %min3A_568 : vector<16xf32> to vector<16xi32>
        %convert_element_type3A_654 = arith.sitofp %convert_element_type3A_653 : vector<16xi32> to vector<16xf32>
        %sub3A_655 = arith.subf %min3A_568, %convert_element_type3A_654 : vector<16xf32>
        %gather3A_656 = tpu.vector_load_idx %arg7[%convert_element_type3A_653] : memref<512xf32, #tpu.memory_space<vmem>>[vector<16xi32>], vector<16xf32>,
        %gather3A_657 = tpu.vector_load_idx %arg8[%convert_element_type3A_653] : memref<512xf32, #tpu.memory_space<vmem>>[vector<16xi32>], vector<16xf32>,
        %sub3A_658 = arith.subf %gather3A_657, %gather3A_656 : vector<16xf32>
        %mul3A_659 = arith.mulf %sub3A_655, %sub3A_658 : vector<16xf32>
        %add3A_660 = arith.addf %gather3A_656, %mul3A_659 : vector<16xf32>
        %add3A_661 = arith.addf %min3A_568, %add3A_660 : vector<16xf32>
        %min3A_662 = arith.constant 5.110000e+02 : f32
        %min3A_663 = vector.broadcast %min3A_662 : f32 to vector<16xf32>
        %min3A_664 = arith.minimumf %add3A_661, %min3A_663 : vector<16xf32>
        %convert_element_type3A_665 = arith.fptosi %min3A_580 : vector<16xf32> to vector<16xi32>
        %convert_element_type3A_666 = arith.sitofp %convert_element_type3A_665 : vector<16xi32> to vector<16xf32>
        %sub3A_667 = arith.subf %min3A_580, %convert_element_type3A_666 : vector<16xf32>
        %gather3A_668 = tpu.vector_load_idx %arg7[%convert_element_type3A_665] : memref<512xf32, #tpu.memory_space<vmem>>[vector<16xi32>], vector<16xf32>,
        %gather3A_669 = tpu.vector_load_idx %arg8[%convert_element_type3A_665] : memref<512xf32, #tpu.memory_space<vmem>>[vector<16xi32>], vector<16xf32>,
        %sub3A_670 = arith.subf %gather3A_669, %gather3A_668 : vector<16xf32>
        %mul3A_671 = arith.mulf %sub3A_667, %sub3A_670 : vector<16xf32>
        %add3A_672 = arith.addf %gather3A_668, %mul3A_671 : vector<16xf32>
        %add3A_673 = arith.addf %min3A_580, %add3A_672 : vector<16xf32>
        %min3A_674 = arith.constant 5.110000e+02 : f32
        %min3A_675 = vector.broadcast %min3A_674 : f32 to vector<16xf32>
        %min3A_676 = arith.minimumf %add3A_673, %min3A_675 : vector<16xf32>
        scf.yield %min3A_592, %min3A_604, %min3A_616, %min3A_628, %min3A_640, %min3A_652, %min3A_664, %min3A_676 : vector<16xf32>, vector<16xf32>, vector<16xf32>, vector<16xf32>, vector<16xf32>, vector<16xf32>, vector<16xf32>, vector<16xf32>
      }
      %scan3A_429 = arith.constant 128 : i32
      %add3A_430 = arith.constant 0 : i32
      %add3A_431 = arith.addi %mul3A_384, %add3A_430 : i32
      %swap3A = arith.constant 1 : i32
      %swap3A_432 = arith.index_cast %swap3A : i32 to index
      %swap3A_433 = arith.index_cast %add3A_431 : i32 to index
      %swap3A_434 = tpu.vector_load %arg9[%swap3A_432, %swap3A_433] {strides = array<i32>} : memref<2x512xf32, #tpu.memory_space<vmem>>, vector<16xf32>,
      tpu.vector_store %arg9[%swap3A_432, %swap3A_433], %scan3A_428#0 {strides = array<i32>} : memref<2x512xf32, #tpu.memory_space<vmem>>, vector<16xf32>,
      %add3A_435 = arith.constant 16 : i32
      %add3A_436 = arith.addi %mul3A_384, %add3A_435 : i32
      %swap3A_437 = arith.constant 1 : i32
      %swap3A_438 = arith.index_cast %swap3A_437 : i32 to index
      %swap3A_439 = arith.index_cast %add3A_436 : i32 to index
      %swap3A_440 = tpu.vector_load %arg9[%swap3A_438, %swap3A_439] {strides = array<i32>} : memref<2x512xf32, #tpu.memory_space<vmem>>, vector<16xf32>,
      tpu.vector_store %arg9[%swap3A_438, %swap3A_439], %scan3A_428#1 {strides = array<i32>} : memref<2x512xf32, #tpu.memory_space<vmem>>, vector<16xf32>,
      %add3A_441 = arith.constant 32 : i32
      %add3A_442 = arith.addi %mul3A_384, %add3A_441 : i32
      %swap3A_443 = arith.constant 1 : i32
      %swap3A_444 = arith.index_cast %swap3A_443 : i32 to index
      %swap3A_445 = arith.index_cast %add3A_442 : i32 to index
      %swap3A_446 = tpu.vector_load %arg9[%swap3A_444, %swap3A_445] {strides = array<i32>} : memref<2x512xf32, #tpu.memory_space<vmem>>, vector<16xf32>,
      tpu.vector_store %arg9[%swap3A_444, %swap3A_445], %scan3A_428#2 {strides = array<i32>} : memref<2x512xf32, #tpu.memory_space<vmem>>, vector<16xf32>,
      %add3A_447 = arith.constant 48 : i32
      %add3A_448 = arith.addi %mul3A_384, %add3A_447 : i32
      %swap3A_449 = arith.constant 1 : i32
      %swap3A_450 = arith.index_cast %swap3A_449 : i32 to index
      %swap3A_451 = arith.index_cast %add3A_448 : i32 to index
      %swap3A_452 = tpu.vector_load %arg9[%swap3A_450, %swap3A_451] {strides = array<i32>} : memref<2x512xf32, #tpu.memory_space<vmem>>, vector<16xf32>,
      tpu.vector_store %arg9[%swap3A_450, %swap3A_451], %scan3A_428#3 {strides = array<i32>} : memref<2x512xf32, #tpu.memory_space<vmem>>, vector<16xf32>,
      %add3A_453 = arith.constant 64 : i32
      %add3A_454 = arith.addi %mul3A_384, %add3A_453 : i32
      %swap3A_455 = arith.constant 1 : i32
      %swap3A_456 = arith.index_cast %swap3A_455 : i32 to index
      %swap3A_457 = arith.index_cast %add3A_454 : i32 to index
      %swap3A_458 = tpu.vector_load %arg9[%swap3A_456, %swap3A_457] {strides = array<i32>} : memref<2x512xf32, #tpu.memory_space<vmem>>, vector<16xf32>,
      tpu.vector_store %arg9[%swap3A_456, %swap3A_457], %scan3A_428#4 {strides = array<i32>} : memref<2x512xf32, #tpu.memory_space<vmem>>, vector<16xf32>,
      %add3A_459 = arith.constant 80 : i32
      %add3A_460 = arith.addi %mul3A_384, %add3A_459 : i32
      %swap3A_461 = arith.constant 1 : i32
      %swap3A_462 = arith.index_cast %swap3A_461 : i32 to index
      %swap3A_463 = arith.index_cast %add3A_460 : i32 to index
      %swap3A_464 = tpu.vector_load %arg9[%swap3A_462, %swap3A_463] {strides = array<i32>} : memref<2x512xf32, #tpu.memory_space<vmem>>, vector<16xf32>,
      tpu.vector_store %arg9[%swap3A_462, %swap3A_463], %scan3A_428#5 {strides = array<i32>} : memref<2x512xf32, #tpu.memory_space<vmem>>, vector<16xf32>,
      %add3A_465 = arith.constant 96 : i32
      %add3A_466 = arith.addi %mul3A_384, %add3A_465 : i32
      %swap3A_467 = arith.constant 1 : i32
      %swap3A_468 = arith.index_cast %swap3A_467 : i32 to index
      %swap3A_469 = arith.index_cast %add3A_466 : i32 to index
      %swap3A_470 = tpu.vector_load %arg9[%swap3A_468, %swap3A_469] {strides = array<i32>} : memref<2x512xf32, #tpu.memory_space<vmem>>, vector<16xf32>,
      tpu.vector_store %arg9[%swap3A_468, %swap3A_469], %scan3A_428#6 {strides = array<i32>} : memref<2x512xf32, #tpu.memory_space<vmem>>, vector<16xf32>,
      %add3A_471 = arith.constant 112 : i32
      %add3A_472 = arith.addi %mul3A_384, %add3A_471 : i32
      %swap3A_473 = arith.constant 1 : i32
      %swap3A_474 = arith.index_cast %swap3A_473 : i32 to index
      %swap3A_475 = arith.index_cast %add3A_472 : i32 to index
      %swap3A_476 = tpu.vector_load %arg9[%swap3A_474, %swap3A_475] {strides = array<i32>} : memref<2x512xf32, #tpu.memory_space<vmem>>, vector<16xf32>,
      tpu.vector_store %arg9[%swap3A_474, %swap3A_475], %scan3A_428#7 {strides = array<i32>} : memref<2x512xf32, #tpu.memory_space<vmem>>, vector<16xf32>,
    }
    %scan3A_159 = arith.constant 4 : i32
    %dma_start3A_160 = arith.constant 1 : i32
    %dma_start3A_161 = arith.constant 0 : i32
    %dma_start3A_162 = tpu.memref_slice %arg9[%dma_start3A_160, %dma_start3A_161] : memref<2x512xf32, #tpu.memory_space<vmem>> -> memref<1x512xf32, #tpu.memory_space<vmem>>
    %dma_start3A_163 = tpu.memref_squeeze %dma_start3A_162 : memref<1x512xf32, #tpu.memory_space<vmem>> -> memref<512xf32, #tpu.memory_space<vmem>>
    %dma_start3A_164 = arith.constant 0 : i32
    %dma_start3A_165 = tpu.memref_slice %arg18[%add3A_124, %dma_start3A_164] : memref<32x512xf32, #tpu.memory_space<vmem_shared>> -> memref<1x512xf32, #tpu.memory_space<vmem_shared>>
    %dma_start3A_166 = tpu.memref_squeeze %dma_start3A_165 : memref<1x512xf32, #tpu.memory_space<vmem_shared>> -> memref<512xf32, #tpu.memory_space<vmem_shared>>
    %dma_start3A_167 = arith.constant 0 : i32
    %dma_start3A_168 = tpu.memref_slice %arg18[%add3A_124, %dma_start3A_167] : memref<32x512xf32, #tpu.memory_space<vmem_shared>> -> memref<1x512xf32, #tpu.memory_space<vmem_shared>>
    %dma_start3A_169 = tpu.memref_squeeze %dma_start3A_168 : memref<1x512xf32, #tpu.memory_space<vmem_shared>> -> memref<512xf32, #tpu.memory_space<vmem_shared>>
    %dma_start3A_170 = arith.constant 0 : i32
    %dma_start3A_171 = tpu.memref_slice %arg9[%dma_start3A_160, %dma_start3A_170] : memref<2x512xf32, #tpu.memory_space<vmem>> -> memref<1x512xf32, #tpu.memory_space<vmem>>
    %dma_start3A_172 = tpu.memref_squeeze %dma_start3A_171 : memref<1x512xf32, #tpu.memory_space<vmem>> -> memref<512xf32, #tpu.memory_space<vmem>>
    tpu.enqueue_dma source(%dma_start3A_172 : memref<512xf32, #tpu.memory_space<vmem>>) target(%dma_start3A_169 : memref<512xf32, #tpu.memory_space<vmem_shared>>) target_semaphore(%arg22 : memref<!tpu.dma_semaphore, #tpu.memory_space<semaphore_mem>>)
    %mul3A_173 = arith.constant 2 : i32
    %mul3A_174 = arith.muli %mul3A_173, %arg1 : i32
    %dma_wait3A_175 = arith.constant 0 : i32
    %dma_wait3A_176 = arith.constant 0 : i32
    %dma_wait3A_177 = tpu.memref_slice %arg9[%dma_wait3A_175, %dma_wait3A_176] : memref<2x512xf32, #tpu.memory_space<vmem>> -> memref<1x512xf32, #tpu.memory_space<vmem>>
    %dma_wait3A_178 = tpu.memref_squeeze %dma_wait3A_177 : memref<1x512xf32, #tpu.memory_space<vmem>> -> memref<512xf32, #tpu.memory_space<vmem>>
    %dma_wait3A_179 = arith.constant 0 : i32
    %dma_wait3A_180 = tpu.memref_slice %arg18[%mul3A_174, %dma_wait3A_179] : memref<32x512xf32, #tpu.memory_space<vmem_shared>> -> memref<1x512xf32, #tpu.memory_space<vmem_shared>>
    %dma_wait3A_181 = tpu.memref_squeeze %dma_wait3A_180 : memref<1x512xf32, #tpu.memory_space<vmem_shared>> -> memref<512xf32, #tpu.memory_space<vmem_shared>>
    %dma_wait3A_182 = arith.constant 0 : i32
    %dma_wait3A_183 = tpu.memref_slice %arg18[%mul3A_174, %dma_wait3A_182] : memref<32x512xf32, #tpu.memory_space<vmem_shared>> -> memref<1x512xf32, #tpu.memory_space<vmem_shared>>
    %dma_wait3A_184 = tpu.memref_squeeze %dma_wait3A_183 : memref<1x512xf32, #tpu.memory_space<vmem_shared>> -> memref<512xf32, #tpu.memory_space<vmem_shared>>
    %dma_wait3A_185 = arith.constant 0 : i32
    %dma_wait3A_186 = tpu.memref_slice %arg9[%dma_wait3A_175, %dma_wait3A_185] : memref<2x512xf32, #tpu.memory_space<vmem>> -> memref<1x512xf32, #tpu.memory_space<vmem>>
    %dma_wait3A_187 = tpu.memref_squeeze %dma_wait3A_186 : memref<1x512xf32, #tpu.memory_space<vmem>> -> memref<512xf32, #tpu.memory_space<vmem>>
    tpu.wait_dma2 semaphore(%arg21 : memref<!tpu.dma_semaphore, #tpu.memory_space<semaphore_mem>>) src(%dma_wait3A_187 : memref<512xf32, #tpu.memory_space<vmem>>) dst(%dma_wait3A_184 : memref<512xf32, #tpu.memory_space<vmem_shared>>)
    %mul3A_188 = arith.constant 2 : i32
    %mul3A_189 = arith.muli %mul3A_188, %arg1 : i32
    %add3A_190 = arith.constant 1 : i32
    %add3A_191 = arith.addi %mul3A_189, %add3A_190 : i32
    %dma_wait3A_192 = arith.constant 1 : i32
    %dma_wait3A_193 = arith.constant 0 : i32
    %dma_wait3A_194 = tpu.memref_slice %arg9[%dma_wait3A_192, %dma_wait3A_193] : memref<2x512xf32, #tpu.memory_space<vmem>> -> memref<1x512xf32, #tpu.memory_space<vmem>>
    %dma_wait3A_195 = tpu.memref_squeeze %dma_wait3A_194 : memref<1x512xf32, #tpu.memory_space<vmem>> -> memref<512xf32, #tpu.memory_space<vmem>>
    %dma_wait3A_196 = arith.constant 0 : i32
    %dma_wait3A_197 = tpu.memref_slice %arg18[%add3A_191, %dma_wait3A_196] : memref<32x512xf32, #tpu.memory_space<vmem_shared>> -> memref<1x512xf32, #tpu.memory_space<vmem_shared>>
    %dma_wait3A_198 = tpu.memref_squeeze %dma_wait3A_197 : memref<1x512xf32, #tpu.memory_space<vmem_shared>> -> memref<512xf32, #tpu.memory_space<vmem_shared>>
    %dma_wait3A_199 = arith.constant 0 : i32
    %dma_wait3A_200 = tpu.memref_slice %arg18[%add3A_191, %dma_wait3A_199] : memref<32x512xf32, #tpu.memory_space<vmem_shared>> -> memref<1x512xf32, #tpu.memory_space<vmem_shared>>
    %dma_wait3A_201 = tpu.memref_squeeze %dma_wait3A_200 : memref<1x512xf32, #tpu.memory_space<vmem_shared>> -> memref<512xf32, #tpu.memory_space<vmem_shared>>
    %dma_wait3A_202 = arith.constant 0 : i32
    %dma_wait3A_203 = tpu.memref_slice %arg9[%dma_wait3A_192, %dma_wait3A_202] : memref<2x512xf32, #tpu.memory_space<vmem>> -> memref<1x512xf32, #tpu.memory_space<vmem>>
    %dma_wait3A_204 = tpu.memref_squeeze %dma_wait3A_203 : memref<1x512xf32, #tpu.memory_space<vmem>> -> memref<512xf32, #tpu.memory_space<vmem>>
    tpu.wait_dma2 semaphore(%arg22 : memref<!tpu.dma_semaphore, #tpu.memory_space<semaphore_mem>>) src(%dma_wait3A_204 : memref<512xf32, #tpu.memory_space<vmem>>) dst(%dma_wait3A_201 : memref<512xf32, #tpu.memory_space<vmem_shared>>)
    %barrier3A = arith.constant 0 : index
    tpu.barrier barrier_id(%barrier3A)
    %mul3A_205 = arith.constant 4 : i32
    %mul3A_206 = arith.muli %mul3A_205, %select_n3A : i32
    %add3A_207 = arith.constant 0 : i32
    %add3A_208 = arith.addi %mul3A_206, %add3A_207 : i32
    %dma_start3A_209 = arith.constant 0 : i32
    %dma_start3A_210 = arith.constant 0 : i32
    %dma_start3A_211 = tpu.memref_slice %arg10[%dma_start3A_209, %dma_start3A_210] : memref<4x512xf32, #tpu.memory_space<vmem>> -> memref<1x512xf32, #tpu.memory_space<vmem>>
    %dma_start3A_212 = tpu.memref_squeeze %dma_start3A_211 : memref<1x512xf32, #tpu.memory_space<vmem>> -> memref<512xf32, #tpu.memory_space<vmem>>
    %dma_start3A_213 = arith.constant 0 : i32
    %dma_start3A_214 = tpu.memref_slice %arg18[%add3A_208, %dma_start3A_213] : memref<32x512xf32, #tpu.memory_space<vmem_shared>> -> memref<1x512xf32, #tpu.memory_space<vmem_shared>>
    %dma_start3A_215 = tpu.memref_squeeze %dma_start3A_214 : memref<1x512xf32, #tpu.memory_space<vmem_shared>> -> memref<512xf32, #tpu.memory_space<vmem_shared>>
    %dma_start3A_216 = arith.constant 0 : i32
    %dma_start3A_217 = tpu.memref_slice %arg10[%dma_start3A_209, %dma_start3A_216] : memref<4x512xf32, #tpu.memory_space<vmem>> -> memref<1x512xf32, #tpu.memory_space<vmem>>
    %dma_start3A_218 = tpu.memref_squeeze %dma_start3A_217 : memref<1x512xf32, #tpu.memory_space<vmem>> -> memref<512xf32, #tpu.memory_space<vmem>>
    %dma_start3A_219 = arith.constant 0 : i32
    %dma_start3A_220 = tpu.memref_slice %arg18[%add3A_208, %dma_start3A_219] : memref<32x512xf32, #tpu.memory_space<vmem_shared>> -> memref<1x512xf32, #tpu.memory_space<vmem_shared>>
    %dma_start3A_221 = tpu.memref_squeeze %dma_start3A_220 : memref<1x512xf32, #tpu.memory_space<vmem_shared>> -> memref<512xf32, #tpu.memory_space<vmem_shared>>
    tpu.enqueue_dma source(%dma_start3A_221 : memref<512xf32, #tpu.memory_space<vmem_shared>>) target(%dma_start3A_218 : memref<512xf32, #tpu.memory_space<vmem>>) target_semaphore(%arg19 : memref<!tpu.dma_semaphore, #tpu.memory_space<semaphore_mem>>)
    %mul3A_222 = arith.constant 4 : i32
    %mul3A_223 = arith.muli %mul3A_222, %select_n3A : i32
    %add3A_224 = arith.constant 1 : i32
    %add3A_225 = arith.addi %mul3A_223, %add3A_224 : i32
    %dma_start3A_226 = arith.constant 1 : i32
    %dma_start3A_227 = arith.constant 0 : i32
    %dma_start3A_228 = tpu.memref_slice %arg10[%dma_start3A_226, %dma_start3A_227] : memref<4x512xf32, #tpu.memory_space<vmem>> -> memref<1x512xf32, #tpu.memory_space<vmem>>
    %dma_start3A_229 = tpu.memref_squeeze %dma_start3A_228 : memref<1x512xf32, #tpu.memory_space<vmem>> -> memref<512xf32, #tpu.memory_space<vmem>>
    %dma_start3A_230 = arith.constant 0 : i32
    %dma_start3A_231 = tpu.memref_slice %arg18[%add3A_225, %dma_start3A_230] : memref<32x512xf32, #tpu.memory_space<vmem_shared>> -> memref<1x512xf32, #tpu.memory_space<vmem_shared>>
    %dma_start3A_232 = tpu.memref_squeeze %dma_start3A_231 : memref<1x512xf32, #tpu.memory_space<vmem_shared>> -> memref<512xf32, #tpu.memory_space<vmem_shared>>
    %dma_start3A_233 = arith.constant 0 : i32
    %dma_start3A_234 = tpu.memref_slice %arg10[%dma_start3A_226, %dma_start3A_233] : memref<4x512xf32, #tpu.memory_space<vmem>> -> memref<1x512xf32, #tpu.memory_space<vmem>>
    %dma_start3A_235 = tpu.memref_squeeze %dma_start3A_234 : memref<1x512xf32, #tpu.memory_space<vmem>> -> memref<512xf32, #tpu.memory_space<vmem>>
    %dma_start3A_236 = arith.constant 0 : i32
    %dma_start3A_237 = tpu.memref_slice %arg18[%add3A_225, %dma_start3A_236] : memref<32x512xf32, #tpu.memory_space<vmem_shared>> -> memref<1x512xf32, #tpu.memory_space<vmem_shared>>
    %dma_start3A_238 = tpu.memref_squeeze %dma_start3A_237 : memref<1x512xf32, #tpu.memory_space<vmem_shared>> -> memref<512xf32, #tpu.memory_space<vmem_shared>>
    tpu.enqueue_dma source(%dma_start3A_238 : memref<512xf32, #tpu.memory_space<vmem_shared>>) target(%dma_start3A_235 : memref<512xf32, #tpu.memory_space<vmem>>) target_semaphore(%arg19 : memref<!tpu.dma_semaphore, #tpu.memory_space<semaphore_mem>>)
    %mul3A_239 = arith.constant 4 : i32
    %mul3A_240 = arith.muli %mul3A_239, %select_n3A : i32
    %add3A_241 = arith.constant 2 : i32
    %add3A_242 = arith.addi %mul3A_240, %add3A_241 : i32
    %dma_start3A_243 = arith.constant 2 : i32
    %dma_start3A_244 = arith.constant 0 : i32
    %dma_start3A_245 = tpu.memref_slice %arg10[%dma_start3A_243, %dma_start3A_244] : memref<4x512xf32, #tpu.memory_space<vmem>> -> memref<1x512xf32, #tpu.memory_space<vmem>>
    %dma_start3A_246 = tpu.memref_squeeze %dma_start3A_245 : memref<1x512xf32, #tpu.memory_space<vmem>> -> memref<512xf32, #tpu.memory_space<vmem>>
    %dma_start3A_247 = arith.constant 0 : i32
    %dma_start3A_248 = tpu.memref_slice %arg18[%add3A_242, %dma_start3A_247] : memref<32x512xf32, #tpu.memory_space<vmem_shared>> -> memref<1x512xf32, #tpu.memory_space<vmem_shared>>
    %dma_start3A_249 = tpu.memref_squeeze %dma_start3A_248 : memref<1x512xf32, #tpu.memory_space<vmem_shared>> -> memref<512xf32, #tpu.memory_space<vmem_shared>>
    %dma_start3A_250 = arith.constant 0 : i32
    %dma_start3A_251 = tpu.memref_slice %arg10[%dma_start3A_243, %dma_start3A_250] : memref<4x512xf32, #tpu.memory_space<vmem>> -> memref<1x512xf32, #tpu.memory_space<vmem>>
    %dma_start3A_252 = tpu.memref_squeeze %dma_start3A_251 : memref<1x512xf32, #tpu.memory_space<vmem>> -> memref<512xf32, #tpu.memory_space<vmem>>
    %dma_start3A_253 = arith.constant 0 : i32
    %dma_start3A_254 = tpu.memref_slice %arg18[%add3A_242, %dma_start3A_253] : memref<32x512xf32, #tpu.memory_space<vmem_shared>> -> memref<1x512xf32, #tpu.memory_space<vmem_shared>>
    %dma_start3A_255 = tpu.memref_squeeze %dma_start3A_254 : memref<1x512xf32, #tpu.memory_space<vmem_shared>> -> memref<512xf32, #tpu.memory_space<vmem_shared>>
    tpu.enqueue_dma source(%dma_start3A_255 : memref<512xf32, #tpu.memory_space<vmem_shared>>) target(%dma_start3A_252 : memref<512xf32, #tpu.memory_space<vmem>>) target_semaphore(%arg19 : memref<!tpu.dma_semaphore, #tpu.memory_space<semaphore_mem>>)
    %mul3A_256 = arith.constant 4 : i32
    %mul3A_257 = arith.muli %mul3A_256, %select_n3A : i32
    %add3A_258 = arith.constant 3 : i32
    %add3A_259 = arith.addi %mul3A_257, %add3A_258 : i32
    %dma_start3A_260 = arith.constant 3 : i32
    %dma_start3A_261 = arith.constant 0 : i32
    %dma_start3A_262 = tpu.memref_slice %arg10[%dma_start3A_260, %dma_start3A_261] : memref<4x512xf32, #tpu.memory_space<vmem>> -> memref<1x512xf32, #tpu.memory_space<vmem>>
    %dma_start3A_263 = tpu.memref_squeeze %dma_start3A_262 : memref<1x512xf32, #tpu.memory_space<vmem>> -> memref<512xf32, #tpu.memory_space<vmem>>
    %dma_start3A_264 = arith.constant 0 : i32
    %dma_start3A_265 = tpu.memref_slice %arg18[%add3A_259, %dma_start3A_264] : memref<32x512xf32, #tpu.memory_space<vmem_shared>> -> memref<1x512xf32, #tpu.memory_space<vmem_shared>>
    %dma_start3A_266 = tpu.memref_squeeze %dma_start3A_265 : memref<1x512xf32, #tpu.memory_space<vmem_shared>> -> memref<512xf32, #tpu.memory_space<vmem_shared>>
    %dma_start3A_267 = arith.constant 0 : i32
    %dma_start3A_268 = tpu.memref_slice %arg10[%dma_start3A_260, %dma_start3A_267] : memref<4x512xf32, #tpu.memory_space<vmem>> -> memref<1x512xf32, #tpu.memory_space<vmem>>
    %dma_start3A_269 = tpu.memref_squeeze %dma_start3A_268 : memref<1x512xf32, #tpu.memory_space<vmem>> -> memref<512xf32, #tpu.memory_space<vmem>>
    %dma_start3A_270 = arith.constant 0 : i32
    %dma_start3A_271 = tpu.memref_slice %arg18[%add3A_259, %dma_start3A_270] : memref<32x512xf32, #tpu.memory_space<vmem_shared>> -> memref<1x512xf32, #tpu.memory_space<vmem_shared>>
    %dma_start3A_272 = tpu.memref_squeeze %dma_start3A_271 : memref<1x512xf32, #tpu.memory_space<vmem_shared>> -> memref<512xf32, #tpu.memory_space<vmem_shared>>
    tpu.enqueue_dma source(%dma_start3A_272 : memref<512xf32, #tpu.memory_space<vmem_shared>>) target(%dma_start3A_269 : memref<512xf32, #tpu.memory_space<vmem>>) target_semaphore(%arg19 : memref<!tpu.dma_semaphore, #tpu.memory_space<semaphore_mem>>)
    %mul3A_273 = arith.constant 4 : i32
    %mul3A_274 = arith.muli %mul3A_273, %select_n3A : i32
    %add3A_275 = arith.constant 0 : i32
    %add3A_276 = arith.addi %mul3A_274, %add3A_275 : i32
    %dma_wait3A_277 = arith.constant 0 : i32
    %dma_wait3A_278 = arith.constant 0 : i32
    %dma_wait3A_279 = tpu.memref_slice %arg10[%dma_wait3A_277, %dma_wait3A_278] : memref<4x512xf32, #tpu.memory_space<vmem>> -> memref<1x512xf32, #tpu.memory_space<vmem>>
    %dma_wait3A_280 = tpu.memref_squeeze %dma_wait3A_279 : memref<1x512xf32, #tpu.memory_space<vmem>> -> memref<512xf32, #tpu.memory_space<vmem>>
    %dma_wait3A_281 = arith.constant 0 : i32
    %dma_wait3A_282 = tpu.memref_slice %arg18[%add3A_276, %dma_wait3A_281] : memref<32x512xf32, #tpu.memory_space<vmem_shared>> -> memref<1x512xf32, #tpu.memory_space<vmem_shared>>
    %dma_wait3A_283 = tpu.memref_squeeze %dma_wait3A_282 : memref<1x512xf32, #tpu.memory_space<vmem_shared>> -> memref<512xf32, #tpu.memory_space<vmem_shared>>
    %dma_wait3A_284 = arith.constant 0 : i32
    %dma_wait3A_285 = tpu.memref_slice %arg10[%dma_wait3A_277, %dma_wait3A_284] : memref<4x512xf32, #tpu.memory_space<vmem>> -> memref<1x512xf32, #tpu.memory_space<vmem>>
    %dma_wait3A_286 = tpu.memref_squeeze %dma_wait3A_285 : memref<1x512xf32, #tpu.memory_space<vmem>> -> memref<512xf32, #tpu.memory_space<vmem>>
    %dma_wait3A_287 = arith.constant 0 : i32
    %dma_wait3A_288 = tpu.memref_slice %arg18[%add3A_276, %dma_wait3A_287] : memref<32x512xf32, #tpu.memory_space<vmem_shared>> -> memref<1x512xf32, #tpu.memory_space<vmem_shared>>
    %dma_wait3A_289 = tpu.memref_squeeze %dma_wait3A_288 : memref<1x512xf32, #tpu.memory_space<vmem_shared>> -> memref<512xf32, #tpu.memory_space<vmem_shared>>
    tpu.wait_dma2 semaphore(%arg19 : memref<!tpu.dma_semaphore, #tpu.memory_space<semaphore_mem>>) src(%dma_wait3A_289 : memref<512xf32, #tpu.memory_space<vmem_shared>>) dst(%dma_wait3A_286 : memref<512xf32, #tpu.memory_space<vmem>>)
    %mul3A_290 = arith.constant 4 : i32
    %mul3A_291 = arith.muli %mul3A_290, %select_n3A : i32
    %add3A_292 = arith.constant 1 : i32
    %add3A_293 = arith.addi %mul3A_291, %add3A_292 : i32
    %dma_wait3A_294 = arith.constant 1 : i32
    %dma_wait3A_295 = arith.constant 0 : i32
    %dma_wait3A_296 = tpu.memref_slice %arg10[%dma_wait3A_294, %dma_wait3A_295] : memref<4x512xf32, #tpu.memory_space<vmem>> -> memref<1x512xf32, #tpu.memory_space<vmem>>
    %dma_wait3A_297 = tpu.memref_squeeze %dma_wait3A_296 : memref<1x512xf32, #tpu.memory_space<vmem>> -> memref<512xf32, #tpu.memory_space<vmem>>
    %dma_wait3A_298 = arith.constant 0 : i32
    %dma_wait3A_299 = tpu.memref_slice %arg18[%add3A_293, %dma_wait3A_298] : memref<32x512xf32, #tpu.memory_space<vmem_shared>> -> memref<1x512xf32, #tpu.memory_space<vmem_shared>>
    %dma_wait3A_300 = tpu.memref_squeeze %dma_wait3A_299 : memref<1x512xf32, #tpu.memory_space<vmem_shared>> -> memref<512xf32, #tpu.memory_space<vmem_shared>>
    %dma_wait3A_301 = arith.constant 0 : i32
    %dma_wait3A_302 = tpu.memref_slice %arg10[%dma_wait3A_294, %dma_wait3A_301] : memref<4x512xf32, #tpu.memory_space<vmem>> -> memref<1x512xf32, #tpu.memory_space<vmem>>
    %dma_wait3A_303 = tpu.memref_squeeze %dma_wait3A_302 : memref<1x512xf32, #tpu.memory_space<vmem>> -> memref<512xf32, #tpu.memory_space<vmem>>
    %dma_wait3A_304 = arith.constant 0 : i32
    %dma_wait3A_305 = tpu.memref_slice %arg18[%add3A_293, %dma_wait3A_304] : memref<32x512xf32, #tpu.memory_space<vmem_shared>> -> memref<1x512xf32, #tpu.memory_space<vmem_shared>>
    %dma_wait3A_306 = tpu.memref_squeeze %dma_wait3A_305 : memref<1x512xf32, #tpu.memory_space<vmem_shared>> -> memref<512xf32, #tpu.memory_space<vmem_shared>>
    tpu.wait_dma2 semaphore(%arg19 : memref<!tpu.dma_semaphore, #tpu.memory_space<semaphore_mem>>) src(%dma_wait3A_306 : memref<512xf32, #tpu.memory_space<vmem_shared>>) dst(%dma_wait3A_303 : memref<512xf32, #tpu.memory_space<vmem>>)
    %mul3A_307 = arith.constant 4 : i32
    %mul3A_308 = arith.muli %mul3A_307, %select_n3A : i32
    %add3A_309 = arith.constant 2 : i32
    %add3A_310 = arith.addi %mul3A_308, %add3A_309 : i32
    %dma_wait3A_311 = arith.constant 2 : i32
    %dma_wait3A_312 = arith.constant 0 : i32
    %dma_wait3A_313 = tpu.memref_slice %arg10[%dma_wait3A_311, %dma_wait3A_312] : memref<4x512xf32, #tpu.memory_space<vmem>> -> memref<1x512xf32, #tpu.memory_space<vmem>>
    %dma_wait3A_314 = tpu.memref_squeeze %dma_wait3A_313 : memref<1x512xf32, #tpu.memory_space<vmem>> -> memref<512xf32, #tpu.memory_space<vmem>>
    %dma_wait3A_315 = arith.constant 0 : i32
    %dma_wait3A_316 = tpu.memref_slice %arg18[%add3A_310, %dma_wait3A_315] : memref<32x512xf32, #tpu.memory_space<vmem_shared>> -> memref<1x512xf32, #tpu.memory_space<vmem_shared>>
    %dma_wait3A_317 = tpu.memref_squeeze %dma_wait3A_316 : memref<1x512xf32, #tpu.memory_space<vmem_shared>> -> memref<512xf32, #tpu.memory_space<vmem_shared>>
    %dma_wait3A_318 = arith.constant 0 : i32
    %dma_wait3A_319 = tpu.memref_slice %arg10[%dma_wait3A_311, %dma_wait3A_318] : memref<4x512xf32, #tpu.memory_space<vmem>> -> memref<1x512xf32, #tpu.memory_space<vmem>>
    %dma_wait3A_320 = tpu.memref_squeeze %dma_wait3A_319 : memref<1x512xf32, #tpu.memory_space<vmem>> -> memref<512xf32, #tpu.memory_space<vmem>>
    %dma_wait3A_321 = arith.constant 0 : i32
    %dma_wait3A_322 = tpu.memref_slice %arg18[%add3A_310, %dma_wait3A_321] : memref<32x512xf32, #tpu.memory_space<vmem_shared>> -> memref<1x512xf32, #tpu.memory_space<vmem_shared>>
    %dma_wait3A_323 = tpu.memref_squeeze %dma_wait3A_322 : memref<1x512xf32, #tpu.memory_space<vmem_shared>> -> memref<512xf32, #tpu.memory_space<vmem_shared>>
    tpu.wait_dma2 semaphore(%arg19 : memref<!tpu.dma_semaphore, #tpu.memory_space<semaphore_mem>>) src(%dma_wait3A_323 : memref<512xf32, #tpu.memory_space<vmem_shared>>) dst(%dma_wait3A_320 : memref<512xf32, #tpu.memory_space<vmem>>)
    %mul3A_324 = arith.constant 4 : i32
    %mul3A_325 = arith.muli %mul3A_324, %select_n3A : i32
    %add3A_326 = arith.constant 3 : i32
    %add3A_327 = arith.addi %mul3A_325, %add3A_326 : i32
    %dma_wait3A_328 = arith.constant 3 : i32
    %dma_wait3A_329 = arith.constant 0 : i32
    %dma_wait3A_330 = tpu.memref_slice %arg10[%dma_wait3A_328, %dma_wait3A_329] : memref<4x512xf32, #tpu.memory_space<vmem>> -> memref<1x512xf32, #tpu.memory_space<vmem>>
    %dma_wait3A_331 = tpu.memref_squeeze %dma_wait3A_330 : memref<1x512xf32, #tpu.memory_space<vmem>> -> memref<512xf32, #tpu.memory_space<vmem>>
    %dma_wait3A_332 = arith.constant 0 : i32
    %dma_wait3A_333 = tpu.memref_slice %arg18[%add3A_327, %dma_wait3A_332] : memref<32x512xf32, #tpu.memory_space<vmem_shared>> -> memref<1x512xf32, #tpu.memory_space<vmem_shared>>
    %dma_wait3A_334 = tpu.memref_squeeze %dma_wait3A_333 : memref<1x512xf32, #tpu.memory_space<vmem_shared>> -> memref<512xf32, #tpu.memory_space<vmem_shared>>
    %dma_wait3A_335 = arith.constant 0 : i32
    %dma_wait3A_336 = tpu.memref_slice %arg10[%dma_wait3A_328, %dma_wait3A_335] : memref<4x512xf32, #tpu.memory_space<vmem>> -> memref<1x512xf32, #tpu.memory_space<vmem>>
    %dma_wait3A_337 = tpu.memref_squeeze %dma_wait3A_336 : memref<1x512xf32, #tpu.memory_space<vmem>> -> memref<512xf32, #tpu.memory_space<vmem>>
    %dma_wait3A_338 = arith.constant 0 : i32
    %dma_wait3A_339 = tpu.memref_slice %arg18[%add3A_327, %dma_wait3A_338] : memref<32x512xf32, #tpu.memory_space<vmem_shared>> -> memref<1x512xf32, #tpu.memory_space<vmem_shared>>
    %dma_wait3A_340 = tpu.memref_squeeze %dma_wait3A_339 : memref<1x512xf32, #tpu.memory_space<vmem_shared>> -> memref<512xf32, #tpu.memory_space<vmem_shared>>
    tpu.wait_dma2 semaphore(%arg19 : memref<!tpu.dma_semaphore, #tpu.memory_space<semaphore_mem>>) src(%dma_wait3A_340 : memref<512xf32, #tpu.memory_space<vmem_shared>>) dst(%dma_wait3A_337 : memref<512xf32, #tpu.memory_space<vmem>>)
    %scan3A_341 = arith.constant 0 : i32
    %scan3A_342 = arith.constant 0 : i32
    %scan3A_343 = arith.constant 16 : i32
    %scan3A_344 = arith.addi %scan3A_342, %scan3A_343 : i32
    %scan3A_345 = arith.constant 1 : i32
    scf.for %scan3A_382 = %scan3A_342 to %scan3A_344 step %scan3A_345  : i32 {
      %mul3A_383 = arith.constant 256 : i32
      %mul3A_384 = arith.muli %select_n3A_30, %mul3A_383 : i32
      %mul3A_385 = arith.constant 16 : i32
      %mul3A_386 = arith.muli %scan3A_382, %mul3A_385 : i32
      %add3A_387 = arith.addi %mul3A_384, %mul3A_386 : i32
      %get3A = arith.constant 0 : i32
      %get3A_388 = arith.index_cast %get3A : i32 to index
      %get3A_389 = arith.index_cast %add3A_387 : i32 to index
      %get3A_390 = tpu.vector_load %arg10[%get3A_388, %get3A_389] {strides = array<i32>} : memref<4x512xf32, #tpu.memory_space<vmem>>, vector<16xf32>,
      %convert_element_type3A = arith.fptosi %get3A_390 : vector<16xf32> to vector<16xi32>
      %jit3A_391 = arith.constant 0 : i32
      %jit3A_392 = arith.constant 510 : i32
      %max3A = vector.broadcast %jit3A_391 : i32 to vector<16xi32>
      %max3A_393 = arith.maxsi %max3A, %convert_element_type3A : vector<16xi32>
      %min3A = vector.broadcast %jit3A_392 : i32 to vector<16xi32>
      %min3A_394 = arith.minsi %min3A, %max3A_393 : vector<16xi32>
      %convert_element_type3A_395 = arith.sitofp %min3A_394 : vector<16xi32> to vector<16xf32>
      %sub3A_396 = arith.subf %get3A_390, %convert_element_type3A_395 : vector<16xf32>
      %broadcast_in_dim3A_397 = arith.constant 1 : i32
      %broadcast_in_dim3A_398 = vector.broadcast %broadcast_in_dim3A_397 : i32 to vector<16xi32>
      %sub3A_399 = arith.constant 1 : i32
      %sub3A_400 = vector.broadcast %sub3A_399 : i32 to vector<16xi32>
      %sub3A_401 = arith.subi %min3A_394, %sub3A_400 : vector<16xi32>
      %max3A_402 = arith.constant 0 : i32
      %max3A_403 = vector.broadcast %max3A_402 : i32 to vector<16xi32>
      %max3A_404 = arith.maxsi %sub3A_401, %max3A_403 : vector<16xi32>
      %gather3A_405 = tpu.vector_load_idx %arg10[%broadcast_in_dim3A_398, %max3A_404] : memref<4x512xf32, #tpu.memory_space<vmem>>[vector<16xi32>, vector<16xi32>], vector<16xf32>,
      %gather3A_406 = tpu.vector_load_idx %arg10[%broadcast_in_dim3A_398, %min3A_394] : memref<4x512xf32, #tpu.memory_space<vmem>>[vector<16xi32>, vector<16xi32>], vector<16xf32>,
      %add3A_407 = arith.constant 1 : i32
      %add3A_408 = vector.broadcast %add3A_407 : i32 to vector<16xi32>
      %add3A_409 = arith.addi %min3A_394, %add3A_408 : vector<16xi32>
      %gather3A_410 = tpu.vector_load_idx %arg10[%broadcast_in_dim3A_398, %add3A_409] : memref<4x512xf32, #tpu.memory_space<vmem>>[vector<16xi32>, vector<16xi32>], vector<16xf32>,
      %add3A_411 = arith.constant 2 : i32
      %add3A_412 = vector.broadcast %add3A_411 : i32 to vector<16xi32>
      %add3A_413 = arith.addi %min3A_394, %add3A_412 : vector<16xi32>
      %min3A_414 = arith.constant 511 : i32
      %min3A_415 = vector.broadcast %min3A_414 : i32 to vector<16xi32>
      %min3A_416 = arith.minsi %add3A_413, %min3A_415 : vector<16xi32>
      %gather3A_417 = tpu.vector_load_idx %arg10[%broadcast_in_dim3A_398, %min3A_416] : memref<4x512xf32, #tpu.memory_space<vmem>>[vector<16xi32>, vector<16xi32>], vector<16xf32>,
      %mul3A_418 = arith.mulf %sub3A_396, %sub3A_396 : vector<16xf32>
      %mul3A_419 = arith.mulf %mul3A_418, %sub3A_396 : vector<16xf32>
      %mul3A_420 = arith.constant -5.000000e-01 : f32
      %mul3A_421 = vector.broadcast %mul3A_420 : f32 to vector<16xf32>
      %mul3A_422 = arith.mulf %mul3A_421, %mul3A_419 : vector<16xf32>
      %add3A_423 = arith.addf %mul3A_422, %mul3A_418 : vector<16xf32>
      %mul3A_424 = arith.constant 5.000000e-01 : f32
      %mul3A_425 = vector.broadcast %mul3A_424 : f32 to vector<16xf32>
      %mul3A_426 = arith.mulf %mul3A_425, %sub3A_396 : vector<16xf32>
      %sub3A_427 = arith.subf %add3A_423, %mul3A_426 : vector<16xf32>
      %mul3A_428 = arith.constant 1.500000e+00 : f32
      %mul3A_429 = vector.broadcast %mul3A_428 : f32 to vector<16xf32>
      %mul3A_430 = arith.mulf %mul3A_429, %mul3A_419 : vector<16xf32>
      %mul3A_431 = arith.constant 2.500000e+00 : f32
      %mul3A_432 = vector.broadcast %mul3A_431 : f32 to vector<16xf32>
      %mul3A_433 = arith.mulf %mul3A_432, %mul3A_418 : vector<16xf32>
      %sub3A_434 = arith.subf %mul3A_430, %mul3A_433 : vector<16xf32>
      %add3A_435 = arith.constant 1.000000e+00 : f32
      %add3A_436 = vector.broadcast %add3A_435 : f32 to vector<16xf32>
      %add3A_437 = arith.addf %sub3A_434, %add3A_436 : vector<16xf32>
      %mul3A_438 = arith.constant -1.500000e+00 : f32
      %mul3A_439 = vector.broadcast %mul3A_438 : f32 to vector<16xf32>
      %mul3A_440 = arith.mulf %mul3A_439, %mul3A_419 : vector<16xf32>
      %mul3A_441 = arith.constant 2.000000e+00 : f32
      %mul3A_442 = vector.broadcast %mul3A_441 : f32 to vector<16xf32>
      %mul3A_443 = arith.mulf %mul3A_442, %mul3A_418 : vector<16xf32>
      %add3A_444 = arith.addf %mul3A_440, %mul3A_443 : vector<16xf32>
      %mul3A_445 = arith.constant 5.000000e-01 : f32
      %mul3A_446 = vector.broadcast %mul3A_445 : f32 to vector<16xf32>
      %mul3A_447 = arith.mulf %mul3A_446, %sub3A_396 : vector<16xf32>
      %add3A_448 = arith.addf %add3A_444, %mul3A_447 : vector<16xf32>
      %mul3A_449 = arith.constant 5.000000e-01 : f32
      %mul3A_450 = vector.broadcast %mul3A_449 : f32 to vector<16xf32>
      %mul3A_451 = arith.mulf %mul3A_450, %mul3A_419 : vector<16xf32>
      %mul3A_452 = arith.constant 5.000000e-01 : f32
      %mul3A_453 = vector.broadcast %mul3A_452 : f32 to vector<16xf32>
      %mul3A_454 = arith.mulf %mul3A_453, %mul3A_418 : vector<16xf32>
      %sub3A_455 = arith.subf %mul3A_451, %mul3A_454 : vector<16xf32>
      %mul3A_456 = arith.mulf %sub3A_427, %gather3A_405 : vector<16xf32>
      %mul3A_457 = arith.mulf %add3A_437, %gather3A_406 : vector<16xf32>
      %add3A_458 = arith.addf %mul3A_456, %mul3A_457 : vector<16xf32>
      %mul3A_459 = arith.mulf %add3A_448, %gather3A_410 : vector<16xf32>
      %add3A_460 = arith.addf %add3A_458, %mul3A_459 : vector<16xf32>
      %mul3A_461 = arith.mulf %sub3A_455, %gather3A_417 : vector<16xf32>
      %add3A_462 = arith.addf %add3A_460, %mul3A_461 : vector<16xf32>
      %convert_element_type3A_463 = arith.fptosi %add3A_462 : vector<16xf32> to vector<16xi32>
      %jit3A_464 = arith.constant 0 : i32
      %jit3A_465 = arith.constant 510 : i32
      %max3A_466 = vector.broadcast %jit3A_464 : i32 to vector<16xi32>
      %max3A_467 = arith.maxsi %max3A_466, %convert_element_type3A_463 : vector<16xi32>
      %min3A_468 = vector.broadcast %jit3A_465 : i32 to vector<16xi32>
      %min3A_469 = arith.minsi %min3A_468, %max3A_467 : vector<16xi32>
      %convert_element_type3A_470 = arith.sitofp %min3A_469 : vector<16xi32> to vector<16xf32>
      %sub3A_471 = arith.subf %add3A_462, %convert_element_type3A_470 : vector<16xf32>
      %broadcast_in_dim3A_472 = arith.constant 2 : i32
      %broadcast_in_dim3A_473 = vector.broadcast %broadcast_in_dim3A_472 : i32 to vector<16xi32>
      %sub3A_474 = arith.constant 1 : i32
      %sub3A_475 = vector.broadcast %sub3A_474 : i32 to vector<16xi32>
      %sub3A_476 = arith.subi %min3A_469, %sub3A_475 : vector<16xi32>
      %max3A_477 = arith.constant 0 : i32
      %max3A_478 = vector.broadcast %max3A_477 : i32 to vector<16xi32>
      %max3A_479 = arith.maxsi %sub3A_476, %max3A_478 : vector<16xi32>
      %gather3A_480 = tpu.vector_load_idx %arg10[%broadcast_in_dim3A_473, %max3A_479] : memref<4x512xf32, #tpu.memory_space<vmem>>[vector<16xi32>, vector<16xi32>], vector<16xf32>,
      %gather3A_481 = tpu.vector_load_idx %arg10[%broadcast_in_dim3A_473, %min3A_469] : memref<4x512xf32, #tpu.memory_space<vmem>>[vector<16xi32>, vector<16xi32>], vector<16xf32>,
      %add3A_482 = arith.constant 1 : i32
      %add3A_483 = vector.broadcast %add3A_482 : i32 to vector<16xi32>
      %add3A_484 = arith.addi %min3A_469, %add3A_483 : vector<16xi32>
      %gather3A_485 = tpu.vector_load_idx %arg10[%broadcast_in_dim3A_473, %add3A_484] : memref<4x512xf32, #tpu.memory_space<vmem>>[vector<16xi32>, vector<16xi32>], vector<16xf32>,
      %add3A_486 = arith.constant 2 : i32
      %add3A_487 = vector.broadcast %add3A_486 : i32 to vector<16xi32>
      %add3A_488 = arith.addi %min3A_469, %add3A_487 : vector<16xi32>
      %min3A_489 = arith.constant 511 : i32
      %min3A_490 = vector.broadcast %min3A_489 : i32 to vector<16xi32>
      %min3A_491 = arith.minsi %add3A_488, %min3A_490 : vector<16xi32>
      %gather3A_492 = tpu.vector_load_idx %arg10[%broadcast_in_dim3A_473, %min3A_491] : memref<4x512xf32, #tpu.memory_space<vmem>>[vector<16xi32>, vector<16xi32>], vector<16xf32>,
      %mul3A_493 = arith.mulf %sub3A_471, %sub3A_471 : vector<16xf32>
      %mul3A_494 = arith.mulf %mul3A_493, %sub3A_471 : vector<16xf32>
      %mul3A_495 = arith.constant -5.000000e-01 : f32
      %mul3A_496 = vector.broadcast %mul3A_495 : f32 to vector<16xf32>
      %mul3A_497 = arith.mulf %mul3A_496, %mul3A_494 : vector<16xf32>
      %add3A_498 = arith.addf %mul3A_497, %mul3A_493 : vector<16xf32>
      %mul3A_499 = arith.constant 5.000000e-01 : f32
      %mul3A_500 = vector.broadcast %mul3A_499 : f32 to vector<16xf32>
      %mul3A_501 = arith.mulf %mul3A_500, %sub3A_471 : vector<16xf32>
      %sub3A_502 = arith.subf %add3A_498, %mul3A_501 : vector<16xf32>
      %mul3A_503 = arith.constant 1.500000e+00 : f32
      %mul3A_504 = vector.broadcast %mul3A_503 : f32 to vector<16xf32>
      %mul3A_505 = arith.mulf %mul3A_504, %mul3A_494 : vector<16xf32>
      %mul3A_506 = arith.constant 2.500000e+00 : f32
      %mul3A_507 = vector.broadcast %mul3A_506 : f32 to vector<16xf32>
      %mul3A_508 = arith.mulf %mul3A_507, %mul3A_493 : vector<16xf32>
      %sub3A_509 = arith.subf %mul3A_505, %mul3A_508 : vector<16xf32>
      %add3A_510 = arith.constant 1.000000e+00 : f32
      %add3A_511 = vector.broadcast %add3A_510 : f32 to vector<16xf32>
      %add3A_512 = arith.addf %sub3A_509, %add3A_511 : vector<16xf32>
      %mul3A_513 = arith.constant -1.500000e+00 : f32
      %mul3A_514 = vector.broadcast %mul3A_513 : f32 to vector<16xf32>
      %mul3A_515 = arith.mulf %mul3A_514, %mul3A_494 : vector<16xf32>
      %mul3A_516 = arith.constant 2.000000e+00 : f32
      %mul3A_517 = vector.broadcast %mul3A_516 : f32 to vector<16xf32>
      %mul3A_518 = arith.mulf %mul3A_517, %mul3A_493 : vector<16xf32>
      %add3A_519 = arith.addf %mul3A_515, %mul3A_518 : vector<16xf32>
      %mul3A_520 = arith.constant 5.000000e-01 : f32
      %mul3A_521 = vector.broadcast %mul3A_520 : f32 to vector<16xf32>
      %mul3A_522 = arith.mulf %mul3A_521, %sub3A_471 : vector<16xf32>
      %add3A_523 = arith.addf %add3A_519, %mul3A_522 : vector<16xf32>
      %mul3A_524 = arith.constant 5.000000e-01 : f32
      %mul3A_525 = vector.broadcast %mul3A_524 : f32 to vector<16xf32>
      %mul3A_526 = arith.mulf %mul3A_525, %mul3A_494 : vector<16xf32>
      %mul3A_527 = arith.constant 5.000000e-01 : f32
      %mul3A_528 = vector.broadcast %mul3A_527 : f32 to vector<16xf32>
      %mul3A_529 = arith.mulf %mul3A_528, %mul3A_493 : vector<16xf32>
      %sub3A_530 = arith.subf %mul3A_526, %mul3A_529 : vector<16xf32>
      %mul3A_531 = arith.mulf %sub3A_502, %gather3A_480 : vector<16xf32>
      %mul3A_532 = arith.mulf %add3A_512, %gather3A_481 : vector<16xf32>
      %add3A_533 = arith.addf %mul3A_531, %mul3A_532 : vector<16xf32>
      %mul3A_534 = arith.mulf %add3A_523, %gather3A_485 : vector<16xf32>
      %add3A_535 = arith.addf %add3A_533, %mul3A_534 : vector<16xf32>
      %mul3A_536 = arith.mulf %sub3A_530, %gather3A_492 : vector<16xf32>
      %add3A_537 = arith.addf %add3A_535, %mul3A_536 : vector<16xf32>
      %convert_element_type3A_538 = arith.fptosi %add3A_537 : vector<16xf32> to vector<16xi32>
      %jit3A_539 = arith.constant 0 : i32
      %jit3A_540 = arith.constant 510 : i32
      %max3A_541 = vector.broadcast %jit3A_539 : i32 to vector<16xi32>
      %max3A_542 = arith.maxsi %max3A_541, %convert_element_type3A_538 : vector<16xi32>
      %min3A_543 = vector.broadcast %jit3A_540 : i32 to vector<16xi32>
      %min3A_544 = arith.minsi %min3A_543, %max3A_542 : vector<16xi32>
      %convert_element_type3A_545 = arith.sitofp %min3A_544 : vector<16xi32> to vector<16xf32>
      %sub3A_546 = arith.subf %add3A_537, %convert_element_type3A_545 : vector<16xf32>
      %broadcast_in_dim3A_547 = arith.constant 3 : i32
      %broadcast_in_dim3A_548 = vector.broadcast %broadcast_in_dim3A_547 : i32 to vector<16xi32>
      %sub3A_549 = arith.constant 1 : i32
      %sub3A_550 = vector.broadcast %sub3A_549 : i32 to vector<16xi32>
      %sub3A_551 = arith.subi %min3A_544, %sub3A_550 : vector<16xi32>
      %max3A_552 = arith.constant 0 : i32
      %max3A_553 = vector.broadcast %max3A_552 : i32 to vector<16xi32>
      %max3A_554 = arith.maxsi %sub3A_551, %max3A_553 : vector<16xi32>
      %gather3A_555 = tpu.vector_load_idx %arg10[%broadcast_in_dim3A_548, %max3A_554] : memref<4x512xf32, #tpu.memory_space<vmem>>[vector<16xi32>, vector<16xi32>], vector<16xf32>,
      %gather3A_556 = tpu.vector_load_idx %arg10[%broadcast_in_dim3A_548, %min3A_544] : memref<4x512xf32, #tpu.memory_space<vmem>>[vector<16xi32>, vector<16xi32>], vector<16xf32>,
      %add3A_557 = arith.constant 1 : i32
      %add3A_558 = vector.broadcast %add3A_557 : i32 to vector<16xi32>
      %add3A_559 = arith.addi %min3A_544, %add3A_558 : vector<16xi32>
      %gather3A_560 = tpu.vector_load_idx %arg10[%broadcast_in_dim3A_548, %add3A_559] : memref<4x512xf32, #tpu.memory_space<vmem>>[vector<16xi32>, vector<16xi32>], vector<16xf32>,
      %add3A_561 = arith.constant 2 : i32
      %add3A_562 = vector.broadcast %add3A_561 : i32 to vector<16xi32>
      %add3A_563 = arith.addi %min3A_544, %add3A_562 : vector<16xi32>
      %min3A_564 = arith.constant 511 : i32
      %min3A_565 = vector.broadcast %min3A_564 : i32 to vector<16xi32>
      %min3A_566 = arith.minsi %add3A_563, %min3A_565 : vector<16xi32>
      %gather3A_567 = tpu.vector_load_idx %arg10[%broadcast_in_dim3A_548, %min3A_566] : memref<4x512xf32, #tpu.memory_space<vmem>>[vector<16xi32>, vector<16xi32>], vector<16xf32>,
      %mul3A_568 = arith.mulf %sub3A_546, %sub3A_546 : vector<16xf32>
      %mul3A_569 = arith.mulf %mul3A_568, %sub3A_546 : vector<16xf32>
      %mul3A_570 = arith.constant -5.000000e-01 : f32
      %mul3A_571 = vector.broadcast %mul3A_570 : f32 to vector<16xf32>
      %mul3A_572 = arith.mulf %mul3A_571, %mul3A_569 : vector<16xf32>
      %add3A_573 = arith.addf %mul3A_572, %mul3A_568 : vector<16xf32>
      %mul3A_574 = arith.constant 5.000000e-01 : f32
      %mul3A_575 = vector.broadcast %mul3A_574 : f32 to vector<16xf32>
      %mul3A_576 = arith.mulf %mul3A_575, %sub3A_546 : vector<16xf32>
      %sub3A_577 = arith.subf %add3A_573, %mul3A_576 : vector<16xf32>
      %mul3A_578 = arith.constant 1.500000e+00 : f32
      %mul3A_579 = vector.broadcast %mul3A_578 : f32 to vector<16xf32>
      %mul3A_580 = arith.mulf %mul3A_579, %mul3A_569 : vector<16xf32>
      %mul3A_581 = arith.constant 2.500000e+00 : f32
      %mul3A_582 = vector.broadcast %mul3A_581 : f32 to vector<16xf32>
      %mul3A_583 = arith.mulf %mul3A_582, %mul3A_568 : vector<16xf32>
      %sub3A_584 = arith.subf %mul3A_580, %mul3A_583 : vector<16xf32>
      %add3A_585 = arith.constant 1.000000e+00 : f32
      %add3A_586 = vector.broadcast %add3A_585 : f32 to vector<16xf32>
      %add3A_587 = arith.addf %sub3A_584, %add3A_586 : vector<16xf32>
      %mul3A_588 = arith.constant -1.500000e+00 : f32
      %mul3A_589 = vector.broadcast %mul3A_588 : f32 to vector<16xf32>
      %mul3A_590 = arith.mulf %mul3A_589, %mul3A_569 : vector<16xf32>
      %mul3A_591 = arith.constant 2.000000e+00 : f32
      %mul3A_592 = vector.broadcast %mul3A_591 : f32 to vector<16xf32>
      %mul3A_593 = arith.mulf %mul3A_592, %mul3A_568 : vector<16xf32>
      %add3A_594 = arith.addf %mul3A_590, %mul3A_593 : vector<16xf32>
      %mul3A_595 = arith.constant 5.000000e-01 : f32
      %mul3A_596 = vector.broadcast %mul3A_595 : f32 to vector<16xf32>
      %mul3A_597 = arith.mulf %mul3A_596, %sub3A_546 : vector<16xf32>
      %add3A_598 = arith.addf %add3A_594, %mul3A_597 : vector<16xf32>
      %mul3A_599 = arith.constant 5.000000e-01 : f32
      %mul3A_600 = vector.broadcast %mul3A_599 : f32 to vector<16xf32>
      %mul3A_601 = arith.mulf %mul3A_600, %mul3A_569 : vector<16xf32>
      %mul3A_602 = arith.constant 5.000000e-01 : f32
      %mul3A_603 = vector.broadcast %mul3A_602 : f32 to vector<16xf32>
      %mul3A_604 = arith.mulf %mul3A_603, %mul3A_568 : vector<16xf32>
      %sub3A_605 = arith.subf %mul3A_601, %mul3A_604 : vector<16xf32>
      %mul3A_606 = arith.mulf %sub3A_577, %gather3A_555 : vector<16xf32>
      %mul3A_607 = arith.mulf %add3A_587, %gather3A_556 : vector<16xf32>
      %add3A_608 = arith.addf %mul3A_606, %mul3A_607 : vector<16xf32>
      %mul3A_609 = arith.mulf %add3A_598, %gather3A_560 : vector<16xf32>
      %add3A_610 = arith.addf %add3A_608, %mul3A_609 : vector<16xf32>
      %mul3A_611 = arith.mulf %sub3A_605, %gather3A_567 : vector<16xf32>
      %add3A_612 = arith.addf %add3A_610, %mul3A_611 : vector<16xf32>
      %mul3A_613 = arith.constant 16 : i32
      %mul3A_614 = arith.muli %scan3A_382, %mul3A_613 : i32
      %swap3A = arith.index_cast %mul3A_614 : i32 to index
      %swap3A_615 = tpu.vector_load %arg11[%swap3A] {strides = array<i32>} : memref<256xf32, #tpu.memory_space<vmem>>, vector<16xf32>,
      tpu.vector_store %arg11[%swap3A], %add3A_612 {strides = array<i32>} : memref<256xf32, #tpu.memory_space<vmem>>, vector<16xf32>,
      %convert_element_type3A_616 = arith.fptosi %add3A_612 : vector<16xf32> to vector<16xi32>
      %jit3A_617 = arith.constant 0 : i32
      %jit3A_618 = arith.constant 510 : i32
      %max3A_619 = vector.broadcast %jit3A_617 : i32 to vector<16xi32>
      %max3A_620 = arith.maxsi %max3A_619, %convert_element_type3A_616 : vector<16xi32>
      %min3A_621 = vector.broadcast %jit3A_618 : i32 to vector<16xi32>
      %min3A_622 = arith.minsi %min3A_621, %max3A_620 : vector<16xi32>
      %convert_element_type3A_623 = arith.sitofp %min3A_622 : vector<16xi32> to vector<16xf32>
      %sub3A_624 = arith.subf %add3A_612, %convert_element_type3A_623 : vector<16xf32>
      %mul3A_625 = arith.mulf %sub3A_624, %sub3A_624 : vector<16xf32>
      %mul3A_626 = arith.mulf %mul3A_625, %sub3A_624 : vector<16xf32>
      %mul3A_627 = arith.constant -5.000000e-01 : f32
      %mul3A_628 = vector.broadcast %mul3A_627 : f32 to vector<16xf32>
      %mul3A_629 = arith.mulf %mul3A_628, %mul3A_626 : vector<16xf32>
      %add3A_630 = arith.addf %mul3A_629, %mul3A_625 : vector<16xf32>
      %mul3A_631 = arith.constant 5.000000e-01 : f32
      %mul3A_632 = vector.broadcast %mul3A_631 : f32 to vector<16xf32>
      %mul3A_633 = arith.mulf %mul3A_632, %sub3A_624 : vector<16xf32>
      %sub3A_634 = arith.subf %add3A_630, %mul3A_633 : vector<16xf32>
      %mul3A_635 = arith.constant 16 : i32
      %mul3A_636 = arith.muli %scan3A_382, %mul3A_635 : i32
      %swap3A_637 = arith.constant 0 : i32
      %swap3A_638 = arith.index_cast %swap3A_637 : i32 to index
      %swap3A_639 = arith.index_cast %mul3A_636 : i32 to index
      %swap3A_640 = tpu.vector_load %arg12[%swap3A_638, %swap3A_639] {strides = array<i32>} : memref<4x256xf32, #tpu.memory_space<vmem>>, vector<16xf32>,
      tpu.vector_store %arg12[%swap3A_638, %swap3A_639], %sub3A_634 {strides = array<i32>} : memref<4x256xf32, #tpu.memory_space<vmem>>, vector<16xf32>,
      %mul3A_641 = arith.constant 1.500000e+00 : f32
      %mul3A_642 = vector.broadcast %mul3A_641 : f32 to vector<16xf32>
      %mul3A_643 = arith.mulf %mul3A_642, %mul3A_626 : vector<16xf32>
      %mul3A_644 = arith.constant 2.500000e+00 : f32
      %mul3A_645 = vector.broadcast %mul3A_644 : f32 to vector<16xf32>
      %mul3A_646 = arith.mulf %mul3A_645, %mul3A_625 : vector<16xf32>
      %sub3A_647 = arith.subf %mul3A_643, %mul3A_646 : vector<16xf32>
      %add3A_648 = arith.constant 1.000000e+00 : f32
      %add3A_649 = vector.broadcast %add3A_648 : f32 to vector<16xf32>
      %add3A_650 = arith.addf %sub3A_647, %add3A_649 : vector<16xf32>
      %mul3A_651 = arith.constant 16 : i32
      %mul3A_652 = arith.muli %scan3A_382, %mul3A_651 : i32
      %swap3A_653 = arith.constant 1 : i32
      %swap3A_654 = arith.index_cast %swap3A_653 : i32 to index
      %swap3A_655 = arith.index_cast %mul3A_652 : i32 to index
      %swap3A_656 = tpu.vector_load %arg12[%swap3A_654, %swap3A_655] {strides = array<i32>} : memref<4x256xf32, #tpu.memory_space<vmem>>, vector<16xf32>,
      tpu.vector_store %arg12[%swap3A_654, %swap3A_655], %add3A_650 {strides = array<i32>} : memref<4x256xf32, #tpu.memory_space<vmem>>, vector<16xf32>,
      %mul3A_657 = arith.constant -1.500000e+00 : f32
      %mul3A_658 = vector.broadcast %mul3A_657 : f32 to vector<16xf32>
      %mul3A_659 = arith.mulf %mul3A_658, %mul3A_626 : vector<16xf32>
      %mul3A_660 = arith.constant 2.000000e+00 : f32
      %mul3A_661 = vector.broadcast %mul3A_660 : f32 to vector<16xf32>
      %mul3A_662 = arith.mulf %mul3A_661, %mul3A_625 : vector<16xf32>
      %add3A_663 = arith.addf %mul3A_659, %mul3A_662 : vector<16xf32>
      %mul3A_664 = arith.constant 5.000000e-01 : f32
      %mul3A_665 = vector.broadcast %mul3A_664 : f32 to vector<16xf32>
      %mul3A_666 = arith.mulf %mul3A_665, %sub3A_624 : vector<16xf32>
      %add3A_667 = arith.addf %add3A_663, %mul3A_666 : vector<16xf32>
      %mul3A_668 = arith.constant 16 : i32
      %mul3A_669 = arith.muli %scan3A_382, %mul3A_668 : i32
      %swap3A_670 = arith.constant 2 : i32
      %swap3A_671 = arith.index_cast %swap3A_670 : i32 to index
      %swap3A_672 = arith.index_cast %mul3A_669 : i32 to index
      %swap3A_673 = tpu.vector_load %arg12[%swap3A_671, %swap3A_672] {strides = array<i32>} : memref<4x256xf32, #tpu.memory_space<vmem>>, vector<16xf32>,
      tpu.vector_store %arg12[%swap3A_671, %swap3A_672], %add3A_667 {strides = array<i32>} : memref<4x256xf32, #tpu.memory_space<vmem>>, vector<16xf32>,
      %mul3A_674 = arith.constant 5.000000e-01 : f32
      %mul3A_675 = vector.broadcast %mul3A_674 : f32 to vector<16xf32>
      %mul3A_676 = arith.mulf %mul3A_675, %mul3A_626 : vector<16xf32>
      %mul3A_677 = arith.constant 5.000000e-01 : f32
      %mul3A_678 = vector.broadcast %mul3A_677 : f32 to vector<16xf32>
      %mul3A_679 = arith.mulf %mul3A_678, %mul3A_625 : vector<16xf32>
      %sub3A_680 = arith.subf %mul3A_676, %mul3A_679 : vector<16xf32>
      %mul3A_681 = arith.constant 16 : i32
      %mul3A_682 = arith.muli %scan3A_382, %mul3A_681 : i32
      %swap3A_683 = arith.constant 3 : i32
      %swap3A_684 = arith.index_cast %swap3A_683 : i32 to index
      %swap3A_685 = arith.index_cast %mul3A_682 : i32 to index
      %swap3A_686 = tpu.vector_load %arg12[%swap3A_684, %swap3A_685] {strides = array<i32>} : memref<4x256xf32, #tpu.memory_space<vmem>>, vector<16xf32>,
      tpu.vector_store %arg12[%swap3A_684, %swap3A_685], %sub3A_680 {strides = array<i32>} : memref<4x256xf32, #tpu.memory_space<vmem>>, vector<16xf32>,
      %mul3A_687 = arith.constant 512 : i32
      %mul3A_688 = arith.muli %add3A_33, %mul3A_687 : i32
      %jit3A_689 = arith.constant 2 : i32
      %div3A_690 = arith.divsi %scan3A_382, %jit3A_689 : i32
      %sign3A_691 = arith.constant 0 : i32
      %sign3A_692 = arith.cmpi sgt, %scan3A_382, %sign3A_691 : i32
      %sign3A_693 = arith.extui %sign3A_692 : i1 to i32
      %sign3A_694 = arith.constant 0 : i32
      %sign3A_695 = arith.cmpi slt, %scan3A_382, %sign3A_694 : i32
      %sign3A_696 = arith.extui %sign3A_695 : i1 to i32
      %sign3A_697 = arith.subi %sign3A_693, %sign3A_696 : i32
      %sign3A_698 = arith.constant 0 : i32
      %sign3A_699 = arith.cmpi sgt, %jit3A_689, %sign3A_698 : i32
      %sign3A_700 = arith.extui %sign3A_699 : i1 to i32
      %sign3A_701 = arith.constant 0 : i32
      %sign3A_702 = arith.cmpi slt, %jit3A_689, %sign3A_701 : i32
      %sign3A_703 = arith.extui %sign3A_702 : i1 to i32
      %sign3A_704 = arith.subi %sign3A_700, %sign3A_703 : i32
      %ne3A_705 = arith.cmpi ne, %sign3A_697, %sign3A_704 : i32
      %rem3A_706 = arith.remsi %scan3A_382, %jit3A_689 : i32
      %ne3A_707 = arith.constant 0 : i32
      %ne3A_708 = arith.cmpi ne, %rem3A_706, %ne3A_707 : i32
      %and3A_709 = arith.andi %ne3A_705, %ne3A_708 : i1
      %sub3A_710 = arith.constant 1 : i32
      %sub3A_711 = arith.subi %div3A_690, %sub3A_710 : i32
      %select_n3A_712 = arith.select %and3A_709, %sub3A_711, %div3A_690 : i32
      %jit3A_713 = arith.constant 2 : i32
      %eq3A_714 = arith.constant 0 : i32
      %eq3A_715 = arith.cmpi eq, %jit3A_713, %eq3A_714 : i32
      %jit3A_716 = arith.constant 1 : i32
      %select_n3A_717 = arith.select %eq3A_715, %jit3A_716, %jit3A_713 : i32
      %rem3A_718 = arith.remsi %scan3A_382, %select_n3A_717 : i32
      %ne3A_719 = arith.constant 0 : i32
      %ne3A_720 = arith.cmpi ne, %rem3A_718, %ne3A_719 : i32
      %lt3A_721 = arith.constant 0 : i32
      %lt3A_722 = arith.cmpi slt, %rem3A_718, %lt3A_721 : i32
      %lt3A_723 = arith.constant 0 : i32
      %lt3A_724 = arith.cmpi slt, %select_n3A_717, %lt3A_723 : i32
      %ne3A_725 = arith.xori %lt3A_722, %lt3A_724 : i1
      %and3A_726 = arith.andi %ne3A_725, %ne3A_720 : i1
      %add3A_727 = arith.addi %rem3A_718, %select_n3A_717 : i32
      %select_n3A_728 = arith.select %and3A_726, %add3A_727, %rem3A_718 : i32
      %mul3A_729 = arith.constant 16 : i32
      %mul3A_730 = arith.muli %select_n3A_728, %mul3A_729 : i32
      %sub3A_731 = arith.constant 1 : i32
      %sub3A_732 = vector.broadcast %sub3A_731 : i32 to vector<16xi32>
      %sub3A_733 = arith.subi %min3A_622, %sub3A_732 : vector<16xi32>
      %max3A_734 = arith.constant 0 : i32
      %max3A_735 = vector.broadcast %max3A_734 : i32 to vector<16xi32>
      %max3A_736 = arith.maxsi %sub3A_733, %max3A_735 : vector<16xi32>
      %add3A_737 = vector.broadcast %mul3A_688 : i32 to vector<16xi32>
      %add3A_738 = arith.addi %add3A_737, %max3A_736 : vector<16xi32>
      %swap3A_739 = arith.index_cast %select_n3A_712 : i32 to index
      %swap3A_740 = arith.index_cast %mul3A_730 : i32 to index
      %swap3A_741 = tpu.vector_load %arg13[%swap3A_739, %swap3A_740] {strides = array<i32>} : memref<8x128xi32, #tpu.memory_space<vmem>>, vector<16xi32>,
      tpu.vector_store %arg13[%swap3A_739, %swap3A_740], %add3A_738 {strides = array<i32>} : memref<8x128xi32, #tpu.memory_space<vmem>>, vector<16xi32>,
      %add3A_742 = vector.broadcast %mul3A_688 : i32 to vector<16xi32>
      %add3A_743 = arith.addi %add3A_742, %min3A_622 : vector<16xi32>
      %add3A_744 = arith.constant 32 : i32
      %add3A_745 = arith.addi %add3A_744, %mul3A_730 : i32
      %swap3A_746 = arith.index_cast %select_n3A_712 : i32 to index
      %swap3A_747 = arith.index_cast %add3A_745 : i32 to index
      %swap3A_748 = tpu.vector_load %arg13[%swap3A_746, %swap3A_747] {strides = array<i32>} : memref<8x128xi32, #tpu.memory_space<vmem>>, vector<16xi32>,
      tpu.vector_store %arg13[%swap3A_746, %swap3A_747], %add3A_743 {strides = array<i32>} : memref<8x128xi32, #tpu.memory_space<vmem>>, vector<16xi32>,
      %add3A_749 = vector.broadcast %mul3A_688 : i32 to vector<16xi32>
      %add3A_750 = arith.addi %add3A_749, %min3A_622 : vector<16xi32>
      %add3A_751 = arith.constant 1 : i32
      %add3A_752 = vector.broadcast %add3A_751 : i32 to vector<16xi32>
      %add3A_753 = arith.addi %add3A_750, %add3A_752 : vector<16xi32>
      %add3A_754 = arith.constant 64 : i32
      %add3A_755 = arith.addi %add3A_754, %mul3A_730 : i32
      %swap3A_756 = arith.index_cast %select_n3A_712 : i32 to index
      %swap3A_757 = arith.index_cast %add3A_755 : i32 to index
      %swap3A_758 = tpu.vector_load %arg13[%swap3A_756, %swap3A_757] {strides = array<i32>} : memref<8x128xi32, #tpu.memory_space<vmem>>, vector<16xi32>,
      tpu.vector_store %arg13[%swap3A_756, %swap3A_757], %add3A_753 {strides = array<i32>} : memref<8x128xi32, #tpu.memory_space<vmem>>, vector<16xi32>,
      %add3A_759 = arith.constant 2 : i32
      %add3A_760 = vector.broadcast %add3A_759 : i32 to vector<16xi32>
      %add3A_761 = arith.addi %min3A_622, %add3A_760 : vector<16xi32>
      %min3A_762 = arith.constant 511 : i32
      %min3A_763 = vector.broadcast %min3A_762 : i32 to vector<16xi32>
      %min3A_764 = arith.minsi %add3A_761, %min3A_763 : vector<16xi32>
      %add3A_765 = vector.broadcast %mul3A_688 : i32 to vector<16xi32>
      %add3A_766 = arith.addi %add3A_765, %min3A_764 : vector<16xi32>
      %add3A_767 = arith.constant 96 : i32
      %add3A_768 = arith.addi %add3A_767, %mul3A_730 : i32
      %swap3A_769 = arith.index_cast %select_n3A_712 : i32 to index
      %swap3A_770 = arith.index_cast %add3A_768 : i32 to index
      %swap3A_771 = tpu.vector_load %arg13[%swap3A_769, %swap3A_770] {strides = array<i32>} : memref<8x128xi32, #tpu.memory_space<vmem>>, vector<16xi32>,
      tpu.vector_store %arg13[%swap3A_769, %swap3A_770], %add3A_766 {strides = array<i32>} : memref<8x128xi32, #tpu.memory_space<vmem>>, vector<16xi32>,
      %eq3A_772 = arith.constant 1 : i32
      %eq3A_773 = arith.cmpi eq, %scan3A_382, %eq3A_772 : i32
      %convert_element_type3A_774 = arith.extui %eq3A_773 : i1 to i32
      %cond3A = arith.constant 0 : i32
      %cond3A_775 = arith.cmpi ne, %convert_element_type3A_774, %cond3A : i32
      scf.if %cond3A_775 {
        %dma_start3A_781 = arith.constant 0 : i32
        %dma_start3A_782 = arith.constant 0 : i32
        %dma_start3A_783 = tpu.memref_slice %arg13[%dma_start3A_781, %dma_start3A_782] : memref<8x128xi32, #tpu.memory_space<vmem>> -> memref<1x128xi32, #tpu.memory_space<vmem>>
        %dma_start3A_784 = tpu.memref_squeeze %dma_start3A_783 : memref<1x128xi32, #tpu.memory_space<vmem>> -> memref<128xi32, #tpu.memory_space<vmem>>
        %dma_start3A_785 = arith.constant 0 : i32
        %dma_start3A_786 = arith.constant 0 : i32
        %dma_start3A_787 = tpu.memref_slice %arg3[%dma_start3A_785, %dma_start3A_786] : memref<8192x256xf32, #tpu.memory_space<hbm>> -> memref<8192x256xf32, #tpu.memory_space<hbm>>
        tpu.enqueue_indirect_dma source(%dma_start3A_787 : memref<8192x256xf32, #tpu.memory_space<hbm>>) target(%arg14 : memref<128x256xf32, #tpu.memory_space<vmem>>) offsets(%dma_start3A_784 : memref<128xi32, #tpu.memory_space<vmem>>) semaphore(%arg19 : memref<!tpu.dma_semaphore, #tpu.memory_space<semaphore_mem>>)
      } else {
      }
      %eq3A_776 = arith.constant 3 : i32
      %eq3A_777 = arith.cmpi eq, %scan3A_382, %eq3A_776 : i32
      %convert_element_type3A_778 = arith.extui %eq3A_777 : i1 to i32
      %cond3A_779 = arith.constant 0 : i32
      %cond3A_780 = arith.cmpi ne, %convert_element_type3A_778, %cond3A_779 : i32
      scf.if %cond3A_780 {
        %dma_start3A_781 = arith.constant 1 : i32
        %dma_start3A_782 = arith.constant 0 : i32
        %dma_start3A_783 = tpu.memref_slice %arg13[%dma_start3A_781, %dma_start3A_782] : memref<8x128xi32, #tpu.memory_space<vmem>> -> memref<1x128xi32, #tpu.memory_space<vmem>>
        %dma_start3A_784 = tpu.memref_squeeze %dma_start3A_783 : memref<1x128xi32, #tpu.memory_space<vmem>> -> memref<128xi32, #tpu.memory_space<vmem>>
        %dma_start3A_785 = arith.constant 0 : i32
        %dma_start3A_786 = arith.constant 0 : i32
        %dma_start3A_787 = tpu.memref_slice %arg3[%dma_start3A_785, %dma_start3A_786] : memref<8192x256xf32, #tpu.memory_space<hbm>> -> memref<8192x256xf32, #tpu.memory_space<hbm>>
        tpu.enqueue_indirect_dma source(%dma_start3A_787 : memref<8192x256xf32, #tpu.memory_space<hbm>>) target(%arg15 : memref<128x256xf32, #tpu.memory_space<vmem>>) offsets(%dma_start3A_784 : memref<128xi32, #tpu.memory_space<vmem>>) semaphore(%arg20 : memref<!tpu.dma_semaphore, #tpu.memory_space<semaphore_mem>>)
      } else {
      }
    }
    %scan3A_346 = arith.constant 16 : i32
    %mul3A_347 = arith.constant 256 : i32
    %mul3A_348 = arith.muli %select_n3A_30, %mul3A_347 : i32
    %dma_start3A_349 = tpu.memref_slice %arg5[%add3A_33, %mul3A_348] : memref<16x512xf32, #tpu.memory_space<hbm>> -> memref<1x256xf32, #tpu.memory_space<hbm>>
    %dma_start3A_350 = tpu.memref_squeeze %dma_start3A_349 : memref<1x256xf32, #tpu.memory_space<hbm>> -> memref<256xf32, #tpu.memory_space<hbm>>
    %dma_start3A_351 = tpu.memref_slice %arg5[%add3A_33, %mul3A_348] : memref<16x512xf32, #tpu.memory_space<hbm>> -> memref<1x256xf32, #tpu.memory_space<hbm>>
    %dma_start3A_352 = tpu.memref_squeeze %dma_start3A_351 : memref<1x256xf32, #tpu.memory_space<hbm>> -> memref<256xf32, #tpu.memory_space<hbm>>
    tpu.enqueue_dma source(%arg11 : memref<256xf32, #tpu.memory_space<vmem>>) target(%dma_start3A_352 : memref<256xf32, #tpu.memory_space<hbm>>) target_semaphore(%arg23 : memref<!tpu.dma_semaphore, #tpu.memory_space<semaphore_mem>>)
    %mul3A_353 = arith.constant 512 : i32
    %mul3A_354 = arith.muli %add3A_33, %mul3A_353 : i32
    %mul3A_355 = arith.constant 256 : i32
    %mul3A_356 = arith.muli %select_n3A_30, %mul3A_355 : i32
    %add3A_357 = arith.addi %mul3A_354, %mul3A_356 : i32
    %scan3A_358 = arith.constant 0 : i32
    %scan3A_359 = arith.constant 0 : i32
    %scan3A_360 = arith.constant 4 : i32
    %scan3A_361 = arith.addi %scan3A_359, %scan3A_360 : i32
    %scan3A_362 = arith.constant 1 : i32
    scf.for %scan3A_382 = %scan3A_359 to %scan3A_361 step %scan3A_362  : i32 {
      %mul3A_383 = arith.constant 2 : i32
      %mul3A_384 = arith.muli %mul3A_383, %scan3A_382 : i32
      %add3A_385 = arith.constant 0 : i32
      %add3A_386 = arith.addi %mul3A_384, %add3A_385 : i32
      %dma_wait3A_387 = arith.constant 0 : i32
      %dma_wait3A_388 = tpu.memref_slice %arg13[%add3A_386, %dma_wait3A_387] : memref<8x128xi32, #tpu.memory_space<vmem>> -> memref<1x128xi32, #tpu.memory_space<vmem>>
      %dma_wait3A_389 = tpu.memref_squeeze %dma_wait3A_388 : memref<1x128xi32, #tpu.memory_space<vmem>> -> memref<128xi32, #tpu.memory_space<vmem>>
      %dma_wait3A_390 = arith.constant 0 : i32
      %dma_wait3A_391 = arith.constant 0 : i32
      %dma_wait3A_392 = tpu.memref_slice %arg3[%dma_wait3A_390, %dma_wait3A_391] : memref<8192x256xf32, #tpu.memory_space<hbm>> -> memref<8192x256xf32, #tpu.memory_space<hbm>>
      tpu.wait_indirect_dma semaphore(%arg19 : memref<!tpu.dma_semaphore, #tpu.memory_space<semaphore_mem>>) src(%dma_wait3A_392 : memref<8192x256xf32, #tpu.memory_space<hbm>>) dst(%arg14 : memref<128x256xf32, #tpu.memory_space<vmem>>)
      %gt3A = arith.constant 0 : i32
      %gt3A_393 = arith.cmpi sgt, %scan3A_382, %gt3A : i32
      %convert_element_type3A = arith.extui %gt3A_393 : i1 to i32
      %cond3A = arith.constant 0 : i32
      %cond3A_394 = arith.cmpi ne, %convert_element_type3A, %cond3A : i32
      scf.if %cond3A_394 {
        %sub3A_446 = arith.constant 2 : i32
        %sub3A_447 = arith.subi %add3A_386, %sub3A_446 : i32
        %mul3A_448 = arith.constant 32 : i32
        %mul3A_449 = arith.muli %sub3A_447, %mul3A_448 : i32
        %add3A_450 = arith.addi %add3A_357, %mul3A_449 : i32
        %dma_wait3A_451 = arith.constant 0 : i32
        %dma_wait3A_452 = tpu.memref_slice %arg4[%add3A_450, %dma_wait3A_451] : memref<8192x256xf32, #tpu.memory_space<hbm>> -> memref<32x256xf32, #tpu.memory_space<hbm>>
        %dma_wait3A_453 = arith.constant 0 : i32
        %dma_wait3A_454 = tpu.memref_slice %arg4[%add3A_450, %dma_wait3A_453] : memref<8192x256xf32, #tpu.memory_space<hbm>> -> memref<32x256xf32, #tpu.memory_space<hbm>>
        tpu.wait_dma2 semaphore(%arg21 : memref<!tpu.dma_semaphore, #tpu.memory_space<semaphore_mem>>) src(%arg16 : memref<32x256xf32, #tpu.memory_space<vmem>>) dst(%dma_wait3A_454 : memref<32x256xf32, #tpu.memory_space<hbm>>)
      } else {
      }
      %scan3A_395 = arith.constant 0 : i32
      %scan3A_396 = arith.constant 0 : i32
      %scan3A_397 = arith.constant 32 : i32
      %scan3A_398 = arith.addi %scan3A_396, %scan3A_397 : i32
      %scan3A_399 = arith.constant 1 : i32
      scf.for %scan3A_446 = %scan3A_396 to %scan3A_398 step %scan3A_399  : i32 {
        %broadcast_in_dim3A_447 = arith.constant 0 : i32
        %broadcast_in_dim3A_448 = vector.broadcast %broadcast_in_dim3A_447 : i32 to vector<16xi32>
        %mul3A_449 = arith.constant 32 : i32
        %mul3A_450 = arith.muli %add3A_386, %mul3A_449 : i32
        %add3A_451 = arith.addi %mul3A_450, %scan3A_446 : i32
        %add3A_452 = vector.broadcast %add3A_451 : i32 to vector<16xi32>
        %add3A_453 = arith.addi %broadcast_in_dim3A_448, %add3A_452 : vector<16xi32>
        %broadcast_in_dim3A_454 = arith.constant 0 : i32
        %broadcast_in_dim3A_455 = vector.broadcast %broadcast_in_dim3A_454 : i32 to vector<16xi32>
        %gather3A_456 = tpu.vector_load_idx %arg12[%broadcast_in_dim3A_455, %add3A_453] : memref<4x256xf32, #tpu.memory_space<vmem>>[vector<16xi32>, vector<16xi32>], vector<16xf32>,
        %broadcast_in_dim3A_457 = arith.constant 1 : i32
        %broadcast_in_dim3A_458 = vector.broadcast %broadcast_in_dim3A_457 : i32 to vector<16xi32>
        %gather3A_459 = tpu.vector_load_idx %arg12[%broadcast_in_dim3A_458, %add3A_453] : memref<4x256xf32, #tpu.memory_space<vmem>>[vector<16xi32>, vector<16xi32>], vector<16xf32>,
        %broadcast_in_dim3A_460 = arith.constant 2 : i32
        %broadcast_in_dim3A_461 = vector.broadcast %broadcast_in_dim3A_460 : i32 to vector<16xi32>
        %gather3A_462 = tpu.vector_load_idx %arg12[%broadcast_in_dim3A_461, %add3A_453] : memref<4x256xf32, #tpu.memory_space<vmem>>[vector<16xi32>, vector<16xi32>], vector<16xf32>,
        %broadcast_in_dim3A_463 = arith.constant 3 : i32
        %broadcast_in_dim3A_464 = vector.broadcast %broadcast_in_dim3A_463 : i32 to vector<16xi32>
        %gather3A_465 = tpu.vector_load_idx %arg12[%broadcast_in_dim3A_464, %add3A_453] : memref<4x256xf32, #tpu.memory_space<vmem>>[vector<16xi32>, vector<16xi32>], vector<16xf32>,
        %get3A = arith.index_cast %scan3A_446 : i32 to index
        %get3A_466 = arith.constant 0 : index
        %get3A_467 = tpu.vector_load %arg14[%get3A, %get3A_466] {strides = array<i32>} : memref<128x256xf32, #tpu.memory_space<vmem>>, vector<16xf32>,
        %mul3A_468 = arith.mulf %gather3A_456, %get3A_467 : vector<16xf32>
        %add3A_469 = arith.constant 32 : i32
        %add3A_470 = arith.addi %add3A_469, %scan3A_446 : i32
        %get3A_471 = arith.index_cast %add3A_470 : i32 to index
        %get3A_472 = arith.constant 0 : index
        %get3A_473 = tpu.vector_load %arg14[%get3A_471, %get3A_472] {strides = array<i32>} : memref<128x256xf32, #tpu.memory_space<vmem>>, vector<16xf32>,
        %mul3A_474 = arith.mulf %gather3A_459, %get3A_473 : vector<16xf32>
        %add3A_475 = arith.addf %mul3A_468, %mul3A_474 : vector<16xf32>
        %add3A_476 = arith.constant 64 : i32
        %add3A_477 = arith.addi %add3A_476, %scan3A_446 : i32
        %get3A_478 = arith.index_cast %add3A_477 : i32 to index
        %get3A_479 = arith.constant 0 : index
        %get3A_480 = tpu.vector_load %arg14[%get3A_478, %get3A_479] {strides = array<i32>} : memref<128x256xf32, #tpu.memory_space<vmem>>, vector<16xf32>,
        %mul3A_481 = arith.mulf %gather3A_462, %get3A_480 : vector<16xf32>
        %add3A_482 = arith.constant 96 : i32
        %add3A_483 = arith.addi %add3A_482, %scan3A_446 : i32
        %get3A_484 = arith.index_cast %add3A_483 : i32 to index
        %get3A_485 = arith.constant 0 : index
        %get3A_486 = tpu.vector_load %arg14[%get3A_484, %get3A_485] {strides = array<i32>} : memref<128x256xf32, #tpu.memory_space<vmem>>, vector<16xf32>,
        %mul3A_487 = arith.mulf %gather3A_465, %get3A_486 : vector<16xf32>
        %add3A_488 = arith.addf %mul3A_481, %mul3A_487 : vector<16xf32>
        %add3A_489 = arith.addf %add3A_475, %add3A_488 : vector<16xf32>
        %swap3A = arith.index_cast %scan3A_446 : i32 to index
        %swap3A_490 = arith.constant 0 : index
        %swap3A_491 = tpu.vector_load %arg16[%swap3A, %swap3A_490] {strides = array<i32>} : memref<32x256xf32, #tpu.memory_space<vmem>>, vector<16xf32>,
        tpu.vector_store %arg16[%swap3A, %swap3A_490], %add3A_489 {strides = array<i32>} : memref<32x256xf32, #tpu.memory_space<vmem>>, vector<16xf32>,
        %get3A_492 = arith.index_cast %scan3A_446 : i32 to index
        %get3A_493 = arith.constant 16 : index
        %get3A_494 = tpu.vector_load %arg14[%get3A_492, %get3A_493] {strides = array<i32>} : memref<128x256xf32, #tpu.memory_space<vmem>>, vector<16xf32>,
        %mul3A_495 = arith.mulf %gather3A_456, %get3A_494 : vector<16xf32>
        %add3A_496 = arith.constant 32 : i32
        %add3A_497 = arith.addi %add3A_496, %scan3A_446 : i32
        %get3A_498 = arith.index_cast %add3A_497 : i32 to index
        %get3A_499 = arith.constant 16 : index
        %get3A_500 = tpu.vector_load %arg14[%get3A_498, %get3A_499] {strides = array<i32>} : memref<128x256xf32, #tpu.memory_space<vmem>>, vector<16xf32>,
        %mul3A_501 = arith.mulf %gather3A_459, %get3A_500 : vector<16xf32>
        %add3A_502 = arith.addf %mul3A_495, %mul3A_501 : vector<16xf32>
        %add3A_503 = arith.constant 64 : i32
        %add3A_504 = arith.addi %add3A_503, %scan3A_446 : i32
        %get3A_505 = arith.index_cast %add3A_504 : i32 to index
        %get3A_506 = arith.constant 16 : index
        %get3A_507 = tpu.vector_load %arg14[%get3A_505, %get3A_506] {strides = array<i32>} : memref<128x256xf32, #tpu.memory_space<vmem>>, vector<16xf32>,
        %mul3A_508 = arith.mulf %gather3A_462, %get3A_507 : vector<16xf32>
        %add3A_509 = arith.constant 96 : i32
        %add3A_510 = arith.addi %add3A_509, %scan3A_446 : i32
        %get3A_511 = arith.index_cast %add3A_510 : i32 to index
        %get3A_512 = arith.constant 16 : index
        %get3A_513 = tpu.vector_load %arg14[%get3A_511, %get3A_512] {strides = array<i32>} : memref<128x256xf32, #tpu.memory_space<vmem>>, vector<16xf32>,
        %mul3A_514 = arith.mulf %gather3A_465, %get3A_513 : vector<16xf32>
        %add3A_515 = arith.addf %mul3A_508, %mul3A_514 : vector<16xf32>
        %add3A_516 = arith.addf %add3A_502, %add3A_515 : vector<16xf32>
        %swap3A_517 = arith.index_cast %scan3A_446 : i32 to index
        %swap3A_518 = arith.constant 16 : index
        %swap3A_519 = tpu.vector_load %arg16[%swap3A_517, %swap3A_518] {strides = array<i32>} : memref<32x256xf32, #tpu.memory_space<vmem>>, vector<16xf32>,
        tpu.vector_store %arg16[%swap3A_517, %swap3A_518], %add3A_516 {strides = array<i32>} : memref<32x256xf32, #tpu.memory_space<vmem>>, vector<16xf32>,
        %get3A_520 = arith.index_cast %scan3A_446 : i32 to index
        %get3A_521 = arith.constant 32 : index
        %get3A_522 = tpu.vector_load %arg14[%get3A_520, %get3A_521] {strides = array<i32>} : memref<128x256xf32, #tpu.memory_space<vmem>>, vector<16xf32>,
        %mul3A_523 = arith.mulf %gather3A_456, %get3A_522 : vector<16xf32>
        %add3A_524 = arith.constant 32 : i32
        %add3A_525 = arith.addi %add3A_524, %scan3A_446 : i32
        %get3A_526 = arith.index_cast %add3A_525 : i32 to index
        %get3A_527 = arith.constant 32 : index
        %get3A_528 = tpu.vector_load %arg14[%get3A_526, %get3A_527] {strides = array<i32>} : memref<128x256xf32, #tpu.memory_space<vmem>>, vector<16xf32>,
        %mul3A_529 = arith.mulf %gather3A_459, %get3A_528 : vector<16xf32>
        %add3A_530 = arith.addf %mul3A_523, %mul3A_529 : vector<16xf32>
        %add3A_531 = arith.constant 64 : i32
        %add3A_532 = arith.addi %add3A_531, %scan3A_446 : i32
        %get3A_533 = arith.index_cast %add3A_532 : i32 to index
        %get3A_534 = arith.constant 32 : index
        %get3A_535 = tpu.vector_load %arg14[%get3A_533, %get3A_534] {strides = array<i32>} : memref<128x256xf32, #tpu.memory_space<vmem>>, vector<16xf32>,
        %mul3A_536 = arith.mulf %gather3A_462, %get3A_535 : vector<16xf32>
        %add3A_537 = arith.constant 96 : i32
        %add3A_538 = arith.addi %add3A_537, %scan3A_446 : i32
        %get3A_539 = arith.index_cast %add3A_538 : i32 to index
        %get3A_540 = arith.constant 32 : index
        %get3A_541 = tpu.vector_load %arg14[%get3A_539, %get3A_540] {strides = array<i32>} : memref<128x256xf32, #tpu.memory_space<vmem>>, vector<16xf32>,
        %mul3A_542 = arith.mulf %gather3A_465, %get3A_541 : vector<16xf32>
        %add3A_543 = arith.addf %mul3A_536, %mul3A_542 : vector<16xf32>
        %add3A_544 = arith.addf %add3A_530, %add3A_543 : vector<16xf32>
        %swap3A_545 = arith.index_cast %scan3A_446 : i32 to index
        %swap3A_546 = arith.constant 32 : index
        %swap3A_547 = tpu.vector_load %arg16[%swap3A_545, %swap3A_546] {strides = array<i32>} : memref<32x256xf32, #tpu.memory_space<vmem>>, vector<16xf32>,
        tpu.vector_store %arg16[%swap3A_545, %swap3A_546], %add3A_544 {strides = array<i32>} : memref<32x256xf32, #tpu.memory_space<vmem>>, vector<16xf32>,
        %get3A_548 = arith.index_cast %scan3A_446 : i32 to index
        %get3A_549 = arith.constant 48 : index
        %get3A_550 = tpu.vector_load %arg14[%get3A_548, %get3A_549] {strides = array<i32>} : memref<128x256xf32, #tpu.memory_space<vmem>>, vector<16xf32>,
        %mul3A_551 = arith.mulf %gather3A_456, %get3A_550 : vector<16xf32>
        %add3A_552 = arith.constant 32 : i32
        %add3A_553 = arith.addi %add3A_552, %scan3A_446 : i32
        %get3A_554 = arith.index_cast %add3A_553 : i32 to index
        %get3A_555 = arith.constant 48 : index
        %get3A_556 = tpu.vector_load %arg14[%get3A_554, %get3A_555] {strides = array<i32>} : memref<128x256xf32, #tpu.memory_space<vmem>>, vector<16xf32>,
        %mul3A_557 = arith.mulf %gather3A_459, %get3A_556 : vector<16xf32>
        %add3A_558 = arith.addf %mul3A_551, %mul3A_557 : vector<16xf32>
        %add3A_559 = arith.constant 64 : i32
        %add3A_560 = arith.addi %add3A_559, %scan3A_446 : i32
        %get3A_561 = arith.index_cast %add3A_560 : i32 to index
        %get3A_562 = arith.constant 48 : index
        %get3A_563 = tpu.vector_load %arg14[%get3A_561, %get3A_562] {strides = array<i32>} : memref<128x256xf32, #tpu.memory_space<vmem>>, vector<16xf32>,
        %mul3A_564 = arith.mulf %gather3A_462, %get3A_563 : vector<16xf32>
        %add3A_565 = arith.constant 96 : i32
        %add3A_566 = arith.addi %add3A_565, %scan3A_446 : i32
        %get3A_567 = arith.index_cast %add3A_566 : i32 to index
        %get3A_568 = arith.constant 48 : index
        %get3A_569 = tpu.vector_load %arg14[%get3A_567, %get3A_568] {strides = array<i32>} : memref<128x256xf32, #tpu.memory_space<vmem>>, vector<16xf32>,
        %mul3A_570 = arith.mulf %gather3A_465, %get3A_569 : vector<16xf32>
        %add3A_571 = arith.addf %mul3A_564, %mul3A_570 : vector<16xf32>
        %add3A_572 = arith.addf %add3A_558, %add3A_571 : vector<16xf32>
        %swap3A_573 = arith.index_cast %scan3A_446 : i32 to index
        %swap3A_574 = arith.constant 48 : index
        %swap3A_575 = tpu.vector_load %arg16[%swap3A_573, %swap3A_574] {strides = array<i32>} : memref<32x256xf32, #tpu.memory_space<vmem>>, vector<16xf32>,
        tpu.vector_store %arg16[%swap3A_573, %swap3A_574], %add3A_572 {strides = array<i32>} : memref<32x256xf32, #tpu.memory_space<vmem>>, vector<16xf32>,
        %get3A_576 = arith.index_cast %scan3A_446 : i32 to index
        %get3A_577 = arith.constant 64 : index
        %get3A_578 = tpu.vector_load %arg14[%get3A_576, %get3A_577] {strides = array<i32>} : memref<128x256xf32, #tpu.memory_space<vmem>>, vector<16xf32>,
        %mul3A_579 = arith.mulf %gather3A_456, %get3A_578 : vector<16xf32>
        %add3A_580 = arith.constant 32 : i32
        %add3A_581 = arith.addi %add3A_580, %scan3A_446 : i32
        %get3A_582 = arith.index_cast %add3A_581 : i32 to index
        %get3A_583 = arith.constant 64 : index
        %get3A_584 = tpu.vector_load %arg14[%get3A_582, %get3A_583] {strides = array<i32>} : memref<128x256xf32, #tpu.memory_space<vmem>>, vector<16xf32>,
        %mul3A_585 = arith.mulf %gather3A_459, %get3A_584 : vector<16xf32>
        %add3A_586 = arith.addf %mul3A_579, %mul3A_585 : vector<16xf32>
        %add3A_587 = arith.constant 64 : i32
        %add3A_588 = arith.addi %add3A_587, %scan3A_446 : i32
        %get3A_589 = arith.index_cast %add3A_588 : i32 to index
        %get3A_590 = arith.constant 64 : index
        %get3A_591 = tpu.vector_load %arg14[%get3A_589, %get3A_590] {strides = array<i32>} : memref<128x256xf32, #tpu.memory_space<vmem>>, vector<16xf32>,
        %mul3A_592 = arith.mulf %gather3A_462, %get3A_591 : vector<16xf32>
        %add3A_593 = arith.constant 96 : i32
        %add3A_594 = arith.addi %add3A_593, %scan3A_446 : i32
        %get3A_595 = arith.index_cast %add3A_594 : i32 to index
        %get3A_596 = arith.constant 64 : index
        %get3A_597 = tpu.vector_load %arg14[%get3A_595, %get3A_596] {strides = array<i32>} : memref<128x256xf32, #tpu.memory_space<vmem>>, vector<16xf32>,
        %mul3A_598 = arith.mulf %gather3A_465, %get3A_597 : vector<16xf32>
        %add3A_599 = arith.addf %mul3A_592, %mul3A_598 : vector<16xf32>
        %add3A_600 = arith.addf %add3A_586, %add3A_599 : vector<16xf32>
        %swap3A_601 = arith.index_cast %scan3A_446 : i32 to index
        %swap3A_602 = arith.constant 64 : index
        %swap3A_603 = tpu.vector_load %arg16[%swap3A_601, %swap3A_602] {strides = array<i32>} : memref<32x256xf32, #tpu.memory_space<vmem>>, vector<16xf32>,
        tpu.vector_store %arg16[%swap3A_601, %swap3A_602], %add3A_600 {strides = array<i32>} : memref<32x256xf32, #tpu.memory_space<vmem>>, vector<16xf32>,
        %get3A_604 = arith.index_cast %scan3A_446 : i32 to index
        %get3A_605 = arith.constant 80 : index
        %get3A_606 = tpu.vector_load %arg14[%get3A_604, %get3A_605] {strides = array<i32>} : memref<128x256xf32, #tpu.memory_space<vmem>>, vector<16xf32>,
        %mul3A_607 = arith.mulf %gather3A_456, %get3A_606 : vector<16xf32>
        %add3A_608 = arith.constant 32 : i32
        %add3A_609 = arith.addi %add3A_608, %scan3A_446 : i32
        %get3A_610 = arith.index_cast %add3A_609 : i32 to index
        %get3A_611 = arith.constant 80 : index
        %get3A_612 = tpu.vector_load %arg14[%get3A_610, %get3A_611] {strides = array<i32>} : memref<128x256xf32, #tpu.memory_space<vmem>>, vector<16xf32>,
        %mul3A_613 = arith.mulf %gather3A_459, %get3A_612 : vector<16xf32>
        %add3A_614 = arith.addf %mul3A_607, %mul3A_613 : vector<16xf32>
        %add3A_615 = arith.constant 64 : i32
        %add3A_616 = arith.addi %add3A_615, %scan3A_446 : i32
        %get3A_617 = arith.index_cast %add3A_616 : i32 to index
        %get3A_618 = arith.constant 80 : index
        %get3A_619 = tpu.vector_load %arg14[%get3A_617, %get3A_618] {strides = array<i32>} : memref<128x256xf32, #tpu.memory_space<vmem>>, vector<16xf32>,
        %mul3A_620 = arith.mulf %gather3A_462, %get3A_619 : vector<16xf32>
        %add3A_621 = arith.constant 96 : i32
        %add3A_622 = arith.addi %add3A_621, %scan3A_446 : i32
        %get3A_623 = arith.index_cast %add3A_622 : i32 to index
        %get3A_624 = arith.constant 80 : index
        %get3A_625 = tpu.vector_load %arg14[%get3A_623, %get3A_624] {strides = array<i32>} : memref<128x256xf32, #tpu.memory_space<vmem>>, vector<16xf32>,
        %mul3A_626 = arith.mulf %gather3A_465, %get3A_625 : vector<16xf32>
        %add3A_627 = arith.addf %mul3A_620, %mul3A_626 : vector<16xf32>
        %add3A_628 = arith.addf %add3A_614, %add3A_627 : vector<16xf32>
        %swap3A_629 = arith.index_cast %scan3A_446 : i32 to index
        %swap3A_630 = arith.constant 80 : index
        %swap3A_631 = tpu.vector_load %arg16[%swap3A_629, %swap3A_630] {strides = array<i32>} : memref<32x256xf32, #tpu.memory_space<vmem>>, vector<16xf32>,
        tpu.vector_store %arg16[%swap3A_629, %swap3A_630], %add3A_628 {strides = array<i32>} : memref<32x256xf32, #tpu.memory_space<vmem>>, vector<16xf32>,
        %get3A_632 = arith.index_cast %scan3A_446 : i32 to index
        %get3A_633 = arith.constant 96 : index
        %get3A_634 = tpu.vector_load %arg14[%get3A_632, %get3A_633] {strides = array<i32>} : memref<128x256xf32, #tpu.memory_space<vmem>>, vector<16xf32>,
        %mul3A_635 = arith.mulf %gather3A_456, %get3A_634 : vector<16xf32>
        %add3A_636 = arith.constant 32 : i32
        %add3A_637 = arith.addi %add3A_636, %scan3A_446 : i32
        %get3A_638 = arith.index_cast %add3A_637 : i32 to index
        %get3A_639 = arith.constant 96 : index
        %get3A_640 = tpu.vector_load %arg14[%get3A_638, %get3A_639] {strides = array<i32>} : memref<128x256xf32, #tpu.memory_space<vmem>>, vector<16xf32>,
        %mul3A_641 = arith.mulf %gather3A_459, %get3A_640 : vector<16xf32>
        %add3A_642 = arith.addf %mul3A_635, %mul3A_641 : vector<16xf32>
        %add3A_643 = arith.constant 64 : i32
        %add3A_644 = arith.addi %add3A_643, %scan3A_446 : i32
        %get3A_645 = arith.index_cast %add3A_644 : i32 to index
        %get3A_646 = arith.constant 96 : index
        %get3A_647 = tpu.vector_load %arg14[%get3A_645, %get3A_646] {strides = array<i32>} : memref<128x256xf32, #tpu.memory_space<vmem>>, vector<16xf32>,
        %mul3A_648 = arith.mulf %gather3A_462, %get3A_647 : vector<16xf32>
        %add3A_649 = arith.constant 96 : i32
        %add3A_650 = arith.addi %add3A_649, %scan3A_446 : i32
        %get3A_651 = arith.index_cast %add3A_650 : i32 to index
        %get3A_652 = arith.constant 96 : index
        %get3A_653 = tpu.vector_load %arg14[%get3A_651, %get3A_652] {strides = array<i32>} : memref<128x256xf32, #tpu.memory_space<vmem>>, vector<16xf32>,
        %mul3A_654 = arith.mulf %gather3A_465, %get3A_653 : vector<16xf32>
        %add3A_655 = arith.addf %mul3A_648, %mul3A_654 : vector<16xf32>
        %add3A_656 = arith.addf %add3A_642, %add3A_655 : vector<16xf32>
        %swap3A_657 = arith.index_cast %scan3A_446 : i32 to index
        %swap3A_658 = arith.constant 96 : index
        %swap3A_659 = tpu.vector_load %arg16[%swap3A_657, %swap3A_658] {strides = array<i32>} : memref<32x256xf32, #tpu.memory_space<vmem>>, vector<16xf32>,
        tpu.vector_store %arg16[%swap3A_657, %swap3A_658], %add3A_656 {strides = array<i32>} : memref<32x256xf32, #tpu.memory_space<vmem>>, vector<16xf32>,
        %get3A_660 = arith.index_cast %scan3A_446 : i32 to index
        %get3A_661 = arith.constant 112 : index
        %get3A_662 = tpu.vector_load %arg14[%get3A_660, %get3A_661] {strides = array<i32>} : memref<128x256xf32, #tpu.memory_space<vmem>>, vector<16xf32>,
        %mul3A_663 = arith.mulf %gather3A_456, %get3A_662 : vector<16xf32>
        %add3A_664 = arith.constant 32 : i32
        %add3A_665 = arith.addi %add3A_664, %scan3A_446 : i32
        %get3A_666 = arith.index_cast %add3A_665 : i32 to index
        %get3A_667 = arith.constant 112 : index
        %get3A_668 = tpu.vector_load %arg14[%get3A_666, %get3A_667] {strides = array<i32>} : memref<128x256xf32, #tpu.memory_space<vmem>>, vector<16xf32>,
        %mul3A_669 = arith.mulf %gather3A_459, %get3A_668 : vector<16xf32>
        %add3A_670 = arith.addf %mul3A_663, %mul3A_669 : vector<16xf32>
        %add3A_671 = arith.constant 64 : i32
        %add3A_672 = arith.addi %add3A_671, %scan3A_446 : i32
        %get3A_673 = arith.index_cast %add3A_672 : i32 to index
        %get3A_674 = arith.constant 112 : index
        %get3A_675 = tpu.vector_load %arg14[%get3A_673, %get3A_674] {strides = array<i32>} : memref<128x256xf32, #tpu.memory_space<vmem>>, vector<16xf32>,
        %mul3A_676 = arith.mulf %gather3A_462, %get3A_675 : vector<16xf32>
        %add3A_677 = arith.constant 96 : i32
        %add3A_678 = arith.addi %add3A_677, %scan3A_446 : i32
        %get3A_679 = arith.index_cast %add3A_678 : i32 to index
        %get3A_680 = arith.constant 112 : index
        %get3A_681 = tpu.vector_load %arg14[%get3A_679, %get3A_680] {strides = array<i32>} : memref<128x256xf32, #tpu.memory_space<vmem>>, vector<16xf32>,
        %mul3A_682 = arith.mulf %gather3A_465, %get3A_681 : vector<16xf32>
        %add3A_683 = arith.addf %mul3A_676, %mul3A_682 : vector<16xf32>
        %add3A_684 = arith.addf %add3A_670, %add3A_683 : vector<16xf32>
        %swap3A_685 = arith.index_cast %scan3A_446 : i32 to index
        %swap3A_686 = arith.constant 112 : index
        %swap3A_687 = tpu.vector_load %arg16[%swap3A_685, %swap3A_686] {strides = array<i32>} : memref<32x256xf32, #tpu.memory_space<vmem>>, vector<16xf32>,
        tpu.vector_store %arg16[%swap3A_685, %swap3A_686], %add3A_684 {strides = array<i32>} : memref<32x256xf32, #tpu.memory_space<vmem>>, vector<16xf32>,
        %get3A_688 = arith.index_cast %scan3A_446 : i32 to index
        %get3A_689 = arith.constant 128 : index
        %get3A_690 = tpu.vector_load %arg14[%get3A_688, %get3A_689] {strides = array<i32>} : memref<128x256xf32, #tpu.memory_space<vmem>>, vector<16xf32>,
        %mul3A_691 = arith.mulf %gather3A_456, %get3A_690 : vector<16xf32>
        %add3A_692 = arith.constant 32 : i32
        %add3A_693 = arith.addi %add3A_692, %scan3A_446 : i32
        %get3A_694 = arith.index_cast %add3A_693 : i32 to index
        %get3A_695 = arith.constant 128 : index
        %get3A_696 = tpu.vector_load %arg14[%get3A_694, %get3A_695] {strides = array<i32>} : memref<128x256xf32, #tpu.memory_space<vmem>>, vector<16xf32>,
        %mul3A_697 = arith.mulf %gather3A_459, %get3A_696 : vector<16xf32>
        %add3A_698 = arith.addf %mul3A_691, %mul3A_697 : vector<16xf32>
        %add3A_699 = arith.constant 64 : i32
        %add3A_700 = arith.addi %add3A_699, %scan3A_446 : i32
        %get3A_701 = arith.index_cast %add3A_700 : i32 to index
        %get3A_702 = arith.constant 128 : index
        %get3A_703 = tpu.vector_load %arg14[%get3A_701, %get3A_702] {strides = array<i32>} : memref<128x256xf32, #tpu.memory_space<vmem>>, vector<16xf32>,
        %mul3A_704 = arith.mulf %gather3A_462, %get3A_703 : vector<16xf32>
        %add3A_705 = arith.constant 96 : i32
        %add3A_706 = arith.addi %add3A_705, %scan3A_446 : i32
        %get3A_707 = arith.index_cast %add3A_706 : i32 to index
        %get3A_708 = arith.constant 128 : index
        %get3A_709 = tpu.vector_load %arg14[%get3A_707, %get3A_708] {strides = array<i32>} : memref<128x256xf32, #tpu.memory_space<vmem>>, vector<16xf32>,
        %mul3A_710 = arith.mulf %gather3A_465, %get3A_709 : vector<16xf32>
        %add3A_711 = arith.addf %mul3A_704, %mul3A_710 : vector<16xf32>
        %add3A_712 = arith.addf %add3A_698, %add3A_711 : vector<16xf32>
        %swap3A_713 = arith.index_cast %scan3A_446 : i32 to index
        %swap3A_714 = arith.constant 128 : index
        %swap3A_715 = tpu.vector_load %arg16[%swap3A_713, %swap3A_714] {strides = array<i32>} : memref<32x256xf32, #tpu.memory_space<vmem>>, vector<16xf32>,
        tpu.vector_store %arg16[%swap3A_713, %swap3A_714], %add3A_712 {strides = array<i32>} : memref<32x256xf32, #tpu.memory_space<vmem>>, vector<16xf32>,
        %get3A_716 = arith.index_cast %scan3A_446 : i32 to index
        %get3A_717 = arith.constant 144 : index
        %get3A_718 = tpu.vector_load %arg14[%get3A_716, %get3A_717] {strides = array<i32>} : memref<128x256xf32, #tpu.memory_space<vmem>>, vector<16xf32>,
        %mul3A_719 = arith.mulf %gather3A_456, %get3A_718 : vector<16xf32>
        %add3A_720 = arith.constant 32 : i32
        %add3A_721 = arith.addi %add3A_720, %scan3A_446 : i32
        %get3A_722 = arith.index_cast %add3A_721 : i32 to index
        %get3A_723 = arith.constant 144 : index
        %get3A_724 = tpu.vector_load %arg14[%get3A_722, %get3A_723] {strides = array<i32>} : memref<128x256xf32, #tpu.memory_space<vmem>>, vector<16xf32>,
        %mul3A_725 = arith.mulf %gather3A_459, %get3A_724 : vector<16xf32>
        %add3A_726 = arith.addf %mul3A_719, %mul3A_725 : vector<16xf32>
        %add3A_727 = arith.constant 64 : i32
        %add3A_728 = arith.addi %add3A_727, %scan3A_446 : i32
        %get3A_729 = arith.index_cast %add3A_728 : i32 to index
        %get3A_730 = arith.constant 144 : index
        %get3A_731 = tpu.vector_load %arg14[%get3A_729, %get3A_730] {strides = array<i32>} : memref<128x256xf32, #tpu.memory_space<vmem>>, vector<16xf32>,
        %mul3A_732 = arith.mulf %gather3A_462, %get3A_731 : vector<16xf32>
        %add3A_733 = arith.constant 96 : i32
        %add3A_734 = arith.addi %add3A_733, %scan3A_446 : i32
        %get3A_735 = arith.index_cast %add3A_734 : i32 to index
        %get3A_736 = arith.constant 144 : index
        %get3A_737 = tpu.vector_load %arg14[%get3A_735, %get3A_736] {strides = array<i32>} : memref<128x256xf32, #tpu.memory_space<vmem>>, vector<16xf32>,
        %mul3A_738 = arith.mulf %gather3A_465, %get3A_737 : vector<16xf32>
        %add3A_739 = arith.addf %mul3A_732, %mul3A_738 : vector<16xf32>
        %add3A_740 = arith.addf %add3A_726, %add3A_739 : vector<16xf32>
        %swap3A_741 = arith.index_cast %scan3A_446 : i32 to index
        %swap3A_742 = arith.constant 144 : index
        %swap3A_743 = tpu.vector_load %arg16[%swap3A_741, %swap3A_742] {strides = array<i32>} : memref<32x256xf32, #tpu.memory_space<vmem>>, vector<16xf32>,
        tpu.vector_store %arg16[%swap3A_741, %swap3A_742], %add3A_740 {strides = array<i32>} : memref<32x256xf32, #tpu.memory_space<vmem>>, vector<16xf32>,
        %get3A_744 = arith.index_cast %scan3A_446 : i32 to index
        %get3A_745 = arith.constant 160 : index
        %get3A_746 = tpu.vector_load %arg14[%get3A_744, %get3A_745] {strides = array<i32>} : memref<128x256xf32, #tpu.memory_space<vmem>>, vector<16xf32>,
        %mul3A_747 = arith.mulf %gather3A_456, %get3A_746 : vector<16xf32>
        %add3A_748 = arith.constant 32 : i32
        %add3A_749 = arith.addi %add3A_748, %scan3A_446 : i32
        %get3A_750 = arith.index_cast %add3A_749 : i32 to index
        %get3A_751 = arith.constant 160 : index
        %get3A_752 = tpu.vector_load %arg14[%get3A_750, %get3A_751] {strides = array<i32>} : memref<128x256xf32, #tpu.memory_space<vmem>>, vector<16xf32>,
        %mul3A_753 = arith.mulf %gather3A_459, %get3A_752 : vector<16xf32>
        %add3A_754 = arith.addf %mul3A_747, %mul3A_753 : vector<16xf32>
        %add3A_755 = arith.constant 64 : i32
        %add3A_756 = arith.addi %add3A_755, %scan3A_446 : i32
        %get3A_757 = arith.index_cast %add3A_756 : i32 to index
        %get3A_758 = arith.constant 160 : index
        %get3A_759 = tpu.vector_load %arg14[%get3A_757, %get3A_758] {strides = array<i32>} : memref<128x256xf32, #tpu.memory_space<vmem>>, vector<16xf32>,
        %mul3A_760 = arith.mulf %gather3A_462, %get3A_759 : vector<16xf32>
        %add3A_761 = arith.constant 96 : i32
        %add3A_762 = arith.addi %add3A_761, %scan3A_446 : i32
        %get3A_763 = arith.index_cast %add3A_762 : i32 to index
        %get3A_764 = arith.constant 160 : index
        %get3A_765 = tpu.vector_load %arg14[%get3A_763, %get3A_764] {strides = array<i32>} : memref<128x256xf32, #tpu.memory_space<vmem>>, vector<16xf32>,
        %mul3A_766 = arith.mulf %gather3A_465, %get3A_765 : vector<16xf32>
        %add3A_767 = arith.addf %mul3A_760, %mul3A_766 : vector<16xf32>
        %add3A_768 = arith.addf %add3A_754, %add3A_767 : vector<16xf32>
        %swap3A_769 = arith.index_cast %scan3A_446 : i32 to index
        %swap3A_770 = arith.constant 160 : index
        %swap3A_771 = tpu.vector_load %arg16[%swap3A_769, %swap3A_770] {strides = array<i32>} : memref<32x256xf32, #tpu.memory_space<vmem>>, vector<16xf32>,
        tpu.vector_store %arg16[%swap3A_769, %swap3A_770], %add3A_768 {strides = array<i32>} : memref<32x256xf32, #tpu.memory_space<vmem>>, vector<16xf32>,
        %get3A_772 = arith.index_cast %scan3A_446 : i32 to index
        %get3A_773 = arith.constant 176 : index
        %get3A_774 = tpu.vector_load %arg14[%get3A_772, %get3A_773] {strides = array<i32>} : memref<128x256xf32, #tpu.memory_space<vmem>>, vector<16xf32>,
        %mul3A_775 = arith.mulf %gather3A_456, %get3A_774 : vector<16xf32>
        %add3A_776 = arith.constant 32 : i32
        %add3A_777 = arith.addi %add3A_776, %scan3A_446 : i32
        %get3A_778 = arith.index_cast %add3A_777 : i32 to index
        %get3A_779 = arith.constant 176 : index
        %get3A_780 = tpu.vector_load %arg14[%get3A_778, %get3A_779] {strides = array<i32>} : memref<128x256xf32, #tpu.memory_space<vmem>>, vector<16xf32>,
        %mul3A_781 = arith.mulf %gather3A_459, %get3A_780 : vector<16xf32>
        %add3A_782 = arith.addf %mul3A_775, %mul3A_781 : vector<16xf32>
        %add3A_783 = arith.constant 64 : i32
        %add3A_784 = arith.addi %add3A_783, %scan3A_446 : i32
        %get3A_785 = arith.index_cast %add3A_784 : i32 to index
        %get3A_786 = arith.constant 176 : index
        %get3A_787 = tpu.vector_load %arg14[%get3A_785, %get3A_786] {strides = array<i32>} : memref<128x256xf32, #tpu.memory_space<vmem>>, vector<16xf32>,
        %mul3A_788 = arith.mulf %gather3A_462, %get3A_787 : vector<16xf32>
        %add3A_789 = arith.constant 96 : i32
        %add3A_790 = arith.addi %add3A_789, %scan3A_446 : i32
        %get3A_791 = arith.index_cast %add3A_790 : i32 to index
        %get3A_792 = arith.constant 176 : index
        %get3A_793 = tpu.vector_load %arg14[%get3A_791, %get3A_792] {strides = array<i32>} : memref<128x256xf32, #tpu.memory_space<vmem>>, vector<16xf32>,
        %mul3A_794 = arith.mulf %gather3A_465, %get3A_793 : vector<16xf32>
        %add3A_795 = arith.addf %mul3A_788, %mul3A_794 : vector<16xf32>
        %add3A_796 = arith.addf %add3A_782, %add3A_795 : vector<16xf32>
        %swap3A_797 = arith.index_cast %scan3A_446 : i32 to index
        %swap3A_798 = arith.constant 176 : index
        %swap3A_799 = tpu.vector_load %arg16[%swap3A_797, %swap3A_798] {strides = array<i32>} : memref<32x256xf32, #tpu.memory_space<vmem>>, vector<16xf32>,
        tpu.vector_store %arg16[%swap3A_797, %swap3A_798], %add3A_796 {strides = array<i32>} : memref<32x256xf32, #tpu.memory_space<vmem>>, vector<16xf32>,
        %get3A_800 = arith.index_cast %scan3A_446 : i32 to index
        %get3A_801 = arith.constant 192 : index
        %get3A_802 = tpu.vector_load %arg14[%get3A_800, %get3A_801] {strides = array<i32>} : memref<128x256xf32, #tpu.memory_space<vmem>>, vector<16xf32>,
        %mul3A_803 = arith.mulf %gather3A_456, %get3A_802 : vector<16xf32>
        %add3A_804 = arith.constant 32 : i32
        %add3A_805 = arith.addi %add3A_804, %scan3A_446 : i32
        %get3A_806 = arith.index_cast %add3A_805 : i32 to index
        %get3A_807 = arith.constant 192 : index
        %get3A_808 = tpu.vector_load %arg14[%get3A_806, %get3A_807] {strides = array<i32>} : memref<128x256xf32, #tpu.memory_space<vmem>>, vector<16xf32>,
        %mul3A_809 = arith.mulf %gather3A_459, %get3A_808 : vector<16xf32>
        %add3A_810 = arith.addf %mul3A_803, %mul3A_809 : vector<16xf32>
        %add3A_811 = arith.constant 64 : i32
        %add3A_812 = arith.addi %add3A_811, %scan3A_446 : i32
        %get3A_813 = arith.index_cast %add3A_812 : i32 to index
        %get3A_814 = arith.constant 192 : index
        %get3A_815 = tpu.vector_load %arg14[%get3A_813, %get3A_814] {strides = array<i32>} : memref<128x256xf32, #tpu.memory_space<vmem>>, vector<16xf32>,
        %mul3A_816 = arith.mulf %gather3A_462, %get3A_815 : vector<16xf32>
        %add3A_817 = arith.constant 96 : i32
        %add3A_818 = arith.addi %add3A_817, %scan3A_446 : i32
        %get3A_819 = arith.index_cast %add3A_818 : i32 to index
        %get3A_820 = arith.constant 192 : index
        %get3A_821 = tpu.vector_load %arg14[%get3A_819, %get3A_820] {strides = array<i32>} : memref<128x256xf32, #tpu.memory_space<vmem>>, vector<16xf32>,
        %mul3A_822 = arith.mulf %gather3A_465, %get3A_821 : vector<16xf32>
        %add3A_823 = arith.addf %mul3A_816, %mul3A_822 : vector<16xf32>
        %add3A_824 = arith.addf %add3A_810, %add3A_823 : vector<16xf32>
        %swap3A_825 = arith.index_cast %scan3A_446 : i32 to index
        %swap3A_826 = arith.constant 192 : index
        %swap3A_827 = tpu.vector_load %arg16[%swap3A_825, %swap3A_826] {strides = array<i32>} : memref<32x256xf32, #tpu.memory_space<vmem>>, vector<16xf32>,
        tpu.vector_store %arg16[%swap3A_825, %swap3A_826], %add3A_824 {strides = array<i32>} : memref<32x256xf32, #tpu.memory_space<vmem>>, vector<16xf32>,
        %get3A_828 = arith.index_cast %scan3A_446 : i32 to index
        %get3A_829 = arith.constant 208 : index
        %get3A_830 = tpu.vector_load %arg14[%get3A_828, %get3A_829] {strides = array<i32>} : memref<128x256xf32, #tpu.memory_space<vmem>>, vector<16xf32>,
        %mul3A_831 = arith.mulf %gather3A_456, %get3A_830 : vector<16xf32>
        %add3A_832 = arith.constant 32 : i32
        %add3A_833 = arith.addi %add3A_832, %scan3A_446 : i32
        %get3A_834 = arith.index_cast %add3A_833 : i32 to index
        %get3A_835 = arith.constant 208 : index
        %get3A_836 = tpu.vector_load %arg14[%get3A_834, %get3A_835] {strides = array<i32>} : memref<128x256xf32, #tpu.memory_space<vmem>>, vector<16xf32>,
        %mul3A_837 = arith.mulf %gather3A_459, %get3A_836 : vector<16xf32>
        %add3A_838 = arith.addf %mul3A_831, %mul3A_837 : vector<16xf32>
        %add3A_839 = arith.constant 64 : i32
        %add3A_840 = arith.addi %add3A_839, %scan3A_446 : i32
        %get3A_841 = arith.index_cast %add3A_840 : i32 to index
        %get3A_842 = arith.constant 208 : index
        %get3A_843 = tpu.vector_load %arg14[%get3A_841, %get3A_842] {strides = array<i32>} : memref<128x256xf32, #tpu.memory_space<vmem>>, vector<16xf32>,
        %mul3A_844 = arith.mulf %gather3A_462, %get3A_843 : vector<16xf32>
        %add3A_845 = arith.constant 96 : i32
        %add3A_846 = arith.addi %add3A_845, %scan3A_446 : i32
        %get3A_847 = arith.index_cast %add3A_846 : i32 to index
        %get3A_848 = arith.constant 208 : index
        %get3A_849 = tpu.vector_load %arg14[%get3A_847, %get3A_848] {strides = array<i32>} : memref<128x256xf32, #tpu.memory_space<vmem>>, vector<16xf32>,
        %mul3A_850 = arith.mulf %gather3A_465, %get3A_849 : vector<16xf32>
        %add3A_851 = arith.addf %mul3A_844, %mul3A_850 : vector<16xf32>
        %add3A_852 = arith.addf %add3A_838, %add3A_851 : vector<16xf32>
        %swap3A_853 = arith.index_cast %scan3A_446 : i32 to index
        %swap3A_854 = arith.constant 208 : index
        %swap3A_855 = tpu.vector_load %arg16[%swap3A_853, %swap3A_854] {strides = array<i32>} : memref<32x256xf32, #tpu.memory_space<vmem>>, vector<16xf32>,
        tpu.vector_store %arg16[%swap3A_853, %swap3A_854], %add3A_852 {strides = array<i32>} : memref<32x256xf32, #tpu.memory_space<vmem>>, vector<16xf32>,
        %get3A_856 = arith.index_cast %scan3A_446 : i32 to index
        %get3A_857 = arith.constant 224 : index
        %get3A_858 = tpu.vector_load %arg14[%get3A_856, %get3A_857] {strides = array<i32>} : memref<128x256xf32, #tpu.memory_space<vmem>>, vector<16xf32>,
        %mul3A_859 = arith.mulf %gather3A_456, %get3A_858 : vector<16xf32>
        %add3A_860 = arith.constant 32 : i32
        %add3A_861 = arith.addi %add3A_860, %scan3A_446 : i32
        %get3A_862 = arith.index_cast %add3A_861 : i32 to index
        %get3A_863 = arith.constant 224 : index
        %get3A_864 = tpu.vector_load %arg14[%get3A_862, %get3A_863] {strides = array<i32>} : memref<128x256xf32, #tpu.memory_space<vmem>>, vector<16xf32>,
        %mul3A_865 = arith.mulf %gather3A_459, %get3A_864 : vector<16xf32>
        %add3A_866 = arith.addf %mul3A_859, %mul3A_865 : vector<16xf32>
        %add3A_867 = arith.constant 64 : i32
        %add3A_868 = arith.addi %add3A_867, %scan3A_446 : i32
        %get3A_869 = arith.index_cast %add3A_868 : i32 to index
        %get3A_870 = arith.constant 224 : index
        %get3A_871 = tpu.vector_load %arg14[%get3A_869, %get3A_870] {strides = array<i32>} : memref<128x256xf32, #tpu.memory_space<vmem>>, vector<16xf32>,
        %mul3A_872 = arith.mulf %gather3A_462, %get3A_871 : vector<16xf32>
        %add3A_873 = arith.constant 96 : i32
        %add3A_874 = arith.addi %add3A_873, %scan3A_446 : i32
        %get3A_875 = arith.index_cast %add3A_874 : i32 to index
        %get3A_876 = arith.constant 224 : index
        %get3A_877 = tpu.vector_load %arg14[%get3A_875, %get3A_876] {strides = array<i32>} : memref<128x256xf32, #tpu.memory_space<vmem>>, vector<16xf32>,
        %mul3A_878 = arith.mulf %gather3A_465, %get3A_877 : vector<16xf32>
        %add3A_879 = arith.addf %mul3A_872, %mul3A_878 : vector<16xf32>
        %add3A_880 = arith.addf %add3A_866, %add3A_879 : vector<16xf32>
        %swap3A_881 = arith.index_cast %scan3A_446 : i32 to index
        %swap3A_882 = arith.constant 224 : index
        %swap3A_883 = tpu.vector_load %arg16[%swap3A_881, %swap3A_882] {strides = array<i32>} : memref<32x256xf32, #tpu.memory_space<vmem>>, vector<16xf32>,
        tpu.vector_store %arg16[%swap3A_881, %swap3A_882], %add3A_880 {strides = array<i32>} : memref<32x256xf32, #tpu.memory_space<vmem>>, vector<16xf32>,
        %get3A_884 = arith.index_cast %scan3A_446 : i32 to index
        %get3A_885 = arith.constant 240 : index
        %get3A_886 = tpu.vector_load %arg14[%get3A_884, %get3A_885] {strides = array<i32>} : memref<128x256xf32, #tpu.memory_space<vmem>>, vector<16xf32>,
        %mul3A_887 = arith.mulf %gather3A_456, %get3A_886 : vector<16xf32>
        %add3A_888 = arith.constant 32 : i32
        %add3A_889 = arith.addi %add3A_888, %scan3A_446 : i32
        %get3A_890 = arith.index_cast %add3A_889 : i32 to index
        %get3A_891 = arith.constant 240 : index
        %get3A_892 = tpu.vector_load %arg14[%get3A_890, %get3A_891] {strides = array<i32>} : memref<128x256xf32, #tpu.memory_space<vmem>>, vector<16xf32>,
        %mul3A_893 = arith.mulf %gather3A_459, %get3A_892 : vector<16xf32>
        %add3A_894 = arith.addf %mul3A_887, %mul3A_893 : vector<16xf32>
        %add3A_895 = arith.constant 64 : i32
        %add3A_896 = arith.addi %add3A_895, %scan3A_446 : i32
        %get3A_897 = arith.index_cast %add3A_896 : i32 to index
        %get3A_898 = arith.constant 240 : index
        %get3A_899 = tpu.vector_load %arg14[%get3A_897, %get3A_898] {strides = array<i32>} : memref<128x256xf32, #tpu.memory_space<vmem>>, vector<16xf32>,
        %mul3A_900 = arith.mulf %gather3A_462, %get3A_899 : vector<16xf32>
        %add3A_901 = arith.constant 96 : i32
        %add3A_902 = arith.addi %add3A_901, %scan3A_446 : i32
        %get3A_903 = arith.index_cast %add3A_902 : i32 to index
        %get3A_904 = arith.constant 240 : index
        %get3A_905 = tpu.vector_load %arg14[%get3A_903, %get3A_904] {strides = array<i32>} : memref<128x256xf32, #tpu.memory_space<vmem>>, vector<16xf32>,
        %mul3A_906 = arith.mulf %gather3A_465, %get3A_905 : vector<16xf32>
        %add3A_907 = arith.addf %mul3A_900, %mul3A_906 : vector<16xf32>
        %add3A_908 = arith.addf %add3A_894, %add3A_907 : vector<16xf32>
        %swap3A_909 = arith.index_cast %scan3A_446 : i32 to index
        %swap3A_910 = arith.constant 240 : index
        %swap3A_911 = tpu.vector_load %arg16[%swap3A_909, %swap3A_910] {strides = array<i32>} : memref<32x256xf32, #tpu.memory_space<vmem>>, vector<16xf32>,
        tpu.vector_store %arg16[%swap3A_909, %swap3A_910], %add3A_908 {strides = array<i32>} : memref<32x256xf32, #tpu.memory_space<vmem>>, vector<16xf32>,
      }
      %scan3A_400 = arith.constant 32 : i32
      %mul3A_401 = arith.constant 32 : i32
      %mul3A_402 = arith.muli %add3A_386, %mul3A_401 : i32
      %add3A_403 = arith.addi %add3A_357, %mul3A_402 : i32
      %dma_start3A_404 = arith.constant 0 : i32
      %dma_start3A_405 = tpu.memref_slice %arg4[%add3A_403, %dma_start3A_404] : memref<8192x256xf32, #tpu.memory_space<hbm>> -> memref<32x256xf32, #tpu.memory_space<hbm>>
      %dma_start3A_406 = arith.constant 0 : i32
      %dma_start3A_407 = tpu.memref_slice %arg4[%add3A_403, %dma_start3A_406] : memref<8192x256xf32, #tpu.memory_space<hbm>> -> memref<32x256xf32, #tpu.memory_space<hbm>>
      tpu.enqueue_dma source(%arg16 : memref<32x256xf32, #tpu.memory_space<vmem>>) target(%dma_start3A_407 : memref<32x256xf32, #tpu.memory_space<hbm>>) target_semaphore(%arg21 : memref<!tpu.dma_semaphore, #tpu.memory_space<semaphore_mem>>)
      %lt3A_408 = arith.constant 3 : i32
      %lt3A_409 = arith.cmpi slt, %scan3A_382, %lt3A_408 : i32
      %convert_element_type3A_410 = arith.extui %lt3A_409 : i1 to i32
      %cond3A_411 = arith.constant 0 : i32
      %cond3A_412 = arith.cmpi ne, %convert_element_type3A_410, %cond3A_411 : i32
      scf.if %cond3A_412 {
        %add3A_446 = arith.constant 2 : i32
        %add3A_447 = arith.addi %add3A_386, %add3A_446 : i32
        %dma_start3A_448 = arith.constant 0 : i32
        %dma_start3A_449 = tpu.memref_slice %arg13[%add3A_447, %dma_start3A_448] : memref<8x128xi32, #tpu.memory_space<vmem>> -> memref<1x128xi32, #tpu.memory_space<vmem>>
        %dma_start3A_450 = tpu.memref_squeeze %dma_start3A_449 : memref<1x128xi32, #tpu.memory_space<vmem>> -> memref<128xi32, #tpu.memory_space<vmem>>
        %dma_start3A_451 = arith.constant 0 : i32
        %dma_start3A_452 = arith.constant 0 : i32
        %dma_start3A_453 = tpu.memref_slice %arg3[%dma_start3A_451, %dma_start3A_452] : memref<8192x256xf32, #tpu.memory_space<hbm>> -> memref<8192x256xf32, #tpu.memory_space<hbm>>
        tpu.enqueue_indirect_dma source(%dma_start3A_453 : memref<8192x256xf32, #tpu.memory_space<hbm>>) target(%arg14 : memref<128x256xf32, #tpu.memory_space<vmem>>) offsets(%dma_start3A_450 : memref<128xi32, #tpu.memory_space<vmem>>) semaphore(%arg19 : memref<!tpu.dma_semaphore, #tpu.memory_space<semaphore_mem>>)
      } else {
      }
      %mul3A_413 = arith.constant 2 : i32
      %mul3A_414 = arith.muli %mul3A_413, %scan3A_382 : i32
      %add3A_415 = arith.constant 1 : i32
      %add3A_416 = arith.addi %mul3A_414, %add3A_415 : i32
      %dma_wait3A_417 = arith.constant 0 : i32
      %dma_wait3A_418 = tpu.memref_slice %arg13[%add3A_416, %dma_wait3A_417] : memref<8x128xi32, #tpu.memory_space<vmem>> -> memref<1x128xi32, #tpu.memory_space<vmem>>
      %dma_wait3A_419 = tpu.memref_squeeze %dma_wait3A_418 : memref<1x128xi32, #tpu.memory_space<vmem>> -> memref<128xi32, #tpu.memory_space<vmem>>
      %dma_wait3A_420 = arith.constant 0 : i32
      %dma_wait3A_421 = arith.constant 0 : i32
      %dma_wait3A_422 = tpu.memref_slice %arg3[%dma_wait3A_420, %dma_wait3A_421] : memref<8192x256xf32, #tpu.memory_space<hbm>> -> memref<8192x256xf32, #tpu.memory_space<hbm>>
      tpu.wait_indirect_dma semaphore(%arg20 : memref<!tpu.dma_semaphore, #tpu.memory_space<semaphore_mem>>) src(%dma_wait3A_422 : memref<8192x256xf32, #tpu.memory_space<hbm>>) dst(%arg15 : memref<128x256xf32, #tpu.memory_space<vmem>>)
      %gt3A_423 = arith.constant 0 : i32
      %gt3A_424 = arith.cmpi sgt, %scan3A_382, %gt3A_423 : i32
      %convert_element_type3A_425 = arith.extui %gt3A_424 : i1 to i32
      %cond3A_426 = arith.constant 0 : i32
      %cond3A_427 = arith.cmpi ne, %convert_element_type3A_425, %cond3A_426 : i32
      scf.if %cond3A_427 {
        %sub3A_446 = arith.constant 2 : i32
        %sub3A_447 = arith.subi %add3A_416, %sub3A_446 : i32
        %mul3A_448 = arith.constant 32 : i32
        %mul3A_449 = arith.muli %sub3A_447, %mul3A_448 : i32
        %add3A_450 = arith.addi %add3A_357, %mul3A_449 : i32
        %dma_wait3A_451 = arith.constant 0 : i32
        %dma_wait3A_452 = tpu.memref_slice %arg4[%add3A_450, %dma_wait3A_451] : memref<8192x256xf32, #tpu.memory_space<hbm>> -> memref<32x256xf32, #tpu.memory_space<hbm>>
        %dma_wait3A_453 = arith.constant 0 : i32
        %dma_wait3A_454 = tpu.memref_slice %arg4[%add3A_450, %dma_wait3A_453] : memref<8192x256xf32, #tpu.memory_space<hbm>> -> memref<32x256xf32, #tpu.memory_space<hbm>>
        tpu.wait_dma2 semaphore(%arg22 : memref<!tpu.dma_semaphore, #tpu.memory_space<semaphore_mem>>) src(%arg17 : memref<32x256xf32, #tpu.memory_space<vmem>>) dst(%dma_wait3A_454 : memref<32x256xf32, #tpu.memory_space<hbm>>)
      } else {
      }
      %scan3A_428 = arith.constant 0 : i32
      %scan3A_429 = arith.constant 0 : i32
      %scan3A_430 = arith.constant 32 : i32
      %scan3A_431 = arith.addi %scan3A_429, %scan3A_430 : i32
      %scan3A_432 = arith.constant 1 : i32
      scf.for %scan3A_446 = %scan3A_429 to %scan3A_431 step %scan3A_432  : i32 {
        %broadcast_in_dim3A_447 = arith.constant 0 : i32
        %broadcast_in_dim3A_448 = vector.broadcast %broadcast_in_dim3A_447 : i32 to vector<16xi32>
        %mul3A_449 = arith.constant 32 : i32
        %mul3A_450 = arith.muli %add3A_416, %mul3A_449 : i32
        %add3A_451 = arith.addi %mul3A_450, %scan3A_446 : i32
        %add3A_452 = vector.broadcast %add3A_451 : i32 to vector<16xi32>
        %add3A_453 = arith.addi %broadcast_in_dim3A_448, %add3A_452 : vector<16xi32>
        %broadcast_in_dim3A_454 = arith.constant 0 : i32
        %broadcast_in_dim3A_455 = vector.broadcast %broadcast_in_dim3A_454 : i32 to vector<16xi32>
        %gather3A_456 = tpu.vector_load_idx %arg12[%broadcast_in_dim3A_455, %add3A_453] : memref<4x256xf32, #tpu.memory_space<vmem>>[vector<16xi32>, vector<16xi32>], vector<16xf32>,
        %broadcast_in_dim3A_457 = arith.constant 1 : i32
        %broadcast_in_dim3A_458 = vector.broadcast %broadcast_in_dim3A_457 : i32 to vector<16xi32>
        %gather3A_459 = tpu.vector_load_idx %arg12[%broadcast_in_dim3A_458, %add3A_453] : memref<4x256xf32, #tpu.memory_space<vmem>>[vector<16xi32>, vector<16xi32>], vector<16xf32>,
        %broadcast_in_dim3A_460 = arith.constant 2 : i32
        %broadcast_in_dim3A_461 = vector.broadcast %broadcast_in_dim3A_460 : i32 to vector<16xi32>
        %gather3A_462 = tpu.vector_load_idx %arg12[%broadcast_in_dim3A_461, %add3A_453] : memref<4x256xf32, #tpu.memory_space<vmem>>[vector<16xi32>, vector<16xi32>], vector<16xf32>,
        %broadcast_in_dim3A_463 = arith.constant 3 : i32
        %broadcast_in_dim3A_464 = vector.broadcast %broadcast_in_dim3A_463 : i32 to vector<16xi32>
        %gather3A_465 = tpu.vector_load_idx %arg12[%broadcast_in_dim3A_464, %add3A_453] : memref<4x256xf32, #tpu.memory_space<vmem>>[vector<16xi32>, vector<16xi32>], vector<16xf32>,
        %get3A = arith.index_cast %scan3A_446 : i32 to index
        %get3A_466 = arith.constant 0 : index
        %get3A_467 = tpu.vector_load %arg15[%get3A, %get3A_466] {strides = array<i32>} : memref<128x256xf32, #tpu.memory_space<vmem>>, vector<16xf32>,
        %mul3A_468 = arith.mulf %gather3A_456, %get3A_467 : vector<16xf32>
        %add3A_469 = arith.constant 32 : i32
        %add3A_470 = arith.addi %add3A_469, %scan3A_446 : i32
        %get3A_471 = arith.index_cast %add3A_470 : i32 to index
        %get3A_472 = arith.constant 0 : index
        %get3A_473 = tpu.vector_load %arg15[%get3A_471, %get3A_472] {strides = array<i32>} : memref<128x256xf32, #tpu.memory_space<vmem>>, vector<16xf32>,
        %mul3A_474 = arith.mulf %gather3A_459, %get3A_473 : vector<16xf32>
        %add3A_475 = arith.addf %mul3A_468, %mul3A_474 : vector<16xf32>
        %add3A_476 = arith.constant 64 : i32
        %add3A_477 = arith.addi %add3A_476, %scan3A_446 : i32
        %get3A_478 = arith.index_cast %add3A_477 : i32 to index
        %get3A_479 = arith.constant 0 : index
        %get3A_480 = tpu.vector_load %arg15[%get3A_478, %get3A_479] {strides = array<i32>} : memref<128x256xf32, #tpu.memory_space<vmem>>, vector<16xf32>,
        %mul3A_481 = arith.mulf %gather3A_462, %get3A_480 : vector<16xf32>
        %add3A_482 = arith.constant 96 : i32
        %add3A_483 = arith.addi %add3A_482, %scan3A_446 : i32
        %get3A_484 = arith.index_cast %add3A_483 : i32 to index
        %get3A_485 = arith.constant 0 : index
        %get3A_486 = tpu.vector_load %arg15[%get3A_484, %get3A_485] {strides = array<i32>} : memref<128x256xf32, #tpu.memory_space<vmem>>, vector<16xf32>,
        %mul3A_487 = arith.mulf %gather3A_465, %get3A_486 : vector<16xf32>
        %add3A_488 = arith.addf %mul3A_481, %mul3A_487 : vector<16xf32>
        %add3A_489 = arith.addf %add3A_475, %add3A_488 : vector<16xf32>
        %swap3A = arith.index_cast %scan3A_446 : i32 to index
        %swap3A_490 = arith.constant 0 : index
        %swap3A_491 = tpu.vector_load %arg17[%swap3A, %swap3A_490] {strides = array<i32>} : memref<32x256xf32, #tpu.memory_space<vmem>>, vector<16xf32>,
        tpu.vector_store %arg17[%swap3A, %swap3A_490], %add3A_489 {strides = array<i32>} : memref<32x256xf32, #tpu.memory_space<vmem>>, vector<16xf32>,
        %get3A_492 = arith.index_cast %scan3A_446 : i32 to index
        %get3A_493 = arith.constant 16 : index
        %get3A_494 = tpu.vector_load %arg15[%get3A_492, %get3A_493] {strides = array<i32>} : memref<128x256xf32, #tpu.memory_space<vmem>>, vector<16xf32>,
        %mul3A_495 = arith.mulf %gather3A_456, %get3A_494 : vector<16xf32>
        %add3A_496 = arith.constant 32 : i32
        %add3A_497 = arith.addi %add3A_496, %scan3A_446 : i32
        %get3A_498 = arith.index_cast %add3A_497 : i32 to index
        %get3A_499 = arith.constant 16 : index
        %get3A_500 = tpu.vector_load %arg15[%get3A_498, %get3A_499] {strides = array<i32>} : memref<128x256xf32, #tpu.memory_space<vmem>>, vector<16xf32>,
        %mul3A_501 = arith.mulf %gather3A_459, %get3A_500 : vector<16xf32>
        %add3A_502 = arith.addf %mul3A_495, %mul3A_501 : vector<16xf32>
        %add3A_503 = arith.constant 64 : i32
        %add3A_504 = arith.addi %add3A_503, %scan3A_446 : i32
        %get3A_505 = arith.index_cast %add3A_504 : i32 to index
        %get3A_506 = arith.constant 16 : index
        %get3A_507 = tpu.vector_load %arg15[%get3A_505, %get3A_506] {strides = array<i32>} : memref<128x256xf32, #tpu.memory_space<vmem>>, vector<16xf32>,
        %mul3A_508 = arith.mulf %gather3A_462, %get3A_507 : vector<16xf32>
        %add3A_509 = arith.constant 96 : i32
        %add3A_510 = arith.addi %add3A_509, %scan3A_446 : i32
        %get3A_511 = arith.index_cast %add3A_510 : i32 to index
        %get3A_512 = arith.constant 16 : index
        %get3A_513 = tpu.vector_load %arg15[%get3A_511, %get3A_512] {strides = array<i32>} : memref<128x256xf32, #tpu.memory_space<vmem>>, vector<16xf32>,
        %mul3A_514 = arith.mulf %gather3A_465, %get3A_513 : vector<16xf32>
        %add3A_515 = arith.addf %mul3A_508, %mul3A_514 : vector<16xf32>
        %add3A_516 = arith.addf %add3A_502, %add3A_515 : vector<16xf32>
        %swap3A_517 = arith.index_cast %scan3A_446 : i32 to index
        %swap3A_518 = arith.constant 16 : index
        %swap3A_519 = tpu.vector_load %arg17[%swap3A_517, %swap3A_518] {strides = array<i32>} : memref<32x256xf32, #tpu.memory_space<vmem>>, vector<16xf32>,
        tpu.vector_store %arg17[%swap3A_517, %swap3A_518], %add3A_516 {strides = array<i32>} : memref<32x256xf32, #tpu.memory_space<vmem>>, vector<16xf32>,
        %get3A_520 = arith.index_cast %scan3A_446 : i32 to index
        %get3A_521 = arith.constant 32 : index
        %get3A_522 = tpu.vector_load %arg15[%get3A_520, %get3A_521] {strides = array<i32>} : memref<128x256xf32, #tpu.memory_space<vmem>>, vector<16xf32>,
        %mul3A_523 = arith.mulf %gather3A_456, %get3A_522 : vector<16xf32>
        %add3A_524 = arith.constant 32 : i32
        %add3A_525 = arith.addi %add3A_524, %scan3A_446 : i32
        %get3A_526 = arith.index_cast %add3A_525 : i32 to index
        %get3A_527 = arith.constant 32 : index
        %get3A_528 = tpu.vector_load %arg15[%get3A_526, %get3A_527] {strides = array<i32>} : memref<128x256xf32, #tpu.memory_space<vmem>>, vector<16xf32>,
        %mul3A_529 = arith.mulf %gather3A_459, %get3A_528 : vector<16xf32>
        %add3A_530 = arith.addf %mul3A_523, %mul3A_529 : vector<16xf32>
        %add3A_531 = arith.constant 64 : i32
        %add3A_532 = arith.addi %add3A_531, %scan3A_446 : i32
        %get3A_533 = arith.index_cast %add3A_532 : i32 to index
        %get3A_534 = arith.constant 32 : index
        %get3A_535 = tpu.vector_load %arg15[%get3A_533, %get3A_534] {strides = array<i32>} : memref<128x256xf32, #tpu.memory_space<vmem>>, vector<16xf32>,
        %mul3A_536 = arith.mulf %gather3A_462, %get3A_535 : vector<16xf32>
        %add3A_537 = arith.constant 96 : i32
        %add3A_538 = arith.addi %add3A_537, %scan3A_446 : i32
        %get3A_539 = arith.index_cast %add3A_538 : i32 to index
        %get3A_540 = arith.constant 32 : index
        %get3A_541 = tpu.vector_load %arg15[%get3A_539, %get3A_540] {strides = array<i32>} : memref<128x256xf32, #tpu.memory_space<vmem>>, vector<16xf32>,
        %mul3A_542 = arith.mulf %gather3A_465, %get3A_541 : vector<16xf32>
        %add3A_543 = arith.addf %mul3A_536, %mul3A_542 : vector<16xf32>
        %add3A_544 = arith.addf %add3A_530, %add3A_543 : vector<16xf32>
        %swap3A_545 = arith.index_cast %scan3A_446 : i32 to index
        %swap3A_546 = arith.constant 32 : index
        %swap3A_547 = tpu.vector_load %arg17[%swap3A_545, %swap3A_546] {strides = array<i32>} : memref<32x256xf32, #tpu.memory_space<vmem>>, vector<16xf32>,
        tpu.vector_store %arg17[%swap3A_545, %swap3A_546], %add3A_544 {strides = array<i32>} : memref<32x256xf32, #tpu.memory_space<vmem>>, vector<16xf32>,
        %get3A_548 = arith.index_cast %scan3A_446 : i32 to index
        %get3A_549 = arith.constant 48 : index
        %get3A_550 = tpu.vector_load %arg15[%get3A_548, %get3A_549] {strides = array<i32>} : memref<128x256xf32, #tpu.memory_space<vmem>>, vector<16xf32>,
        %mul3A_551 = arith.mulf %gather3A_456, %get3A_550 : vector<16xf32>
        %add3A_552 = arith.constant 32 : i32
        %add3A_553 = arith.addi %add3A_552, %scan3A_446 : i32
        %get3A_554 = arith.index_cast %add3A_553 : i32 to index
        %get3A_555 = arith.constant 48 : index
        %get3A_556 = tpu.vector_load %arg15[%get3A_554, %get3A_555] {strides = array<i32>} : memref<128x256xf32, #tpu.memory_space<vmem>>, vector<16xf32>,
        %mul3A_557 = arith.mulf %gather3A_459, %get3A_556 : vector<16xf32>
        %add3A_558 = arith.addf %mul3A_551, %mul3A_557 : vector<16xf32>
        %add3A_559 = arith.constant 64 : i32
        %add3A_560 = arith.addi %add3A_559, %scan3A_446 : i32
        %get3A_561 = arith.index_cast %add3A_560 : i32 to index
        %get3A_562 = arith.constant 48 : index
        %get3A_563 = tpu.vector_load %arg15[%get3A_561, %get3A_562] {strides = array<i32>} : memref<128x256xf32, #tpu.memory_space<vmem>>, vector<16xf32>,
        %mul3A_564 = arith.mulf %gather3A_462, %get3A_563 : vector<16xf32>
        %add3A_565 = arith.constant 96 : i32
        %add3A_566 = arith.addi %add3A_565, %scan3A_446 : i32
        %get3A_567 = arith.index_cast %add3A_566 : i32 to index
        %get3A_568 = arith.constant 48 : index
        %get3A_569 = tpu.vector_load %arg15[%get3A_567, %get3A_568] {strides = array<i32>} : memref<128x256xf32, #tpu.memory_space<vmem>>, vector<16xf32>,
        %mul3A_570 = arith.mulf %gather3A_465, %get3A_569 : vector<16xf32>
        %add3A_571 = arith.addf %mul3A_564, %mul3A_570 : vector<16xf32>
        %add3A_572 = arith.addf %add3A_558, %add3A_571 : vector<16xf32>
        %swap3A_573 = arith.index_cast %scan3A_446 : i32 to index
        %swap3A_574 = arith.constant 48 : index
        %swap3A_575 = tpu.vector_load %arg17[%swap3A_573, %swap3A_574] {strides = array<i32>} : memref<32x256xf32, #tpu.memory_space<vmem>>, vector<16xf32>,
        tpu.vector_store %arg17[%swap3A_573, %swap3A_574], %add3A_572 {strides = array<i32>} : memref<32x256xf32, #tpu.memory_space<vmem>>, vector<16xf32>,
        %get3A_576 = arith.index_cast %scan3A_446 : i32 to index
        %get3A_577 = arith.constant 64 : index
        %get3A_578 = tpu.vector_load %arg15[%get3A_576, %get3A_577] {strides = array<i32>} : memref<128x256xf32, #tpu.memory_space<vmem>>, vector<16xf32>,
        %mul3A_579 = arith.mulf %gather3A_456, %get3A_578 : vector<16xf32>
        %add3A_580 = arith.constant 32 : i32
        %add3A_581 = arith.addi %add3A_580, %scan3A_446 : i32
        %get3A_582 = arith.index_cast %add3A_581 : i32 to index
        %get3A_583 = arith.constant 64 : index
        %get3A_584 = tpu.vector_load %arg15[%get3A_582, %get3A_583] {strides = array<i32>} : memref<128x256xf32, #tpu.memory_space<vmem>>, vector<16xf32>,
        %mul3A_585 = arith.mulf %gather3A_459, %get3A_584 : vector<16xf32>
        %add3A_586 = arith.addf %mul3A_579, %mul3A_585 : vector<16xf32>
        %add3A_587 = arith.constant 64 : i32
        %add3A_588 = arith.addi %add3A_587, %scan3A_446 : i32
        %get3A_589 = arith.index_cast %add3A_588 : i32 to index
        %get3A_590 = arith.constant 64 : index
        %get3A_591 = tpu.vector_load %arg15[%get3A_589, %get3A_590] {strides = array<i32>} : memref<128x256xf32, #tpu.memory_space<vmem>>, vector<16xf32>,
        %mul3A_592 = arith.mulf %gather3A_462, %get3A_591 : vector<16xf32>
        %add3A_593 = arith.constant 96 : i32
        %add3A_594 = arith.addi %add3A_593, %scan3A_446 : i32
        %get3A_595 = arith.index_cast %add3A_594 : i32 to index
        %get3A_596 = arith.constant 64 : index
        %get3A_597 = tpu.vector_load %arg15[%get3A_595, %get3A_596] {strides = array<i32>} : memref<128x256xf32, #tpu.memory_space<vmem>>, vector<16xf32>,
        %mul3A_598 = arith.mulf %gather3A_465, %get3A_597 : vector<16xf32>
        %add3A_599 = arith.addf %mul3A_592, %mul3A_598 : vector<16xf32>
        %add3A_600 = arith.addf %add3A_586, %add3A_599 : vector<16xf32>
        %swap3A_601 = arith.index_cast %scan3A_446 : i32 to index
        %swap3A_602 = arith.constant 64 : index
        %swap3A_603 = tpu.vector_load %arg17[%swap3A_601, %swap3A_602] {strides = array<i32>} : memref<32x256xf32, #tpu.memory_space<vmem>>, vector<16xf32>,
        tpu.vector_store %arg17[%swap3A_601, %swap3A_602], %add3A_600 {strides = array<i32>} : memref<32x256xf32, #tpu.memory_space<vmem>>, vector<16xf32>,
        %get3A_604 = arith.index_cast %scan3A_446 : i32 to index
        %get3A_605 = arith.constant 80 : index
        %get3A_606 = tpu.vector_load %arg15[%get3A_604, %get3A_605] {strides = array<i32>} : memref<128x256xf32, #tpu.memory_space<vmem>>, vector<16xf32>,
        %mul3A_607 = arith.mulf %gather3A_456, %get3A_606 : vector<16xf32>
        %add3A_608 = arith.constant 32 : i32
        %add3A_609 = arith.addi %add3A_608, %scan3A_446 : i32
        %get3A_610 = arith.index_cast %add3A_609 : i32 to index
        %get3A_611 = arith.constant 80 : index
        %get3A_612 = tpu.vector_load %arg15[%get3A_610, %get3A_611] {strides = array<i32>} : memref<128x256xf32, #tpu.memory_space<vmem>>, vector<16xf32>,
        %mul3A_613 = arith.mulf %gather3A_459, %get3A_612 : vector<16xf32>
        %add3A_614 = arith.addf %mul3A_607, %mul3A_613 : vector<16xf32>
        %add3A_615 = arith.constant 64 : i32
        %add3A_616 = arith.addi %add3A_615, %scan3A_446 : i32
        %get3A_617 = arith.index_cast %add3A_616 : i32 to index
        %get3A_618 = arith.constant 80 : index
        %get3A_619 = tpu.vector_load %arg15[%get3A_617, %get3A_618] {strides = array<i32>} : memref<128x256xf32, #tpu.memory_space<vmem>>, vector<16xf32>,
        %mul3A_620 = arith.mulf %gather3A_462, %get3A_619 : vector<16xf32>
        %add3A_621 = arith.constant 96 : i32
        %add3A_622 = arith.addi %add3A_621, %scan3A_446 : i32
        %get3A_623 = arith.index_cast %add3A_622 : i32 to index
        %get3A_624 = arith.constant 80 : index
        %get3A_625 = tpu.vector_load %arg15[%get3A_623, %get3A_624] {strides = array<i32>} : memref<128x256xf32, #tpu.memory_space<vmem>>, vector<16xf32>,
        %mul3A_626 = arith.mulf %gather3A_465, %get3A_625 : vector<16xf32>
        %add3A_627 = arith.addf %mul3A_620, %mul3A_626 : vector<16xf32>
        %add3A_628 = arith.addf %add3A_614, %add3A_627 : vector<16xf32>
        %swap3A_629 = arith.index_cast %scan3A_446 : i32 to index
        %swap3A_630 = arith.constant 80 : index
        %swap3A_631 = tpu.vector_load %arg17[%swap3A_629, %swap3A_630] {strides = array<i32>} : memref<32x256xf32, #tpu.memory_space<vmem>>, vector<16xf32>,
        tpu.vector_store %arg17[%swap3A_629, %swap3A_630], %add3A_628 {strides = array<i32>} : memref<32x256xf32, #tpu.memory_space<vmem>>, vector<16xf32>,
        %get3A_632 = arith.index_cast %scan3A_446 : i32 to index
        %get3A_633 = arith.constant 96 : index
        %get3A_634 = tpu.vector_load %arg15[%get3A_632, %get3A_633] {strides = array<i32>} : memref<128x256xf32, #tpu.memory_space<vmem>>, vector<16xf32>,
        %mul3A_635 = arith.mulf %gather3A_456, %get3A_634 : vector<16xf32>
        %add3A_636 = arith.constant 32 : i32
        %add3A_637 = arith.addi %add3A_636, %scan3A_446 : i32
        %get3A_638 = arith.index_cast %add3A_637 : i32 to index
        %get3A_639 = arith.constant 96 : index
        %get3A_640 = tpu.vector_load %arg15[%get3A_638, %get3A_639] {strides = array<i32>} : memref<128x256xf32, #tpu.memory_space<vmem>>, vector<16xf32>,
        %mul3A_641 = arith.mulf %gather3A_459, %get3A_640 : vector<16xf32>
        %add3A_642 = arith.addf %mul3A_635, %mul3A_641 : vector<16xf32>
        %add3A_643 = arith.constant 64 : i32
        %add3A_644 = arith.addi %add3A_643, %scan3A_446 : i32
        %get3A_645 = arith.index_cast %add3A_644 : i32 to index
        %get3A_646 = arith.constant 96 : index
        %get3A_647 = tpu.vector_load %arg15[%get3A_645, %get3A_646] {strides = array<i32>} : memref<128x256xf32, #tpu.memory_space<vmem>>, vector<16xf32>,
        %mul3A_648 = arith.mulf %gather3A_462, %get3A_647 : vector<16xf32>
        %add3A_649 = arith.constant 96 : i32
        %add3A_650 = arith.addi %add3A_649, %scan3A_446 : i32
        %get3A_651 = arith.index_cast %add3A_650 : i32 to index
        %get3A_652 = arith.constant 96 : index
        %get3A_653 = tpu.vector_load %arg15[%get3A_651, %get3A_652] {strides = array<i32>} : memref<128x256xf32, #tpu.memory_space<vmem>>, vector<16xf32>,
        %mul3A_654 = arith.mulf %gather3A_465, %get3A_653 : vector<16xf32>
        %add3A_655 = arith.addf %mul3A_648, %mul3A_654 : vector<16xf32>
        %add3A_656 = arith.addf %add3A_642, %add3A_655 : vector<16xf32>
        %swap3A_657 = arith.index_cast %scan3A_446 : i32 to index
        %swap3A_658 = arith.constant 96 : index
        %swap3A_659 = tpu.vector_load %arg17[%swap3A_657, %swap3A_658] {strides = array<i32>} : memref<32x256xf32, #tpu.memory_space<vmem>>, vector<16xf32>,
        tpu.vector_store %arg17[%swap3A_657, %swap3A_658], %add3A_656 {strides = array<i32>} : memref<32x256xf32, #tpu.memory_space<vmem>>, vector<16xf32>,
        %get3A_660 = arith.index_cast %scan3A_446 : i32 to index
        %get3A_661 = arith.constant 112 : index
        %get3A_662 = tpu.vector_load %arg15[%get3A_660, %get3A_661] {strides = array<i32>} : memref<128x256xf32, #tpu.memory_space<vmem>>, vector<16xf32>,
        %mul3A_663 = arith.mulf %gather3A_456, %get3A_662 : vector<16xf32>
        %add3A_664 = arith.constant 32 : i32
        %add3A_665 = arith.addi %add3A_664, %scan3A_446 : i32
        %get3A_666 = arith.index_cast %add3A_665 : i32 to index
        %get3A_667 = arith.constant 112 : index
        %get3A_668 = tpu.vector_load %arg15[%get3A_666, %get3A_667] {strides = array<i32>} : memref<128x256xf32, #tpu.memory_space<vmem>>, vector<16xf32>,
        %mul3A_669 = arith.mulf %gather3A_459, %get3A_668 : vector<16xf32>
        %add3A_670 = arith.addf %mul3A_663, %mul3A_669 : vector<16xf32>
        %add3A_671 = arith.constant 64 : i32
        %add3A_672 = arith.addi %add3A_671, %scan3A_446 : i32
        %get3A_673 = arith.index_cast %add3A_672 : i32 to index
        %get3A_674 = arith.constant 112 : index
        %get3A_675 = tpu.vector_load %arg15[%get3A_673, %get3A_674] {strides = array<i32>} : memref<128x256xf32, #tpu.memory_space<vmem>>, vector<16xf32>,
        %mul3A_676 = arith.mulf %gather3A_462, %get3A_675 : vector<16xf32>
        %add3A_677 = arith.constant 96 : i32
        %add3A_678 = arith.addi %add3A_677, %scan3A_446 : i32
        %get3A_679 = arith.index_cast %add3A_678 : i32 to index
        %get3A_680 = arith.constant 112 : index
        %get3A_681 = tpu.vector_load %arg15[%get3A_679, %get3A_680] {strides = array<i32>} : memref<128x256xf32, #tpu.memory_space<vmem>>, vector<16xf32>,
        %mul3A_682 = arith.mulf %gather3A_465, %get3A_681 : vector<16xf32>
        %add3A_683 = arith.addf %mul3A_676, %mul3A_682 : vector<16xf32>
        %add3A_684 = arith.addf %add3A_670, %add3A_683 : vector<16xf32>
        %swap3A_685 = arith.index_cast %scan3A_446 : i32 to index
        %swap3A_686 = arith.constant 112 : index
        %swap3A_687 = tpu.vector_load %arg17[%swap3A_685, %swap3A_686] {strides = array<i32>} : memref<32x256xf32, #tpu.memory_space<vmem>>, vector<16xf32>,
        tpu.vector_store %arg17[%swap3A_685, %swap3A_686], %add3A_684 {strides = array<i32>} : memref<32x256xf32, #tpu.memory_space<vmem>>, vector<16xf32>,
        %get3A_688 = arith.index_cast %scan3A_446 : i32 to index
        %get3A_689 = arith.constant 128 : index
        %get3A_690 = tpu.vector_load %arg15[%get3A_688, %get3A_689] {strides = array<i32>} : memref<128x256xf32, #tpu.memory_space<vmem>>, vector<16xf32>,
        %mul3A_691 = arith.mulf %gather3A_456, %get3A_690 : vector<16xf32>
        %add3A_692 = arith.constant 32 : i32
        %add3A_693 = arith.addi %add3A_692, %scan3A_446 : i32
        %get3A_694 = arith.index_cast %add3A_693 : i32 to index
        %get3A_695 = arith.constant 128 : index
        %get3A_696 = tpu.vector_load %arg15[%get3A_694, %get3A_695] {strides = array<i32>} : memref<128x256xf32, #tpu.memory_space<vmem>>, vector<16xf32>,
        %mul3A_697 = arith.mulf %gather3A_459, %get3A_696 : vector<16xf32>
        %add3A_698 = arith.addf %mul3A_691, %mul3A_697 : vector<16xf32>
        %add3A_699 = arith.constant 64 : i32
        %add3A_700 = arith.addi %add3A_699, %scan3A_446 : i32
        %get3A_701 = arith.index_cast %add3A_700 : i32 to index
        %get3A_702 = arith.constant 128 : index
        %get3A_703 = tpu.vector_load %arg15[%get3A_701, %get3A_702] {strides = array<i32>} : memref<128x256xf32, #tpu.memory_space<vmem>>, vector<16xf32>,
        %mul3A_704 = arith.mulf %gather3A_462, %get3A_703 : vector<16xf32>
        %add3A_705 = arith.constant 96 : i32
        %add3A_706 = arith.addi %add3A_705, %scan3A_446 : i32
        %get3A_707 = arith.index_cast %add3A_706 : i32 to index
        %get3A_708 = arith.constant 128 : index
        %get3A_709 = tpu.vector_load %arg15[%get3A_707, %get3A_708] {strides = array<i32>} : memref<128x256xf32, #tpu.memory_space<vmem>>, vector<16xf32>,
        %mul3A_710 = arith.mulf %gather3A_465, %get3A_709 : vector<16xf32>
        %add3A_711 = arith.addf %mul3A_704, %mul3A_710 : vector<16xf32>
        %add3A_712 = arith.addf %add3A_698, %add3A_711 : vector<16xf32>
        %swap3A_713 = arith.index_cast %scan3A_446 : i32 to index
        %swap3A_714 = arith.constant 128 : index
        %swap3A_715 = tpu.vector_load %arg17[%swap3A_713, %swap3A_714] {strides = array<i32>} : memref<32x256xf32, #tpu.memory_space<vmem>>, vector<16xf32>,
        tpu.vector_store %arg17[%swap3A_713, %swap3A_714], %add3A_712 {strides = array<i32>} : memref<32x256xf32, #tpu.memory_space<vmem>>, vector<16xf32>,
        %get3A_716 = arith.index_cast %scan3A_446 : i32 to index
        %get3A_717 = arith.constant 144 : index
        %get3A_718 = tpu.vector_load %arg15[%get3A_716, %get3A_717] {strides = array<i32>} : memref<128x256xf32, #tpu.memory_space<vmem>>, vector<16xf32>,
        %mul3A_719 = arith.mulf %gather3A_456, %get3A_718 : vector<16xf32>
        %add3A_720 = arith.constant 32 : i32
        %add3A_721 = arith.addi %add3A_720, %scan3A_446 : i32
        %get3A_722 = arith.index_cast %add3A_721 : i32 to index
        %get3A_723 = arith.constant 144 : index
        %get3A_724 = tpu.vector_load %arg15[%get3A_722, %get3A_723] {strides = array<i32>} : memref<128x256xf32, #tpu.memory_space<vmem>>, vector<16xf32>,
        %mul3A_725 = arith.mulf %gather3A_459, %get3A_724 : vector<16xf32>
        %add3A_726 = arith.addf %mul3A_719, %mul3A_725 : vector<16xf32>
        %add3A_727 = arith.constant 64 : i32
        %add3A_728 = arith.addi %add3A_727, %scan3A_446 : i32
        %get3A_729 = arith.index_cast %add3A_728 : i32 to index
        %get3A_730 = arith.constant 144 : index
        %get3A_731 = tpu.vector_load %arg15[%get3A_729, %get3A_730] {strides = array<i32>} : memref<128x256xf32, #tpu.memory_space<vmem>>, vector<16xf32>,
        %mul3A_732 = arith.mulf %gather3A_462, %get3A_731 : vector<16xf32>
        %add3A_733 = arith.constant 96 : i32
        %add3A_734 = arith.addi %add3A_733, %scan3A_446 : i32
        %get3A_735 = arith.index_cast %add3A_734 : i32 to index
        %get3A_736 = arith.constant 144 : index
        %get3A_737 = tpu.vector_load %arg15[%get3A_735, %get3A_736] {strides = array<i32>} : memref<128x256xf32, #tpu.memory_space<vmem>>, vector<16xf32>,
        %mul3A_738 = arith.mulf %gather3A_465, %get3A_737 : vector<16xf32>
        %add3A_739 = arith.addf %mul3A_732, %mul3A_738 : vector<16xf32>
        %add3A_740 = arith.addf %add3A_726, %add3A_739 : vector<16xf32>
        %swap3A_741 = arith.index_cast %scan3A_446 : i32 to index
        %swap3A_742 = arith.constant 144 : index
        %swap3A_743 = tpu.vector_load %arg17[%swap3A_741, %swap3A_742] {strides = array<i32>} : memref<32x256xf32, #tpu.memory_space<vmem>>, vector<16xf32>,
        tpu.vector_store %arg17[%swap3A_741, %swap3A_742], %add3A_740 {strides = array<i32>} : memref<32x256xf32, #tpu.memory_space<vmem>>, vector<16xf32>,
        %get3A_744 = arith.index_cast %scan3A_446 : i32 to index
        %get3A_745 = arith.constant 160 : index
        %get3A_746 = tpu.vector_load %arg15[%get3A_744, %get3A_745] {strides = array<i32>} : memref<128x256xf32, #tpu.memory_space<vmem>>, vector<16xf32>,
        %mul3A_747 = arith.mulf %gather3A_456, %get3A_746 : vector<16xf32>
        %add3A_748 = arith.constant 32 : i32
        %add3A_749 = arith.addi %add3A_748, %scan3A_446 : i32
        %get3A_750 = arith.index_cast %add3A_749 : i32 to index
        %get3A_751 = arith.constant 160 : index
        %get3A_752 = tpu.vector_load %arg15[%get3A_750, %get3A_751] {strides = array<i32>} : memref<128x256xf32, #tpu.memory_space<vmem>>, vector<16xf32>,
        %mul3A_753 = arith.mulf %gather3A_459, %get3A_752 : vector<16xf32>
        %add3A_754 = arith.addf %mul3A_747, %mul3A_753 : vector<16xf32>
        %add3A_755 = arith.constant 64 : i32
        %add3A_756 = arith.addi %add3A_755, %scan3A_446 : i32
        %get3A_757 = arith.index_cast %add3A_756 : i32 to index
        %get3A_758 = arith.constant 160 : index
        %get3A_759 = tpu.vector_load %arg15[%get3A_757, %get3A_758] {strides = array<i32>} : memref<128x256xf32, #tpu.memory_space<vmem>>, vector<16xf32>,
        %mul3A_760 = arith.mulf %gather3A_462, %get3A_759 : vector<16xf32>
        %add3A_761 = arith.constant 96 : i32
        %add3A_762 = arith.addi %add3A_761, %scan3A_446 : i32
        %get3A_763 = arith.index_cast %add3A_762 : i32 to index
        %get3A_764 = arith.constant 160 : index
        %get3A_765 = tpu.vector_load %arg15[%get3A_763, %get3A_764] {strides = array<i32>} : memref<128x256xf32, #tpu.memory_space<vmem>>, vector<16xf32>,
        %mul3A_766 = arith.mulf %gather3A_465, %get3A_765 : vector<16xf32>
        %add3A_767 = arith.addf %mul3A_760, %mul3A_766 : vector<16xf32>
        %add3A_768 = arith.addf %add3A_754, %add3A_767 : vector<16xf32>
        %swap3A_769 = arith.index_cast %scan3A_446 : i32 to index
        %swap3A_770 = arith.constant 160 : index
        %swap3A_771 = tpu.vector_load %arg17[%swap3A_769, %swap3A_770] {strides = array<i32>} : memref<32x256xf32, #tpu.memory_space<vmem>>, vector<16xf32>,
        tpu.vector_store %arg17[%swap3A_769, %swap3A_770], %add3A_768 {strides = array<i32>} : memref<32x256xf32, #tpu.memory_space<vmem>>, vector<16xf32>,
        %get3A_772 = arith.index_cast %scan3A_446 : i32 to index
        %get3A_773 = arith.constant 176 : index
        %get3A_774 = tpu.vector_load %arg15[%get3A_772, %get3A_773] {strides = array<i32>} : memref<128x256xf32, #tpu.memory_space<vmem>>, vector<16xf32>,
        %mul3A_775 = arith.mulf %gather3A_456, %get3A_774 : vector<16xf32>
        %add3A_776 = arith.constant 32 : i32
        %add3A_777 = arith.addi %add3A_776, %scan3A_446 : i32
        %get3A_778 = arith.index_cast %add3A_777 : i32 to index
        %get3A_779 = arith.constant 176 : index
        %get3A_780 = tpu.vector_load %arg15[%get3A_778, %get3A_779] {strides = array<i32>} : memref<128x256xf32, #tpu.memory_space<vmem>>, vector<16xf32>,
        %mul3A_781 = arith.mulf %gather3A_459, %get3A_780 : vector<16xf32>
        %add3A_782 = arith.addf %mul3A_775, %mul3A_781 : vector<16xf32>
        %add3A_783 = arith.constant 64 : i32
        %add3A_784 = arith.addi %add3A_783, %scan3A_446 : i32
        %get3A_785 = arith.index_cast %add3A_784 : i32 to index
        %get3A_786 = arith.constant 176 : index
        %get3A_787 = tpu.vector_load %arg15[%get3A_785, %get3A_786] {strides = array<i32>} : memref<128x256xf32, #tpu.memory_space<vmem>>, vector<16xf32>,
        %mul3A_788 = arith.mulf %gather3A_462, %get3A_787 : vector<16xf32>
        %add3A_789 = arith.constant 96 : i32
        %add3A_790 = arith.addi %add3A_789, %scan3A_446 : i32
        %get3A_791 = arith.index_cast %add3A_790 : i32 to index
        %get3A_792 = arith.constant 176 : index
        %get3A_793 = tpu.vector_load %arg15[%get3A_791, %get3A_792] {strides = array<i32>} : memref<128x256xf32, #tpu.memory_space<vmem>>, vector<16xf32>,
        %mul3A_794 = arith.mulf %gather3A_465, %get3A_793 : vector<16xf32>
        %add3A_795 = arith.addf %mul3A_788, %mul3A_794 : vector<16xf32>
        %add3A_796 = arith.addf %add3A_782, %add3A_795 : vector<16xf32>
        %swap3A_797 = arith.index_cast %scan3A_446 : i32 to index
        %swap3A_798 = arith.constant 176 : index
        %swap3A_799 = tpu.vector_load %arg17[%swap3A_797, %swap3A_798] {strides = array<i32>} : memref<32x256xf32, #tpu.memory_space<vmem>>, vector<16xf32>,
        tpu.vector_store %arg17[%swap3A_797, %swap3A_798], %add3A_796 {strides = array<i32>} : memref<32x256xf32, #tpu.memory_space<vmem>>, vector<16xf32>,
        %get3A_800 = arith.index_cast %scan3A_446 : i32 to index
        %get3A_801 = arith.constant 192 : index
        %get3A_802 = tpu.vector_load %arg15[%get3A_800, %get3A_801] {strides = array<i32>} : memref<128x256xf32, #tpu.memory_space<vmem>>, vector<16xf32>,
        %mul3A_803 = arith.mulf %gather3A_456, %get3A_802 : vector<16xf32>
        %add3A_804 = arith.constant 32 : i32
        %add3A_805 = arith.addi %add3A_804, %scan3A_446 : i32
        %get3A_806 = arith.index_cast %add3A_805 : i32 to index
        %get3A_807 = arith.constant 192 : index
        %get3A_808 = tpu.vector_load %arg15[%get3A_806, %get3A_807] {strides = array<i32>} : memref<128x256xf32, #tpu.memory_space<vmem>>, vector<16xf32>,
        %mul3A_809 = arith.mulf %gather3A_459, %get3A_808 : vector<16xf32>
        %add3A_810 = arith.addf %mul3A_803, %mul3A_809 : vector<16xf32>
        %add3A_811 = arith.constant 64 : i32
        %add3A_812 = arith.addi %add3A_811, %scan3A_446 : i32
        %get3A_813 = arith.index_cast %add3A_812 : i32 to index
        %get3A_814 = arith.constant 192 : index
        %get3A_815 = tpu.vector_load %arg15[%get3A_813, %get3A_814] {strides = array<i32>} : memref<128x256xf32, #tpu.memory_space<vmem>>, vector<16xf32>,
        %mul3A_816 = arith.mulf %gather3A_462, %get3A_815 : vector<16xf32>
        %add3A_817 = arith.constant 96 : i32
        %add3A_818 = arith.addi %add3A_817, %scan3A_446 : i32
        %get3A_819 = arith.index_cast %add3A_818 : i32 to index
        %get3A_820 = arith.constant 192 : index
        %get3A_821 = tpu.vector_load %arg15[%get3A_819, %get3A_820] {strides = array<i32>} : memref<128x256xf32, #tpu.memory_space<vmem>>, vector<16xf32>,
        %mul3A_822 = arith.mulf %gather3A_465, %get3A_821 : vector<16xf32>
        %add3A_823 = arith.addf %mul3A_816, %mul3A_822 : vector<16xf32>
        %add3A_824 = arith.addf %add3A_810, %add3A_823 : vector<16xf32>
        %swap3A_825 = arith.index_cast %scan3A_446 : i32 to index
        %swap3A_826 = arith.constant 192 : index
        %swap3A_827 = tpu.vector_load %arg17[%swap3A_825, %swap3A_826] {strides = array<i32>} : memref<32x256xf32, #tpu.memory_space<vmem>>, vector<16xf32>,
        tpu.vector_store %arg17[%swap3A_825, %swap3A_826], %add3A_824 {strides = array<i32>} : memref<32x256xf32, #tpu.memory_space<vmem>>, vector<16xf32>,
        %get3A_828 = arith.index_cast %scan3A_446 : i32 to index
        %get3A_829 = arith.constant 208 : index
        %get3A_830 = tpu.vector_load %arg15[%get3A_828, %get3A_829] {strides = array<i32>} : memref<128x256xf32, #tpu.memory_space<vmem>>, vector<16xf32>,
        %mul3A_831 = arith.mulf %gather3A_456, %get3A_830 : vector<16xf32>
        %add3A_832 = arith.constant 32 : i32
        %add3A_833 = arith.addi %add3A_832, %scan3A_446 : i32
        %get3A_834 = arith.index_cast %add3A_833 : i32 to index
        %get3A_835 = arith.constant 208 : index
        %get3A_836 = tpu.vector_load %arg15[%get3A_834, %get3A_835] {strides = array<i32>} : memref<128x256xf32, #tpu.memory_space<vmem>>, vector<16xf32>,
        %mul3A_837 = arith.mulf %gather3A_459, %get3A_836 : vector<16xf32>
        %add3A_838 = arith.addf %mul3A_831, %mul3A_837 : vector<16xf32>
        %add3A_839 = arith.constant 64 : i32
        %add3A_840 = arith.addi %add3A_839, %scan3A_446 : i32
        %get3A_841 = arith.index_cast %add3A_840 : i32 to index
        %get3A_842 = arith.constant 208 : index
        %get3A_843 = tpu.vector_load %arg15[%get3A_841, %get3A_842] {strides = array<i32>} : memref<128x256xf32, #tpu.memory_space<vmem>>, vector<16xf32>,
        %mul3A_844 = arith.mulf %gather3A_462, %get3A_843 : vector<16xf32>
        %add3A_845 = arith.constant 96 : i32
        %add3A_846 = arith.addi %add3A_845, %scan3A_446 : i32
        %get3A_847 = arith.index_cast %add3A_846 : i32 to index
        %get3A_848 = arith.constant 208 : index
        %get3A_849 = tpu.vector_load %arg15[%get3A_847, %get3A_848] {strides = array<i32>} : memref<128x256xf32, #tpu.memory_space<vmem>>, vector<16xf32>,
        %mul3A_850 = arith.mulf %gather3A_465, %get3A_849 : vector<16xf32>
        %add3A_851 = arith.addf %mul3A_844, %mul3A_850 : vector<16xf32>
        %add3A_852 = arith.addf %add3A_838, %add3A_851 : vector<16xf32>
        %swap3A_853 = arith.index_cast %scan3A_446 : i32 to index
        %swap3A_854 = arith.constant 208 : index
        %swap3A_855 = tpu.vector_load %arg17[%swap3A_853, %swap3A_854] {strides = array<i32>} : memref<32x256xf32, #tpu.memory_space<vmem>>, vector<16xf32>,
        tpu.vector_store %arg17[%swap3A_853, %swap3A_854], %add3A_852 {strides = array<i32>} : memref<32x256xf32, #tpu.memory_space<vmem>>, vector<16xf32>,
        %get3A_856 = arith.index_cast %scan3A_446 : i32 to index
        %get3A_857 = arith.constant 224 : index
        %get3A_858 = tpu.vector_load %arg15[%get3A_856, %get3A_857] {strides = array<i32>} : memref<128x256xf32, #tpu.memory_space<vmem>>, vector<16xf32>,
        %mul3A_859 = arith.mulf %gather3A_456, %get3A_858 : vector<16xf32>
        %add3A_860 = arith.constant 32 : i32
        %add3A_861 = arith.addi %add3A_860, %scan3A_446 : i32
        %get3A_862 = arith.index_cast %add3A_861 : i32 to index
        %get3A_863 = arith.constant 224 : index
        %get3A_864 = tpu.vector_load %arg15[%get3A_862, %get3A_863] {strides = array<i32>} : memref<128x256xf32, #tpu.memory_space<vmem>>, vector<16xf32>,
        %mul3A_865 = arith.mulf %gather3A_459, %get3A_864 : vector<16xf32>
        %add3A_866 = arith.addf %mul3A_859, %mul3A_865 : vector<16xf32>
        %add3A_867 = arith.constant 64 : i32
        %add3A_868 = arith.addi %add3A_867, %scan3A_446 : i32
        %get3A_869 = arith.index_cast %add3A_868 : i32 to index
        %get3A_870 = arith.constant 224 : index
        %get3A_871 = tpu.vector_load %arg15[%get3A_869, %get3A_870] {strides = array<i32>} : memref<128x256xf32, #tpu.memory_space<vmem>>, vector<16xf32>,
        %mul3A_872 = arith.mulf %gather3A_462, %get3A_871 : vector<16xf32>
        %add3A_873 = arith.constant 96 : i32
        %add3A_874 = arith.addi %add3A_873, %scan3A_446 : i32
        %get3A_875 = arith.index_cast %add3A_874 : i32 to index
        %get3A_876 = arith.constant 224 : index
        %get3A_877 = tpu.vector_load %arg15[%get3A_875, %get3A_876] {strides = array<i32>} : memref<128x256xf32, #tpu.memory_space<vmem>>, vector<16xf32>,
        %mul3A_878 = arith.mulf %gather3A_465, %get3A_877 : vector<16xf32>
        %add3A_879 = arith.addf %mul3A_872, %mul3A_878 : vector<16xf32>
        %add3A_880 = arith.addf %add3A_866, %add3A_879 : vector<16xf32>
        %swap3A_881 = arith.index_cast %scan3A_446 : i32 to index
        %swap3A_882 = arith.constant 224 : index
        %swap3A_883 = tpu.vector_load %arg17[%swap3A_881, %swap3A_882] {strides = array<i32>} : memref<32x256xf32, #tpu.memory_space<vmem>>, vector<16xf32>,
        tpu.vector_store %arg17[%swap3A_881, %swap3A_882], %add3A_880 {strides = array<i32>} : memref<32x256xf32, #tpu.memory_space<vmem>>, vector<16xf32>,
        %get3A_884 = arith.index_cast %scan3A_446 : i32 to index
        %get3A_885 = arith.constant 240 : index
        %get3A_886 = tpu.vector_load %arg15[%get3A_884, %get3A_885] {strides = array<i32>} : memref<128x256xf32, #tpu.memory_space<vmem>>, vector<16xf32>,
        %mul3A_887 = arith.mulf %gather3A_456, %get3A_886 : vector<16xf32>
        %add3A_888 = arith.constant 32 : i32
        %add3A_889 = arith.addi %add3A_888, %scan3A_446 : i32
        %get3A_890 = arith.index_cast %add3A_889 : i32 to index
        %get3A_891 = arith.constant 240 : index
        %get3A_892 = tpu.vector_load %arg15[%get3A_890, %get3A_891] {strides = array<i32>} : memref<128x256xf32, #tpu.memory_space<vmem>>, vector<16xf32>,
        %mul3A_893 = arith.mulf %gather3A_459, %get3A_892 : vector<16xf32>
        %add3A_894 = arith.addf %mul3A_887, %mul3A_893 : vector<16xf32>
        %add3A_895 = arith.constant 64 : i32
        %add3A_896 = arith.addi %add3A_895, %scan3A_446 : i32
        %get3A_897 = arith.index_cast %add3A_896 : i32 to index
        %get3A_898 = arith.constant 240 : index
        %get3A_899 = tpu.vector_load %arg15[%get3A_897, %get3A_898] {strides = array<i32>} : memref<128x256xf32, #tpu.memory_space<vmem>>, vector<16xf32>,
        %mul3A_900 = arith.mulf %gather3A_462, %get3A_899 : vector<16xf32>
        %add3A_901 = arith.constant 96 : i32
        %add3A_902 = arith.addi %add3A_901, %scan3A_446 : i32
        %get3A_903 = arith.index_cast %add3A_902 : i32 to index
        %get3A_904 = arith.constant 240 : index
        %get3A_905 = tpu.vector_load %arg15[%get3A_903, %get3A_904] {strides = array<i32>} : memref<128x256xf32, #tpu.memory_space<vmem>>, vector<16xf32>,
        %mul3A_906 = arith.mulf %gather3A_465, %get3A_905 : vector<16xf32>
        %add3A_907 = arith.addf %mul3A_900, %mul3A_906 : vector<16xf32>
        %add3A_908 = arith.addf %add3A_894, %add3A_907 : vector<16xf32>
        %swap3A_909 = arith.index_cast %scan3A_446 : i32 to index
        %swap3A_910 = arith.constant 240 : index
        %swap3A_911 = tpu.vector_load %arg17[%swap3A_909, %swap3A_910] {strides = array<i32>} : memref<32x256xf32, #tpu.memory_space<vmem>>, vector<16xf32>,
        tpu.vector_store %arg17[%swap3A_909, %swap3A_910], %add3A_908 {strides = array<i32>} : memref<32x256xf32, #tpu.memory_space<vmem>>, vector<16xf32>,
      }
      %scan3A_433 = arith.constant 32 : i32
      %mul3A_434 = arith.constant 32 : i32
      %mul3A_435 = arith.muli %add3A_416, %mul3A_434 : i32
      %add3A_436 = arith.addi %add3A_357, %mul3A_435 : i32
      %dma_start3A_437 = arith.constant 0 : i32
      %dma_start3A_438 = tpu.memref_slice %arg4[%add3A_436, %dma_start3A_437] : memref<8192x256xf32, #tpu.memory_space<hbm>> -> memref<32x256xf32, #tpu.memory_space<hbm>>
      %dma_start3A_439 = arith.constant 0 : i32
      %dma_start3A_440 = tpu.memref_slice %arg4[%add3A_436, %dma_start3A_439] : memref<8192x256xf32, #tpu.memory_space<hbm>> -> memref<32x256xf32, #tpu.memory_space<hbm>>
      tpu.enqueue_dma source(%arg17 : memref<32x256xf32, #tpu.memory_space<vmem>>) target(%dma_start3A_440 : memref<32x256xf32, #tpu.memory_space<hbm>>) target_semaphore(%arg22 : memref<!tpu.dma_semaphore, #tpu.memory_space<semaphore_mem>>)
      %lt3A_441 = arith.constant 3 : i32
      %lt3A_442 = arith.cmpi slt, %scan3A_382, %lt3A_441 : i32
      %convert_element_type3A_443 = arith.extui %lt3A_442 : i1 to i32
      %cond3A_444 = arith.constant 0 : i32
      %cond3A_445 = arith.cmpi ne, %convert_element_type3A_443, %cond3A_444 : i32
      scf.if %cond3A_445 {
        %add3A_446 = arith.constant 2 : i32
        %add3A_447 = arith.addi %add3A_416, %add3A_446 : i32
        %dma_start3A_448 = arith.constant 0 : i32
        %dma_start3A_449 = tpu.memref_slice %arg13[%add3A_447, %dma_start3A_448] : memref<8x128xi32, #tpu.memory_space<vmem>> -> memref<1x128xi32, #tpu.memory_space<vmem>>
        %dma_start3A_450 = tpu.memref_squeeze %dma_start3A_449 : memref<1x128xi32, #tpu.memory_space<vmem>> -> memref<128xi32, #tpu.memory_space<vmem>>
        %dma_start3A_451 = arith.constant 0 : i32
        %dma_start3A_452 = arith.constant 0 : i32
        %dma_start3A_453 = tpu.memref_slice %arg3[%dma_start3A_451, %dma_start3A_452] : memref<8192x256xf32, #tpu.memory_space<hbm>> -> memref<8192x256xf32, #tpu.memory_space<hbm>>
        tpu.enqueue_indirect_dma source(%dma_start3A_453 : memref<8192x256xf32, #tpu.memory_space<hbm>>) target(%arg15 : memref<128x256xf32, #tpu.memory_space<vmem>>) offsets(%dma_start3A_450 : memref<128xi32, #tpu.memory_space<vmem>>) semaphore(%arg20 : memref<!tpu.dma_semaphore, #tpu.memory_space<semaphore_mem>>)
      } else {
      }
    }
    %scan3A_363 = arith.constant 4 : i32
    %add3A_364 = arith.constant 192 : i32
    %add3A_365 = arith.addi %add3A_357, %add3A_364 : i32
    %dma_wait3A_366 = arith.constant 0 : i32
    %dma_wait3A_367 = tpu.memref_slice %arg4[%add3A_365, %dma_wait3A_366] : memref<8192x256xf32, #tpu.memory_space<hbm>> -> memref<32x256xf32, #tpu.memory_space<hbm>>
    %dma_wait3A_368 = arith.constant 0 : i32
    %dma_wait3A_369 = tpu.memref_slice %arg4[%add3A_365, %dma_wait3A_368] : memref<8192x256xf32, #tpu.memory_space<hbm>> -> memref<32x256xf32, #tpu.memory_space<hbm>>
    tpu.wait_dma2 semaphore(%arg21 : memref<!tpu.dma_semaphore, #tpu.memory_space<semaphore_mem>>) src(%arg16 : memref<32x256xf32, #tpu.memory_space<vmem>>) dst(%dma_wait3A_369 : memref<32x256xf32, #tpu.memory_space<hbm>>)
    %add3A_370 = arith.constant 224 : i32
    %add3A_371 = arith.addi %add3A_357, %add3A_370 : i32
    %dma_wait3A_372 = arith.constant 0 : i32
    %dma_wait3A_373 = tpu.memref_slice %arg4[%add3A_371, %dma_wait3A_372] : memref<8192x256xf32, #tpu.memory_space<hbm>> -> memref<32x256xf32, #tpu.memory_space<hbm>>
    %dma_wait3A_374 = arith.constant 0 : i32
    %dma_wait3A_375 = tpu.memref_slice %arg4[%add3A_371, %dma_wait3A_374] : memref<8192x256xf32, #tpu.memory_space<hbm>> -> memref<32x256xf32, #tpu.memory_space<hbm>>
    tpu.wait_dma2 semaphore(%arg22 : memref<!tpu.dma_semaphore, #tpu.memory_space<semaphore_mem>>) src(%arg17 : memref<32x256xf32, #tpu.memory_space<vmem>>) dst(%dma_wait3A_375 : memref<32x256xf32, #tpu.memory_space<hbm>>)
    %mul3A_376 = arith.constant 256 : i32
    %mul3A_377 = arith.muli %select_n3A_30, %mul3A_376 : i32
    %dma_wait3A_378 = tpu.memref_slice %arg5[%add3A_33, %mul3A_377] : memref<16x512xf32, #tpu.memory_space<hbm>> -> memref<1x256xf32, #tpu.memory_space<hbm>>
    %dma_wait3A_379 = tpu.memref_squeeze %dma_wait3A_378 : memref<1x256xf32, #tpu.memory_space<hbm>> -> memref<256xf32, #tpu.memory_space<hbm>>
    %dma_wait3A_380 = tpu.memref_slice %arg5[%add3A_33, %mul3A_377] : memref<16x512xf32, #tpu.memory_space<hbm>> -> memref<1x256xf32, #tpu.memory_space<hbm>>
    %dma_wait3A_381 = tpu.memref_squeeze %dma_wait3A_380 : memref<1x256xf32, #tpu.memory_space<hbm>> -> memref<256xf32, #tpu.memory_space<hbm>>
    tpu.wait_dma2 semaphore(%arg23 : memref<!tpu.dma_semaphore, #tpu.memory_space<semaphore_mem>>) src(%arg11 : memref<256xf32, #tpu.memory_space<vmem>>) dst(%dma_wait3A_381 : memref<256xf32, #tpu.memory_space<hbm>>)
    return
  }
}

</mosaic_0001>

<sc_bundles>
// kernel: kernel.3.cloned.1.call-start
scs
__scs_entry_jumppad:
0x0: {  	(pc) =	sbr.rel $0x88, $3  }
0x1: {  	(tag) =	ssettag $0x0;
	lr =	simm.s32 $0x1  }
0x2: {  	[smem:$0x3F9F] =	sst lr;
	_ =	strace $0xD0000000  }
0x3: {  	_ = 	snop  }
0x4: {  	_ = 	snop  }
0x5: {  	_ = 	snop  }
0x6: {  	_ = 	snop  }
0x7: {  	_ = 	snop  }
__scs_overlays_trampoline_lowered:
0x8: {  	[smem:$0x3FAE] =	sst s0  }
0x9: {  	[smem:$0x3FAF] =	sst s1  }
0xa: {  	[smem:$0x3FB0] =	sst s2  }
0xb: {  	[smem:$0x3FB1] =	sst s3  }
0xc: {  	[smem:$0x3FB2] =	sst s4  }
0xd: {  	[smem:$0x3FB3] =	sst s5  }
0xe: {  	[smem:$0x3FB4] =	sst s6  }
0xf: {  	[smem:$0x3FB5] =	sst s7  }
0x10: {  	[smem:$0x3FB6] =	sst s8  }
0x11: {  	[smem:$0x3FB7] =	sst s9;
	s0 =	simm.s32 @!p0 $0x0  }
0x12: {  	s1 =	sld [smem:$0x3F9D];
	s0 =	simm.s32 @p0 $0x1  }
0x13: {  	[smem:$0x3FB8] =	sst s0;
	s0 =	simm.s32 @!p1 $0x0  }
0x14: {  	s2 =	sld [smem:$0x3F9C];
	s0 =	simm.s32 @p1 $0x1  }
0x15: {  	[smem:$0x3FB9] =	sst s0;
	s0 =	simm.s32 @!p2 $0x0  }
0x16: {  	s3 =	sld [smem:$0x3FDB];
	s0 =	simm.s32 @p2 $0x1  }
0x17: {  	s4 =	simm.s32 $0x1BF5;
	[smem:$0x3FBB] =	sst s0  }
0x18: {  	s0 =	sld [smem:$0x3F9E];
	_ =	swait.ge [sflag:s4], $0x0  }
0x19: {  	s7 =	sld [smem:$0x3F9F]  }
0x1a: {  	s8 =	sadd.s32 $0xFFFFE003, lr  }
0x1b: {  	s9 =	sadd.s32 $0xFFFFFEF7, lr;
	s5 =	simm.s32 $0xFFFFFFFF;
	p2 =	slt.u32 s8, $0xFFFFF086  }
0x1c: {  	p1 =	slt.u32 s9, $0xF7A;
	s5 =	simm.s32 @!p2 $0x0  }
0x1d: {  	s5 =	simm.s32 @p1 $0x1;
	p0 =	seq.s32 s7, s2  }
0x1e: {  	s7 =	smul.u32 @!p0 $0xF7A, s2;
	p2 =	seq.s32 @!p0 s5, $0x0  }
0x1f: {  	s9 =	smul.u32 $0xF7A, s1;
	s8 =	simm.s32 @!p0 $0x1BF5;
	p2 =	por !p2, p0  }
0x20: {  	[sflag:s8] =	ssyncset.s32 @!p0 $0xFFFFF086;
	s6 =	sadd.s32 @!p0 s3, s7;
	s7 =	simm.s32 @!p0 $0x108  }
0x21: {  	s3 =	sadd.s32 s3, s9;
	s6 =	sadd.s32 @!p0 $0x88, s6;
	s7 =	simm.s32 @p2 $0x1082  }
0x22: {  	[simem:s7], [sflag:s8] =	dma.local @!p0 [hbm:s6], $0xF7A  }
0x23: {  	s9 =	sor.u32 $0xD0000000, s2;
	s6 =	simm.s32 $0x108;
	_ =	swait.ge @!p0 [sflag:s8], $0x0  }
0x24: {  	s3 =	sadd.s32 $0x88, s3;
	s6 =	simm.s32 @!p1 $0x1082;
	[sflag:s4] =	ssyncset.s32 $0xFFFFF086  }
0x25: {  	[simem:s6], [sflag:s4] =	dma.local [hbm:s3], $0xF7A  }
0x26: {  	[smem:$0x3F9F] =	sst s1;
	(tag) =	ssettag s2;
	_ =	strace s9  }
0x27: {  	s1 =	sld [smem:$0x3FAF]  }
0x28: {  	s2 =	sld [smem:$0x3FB0]  }
0x29: {  	s4 =	sld [smem:$0x3FB2]  }
0x2a: {  	p0 =	seq.s32 s5, $0x0;
	s5 =	sld [smem:$0x3FB3]  }
0x2b: {  	s6 =	sld [smem:$0x3FB4]  }
0x2c: {  	s7 =	sld [smem:$0x3FB5]  }
0x2d: {  	s3 =	simm.s32 $0x108;
	s8 =	sld [smem:$0x3FB6]  }
0x2e: {  	s3 =	simm.s32 @!p0 $0x1082;
	s9 =	sld [smem:$0x3FB7]  }
0x2f: {  	lr =	sadd.s32 s0, s3;
	s0 =	sld [smem:$0x3FAE]  }
0x30: {  	s3 =	sld [smem:$0x3FB1]  }
0x31: {  	[smem:$0x3FBA] =	sst s10  }
0x32: {  	s10 =	sld [smem:$0x3FB8];
	_ =	sdelay $0x3  }
0x33: {  	p0 =	seq.s32 s10, $0x1;
	s10 =	sld [smem:$0x3FBA];
	_ =	sdelay $0x3  }
0x34: {  	[smem:$0x3FBA] =	sst s10  }
0x35: {  	s10 =	sld [smem:$0x3FB9];
	_ =	sdelay $0x3  }
0x36: {  	p1 =	seq.s32 s10, $0x1;
	s10 =	sld [smem:$0x3FBA];
	_ =	sdelay $0x3  }
0x37: {  	[smem:$0x3FBA] =	sst s10  }
0x38: {  	s10 =	sld [smem:$0x3FBB]  }
0x39: {  	_ = 	snop;
	(pc) =	sbr.ind lr, $3  }
0x3a: {  	_ = 	snop  }
0x3b: {  	_ = 	snop  }
0x3c: {  	p2 =	seq.s32 s10, $0x1;
	s10 =	sld [smem:$0x3FBA]  }
0x3d: {  	_ =	shalt  }
0x3e: {  	_ =	shalt  }
0x3f: {  	_ =	shalt  }
0x40: {  	_ =	shalt  }
0x41: {  	_ =	shalt  }
0x42: {  	_ =	shalt  }
0x43: {  	_ =	shalt  }
0x44: {  	_ =	shalt  }
0x45: {  	_ =	shalt  }
0x46: {  	_ =	shalt  }
0x47: {  	_ =	shalt  }
0x48: {  	_ =	shalt  }
0x49: {  	_ =	shalt  }
0x4a: {  	_ =	shalt  }
0x4b: {  	_ =	shalt  }
0x4c: {  	_ =	shalt  }
0x4d: {  	_ =	shalt  }
0x4e: {  	_ =	shalt  }
0x4f: {  	_ =	shalt  }
0x50: {  	_ =	shalt  }
0x51: {  	_ =	shalt  }
0x52: {  	_ =	shalt  }
0x53: {  	_ =	shalt  }
0x54: {  	_ =	shalt  }
0x55: {  	_ =	shalt  }
0x56: {  	_ =	shalt  }
0x57: {  	_ =	shalt  }
0x58: {  	_ =	shalt  }
0x59: {  	_ =	shalt  }
0x5a: {  	_ =	shalt  }
0x5b: {  	_ =	shalt  }
0x5c: {  	_ =	shalt  }
0x5d: {  	_ =	shalt  }
0x5e: {  	_ =	shalt  }
0x5f: {  	_ =	shalt  }
0x60: {  	_ =	shalt  }
0x61: {  	_ =	shalt  }
0x62: {  	_ =	shalt  }
0x63: {  	_ =	shalt  }
0x64: {  	_ =	shalt  }
0x65: {  	_ =	shalt  }
0x66: {  	_ =	shalt  }
0x67: {  	_ =	shalt  }
0x68: {  	_ =	shalt  }
0x69: {  	_ =	shalt  }
0x6a: {  	_ =	shalt  }
0x6b: {  	_ =	shalt  }
0x6c: {  	_ =	shalt  }
0x6d: {  	_ =	shalt  }
0x6e: {  	_ =	shalt  }
0x6f: {  	_ =	shalt  }
0x70: {  	_ =	shalt  }
0x71: {  	_ =	shalt  }
0x72: {  	_ =	shalt  }
0x73: {  	_ =	shalt  }
0x74: {  	_ =	shalt  }
0x75: {  	_ =	shalt  }
0x76: {  	_ =	shalt  }
0x77: {  	_ =	shalt  }
0x78: {  	_ =	shalt  }
0x79: {  	_ =	shalt  }
0x7a: {  	_ =	shalt  }
0x7b: {  	_ =	shalt  }
0x7c: {  	_ =	shalt  }
0x7d: {  	_ =	shalt  }
0x7e: {  	_ =	shalt  }
0x7f: {  	_ =	shalt  }
0x80: {  	_ =	shalt  }
0x81: {  	_ =	shalt  }
0x82: {  	_ =	shalt  }
0x83: {  	_ =	shalt  }
0x84: {  	_ =	shalt  }
0x85: {  	_ =	shalt  }
0x86: {  	_ =	shalt  }
0x87: {  	_ =	shalt  }
.Lfunc_end0:
.L_simem_size_0:
called_computation_lowered:
.L_overlay_start_0:
0x88: {  	s2 =	sld [smem:$0x3FD9]  }
0x89: {  	s3 =	sld [smem:$0x3FFE];
	_ =	sdelay $0x1  }
0x8a: {  	s1 =	srdreg.scid  }
0x8b: {  	s0 =	sand.u32 $0x1, s1  }
0x8c: {  	s14 =	sshll.u32 s0, $0xA;
	s2 =	sadd.s32 s3, s2  }
0x8d: {  	s2 =	sadd.s32 s2, s14  }
0x8e: {  	[smem:$0x3FC6] =	sst s2  }
0x8f: {  	_ = 	snop  }
0x90: {  	s2 =	sld [smem:$0x3FD0];
	_ =	sdelay $0x2  }
0x91: {  	s4 =	simm.s32 $0xA;
	s5 =	simm.s32 $0x10;
	s15 =	sld [smem:$0x3FC9]  }
0x92: {  	[smem:s5], [sflag:s4] =	dma.local [hbm:s2], $0x1  }
0x93: {  	_ =	swait.eq [sflag:s4], $0x1  }
0x94: {  	[sflag:s4] =	ssyncset.done $0x0  }
0x95: {  	s16 =	sld [smem:$0x10];
	[sflag:s4] =	ssyncadd.s32 $0xFFFFFFFF  }
0x96: {  	s17 =	sld [smem:$0x11];
	(tm) =	ssettm $0x1  }
0x97: {  	s18 =	sld [smem:$0x3FFB];
	_ =	sdelay $0x3  }
0x98: {  	_ =	strace s18  }
0x99: {  	s5 =	sld [smem:$0x3FFC];
	_ =	sdelay $0x3  }
0x9a: {  	_ =	strace s5  }
0x9b: {  	s5 =	sld [smem:$0x3FFD];
	_ =	sdelay $0x3  }
0x9c: {  	_ =	strace s5  }
0x9d: {  	_ =	strace $0x8FFFFFFF  }
0x9e: {  	s19 =	sld [smem:$0x3FDB];
	_ =	sdelay $0x1  }
0x9f: {  	s6 =	simm.s32 $_scs_section_size  }
0xa0: {  	s7 =	simm.s32 $_size__tile_overlayer_lowered;
	s8 =	simm.s32 $_tile_overlayer_lowered  }
0xa1: {  	s22 =	simm.s32 $0x1BFF;
	s21 =	sshll.u32 s8, $0x1;
	s5 =	sadd.s32 s6, s19  }
0xa2: {  	s9 =	simm.s32 $0x0;
	s20 =	sshll.u32 s7, $0x1;
	s7 =	sadd.s32 s21, s5  }
0xa3: {  	[timem:s9], [sflag:s22] =	dma.local [hbm:s7], s20  }
0xa4: {  	_ =	swait.ge [sflag:s22], s20  }
0xa5: {  	s6 =	ssub.s32 $0x0, s20;
	[sflag:s22] =	ssyncset.done $0x0  }
0xa6: {  	[sflag:s22] =	ssyncadd.s32 s6;
	_ =	sdelay $0x1  }
0xa7: {  	s23 =	simm.s32 $0x1B8B  }
0xa8: {  	_ =	swait.ge [sflag:s23], $0x1  }
0xa9: {  	[sflag:s23] =	ssyncset.done $0x0  }
0xaa: {  	s25 =	simm.s32 $0x1B8E;
	s24 =	sld [smem:$0x3FFE];
	[sflag:s23] =	ssyncadd.s32 $0xFFFFFFFF  }
0xab: {  	s26 =	simm.s32 $execute0_lowered;
	[smem:$0x3FD2] =	sst s25  }
0xac: {  	s7 =	sshll.u32 s26, $0x1;
	_ =	strace $0x80000046;
	[dreg:$0x1] =	wrdreg $0xFFFFFFFF  }
0xad: {  	s28 =	simm.s32 $_size_execute0_lowered;
	s5 =	sadd.s32 s5, s7;
	[dreg:$0x0] =	wrdreg $0x0  }
0xae: {  	s7 =	sshll.u32 s28, $0x1;
	[dreg:$0x2] =	wrdreg s5  }
0xaf: {  	[dreg:$0x3] =	wrdreg s7  }
0xb0: {  	[dreg:$0x4] =	wrdreg $0xC0  }
0xb1: {  	_ =	task [dreg:s9], $0x5FFFF  }
0xb2: {  	[dreg:$0x1] =	wrdreg $0xFFFFFFFF  }
0xb3: {  	[dreg:$0x0] =	wrdreg $0x60  }
0xb4: {  	[dreg:$0x2] =	wrdreg s24  }
0xb5: {  	[dreg:$0x3] =	wrdreg s15  }
0xb6: {  	[dreg:$0x4] =	wrdreg s16  }
0xb7: {  	[dreg:$0x5] =	wrdreg s17  }
0xb8: {  	[dreg:$0x6] =	wrdreg $0x15D000  }
0xb9: {  	[dreg:$0x7] =	wrdreg $0x9  }
0xba: {  	_ =	task.clear_ibuf [dreg:s9], $0x8FFFF;
	_ =	strace $0x90000046  }
0xbb: {  	s29 =	simm.s32 $0x9;
	_ =	strace $0x80000048  }
0xbc: {  	_ =	swait.ge [sflag:s29], $0x1  }
0xbd: {  	[sflag:s29] =	ssyncadd.s32 $0xFFFFFFFF  }
0xbe: {  	_ =	strace $0x90000048  }
0xbf: {  	_ =	sfence  }
0xc0: {  	s30 =	sld [smem:$0x0];
	_ =	sdelay $0x2  }
0xc1: {  	s31 =	sshll.u32 s1, $0xD;
	s1 =	sshrl.u32 s1, $0x2  }
0xc2: {  	s3 =	sand.u32 $0x4000, s31;
	s1 =	sadd.s32 s1, s30  }
0xc3: {  	s0 =	sor.u32 s3, s0;
	s1 =	sshll.u32 s1, $0x11  }
0xc4: {  	s0 =	sor.u32 s1, s0  }
0xc5: {  	s0 =	sadd.s32 $0x8F2B, s0  }
0xc6: {  	[sflag:s0] =	ssyncadd.remote.s32 $0x1  }
0xc7: {  	_ =	sfence.sel $0xFFFF  }
0xc8: {  	[dreg:$0x0] =	wrdreg $0xFFFFFFFF;
	(pc) =	sbr.abs _section_cstart, $3  }
0xc9: {  	[dreg:$0x1] =	wrdreg $0xFFFFFFFF  }
0xca: {  	_ =	task.clear_ibuf [dreg:s9], $0x2FFFF;
	_ =	strace $0x9FFFFFFF  }
0xcb: {  	(tm) =	ssettm $0x7FFFFFFF  }
tec
execute0_lowered:
.L_overlay_start_1:
0x0: {  	(tag) =	ssettag $0x1  }
0x1: {  	s0 =	rddreg [dreg:$0x0]  }
0x2: {  	s1 =	rddreg [dreg:$0x1]  }
0x3: {  	s3 =	rddreg [dreg:$0x2]  }
0x4: {  	s2 =	srdreg.scid;
	s5 =	rddreg [dreg:$0x3]  }
0x5: {  	s14 =	stileid.u32;
	s9 =	rddreg [dreg:$0x4]  }
0x6: {  	s28 =	simm.s32 $0xC500;
	s29 =	simm.s32 $0xCD00;
	s30 =	simm.s32 $0xD500  }
0x7: {  	s7 =	sand.u32 $0x1, s2;
	s2 =	sshll.u32 s14, $0xA;
	s8 =	sshll.u32 s14, $0x8  }
0x8: {  	s23 =	sshrl.u32 s14, $0x1;
	s14 =	sand.u32 $0x1, s14;
	s4 =	sshll.u32 s7, $0xE  }
0x9: {  	s6 =	sand.u32 $0x3000, s2;
	s11 =	sand.u32 $0x300, s8;
	s12 =	ssub.s32 $0x2, s7  }
0xa: {  	s13 =	sshll.u32 s7, $0x3;
	s8 =	sand.u32 $0x200, s8;
	s7 =	sshll.u32 s7, $0x9  }
0xb: {  	s10 =	sor.u32 s4, s6;
	s4 =	simm.s32 $0x0;
	s6 =	sadd.s32 s6, s9  }
0xc: {  	s18 =	sshll.u32 s14, $0x8;
	[smem:$0x7FF] =	sst s4;
	s15 =	sadd.s32 s11, s6  }
0xd: {  	s16 =	sadd.s32 s8, s6;
	_ =	strace $0x80000047;
	[dreg:$0x7] =	wrdreg s15  }
0xe: {  	s21 =	sshll.u32 s23, $0x4;
	s26 =	sadd.s32 $0x80, s15;
	[dreg:$0xa] =	wrdreg s16  }
0xf: {  	s5 =	sadd.s32 s5, s7;
	s6 =	sadd.s32 $0x80, s16;
	[dreg:$0x9] =	wrdreg s26  }
0x10: {  	s10 =	sor.u32 s11, s10;
	s11 =	sadd.s32 $0x100, s16;
	[dreg:$0xb] =	wrdreg s6  }
0x11: {  	s5 =	sadd.s32 s18, s5;
	s17 =	sadd.s32 $0x180, s16;
	[dreg:$0xc] =	wrdreg s11  }
0x12: {  	s31 =	simm.s32 $0xDD00;
	s5 =	sadd.s32 s21, s5;
	[dreg:$0xd] =	wrdreg s17  }
0x13: {  	s19 =	sshll.u32 s14, $0xD;
	s8 =	sadd.s32 $0x800, s15;
	[dreg:$0xe] =	wrdreg s5  }
0x14: {  	s13 =	sor.u32 s23, s13;
	s9 =	sadd.s32 $0xC00, s15;
	[dreg:$0x17] =	wrdreg s8  }
0x15: {  	s20 =	sshll.u32 s13, $0xE;
	s18 =	sadd.s32 $0x480, s16;
	[dreg:$0x18] =	wrdreg s9  }
0x16: {  	s7 =	sor.u32 s19, s20;
	s19 =	sadd.s32 $0x880, s16;
	[dreg:$0x1f] =	wrdreg s18  }
0x17: {  	s22 =	sshrl.u32 s12, $0x1;
	s20 =	sadd.s32 $0xC80, s16;
	[smem:$0x7F6] =	sst s19  }
0x18: {  	s10 =	sshrl.u32 s10, $0x3;
	s21 =	sadd.s32 $0x500, s16;
	[smem:$0x7F7] =	sst s20  }
0x19: {  	s14 =	sadd.s32 s3, s7;
	s7 =	sadd.s32 $0x400, s15;
	[smem:$0x7F8] =	sst s21  }
0x1a: {  	s0 =	sadd.s32 s10, s0;
	s11 =	sadd.s32 $0x880, s15;
	[dreg:$0x16] =	wrdreg s7  }
0x1b: {  	s10 =	ssub.s32 s12, s22;
	s12 =	sadd.s32 $0xC80, s15;
	[dreg:$0x1a] =	wrdreg s11  }
0x1c: {  	s6 =	sshll.u32 s13, $0x9;
	s13 =	sadd.s32 $0x400, s16;
	[dreg:$0x1b] =	wrdreg s12  }
0x1d: {  	s17 =	sadd.s32 $0xC00, s16;
	s18 =	simm.s32 $0x2;
	[dreg:$0x1c] =	wrdreg s13  }
0x1e: {  	s19 =	simm.s32 $0x3;
	s24 =	sadd.s32 $0x800, s0;
	[dreg:$0x1e] =	wrdreg s17  }
0x1f: {  	s20 =	simm.s32 $0x4;
	s25 =	sadd.s32 $0x810, s0;
	[dreg:$0x6] =	wrdreg s24  }
0x20: {  	s21 =	simm.s32 $0xC00;
	s22 =	smax.u32 s10, $0x1;
	[dreg:$0x8] =	wrdreg s25  }
0x21: {  	s3 =	simm.s32 $0xE500;
	s23 =	sadd.s32 $0x880, s0;
	[dreg:$0xf] =	wrdreg s22  }
0x22: {  	s8 =	simm.s32 $0x10500;
	s26 =	sadd.s32 $0x890, s0;
	[dreg:$0x10] =	wrdreg s23  }
0x23: {  	s5 =	sadd.s32 $0x910, s0;
	s10 =	sadd.s32 $0x480, s15;
	[dreg:$0x13] =	wrdreg s26  }
0x24: {  	s15 =	sadd.s32 $0x800, s16;
	s17 =	simm.s32 $0x400;
	[dreg:$0x14] =	wrdreg s5  }
0x25: {  	s7 =	simm.s32 $0xFD00;
	s11 =	simm.s32 $0x11500;
	[dreg:$0x19] =	wrdreg s10  }
0x26: {  	s12 =	simm.s32 $0x1500;
	s24 =	sadd.s32 $0x900, s0;
	[dreg:$0x1d] =	wrdreg s15  }
0x27: {  	s13 =	simm.s32 $0x0;
	s25 =	sadd.s32 $0x980, s0;
	[dreg:$0x11] =	wrdreg s24  }
0x28: {  	v1 =	vlaneseq.u32;
	v18 =	vimm.s32 $0x1FF;
	s0 =	sadd.s32 $0x990, s0;
	s22 =	sadd.s32 $0x900, s16;
	[dreg:$0x12] =	wrdreg s25  }
0x29: {  	v19 =	vimm.s32 $0x1;
	v3 =	vadd.s32 $0xFFFFFFF8, v1;
	v4 =	vadd.s32 $0xFFFFFFF9, v1;
	s23 =	sadd.s32 $0xD00, s16;
	s26 =	sadd.s32 $0xD80, s16;
	[dreg:$0x15] =	wrdreg s0  }
.Ltmp0:
0x2a: {  	v5 =	vadd.s32 $0xFFFFFFFA, v1;
	v6 =	vadd.s32 $0xFFFFFFFB, v1;
	v7 =	vadd.s32 $0xFFFFFFFC, v1;
	s15 =	simm.s32 $0x1;
	[smem:$0x7F9] =	sst s22;
	(pc) =	sbr.rel .LBB2_1-.Ltmp0, $4  }
0x2b: {  	v8 =	vadd.s32 $0xFFFFFFFD, v1;
	v9 =	vadd.s32 $0xFFFFFFFE, v1;
	v10 =	vadd.s32 $0xFFFFFFFF, v1;
	s5 =	simm.s32 $0xF500;
	s10 =	simm.s32 $0x10D00;
	[smem:$0x7FA] =	sst s23  }
0x2c: {  	v11 =	vadd.s32 $0x1, v1;
	v12 =	vadd.s32 $0x2, v1;
	v13 =	vadd.s32 $0x3, v1;
	s24 =	sadd.s32 $0x580, s16;
	s25 =	sadd.s32 $0x980, s16;
	[smem:$0x7FD] =	sst s26  }
0x2d: {  	v14 =	vadd.s32 $0x4, v1;
	v15 =	vadd.s32 $0x5, v1;
	v0 =	vmov s6;
	s23 =	simm.s32 $0x80;
	s16 =	simm.s32 $0x600;
	[smem:$0x7FB] =	sst s24  }
0x2e: {  	v16 =	vadd.s32 $0x6, v1;
	v17 =	vadd.s32 $0x7, v1;
	v2 =	vor.u32 $0x2, v0;
	s26 =	simm.s32 $0xBD00;
	s0 =	simm.s32 $0xED00;
	[smem:$0x7FC] =	sst s25  }
.LBB2_28:
0x2f: {  	s19 =	simm.s32 $0x3  }
0x30: {  	_ =	swait.ge [sflag:s19], $0x2000  }
0x31: {  	[sflag:s19] =	ssyncset.done $0x0  }
0x32: {  	s20 =	simm.s32 $0x4;
	[sflag:s19] =	ssyncadd.s32 $0xFFFFE000  }
0x33: {  	_ =	swait.ge [sflag:s20], $0x2000  }
0x34: {  	[sflag:s20] =	ssyncset.done $0x0  }
0x35: {  	s9 =	simm.s32 $0x5;
	[sflag:s20] =	ssyncadd.s32 $0xFFFFE000  }
0x36: {  	_ =	swait.ge [sflag:s9], $0x100  }
0x37: {  	s13 =	sld [smem:$0x7F5];
	_ =	sdelay $0x2  }
0x38: {  	s6 =	rddreg [dreg:$0xf];
	s13 =	sadd.s32 $0x1, s13  }
0x39: {  	p0 =	sne.s32 s13, s6  }
.Ltmp1:
0x3a: {  	_ = 	snop;
	(pc) =	sbr.rel @!p0 .LBB2_29-.Ltmp1, $3  }
0x3b: {  	_ =	sdelay $0x1  }
0x3c: {  	[sflag:s9] =	ssyncset.done $0x0  }
0x3d: {  	s23 =	simm.s32 $0x80;
	[sflag:s9] =	ssyncadd.s32 $0xFFFFFF00  }
.LBB2_1:
0x3e: {  	v20 =	vadd.s32 s4, v17  }
0x3f: {  	v24 =	vadd.s32 s4, v15;
	v23 =	vadd.s32 s4, v16;
	v25 =	vadd.s32 s4, v13  }
0x40: {  	v26 =	vadd.s32 s4, v14;
	v22 =	vmov s4;
	v27 =	vor.u32 s4, v1  }
0x41: {  	v28 =	vadd.s32 s4, v12;
	v21 =	vadd.s32 s4, v10;
	v29 =	vadd.s32 s4, v11  }
0x42: {  	[smem:$0x7F5] =	sst s13;
	v30 =	vadd.s32 s4, v7;
	v31 =	vadd.s32 s4, v8;
	v32 =	vadd.s32 s4, v9  }
0x43: {  	s6 =	rddreg [dreg:$0x6];
	v33 =	vadd.s32 s4, v5;
	v34 =	vadd.s32 s4, v6;
	v35 =	vadd.s32 s4, v3  }
0x44: {  	v36 =	vadd.s32 s4, v4;
	[tilespmem:s4], [sflag:$0x1] =	stream.linear.gather [hbm4b:s6+s4], $0x80, $0x38;
	vm1 =	vlt.s32 v23, $0x1FF;
	vm0 =	vlt.s32 v20, $0x1FF;
	[tilespmem:$0x16100] =	vst v63  }
0x45: {  	s25 =	rddreg [dreg:$0x10];
	s9 =	simm.s32 $0x100;
	vm4 =	vlt.s32 v25, $0x1FF;
	vm3 =	vlt.s32 v26, $0x1FF;
	vm2 =	vlt.s32 v24, $0x1FF  }
0x46: {  	vm6 =	vgt.s32 v21, $0x0;
	vm5 =	vlt.s32 v28, $0x1FF;
	vm9 =	vgt.s32 v30, $0x0;
	[tilespmem:s9], [sflag:$0x1] =	stream.linear.gather [hbm4b:s25+s4], $0x80, $0x38;
	[tilespmem:$0x16100] =	vst v63  }
0x47: {  	s13 =	rddreg [dreg:$0x11];
	s22 =	simm.s32 $0x200;
	vm8 =	vgt.s32 v31, $0x0;
	vm7 =	vgt.s32 v32, $0x0;
	vm10 =	vgt.s32 v36, $0x0  }
0x48: {  	vm11 =	vgt.s32 v34, $0x0;
	vm12 =	vgt.s32 v35, $0x0;
	v27 =	vand.u32 $0x7F, v27;
	[tilespmem:s22], [sflag:$0x1] =	stream.linear.gather [hbm4b:s13+s4], $0x80, $0x38;
	[tilespmem:$0x16100] =	vst v63  }
0x49: {  	s24 =	rddreg [dreg:$0x12];
	v63 =	vshll.u32 v22, $0x1;
	v36 =	vnsel vm10, $0x0, v36;
	vm10 =	vgt.s32 v33, $0x0;
	s25 =	simm.s32 $0x300  }
0x4a: {  	v35 =	vnsel vm12, $0x0, v35;
	v34 =	vnsel vm11, $0x0, v34;
	v30 =	vnsel vm9, $0x0, v30;
	[tilespmem:s25], [sflag:$0x1] =	stream.linear.gather [hbm4b:s24+s4], $0x80, $0x38;
	[tilespmem:$0x16100] =	vst v63  }
0x4b: {  	v31 =	vnsel vm8, $0x0, v31;
	v32 =	vnsel vm7, $0x0, v32;
	v60 =	vnsel vm6, $0x0, v21;
	s9 =	rddreg [dreg:$0x8]  }
0x4c: {  	vm6 =	vlt.s32 v29, $0x1FF;
	v39 =	vand.u32 $0x300, v63;
	v28 =	vnsel vm5, $0x1FF, v28;
	[tilespmem:s23], [sflag:$0x2] =	stream.linear.gather [hbm4b:s9+s4], $0x80, $0x38;
	[tilespmem:$0x16100] =	vst v63  }
0x4d: {  	v25 =	vnsel vm4, $0x1FF, v25;
	v26 =	vnsel vm3, $0x1FF, v26;
	v24 =	vnsel vm2, $0x1FF, v24;
	s13 =	rddreg [dreg:$0x13];
	s22 =	simm.s32 $0x180  }
0x4e: {  	v23 =	vnsel vm1, $0x1FF, v23;
	v20 =	vnsel vm0, $0x1FF, v20;
	v36 =	vmin.u32 v36, $0x1FF;
	[tilespmem:s22], [sflag:$0x2] =	stream.linear.gather [hbm4b:s13+s4], $0x80, $0x38;
	[tilespmem:$0x16100] =	vst v63  }
0x4f: {  	v37 =	vand.u32 $0x7F, v35;
	v33 =	vnsel vm10, $0x0, v33;
	v38 =	vshll.u32 v36, $0x1;
	s24 =	rddreg [dreg:$0x14];
	s25 =	simm.s32 $0x280  }
0x50: {  	v35 =	vshll.u32 v35, $0x1;
	v36 =	vand.u32 $0x7F, v36;
	v38 =	vand.u32 $0x300, v38;
	[tilespmem:s25], [sflag:$0x2] =	stream.linear.gather [hbm4b:s24+s4], $0x80, $0x38;
	[tilespmem:$0x16100] =	vst v63  }
0x51: {  	v35 =	vand.u32 $0xFFFFFF00, v35;
	v33 =	vmin.u32 v33, $0x1FF;
	v36 =	vor.u32 v36, v38;
	s13 =	rddreg [dreg:$0x15];
	s22 =	simm.s32 $0x380  }
0x52: {  	vm7 =	vne.s32 v22, v1;
	v35 =	vor.u32 v37, v35;
	v55 =	vshll.u32 v33, $0x1;
	[tilespmem:s22], [sflag:$0x2] =	stream.linear.gather [hbm4b:s13+s4], $0x80, $0x38;
	[tilespmem:$0x16100] =	vst v63  }
0x53: {  	v34 =	vmin.u32 v34, $0x1FF;
	v33 =	vand.u32 $0x7F, v33;
	v37 =	vand.u32 $0x300, v55;
	_ =	swait.ge [sflag:s15], $0x200  }
0x54: {  	v30 =	vmin.u32 v30, $0x1FF;
	v56 =	vshll.u32 v34, $0x1;
	v33 =	vor.u32 v33, v37;
	[sflag:s15] =	ssyncset.done $0x0  }
0x55: {  	v31 =	vmin.u32 v31, $0x1FF;
	v34 =	vand.u32 $0x7F, v34;
	v37 =	vand.u32 $0x300, v56;
	[sflag:s15] =	ssyncadd.s32 $0xFFFFFE00  }
0x56: {  	v32 =	vmin.u32 v32, $0x1FF;
	v57 =	vshll.u32 v30, $0x1;
	v34 =	vor.u32 v34, v37;
	v36 =	vld.idx.msk [tilespmem:v36+s4+$0x0], $0xffff  }
0x57: {  	v29 =	vnsel vm6, $0x1FF, v29;
	v30 =	vand.u32 $0x7F, v30;
	v37 =	vand.u32 $0x300, v57;
	v35 =	vld.idx.msk [tilespmem:v35+s4+$0x0], $0xffff  }
0x58: {  	v27 =	vor.u32 v27, v39;
	v58 =	vshll.u32 v31, $0x1;
	v30 =	vor.u32 v30, v37  }
0x59: {  	v42 =	vshll.u32 v28, $0x1;
	v31 =	vand.u32 $0x7F, v31;
	v37 =	vand.u32 $0x300, v58;
	v33 =	vld.idx.msk [tilespmem:v33+s4+$0x0], $0xffff  }
0x5a: {  	v28 =	vand.u32 $0x7F, v28;
	v59 =	vshll.u32 v32, $0x1;
	v31 =	vor.u32 v31, v37  }
0x5b: {  	v32 =	vand.u32 $0x7F, v32;
	v38 =	vmin.u32 v60, $0x1FF;
	v37 =	vand.u32 $0x300, v59;
	v34 =	vld.idx.msk [tilespmem:v34+s4+$0x0], $0xffff  }
0x5c: {  	v61 =	vshll.u32 v38, $0x1;
	v32 =	vor.u32 v32, v37;
	v35 =	vadd.f32 v36, v35  }
0x5d: {  	v45 =	vshll.u32 v25, $0x1;
	v62 =	vand.u32 $0x7F, v38;
	v37 =	vand.u32 $0x300, v61;
	v30 =	vld.idx.msk [tilespmem:v30+s4+$0x0], $0xffff  }
0x5e: {  	v25 =	vand.u32 $0x7F, v25;
	v36 =	vor.u32 v62, v37;
	v33 =	vadd.f32 v33, v35  }
0x5f: {  	v40 =	vshll.u32 v29, $0x1;
	v29 =	vand.u32 $0x7F, v29;
	v43 =	vand.u32 $0x300, v42;
	v31 =	vld.idx.msk [tilespmem:v31+s4+$0x0], $0xffff  }
0x60: {  	v41 =	vand.u32 $0x300, v40;
	v28 =	vor.u32 v28, v43;
	s24 =	simm.s32 $0x10;
	v33 =	vadd.f32 v34, v33  }
0x61: {  	v29 =	vor.u32 v29, v41;
	v46 =	vadd.s32 s24, v15;
	v47 =	vadd.s32 s24, v13;
	v32 =	vld.idx.msk [tilespmem:v32+s4+$0x0], $0xffff  }
0x62: {  	v48 =	vadd.s32 s24, v14;
	v49 =	vor.u32 s24, v1;
	v30 =	vadd.f32 v30, v33  }
0x63: {  	v50 =	vadd.s32 s24, v12;
	v51 =	vadd.s32 s24, v11;
	v52 =	vadd.s32 s24, v8;
	v44 =	vld.idx.msk [tilespmem:v36+s4+$0x0], $0xffff  }
0x64: {  	v39 =	vadd.s32 s24, v9;
	v40 =	vadd.s32 s24, v5;
	v30 =	vadd.f32 v31, v30  }
0x65: {  	v41 =	vadd.s32 s24, v6;
	v42 =	vadd.s32 s24, v4;
	v27 =	vld.idx.msk [tilespmem:v27+s4+$0x0], $0xffff;
	v31 =	vand.u32 $0x300, v45  }
0x66: {  	s25 =	simm.s32 $0x20;
	v25 =	vor.u32 v25, v31;
	v31 =	vshll.u32 v26, $0x1;
	v30 =	vadd.f32 v32, v30  }
0x67: {  	v63 =	vadd.s32 s25, v4;
	v29 =	vld.idx.msk [tilespmem:v29+s4+$0x0], $0xffff;
	v26 =	vand.u32 $0x7F, v26;
	v31 =	vand.u32 $0x300, v31  }
0x68: {  	v26 =	vor.u32 v26, v31;
	v31 =	vshll.u32 v24, $0x1;
	v30 =	vadd.f32 v44, v30  }
0x69: {  	vm4 =	vlt.s32 v47, $0x1FF;
	v28 =	vld.idx.msk [tilespmem:v28+s4+$0x0], $0xffff;
	v24 =	vand.u32 $0x7F, v24;
	v31 =	vand.u32 $0x300, v31  }
0x6a: {  	v31 =	vor.u32 v24, v31;
	v24 =	vshll.u32 v23, $0x1;
	v27 =	vadd.f32 v27, v30  }
0x6b: {  	vm3 =	vlt.s32 v48, $0x1FF;
	v30 =	vand.u32 $0x7F, v23;
	v24 =	vand.u32 $0x300, v24;
	v25 =	vld.idx.msk [tilespmem:v25+s4+$0x0], $0xffff  }
0x6c: {  	v30 =	vor.u32 v30, v24;
	v24 =	vshll.u32 v20, $0x1;
	v27 =	vadd.f32 v29, v27  }
0x6d: {  	vm2 =	vlt.s32 v46, $0x1FF;
	v20 =	vand.u32 $0x7F, v20;
	v29 =	vand.u32 $0x300, v24;
	v26 =	vld.idx.msk [tilespmem:v26+s4+$0x0], $0xffff  }
0x6e: {  	vm5 =	vlt.s32 v50, $0x1FF;
	v29 =	vor.u32 v20, v29;
	v27 =	vadd.f32 v28, v27  }
0x6f: {  	vm9 =	vgt.s32 v52, $0x0;
	vm8 =	vgt.s32 v39, $0x0;
	vm11 =	vgt.s32 v42, $0x0;
	v28 =	vld.idx.msk [tilespmem:v31+s4+$0x0], $0xffff  }
0x70: {  	vm12 =	vgt.s32 v41, $0x0;
	v37 =	vadd.s32 s25, v3;
	v25 =	vadd.f32 v25, v27  }
0x71: {  	v35 =	vand.u32 $0x7F, v49;
	v34 =	vnsel vm3, $0x1FF, v48;
	v36 =	vnsel vm5, $0x1FF, v50;
	v27 =	vld.idx.msk [tilespmem:v30+s4+$0x0], $0xffff  }
0x72: {  	v33 =	vnsel vm4, $0x1FF, v47;
	v20 =	vadd.s32 s24, v10;
	v25 =	vadd.f32 v26, v25  }
0x73: {  	v32 =	vnsel vm2, $0x1FF, v46;
	v31 =	vmov s24;
	vm6 =	vgt.s32 v20, $0x0;
	v26 =	vld.idx.msk [tilespmem:v29+s4+$0x0], $0xffff  }
0x74: {  	v30 =	vadd.s32 s24, v7;
	v22 =	vadd.f32 v28, v25;
	v25 =	vnsel vm11, $0x0, v42  }
0x75: {  	vm10 =	vgt.s32 v30, $0x0;
	v29 =	vadd.s32 s24, v3;
	v25 =	vmin.u32 v25, $0x1FF  }
0x76: {  	vm13 =	vgt.s32 v29, $0x0;
	v22 =	vadd.f32 v27, v22;
	v28 =	vshll.u32 v25, $0x1  }
0x77: {  	vm11 =	vgt.s32 v40, $0x0;
	v25 =	vand.u32 $0x7F, v25;
	v28 =	vand.u32 $0x300, v28  }
0x78: {  	v22 =	vadd.f32 v26, v22;
	v26 =	vnsel vm13, $0x0, v29;
	v29 =	vnsel vm11, $0x0, v40  }
0x79: {  	v25 =	vor.u32 v25, v28;
	v27 =	vand.u32 $0x7F, v26;
	v26 =	vshll.u32 v26, $0x1  }
0x7a: {  	v28 =	vmin.u32 v29, $0x1FF;
	v29 =	vnsel vm12, $0x0, v41;
	v26 =	vand.u32 $0xFFFFFF00, v26  }
0x7b: {  	v22 =	vmul.f32 $6.103515630e-05, v22;
	v26 =	vor.u32 v27, v26;
	v27 =	vshll.u32 v28, $0x1  }
0x7c: {  	v29 =	vmin.u32 v29, $0x1FF;
	v28 =	vand.u32 $0x7F, v28;
	v27 =	vand.u32 $0x300, v27  }
0x7d: {  	v30 =	vnsel vm10, $0x0, v30;
	[tilespmem:s17+$0x0] =	vst v22;
	v27 =	vor.u32 v28, v27;
	v28 =	vshll.u32 v29, $0x1  }
0x7e: {  	v30 =	vmin.u32 v30, $0x1FF;
	v29 =	vand.u32 $0x7F, v29;
	[tilespmem:v21+s16+$0x0] =	vst.idx.msk vm7, v22;
	v28 =	vand.u32 $0x300, v28  }
0x7f: {  	v22 =	vshll.u32 v30, $0x1;
	v25 =	vld.idx.msk [tilespmem:v25+s4+$0x0], $0xffff;
	v21 =	vor.u32 v29, v28;
	v28 =	vnsel vm9, $0x0, v52  }
0x80: {  	v22 =	vand.u32 $0x300, v22;
	v29 =	vand.u32 $0x7F, v30;
	v28 =	vmin.u32 v28, $0x1FF;
	v26 =	vld.idx.msk [tilespmem:v26+s4+$0x0], $0xffff  }
0x81: {  	v30 =	vnsel vm8, $0x0, v39;
	v22 =	vor.u32 v29, v22;
	v29 =	vshll.u32 v28, $0x1  }
0x82: {  	v30 =	vmin.u32 v30, $0x1FF;
	v28 =	vand.u32 $0x7F, v28;
	v29 =	vand.u32 $0x300, v29;
	v27 =	vld.idx.msk [tilespmem:v27+s4+$0x0], $0xffff  }
0x83: {  	v53 =	vnsel vm6, $0x0, v20;
	v28 =	vor.u32 v28, v29;
	v29 =	vshll.u32 v30, $0x1  }
0x84: {  	v38 =	vmin.u32 v53, $0x1FF;
	v30 =	vand.u32 $0x7F, v30;
	v29 =	vand.u32 $0x300, v29;
	v21 =	vld.idx.msk [tilespmem:v21+s4+$0x0], $0xffff  }
0x85: {  	v29 =	vor.u32 v30, v29;
	v30 =	vshll.u32 v38, $0x1;
	v25 =	vadd.f32 v25, v26  }
0x86: {  	vm6 =	vlt.s32 v51, $0x1FF;
	v26 =	vand.u32 $0x7F, v38;
	v22 =	vld.idx.msk [tilespmem:v22+s4+$0x0], $0xffff;
	v30 =	vand.u32 $0x300, v30  }
0x87: {  	v26 =	vor.u32 v26, v30;
	v30 =	vshll.u32 v31, $0x1;
	v25 =	vadd.f32 v27, v25  }
0x88: {  	v23 =	vadd.s32 s24, v17;
	v27 =	vand.u32 $0x300, v30;
	v30 =	vnsel vm6, $0x1FF, v51;
	v28 =	vld.idx.msk [tilespmem:v28+s4+$0x0], $0xffff  }
0x89: {  	v27 =	vor.u32 v35, v27;
	v54 =	vshll.u32 v30, $0x1;
	v21 =	vadd.f32 v21, v25  }
0x8a: {  	vm0 =	vlt.s32 v23, $0x1FF;
	v25 =	vand.u32 $0x7F, v30;
	v30 =	vand.u32 $0x300, v54;
	v29 =	vld.idx.msk [tilespmem:v29+s4+$0x0], $0xffff  }
0x8b: {  	v25 =	vor.u32 v25, v30;
	v30 =	vshll.u32 v36, $0x1;
	v21 =	vadd.f32 v22, v21  }
0x8c: {  	v24 =	vadd.s32 s24, v16;
	v22 =	vand.u32 $0x7F, v36;
	v30 =	vand.u32 $0x300, v30;
	v26 =	vld.idx.msk [tilespmem:v26+s4+$0x0], $0xffff  }
0x8d: {  	v22 =	vor.u32 v22, v30;
	v30 =	vshll.u32 v33, $0x1;
	v21 =	vadd.f32 v28, v21  }
0x8e: {  	v23 =	vnsel vm0, $0x1FF, v23;
	v28 =	vand.u32 $0x7F, v33;
	v30 =	vand.u32 $0x300, v30;
	v27 =	vld.idx.msk [tilespmem:v27+s4+$0x0], $0xffff  }
0x8f: {  	v28 =	vor.u32 v28, v30;
	v30 =	vshll.u32 v34, $0x1;
	v21 =	vadd.f32 v29, v21  }
0x90: {  	vm1 =	vlt.s32 v24, $0x1FF;
	v29 =	vand.u32 $0x7F, v34;
	v30 =	vand.u32 $0x300, v30;
	v25 =	vld.idx.msk [tilespmem:v25+s4+$0x0], $0xffff  }
0x91: {  	v29 =	vor.u32 v29, v30;
	v30 =	vshll.u32 v32, $0x1;
	v21 =	vadd.f32 v26, v21  }
0x92: {  	v24 =	vnsel vm1, $0x1FF, v24;
	v26 =	vand.u32 $0x7F, v32;
	v30 =	vand.u32 $0x300, v30;
	v55 =	vld.idx.msk [tilespmem:v22+s4+$0x0], $0xffff  }
0x93: {  	v22 =	vshll.u32 v24, $0x1;
	v30 =	vor.u32 v26, v30;
	v21 =	vadd.f32 v27, v21  }
0x94: {  	vm13 =	vgt.s32 v37, $0x0;
	v24 =	vand.u32 $0x7F, v24;
	v26 =	vand.u32 $0x300, v22;
	v56 =	vld.idx.msk [tilespmem:v28+s4+$0x0], $0xffff  }
0x95: {  	v57 =	vor.u32 v24, v26;
	v24 =	vshll.u32 v23, $0x1;
	v21 =	vadd.f32 v25, v21  }
0x96: {  	vm12 =	vgt.s32 v63, $0x0;
	v25 =	vand.u32 $0x7F, v23;
	v26 =	vand.u32 $0x300, v24;
	v58 =	vld.idx.msk [tilespmem:v29+s4+$0x0], $0xffff  }
0x97: {  	v35 =	vadd.s32 s25, v6;
	v59 =	vor.u32 v25, v26;
	v32 =	vadd.f32 v55, v21  }
0x98: {  	vm8 =	vne.s32 v31, v1;
	vm11 =	vgt.s32 v35, $0x0;
	v36 =	vadd.s32 s25, v5;
	v60 =	vld.idx.msk [tilespmem:v30+s4+$0x0], $0xffff  }
0x99: {  	v33 =	vadd.s32 s25, v8;
	v34 =	vadd.s32 s25, v7;
	v61 =	vadd.f32 v56, v32  }
0x9a: {  	vm9 =	vgt.s32 v33, $0x0;
	vm10 =	vgt.s32 v34, $0x0;
	v22 =	vadd.s32 s25, v17;
	v62 =	vld.idx.msk [tilespmem:v57+s4+$0x0], $0xffff  }
0x9b: {  	v27 =	vadd.s32 s25, v12;
	v28 =	vadd.s32 s25, v10;
	v40 =	vadd.f32 v58, v61  }
0x9c: {  	vm0 =	vlt.s32 v22, $0x1FF;
	vm5 =	vlt.s32 v27, $0x1FF;
	v24 =	vadd.s32 s25, v15;
	v38 =	vld.idx.msk [tilespmem:v59+s4+$0x0], $0xffff  }
0x9d: {  	v23 =	vadd.s32 s25, v16;
	vm6 =	vgt.s32 v28, $0x0;
	v31 =	vadd.f32 v60, v40  }
0x9e: {  	v26 =	vadd.s32 s25, v13;
	v25 =	vadd.s32 s25, v14;
	v29 =	vadd.s32 s25, v11  }
0x9f: {  	vm1 =	vlt.s32 v23, $0x1FF;
	vm2 =	vlt.s32 v24, $0x1FF;
	v31 =	vadd.f32 v62, v31  }
0xa0: {  	v21 =	vmov s25;
	vm4 =	vlt.s32 v26, $0x1FF;
	vm3 =	vlt.s32 v25, $0x1FF  }
0xa1: {  	v30 =	vor.u32 s25, v1;
	v32 =	vadd.s32 s25, v9;
	v31 =	vadd.f32 v38, v31  }
0xa2: {  	s6 =	simm.s32 $0x30;
	s9 =	simm.s32 $0x400;
	vm7 =	vgt.s32 v32, $0x0;
	v38 =	vnsel vm12, $0x0, v63;
	vm12 =	vgt.s32 v36, $0x0  }
.LBB2_2:
0xa3: {  	p0 =	sne.s32 s6, $0x1F0;
	v37 =	vnsel vm13, $0x0, v37;
	v38 =	vmin.u32 v38, $0x1FF;
	v31 =	vmul.f32 $6.103515630e-05, v31  }
0xa4: {  	v36 =	vnsel vm12, $0x0, v36;
	s9 =	sadd.s32 $0x10, s9;
	v39 =	vand.u32 $0x7F, v37;
	v40 =	vshll.u32 v38, $0x1  }
0xa5: {  	v37 =	vshll.u32 v37, $0x1;
	v38 =	vand.u32 $0x7F, v38;
	v40 =	vand.u32 $0x300, v40;
	[tilespmem:s9+$0x0] =	vst v31  }
0xa6: {  	v36 =	vmin.u32 v36, $0x1FF;
	v37 =	vand.u32 $0xFFFFFF00, v37;
	v38 =	vor.u32 v38, v40;
	[tilespmem:v20+s16+$0x0] =	vst.idx.msk vm8, v31;
	v20 =	vmovc v28  }
0xa7: {  	v35 =	vnsel vm11, $0x0, v35;
	v28 =	vor.u32 v39, v37;
	v31 =	vshll.u32 v36, $0x1  }
0xa8: {  	v35 =	vmin.u32 v35, $0x1FF;
	v36 =	vand.u32 $0x7F, v36;
	v31 =	vand.u32 $0x300, v31  }
0xa9: {  	v34 =	vnsel vm10, $0x0, v34;
	v31 =	vor.u32 v36, v31;
	v36 =	vshll.u32 v35, $0x1  }
0xaa: {  	v34 =	vmin.u32 v34, $0x1FF;
	v35 =	vand.u32 $0x7F, v35;
	v36 =	vand.u32 $0x300, v36  }
0xab: {  	v33 =	vnsel vm9, $0x0, v33;
	v35 =	vor.u32 v35, v36;
	v36 =	vshll.u32 v34, $0x1;
	v37 =	vld.idx.msk [tilespmem:v38+s4+$0x0], $0xffff  }
0xac: {  	v33 =	vmin.u32 v33, $0x1FF;
	v34 =	vand.u32 $0x7F, v34;
	v36 =	vand.u32 $0x300, v36;
	v28 =	vld.idx.msk [tilespmem:v28+s4+$0x0], $0xffff  }
0xad: {  	v32 =	vnsel vm7, $0x0, v32;
	v34 =	vor.u32 v34, v36;
	v36 =	vshll.u32 v33, $0x1  }
0xae: {  	v32 =	vmin.u32 v32, $0x1FF;
	v33 =	vand.u32 $0x7F, v33;
	v36 =	vand.u32 $0x300, v36;
	v31 =	vld.idx.msk [tilespmem:v31+s4+$0x0], $0xffff  }
0xaf: {  	v38 =	vnsel vm6, $0x0, v20;
	v33 =	vor.u32 v33, v36;
	v36 =	vshll.u32 v32, $0x1  }
0xb0: {  	v38 =	vmin.u32 v38, $0x1FF;
	v32 =	vand.u32 $0x7F, v32;
	v36 =	vand.u32 $0x300, v36;
	v35 =	vld.idx.msk [tilespmem:v35+s4+$0x0], $0xffff  }
0xb1: {  	v30 =	vand.u32 $0x7F, v30;
	v32 =	vor.u32 v32, v36;
	v36 =	vshll.u32 v38, $0x1  }
0xb2: {  	v28 =	vadd.f32 v37, v28;
	v37 =	vand.u32 $0x7F, v38;
	v36 =	vand.u32 $0x300, v36;
	v34 =	vld.idx.msk [tilespmem:v34+s4+$0x0], $0xffff  }
0xb3: {  	vm6 =	vlt.s32 v29, $0x1FF;
	v36 =	vor.u32 v37, v36;
	v37 =	vshll.u32 v21, $0x1  }
0xb4: {  	v29 =	vnsel vm6, $0x1FF, v29;
	v28 =	vadd.f32 v31, v28;
	v31 =	vld.idx.msk [tilespmem:v33+s4+$0x0], $0xffff;
	v33 =	vand.u32 $0x300, v37  }
0xb5: {  	v27 =	vnsel vm5, $0x1FF, v27;
	v30 =	vor.u32 v30, v33;
	v33 =	vshll.u32 v29, $0x1  }
0xb6: {  	v28 =	vadd.f32 v35, v28;
	v29 =	vand.u32 $0x7F, v29;
	v32 =	vld.idx.msk [tilespmem:v32+s4+$0x0], $0xffff;
	v33 =	vand.u32 $0x300, v33  }
0xb7: {  	v26 =	vnsel vm4, $0x1FF, v26;
	v29 =	vor.u32 v29, v33;
	v33 =	vshll.u32 v27, $0x1  }
0xb8: {  	v28 =	vadd.f32 v34, v28;
	v27 =	vand.u32 $0x7F, v27;
	v34 =	vld.idx.msk [tilespmem:v36+s4+$0x0], $0xffff;
	v33 =	vand.u32 $0x300, v33  }
0xb9: {  	v25 =	vnsel vm3, $0x1FF, v25;
	v27 =	vor.u32 v27, v33;
	v33 =	vshll.u32 v26, $0x1  }
0xba: {  	v28 =	vadd.f32 v31, v28;
	v26 =	vand.u32 $0x7F, v26;
	v30 =	vld.idx.msk [tilespmem:v30+s4+$0x0], $0xffff;
	v31 =	vand.u32 $0x300, v33  }
0xbb: {  	v24 =	vnsel vm2, $0x1FF, v24;
	v26 =	vor.u32 v26, v31;
	v31 =	vshll.u32 v25, $0x1  }
0xbc: {  	v28 =	vadd.f32 v32, v28;
	v25 =	vand.u32 $0x7F, v25;
	v29 =	vld.idx.msk [tilespmem:v29+s4+$0x0], $0xffff;
	v31 =	vand.u32 $0x300, v31  }
0xbd: {  	v23 =	vnsel vm1, $0x1FF, v23;
	v25 =	vor.u32 v25, v31;
	v31 =	vshll.u32 v24, $0x1  }
0xbe: {  	v28 =	vadd.f32 v34, v28;
	v24 =	vand.u32 $0x7F, v24;
	v27 =	vld.idx.msk [tilespmem:v27+s4+$0x0], $0xffff;
	v31 =	vand.u32 $0x300, v31  }
0xbf: {  	v32 =	vnsel vm0, $0x1FF, v22;
	v31 =	vor.u32 v24, v31;
	v24 =	vshll.u32 v23, $0x1  }
0xc0: {  	v28 =	vadd.f32 v30, v28;
	v23 =	vand.u32 $0x7F, v23;
	v33 =	vld.idx.msk [tilespmem:v26+s4+$0x0], $0xffff;
	v24 =	vand.u32 $0x300, v24  }
0xc1: {  	v22 =	vadd.s32 s6, v17;
	v34 =	vor.u32 v23, v24;
	v23 =	vshll.u32 v32, $0x1  }
0xc2: {  	v28 =	vadd.f32 v29, v28;
	v37 =	vld.idx.msk [tilespmem:v25+s4+$0x0], $0xffff;
	v25 =	vand.u32 $0x7F, v32;
	v26 =	vand.u32 $0x300, v23  }
0xc3: {  	v24 =	vadd.s32 s6, v15;
	v23 =	vadd.s32 s6, v16;
	v38 =	vor.u32 v25, v26  }
0xc4: {  	v26 =	vadd.s32 s6, v13;
	v25 =	vadd.s32 s6, v14;
	v32 =	vadd.f32 v27, v28;
	v31 =	vld.idx.msk [tilespmem:v31+s4+$0x0], $0xffff  }
0xc5: {  	v39 =	vmov s6;
	v30 =	vor.u32 s6, v1;
	v27 =	vadd.s32 s6, v12  }
0xc6: {  	v29 =	vadd.s32 s6, v11;
	v28 =	vadd.s32 s6, v10;
	v40 =	vadd.f32 v33, v32;
	v41 =	vld.idx.msk [tilespmem:v34+s4+$0x0], $0xffff  }
0xc7: {  	v33 =	vadd.s32 s6, v8;
	v32 =	vadd.s32 s6, v9;
	v34 =	vadd.s32 s6, v7  }
0xc8: {  	v35 =	vadd.s32 s6, v6;
	v36 =	vadd.s32 s6, v5;
	v40 =	vadd.f32 v37, v40;
	v38 =	vld.idx.msk [tilespmem:v38+s4+$0x0], $0xffff  }
0xc9: {  	v42 =	vadd.s32 s6, v4;
	vm8 =	vne.s32 v21, v1;
	v21 =	vmovc v39;
	v37 =	vadd.s32 s6, v3  }
0xca: {  	vm0 =	vlt.s32 v22, $0x1FF;
	vm1 =	vlt.s32 v23, $0x1FF;
	v31 =	vadd.f32 v31, v40  }
.Ltmp2:
0xcb: {  	vm2 =	vlt.s32 v24, $0x1FF;
	vm4 =	vlt.s32 v26, $0x1FF;
	vm3 =	vlt.s32 v25, $0x1FF;
	(pc) =	sbr.rel @p0 .LBB2_2-.Ltmp2, $4  }
0xcc: {  	vm6 =	vgt.s32 v28, $0x0;
	vm5 =	vlt.s32 v27, $0x1FF;
	v31 =	vadd.f32 v41, v31  }
0xcd: {  	vm9 =	vgt.s32 v33, $0x0;
	vm7 =	vgt.s32 v32, $0x0;
	vm10 =	vgt.s32 v34, $0x0  }
0xce: {  	vm12 =	vgt.s32 v42, $0x0;
	vm11 =	vgt.s32 v35, $0x0;
	v31 =	vadd.f32 v38, v31  }
0xcf: {  	s6 =	sadd.s32 $0x10, s6;
	vm13 =	vgt.s32 v37, $0x0;
	v38 =	vnsel vm12, $0x0, v42;
	vm12 =	vgt.s32 v36, $0x0  }
0xd0: {  	v37 =	vnsel vm13, $0x0, v37;
	v38 =	vmin.u32 v38, $0x1FF;
	v31 =	vmul.f32 $6.103515630e-05, v31  }
0xd1: {  	v36 =	vnsel vm12, $0x0, v36;
	v39 =	vand.u32 $0x7F, v37;
	v40 =	vshll.u32 v38, $0x1  }
0xd2: {  	v37 =	vshll.u32 v37, $0x1;
	v38 =	vand.u32 $0x7F, v38;
	v40 =	vand.u32 $0x300, v40  }
0xd3: {  	v36 =	vmin.u32 v36, $0x1FF;
	v37 =	vand.u32 $0xFFFFFF00, v37;
	v38 =	vor.u32 v38, v40  }
0xd4: {  	v35 =	vnsel vm11, $0x0, v35;
	v62 =	vshll.u32 v36, $0x1;
	v37 =	vor.u32 v39, v37  }
0xd5: {  	s6 =	sadd.s32 $0x10, s9;
	v35 =	vmin.u32 v35, $0x1FF;
	v36 =	vand.u32 $0x7F, v36;
	v39 =	vand.u32 $0x300, v62  }
0xd6: {  	v34 =	vnsel vm10, $0x0, v34;
	v63 =	vshll.u32 v35, $0x1;
	[tilespmem:s6+$0x0] =	vst v31;
	v36 =	vor.u32 v36, v39  }
0xd7: {  	v34 =	vmin.u32 v34, $0x1FF;
	v35 =	vand.u32 $0x7F, v35;
	[tilespmem:v20+s16+$0x0] =	vst.idx.msk vm8, v31;
	v39 =	vand.u32 $0x300, v63  }
0xd8: {  	v33 =	vnsel vm9, $0x0, v33;
	v40 =	vshll.u32 v34, $0x1;
	v20 =	vor.u32 v35, v39;
	v41 =	vld.idx.msk [tilespmem:v38+s4+$0x0], $0xffff  }
0xd9: {  	v33 =	vmin.u32 v33, $0x1FF;
	v34 =	vand.u32 $0x7F, v34;
	v31 =	vand.u32 $0x300, v40;
	v37 =	vld.idx.msk [tilespmem:v37+s4+$0x0], $0xffff  }
0xda: {  	v32 =	vnsel vm7, $0x0, v32;
	v42 =	vshll.u32 v33, $0x1;
	v31 =	vor.u32 v34, v31  }
0xdb: {  	v32 =	vmin.u32 v32, $0x1FF;
	v33 =	vand.u32 $0x7F, v33;
	v34 =	vand.u32 $0x300, v42;
	v36 =	vld.idx.msk [tilespmem:v36+s4+$0x0], $0xffff  }
0xdc: {  	v44 =	vnsel vm6, $0x0, v28;
	v43 =	vshll.u32 v32, $0x1;
	v33 =	vor.u32 v33, v34  }
0xdd: {  	v32 =	vand.u32 $0x7F, v32;
	v34 =	vand.u32 $0x300, v43;
	v38 =	vmin.u32 v44, $0x1FF;
	v20 =	vld.idx.msk [tilespmem:v20+s4+$0x0], $0xffff  }
0xde: {  	v32 =	vor.u32 v32, v34;
	v45 =	vshll.u32 v38, $0x1;
	v35 =	vadd.f32 v41, v37  }
0xdf: {  	v47 =	vshll.u32 v21, $0x1;
	v46 =	vand.u32 $0x7F, v38;
	v34 =	vand.u32 $0x300, v45;
	v31 =	vld.idx.msk [tilespmem:v31+s4+$0x0], $0xffff  }
0xe0: {  	vm14 =	vlt.s32 v29, $0x1FF;
	v34 =	vor.u32 v46, v34;
	v35 =	vadd.f32 v36, v35  }
0xe1: {  	v30 =	vand.u32 $0x7F, v30;
	v48 =	vand.u32 $0x300, v47;
	v29 =	vnsel vm14, $0x1FF, v29;
	v33 =	vld.idx.msk [tilespmem:v33+s4+$0x0], $0xffff  }
0xe2: {  	v30 =	vor.u32 v30, v48;
	v49 =	vshll.u32 v29, $0x1;
	v20 =	vadd.f32 v20, v35  }
0xe3: {  	v27 =	vnsel vm5, $0x1FF, v27;
	v29 =	vand.u32 $0x7F, v29;
	v50 =	vand.u32 $0x300, v49;
	v32 =	vld.idx.msk [tilespmem:v32+s4+$0x0], $0xffff  }
0xe4: {  	v51 =	vshll.u32 v27, $0x1;
	v29 =	vor.u32 v29, v50;
	v20 =	vadd.f32 v31, v20  }
0xe5: {  	v26 =	vnsel vm4, $0x1FF, v26;
	v27 =	vand.u32 $0x7F, v27;
	v53 =	vand.u32 $0x300, v51;
	v52 =	vld.idx.msk [tilespmem:v34+s4+$0x0], $0xffff  }
0xe6: {  	v54 =	vshll.u32 v26, $0x1;
	v27 =	vor.u32 v27, v53;
	v20 =	vadd.f32 v33, v20  }
0xe7: {  	v25 =	vnsel vm3, $0x1FF, v25;
	v26 =	vand.u32 $0x7F, v26;
	v55 =	vand.u32 $0x300, v54;
	v30 =	vld.idx.msk [tilespmem:v30+s4+$0x0], $0xffff  }
0xe8: {  	v56 =	vshll.u32 v25, $0x1;
	v26 =	vor.u32 v26, v55;
	v20 =	vadd.f32 v32, v20  }
0xe9: {  	v24 =	vnsel vm2, $0x1FF, v24;
	v25 =	vand.u32 $0x7F, v25;
	v57 =	vand.u32 $0x300, v56;
	v29 =	vld.idx.msk [tilespmem:v29+s4+$0x0], $0xffff  }
0xea: {  	v58 =	vshll.u32 v24, $0x1;
	v25 =	vor.u32 v25, v57;
	v20 =	vadd.f32 v52, v20  }
0xeb: {  	v23 =	vnsel vm1, $0x1FF, v23;
	v24 =	vand.u32 $0x7F, v24;
	v59 =	vand.u32 $0x300, v58;
	v27 =	vld.idx.msk [tilespmem:v27+s4+$0x0], $0xffff  }
0xec: {  	v60 =	vshll.u32 v23, $0x1;
	v24 =	vor.u32 v24, v59;
	v20 =	vadd.f32 v30, v20  }
0xed: {  	v22 =	vnsel vm0, $0x1FF, v22;
	v23 =	vand.u32 $0x7F, v23;
	v61 =	vand.u32 $0x300, v60;
	v26 =	vld.idx.msk [tilespmem:v26+s4+$0x0], $0xffff  }
0xee: {  	v23 =	vor.u32 v23, v61;
	v62 =	vshll.u32 v22, $0x1;
	v20 =	vadd.f32 v29, v20  }
0xef: {  	v22 =	vand.u32 $0x7F, v22;
	v63 =	vand.u32 $0x300, v62;
	v25 =	vld.idx.msk [tilespmem:v25+s4+$0x0], $0xffff  }
0xf0: {  	v22 =	vor.u32 v22, v63;
	v20 =	vadd.f32 v27, v20  }
0xf1: {  	v24 =	vld.idx.msk [tilespmem:v24+s4+$0x0], $0xffff  }
0xf2: {  	v20 =	vadd.f32 v26, v20  }
0xf3: {  	v23 =	vld.idx.msk [tilespmem:v23+s4+$0x0], $0xffff  }
0xf4: {  	v20 =	vadd.f32 v25, v20  }
0xf5: {  	v22 =	vld.idx.msk [tilespmem:v22+s4+$0x0], $0xffff  }
0xf6: {  	v20 =	vadd.f32 v24, v20;
	_ =	sdelay $0x1  }
0xf7: {  	v20 =	vadd.f32 v23, v20  }
0xf8: {  	vm15 =	vne.s32 v21, v1  }
0xf9: {  	v20 =	vadd.f32 v22, v20;
	_ =	sdelay $0x1  }
0xfa: {  	v20 =	vmul.f32 $6.103515630e-05, v20  }
0xfb: {  	s6 =	sadd.s32 $0x10, s6  }
0xfc: {  	[tilespmem:s6+$0x0] =	vst v20  }
0xfd: {  	[tilespmem:v28+s16+$0x0] =	vst.idx.msk vm15, v20  }
0xfe: {  	v20 =	vld.idx.msk [tilespmem:v18+s17+$0x0], $0xffff;
	_ =	sdelay $0x4  }
0xff: {  	s9 =	simm.s32 $0x0;
	[tilespmem:v18+s16+$0x0] =	vst.idx.msk $0x1, v20  }
.LBB2_4:
0x100: {  	s6 =	sshll.u32 s9, $0x7  }
0x101: {  	s13 =	sor.u32 $0x20, s6  }
0x102: {  	v20 =	vor.u32 s13, v1  }
0x103: {  	s24 =	sor.u32 $0x40, s6;
	v20 =	vcvt.s32.f32 v20  }
0x104: {  	v21 =	vor.u32 s24, v1  }
0x105: {  	s25 =	sor.u32 $0x70, s6;
	v21 =	vcvt.s32.f32 v21;
	v22 =	vtrunc.f32 v20  }
0x106: {  	v24 =	vor.u32 s25, v1;
	v22 =	vcvt.f32.s32 v22  }
0x107: {  	v24 =	vcvt.s32.f32 v24;
	v23 =	vtrunc.f32 v21  }
0x108: {  	v23 =	vcvt.f32.s32 v23  }
0x109: {  	v25 =	vor.u32 s6, v1;
	s22 =	sor.u32 $0x10, s6;
	v28 =	vtrunc.f32 v24  }
0x10a: {  	v25 =	vcvt.s32.f32 v25;
	v26 =	vor.u32 s22, v1;
	v28 =	vcvt.f32.s32 v28  }
0x10b: {  	s24 =	sor.u32 $0x30, s6;
	v26 =	vcvt.s32.f32 v26  }
0x10c: {  	s25 =	sor.u32 $0x50, s6;
	s6 =	sor.u32 $0x60, s6;
	v30 =	vor.u32 s24, v1;
	v31 =	vtrunc.f32 v25;
	v27 =	vld.idx.msk [tilespmem:v22+s17+$0x0], $0xffff  }
0x10d: {  	v34 =	vor.u32 s6, v1;
	v30 =	vcvt.s32.f32 v30;
	v42 =	vtrunc.f32 v26;
	v29 =	vld.idx.msk [tilespmem:v22+s16+$0x0], $0xffff  }
0x10e: {  	v32 =	vor.u32 s25, v1;
	v34 =	vcvt.s32.f32 v34;
	v42 =	vcvt.f32.s32 v42;
	v33 =	vld.idx.msk [tilespmem:v23+s16+$0x0], $0xffff  }
0x10f: {  	v32 =	vcvt.s32.f32 v32;
	v31 =	vcvt.f32.s32 v31;
	v35 =	vld.idx.msk [tilespmem:v23+s17+$0x0], $0xffff  }
0x110: {  	v36 =	vtrunc.f32 v30;
	v38 =	vtrunc.f32 v34;
	v39 =	vld.idx.msk [tilespmem:v28+s17+$0x0], $0xffff  }
0x111: {  	v41 =	vcvt.s32.f32 v28;
	v22 =	vcvt.s32.f32 v22;
	v28 =	vld.idx.msk [tilespmem:v28+s16+$0x0], $0xffff  }
0x112: {  	v36 =	vcvt.f32.s32 v36;
	v37 =	vcvt.s32.f32 v31  }
0x113: {  	v23 =	vcvt.s32.f32 v23;
	v22 =	vsub.f32 v20, v22;
	v29 =	vsub.f32 v29, v27  }
0x114: {  	v38 =	vcvt.f32.s32 v38;
	v44 =	vcvt.s32.f32 v42;
	v49 =	vld.idx.msk [tilespmem:v42+s16+$0x0], $0xffff  }
0x115: {  	v23 =	vsub.f32 v21, v23;
	v33 =	vsub.f32 v33, v35;
	v22 =	vmul.f32 v29, v22;
	v29 =	vld.idx.msk [tilespmem:v31+s17+$0x0], $0xffff  }
0x116: {  	v40 =	vcvt.s32.f32 v36;
	v41 =	vsub.f32 v24, v41;
	v28 =	vsub.f32 v28, v39;
	v31 =	vld.idx.msk [tilespmem:v31+s16+$0x0], $0xffff  }
0x117: {  	v61 =	vsub.f32 v25, v37;
	v42 =	vld.idx.msk [tilespmem:v42+s17+$0x0], $0xffff;
	v23 =	vmul.f32 v33, v23;
	v22 =	vadd.f32 v22, v27  }
0x118: {  	v48 =	vsub.f32 v26, v44;
	v60 =	vld.idx.msk [tilespmem:v36+s16+$0x0], $0xffff;
	v28 =	vmul.f32 v28, v41;
	v27 =	vtrunc.f32 v32  }
0x119: {  	v36 =	vld.idx.msk [tilespmem:v36+s17+$0x0], $0xffff;
	v27 =	vcvt.f32.s32 v27;
	v20 =	vadd.f32 v22, v20;
	v22 =	vadd.f32 v23, v35  }
0x11a: {  	v62 =	vsub.f32 v30, v40;
	v43 =	vld.idx.msk [tilespmem:v38+s17+$0x0], $0xffff;
	v28 =	vadd.f32 v28, v39  }
0x11b: {  	v23 =	vcvt.s32.f32 v38;
	v38 =	vld.idx.msk [tilespmem:v38+s16+$0x0], $0xffff;
	v31 =	vsub.f32 v31, v29;
	v21 =	vadd.f32 v22, v21  }
0x11c: {  	v39 =	vsub.f32 v49, v42;
	v63 =	vcvt.s32.f32 v27;
	v22 =	vmin.f32 v20, $5.110000000e+02  }
0x11d: {  	v45 =	vtrunc.f32 v22;
	v20 =	vmin.f32 v21, $5.110000000e+02;
	v21 =	vmul.f32 v31, v61  }
0x11e: {  	v23 =	vsub.f32 v34, v23;
	v31 =	vsub.f32 v60, v36;
	v46 =	vcvt.f32.s32 v45  }
0x11f: {  	v40 =	vsub.f32 v32, v63;
	v47 =	vld.idx.msk [tilespmem:v27+s17+$0x0], $0xffff;
	v21 =	vadd.f32 v21, v29  }
0x120: {  	v27 =	vld.idx.msk [tilespmem:v27+s16+$0x0], $0xffff;
	v50 =	vsub.f32 v38, v43;
	v29 =	vtrunc.f32 v20;
	v31 =	vmul.f32 v31, v62  }
0x121: {  	v29 =	vcvt.f32.s32 v29;
	v21 =	vadd.f32 v21, v25;
	v25 =	vadd.f32 v28, v24  }
0x122: {  	v51 =	vcvt.s32.f32 v46;
	v23 =	vmul.f32 v50, v23;
	v28 =	vadd.f32 v31, v36  }
0x123: {  	v31 =	vcvt.s32.f32 v29;
	v24 =	vmin.f32 v21, $5.110000000e+02;
	v21 =	vmin.f32 v25, $5.110000000e+02  }
0x124: {  	v23 =	vadd.f32 v23, v43;
	v53 =	vld.idx.msk [tilespmem:v46+s17+$0x0], $0xffff;
	v25 =	vadd.f32 v28, v30;
	v28 =	vtrunc.f32 v21  }
0x125: {  	v52 =	vsub.f32 v22, v51;
	v27 =	vsub.f32 v27, v47;
	v33 =	vld.idx.msk [tilespmem:v46+s16+$0x0], $0xffff;
	v28 =	vcvt.f32.s32 v28  }
0x126: {  	v54 =	vtrunc.f32 v24;
	v23 =	vadd.f32 v23, v34;
	v58 =	vsub.f32 v20, v31  }
0x127: {  	v25 =	vmin.f32 v25, $5.110000000e+02;
	v27 =	vmul.f32 v27, v40;
	v55 =	vcvt.f32.s32 v54;
	v30 =	vld.idx.msk [tilespmem:v29+s17+$0x0], $0xffff  }
0x128: {  	v56 =	vtrunc.f32 v25;
	v57 =	vld.idx.msk [tilespmem:v29+s16+$0x0], $0xffff;
	v29 =	vmul.f32 v39, v48;
	v23 =	vmin.f32 v23, $5.110000000e+02  }
0x129: {  	v27 =	vadd.f32 v27, v47;
	v35 =	vcvt.f32.s32 v56;
	v31 =	vcvt.s32.f32 v28  }
0x12a: {  	v59 =	vadd.f32 v29, v42;
	v60 =	vsub.f32 v33, v53;
	v29 =	vtrunc.f32 v23  }
0x12b: {  	v62 =	vcvt.s32.f32 v55;
	v27 =	vadd.f32 v27, v32;
	v33 =	vcvt.f32.s32 v29;
	v34 =	vld.idx.msk [tilespmem:v28+s16+$0x0], $0xffff  }
0x12c: {  	v29 =	vsub.f32 v21, v31;
	v61 =	vadd.f32 v59, v26;
	v36 =	vmul.f32 v60, v52;
	v28 =	vld.idx.msk [tilespmem:v28+s17+$0x0], $0xffff  }
0x12d: {  	v38 =	vcvt.s32.f32 v35;
	v26 =	vmin.f32 v27, $5.110000000e+02;
	v31 =	vld.idx.msk [tilespmem:v55+s17+$0x0], $0xffff;
	v43 =	vsub.f32 v57, v30  }
0x12e: {  	v40 =	vld.idx.msk [tilespmem:v55+s16+$0x0], $0xffff;
	v27 =	vmin.f32 v61, $5.110000000e+02;
	v39 =	vadd.f32 v36, v53;
	v63 =	vtrunc.f32 v26  }
0x12f: {  	s13 =	simm.s32 $0x7F;
	v36 =	vsub.f32 v24, v62;
	v32 =	vld.idx.msk [tilespmem:v35+s17+$0x0], $0xffff;
	v41 =	vmul.f32 v43, v58;
	v37 =	vcvt.f32.s32 v63  }
.LBB2_5:
0x130: {  	p0 =	sne.s32 s13, $0x1;
	s13 =	sadd.s32 $0xFFFFFFFF, s13;
	v42 =	vtrunc.f32 v27;
	v38 =	vsub.f32 v25, v38;
	v35 =	vld.idx.msk [tilespmem:v35+s16+$0x0], $0xffff;
	v43 =	vcvt.s32.f32 v33  }
0x131: {  	v42 =	vcvt.f32.s32 v42;
	v30 =	vadd.f32 v41, v30;
	v41 =	vcvt.s32.f32 v37;
	v44 =	vld.idx.msk [tilespmem:v33+s17+$0x0], $0xffff  }
0x132: {  	v22 =	vadd.f32 v39, v22;
	v34 =	vsub.f32 v34, v28  }
0x133: {  	v39 =	vcvt.s32.f32 v42;
	v20 =	vadd.f32 v30, v20;
	v30 =	vsub.f32 v26, v41;
	v33 =	vld.idx.msk [tilespmem:v33+s16+$0x0], $0xffff  }
0x134: {  	v22 =	vmin.f32 v22, $5.110000000e+02;
	v41 =	vsub.f32 v23, v43;
	v29 =	vmul.f32 v34, v29  }
0x135: {  	v34 =	vtrunc.f32 v22;
	v40 =	vsub.f32 v40, v31;
	v20 =	vmin.f32 v20, $5.110000000e+02;
	v43 =	vld.idx.msk [tilespmem:v37+s17+$0x0], $0xffff  }
0x136: {  	v34 =	vcvt.f32.s32 v34;
	v39 =	vsub.f32 v27, v39;
	v35 =	vsub.f32 v35, v32  }
0x137: {  	v28 =	vadd.f32 v29, v28;
	v45 =	vtrunc.f32 v20;
	v36 =	vmul.f32 v40, v36;
	v40 =	vld.idx.msk [tilespmem:v42+s16+$0x0], $0xffff  }
0x138: {  	v29 =	vcvt.f32.s32 v45;
	v35 =	vmul.f32 v35, v38;
	v37 =	vld.idx.msk [tilespmem:v37+s16+$0x0], $0xffff  }
0x139: {  	v38 =	vcvt.s32.f32 v34;
	v21 =	vadd.f32 v28, v21;
	v31 =	vadd.f32 v36, v31;
	v36 =	vld.idx.msk [tilespmem:v42+s17+$0x0], $0xffff  }
0x13a: {  	v33 =	vsub.f32 v33, v44;
	v28 =	vcvt.s32.f32 v29;
	v32 =	vadd.f32 v35, v32  }
0x13b: {  	v21 =	vmin.f32 v21, $5.110000000e+02;
	v24 =	vadd.f32 v31, v24  }
0x13c: {  	v35 =	vtrunc.f32 v21;
	v25 =	vadd.f32 v32, v25;
	v31 =	vld.idx.msk [tilespmem:v34+s17+$0x0], $0xffff  }
0x13d: {  	v33 =	vmul.f32 v33, v41;
	v24 =	vmin.f32 v24, $5.110000000e+02;
	v32 =	vld.idx.msk [tilespmem:v34+s16+$0x0], $0xffff;
	v34 =	vcvt.f32.s32 v35  }
0x13e: {  	v35 =	vtrunc.f32 v24;
	v25 =	vmin.f32 v25, $5.110000000e+02;
	v37 =	vsub.f32 v37, v43;
	v41 =	vld.idx.msk [tilespmem:v29+s16+$0x0], $0xffff  }
0x13f: {  	v33 =	vadd.f32 v33, v44;
	v35 =	vcvt.f32.s32 v35;
	v40 =	vsub.f32 v40, v36  }
0x140: {  	v42 =	vtrunc.f32 v25;
	v30 =	vmul.f32 v37, v30;
	v29 =	vld.idx.msk [tilespmem:v29+s17+$0x0], $0xffff  }
0x141: {  	v23 =	vadd.f32 v33, v23;
	v37 =	vcvt.f32.s32 v42;
	v39 =	vmul.f32 v40, v39  }
0x142: {  	v38 =	vsub.f32 v22, v38;
	v33 =	vcvt.s32.f32 v35;
	v30 =	vadd.f32 v30, v43  }
0x143: {  	v23 =	vmin.f32 v23, $5.110000000e+02;
	v32 =	vsub.f32 v32, v31;
	v36 =	vadd.f32 v39, v36  }
0x144: {  	v40 =	vtrunc.f32 v23;
	v39 =	vcvt.s32.f32 v37;
	v26 =	vadd.f32 v30, v26;
	v42 =	vld.idx.msk [tilespmem:v34+s17+$0x0], $0xffff  }
0x145: {  	v32 =	vmul.f32 v32, v38;
	v38 =	vcvt.f32.s32 v40;
	v27 =	vadd.f32 v36, v27;
	v30 =	vld.idx.msk [tilespmem:v35+s17+$0x0], $0xffff  }
0x146: {  	v28 =	vsub.f32 v20, v28;
	v40 =	vcvt.s32.f32 v34;
	v36 =	vsub.f32 v41, v29;
	v34 =	vld.idx.msk [tilespmem:v34+s16+$0x0], $0xffff  }
0x147: {  	v26 =	vmin.f32 v26, $5.110000000e+02;
	v41 =	vcvt.s32.f32 v38;
	v27 =	vmin.f32 v27, $5.110000000e+02;
	v35 =	vld.idx.msk [tilespmem:v35+s16+$0x0], $0xffff  }
0x148: {  	v31 =	vadd.f32 v32, v31;
	v28 =	vmul.f32 v36, v28;
	v36 =	vtrunc.f32 v26;
	v32 =	vld.idx.msk [tilespmem:v37+s16+$0x0], $0xffff  }
0x149: {  	v40 =	vsub.f32 v21, v40;
	v43 =	vtrunc.f32 v27;
	v36 =	vcvt.f32.s32 v36;
	v37 =	vld.idx.msk [tilespmem:v37+s17+$0x0], $0xffff  }
0x14a: {  	v43 =	vcvt.f32.s32 v43;
	v22 =	vadd.f32 v31, v22;
	v28 =	vadd.f32 v28, v29  }
0x14b: {  	v31 =	vsub.f32 v25, v39;
	v29 =	vsub.f32 v24, v33;
	v33 =	vcvt.s32.f32 v36;
	v39 =	vld.idx.msk [tilespmem:v38+s17+$0x0], $0xffff  }
0x14c: {  	v44 =	vcvt.s32.f32 v43;
	v22 =	vmin.f32 v22, $5.110000000e+02;
	v20 =	vadd.f32 v28, v20;
	v28 =	vld.idx.msk [tilespmem:v38+s16+$0x0], $0xffff  }
0x14d: {  	v34 =	vsub.f32 v34, v42;
	v35 =	vsub.f32 v35, v30;
	v38 =	vtrunc.f32 v22  }
0x14e: {  	v33 =	vsub.f32 v26, v33;
	v20 =	vmin.f32 v20, $5.110000000e+02;
	v38 =	vcvt.f32.s32 v38  }
0x14f: {  	v34 =	vmul.f32 v34, v40;
	v29 =	vmul.f32 v35, v29;
	v32 =	vsub.f32 v32, v37;
	v35 =	vld.idx.msk [tilespmem:v36+s17+$0x0], $0xffff  }
0x150: {  	v41 =	vsub.f32 v23, v41;
	v40 =	vsub.f32 v27, v44;
	v44 =	vcvt.s32.f32 v38;
	v36 =	vld.idx.msk [tilespmem:v36+s16+$0x0], $0xffff  }
0x151: {  	v34 =	vadd.f32 v34, v42;
	v42 =	vtrunc.f32 v20;
	v29 =	vadd.f32 v29, v30;
	v30 =	vld.idx.msk [tilespmem:v43+s16+$0x0], $0xffff  }
0x152: {  	v31 =	vmul.f32 v32, v31;
	v32 =	vcvt.f32.s32 v42;
	v28 =	vsub.f32 v28, v39;
	v43 =	vld.idx.msk [tilespmem:v43+s17+$0x0], $0xffff  }
0x153: {  	v21 =	vadd.f32 v34, v21;
	v24 =	vadd.f32 v29, v24  }
0x154: {  	v29 =	vadd.f32 v31, v37;
	v31 =	vcvt.s32.f32 v32;
	v28 =	vmul.f32 v28, v41;
	v37 =	vld.idx.msk [tilespmem:v38+s17+$0x0], $0xffff  }
0x155: {  	v21 =	vmin.f32 v21, $5.110000000e+02;
	v41 =	vsub.f32 v22, v44;
	v24 =	vmin.f32 v24, $5.110000000e+02  }
0x156: {  	v25 =	vadd.f32 v29, v25;
	v29 =	vsub.f32 v36, v35;
	v36 =	vtrunc.f32 v21;
	v34 =	vld.idx.msk [tilespmem:v38+s16+$0x0], $0xffff  }
0x157: {  	v28 =	vadd.f32 v28, v39;
	v38 =	vtrunc.f32 v24;
	v36 =	vcvt.f32.s32 v36  }
0x158: {  	v25 =	vmin.f32 v25, $5.110000000e+02;
	v39 =	vsub.f32 v30, v43;
	v29 =	vmul.f32 v29, v33;
	v30 =	vld.idx.msk [tilespmem:v32+s17+$0x0], $0xffff  }
0x159: {  	v23 =	vadd.f32 v28, v23;
	v42 =	vcvt.f32.s32 v38;
	v28 =	vtrunc.f32 v25;
	v32 =	vld.idx.msk [tilespmem:v32+s16+$0x0], $0xffff  }
0x15a: {  	v33 =	vmul.f32 v39, v40;
	v29 =	vadd.f32 v29, v35;
	v35 =	vcvt.f32.s32 v28  }
0x15b: {  	v44 =	vsub.f32 v20, v31;
	v23 =	vmin.f32 v23, $5.110000000e+02;
	v28 =	vcvt.s32.f32 v36  }
0x15c: {  	v31 =	vadd.f32 v33, v43;
	v38 =	vsub.f32 v34, v37;
	v33 =	vtrunc.f32 v23  }
.Ltmp3:
0x15d: {  	v26 =	vadd.f32 v29, v26;
	v29 =	vsub.f32 v21, v28;
	v33 =	vcvt.f32.s32 v33;
	v34 =	vld.idx.msk [tilespmem:v36+s16+$0x0], $0xffff;
	(pc) =	sbr.rel @p0 .LBB2_5-.Ltmp3, $4  }
0x15e: {  	v40 =	vcvt.s32.f32 v42;
	v27 =	vadd.f32 v31, v27;
	v39 =	vmul.f32 v38, v41;
	v28 =	vld.idx.msk [tilespmem:v36+s17+$0x0], $0xffff  }
0x15f: {  	v26 =	vmin.f32 v26, $5.110000000e+02;
	v38 =	vcvt.s32.f32 v35;
	v41 =	vsub.f32 v32, v30;
	v31 =	vld.idx.msk [tilespmem:v42+s17+$0x0], $0xffff  }
0x160: {  	v27 =	vmin.f32 v27, $5.110000000e+02;
	v39 =	vadd.f32 v39, v37;
	v37 =	vtrunc.f32 v26;
	v32 =	vld.idx.msk [tilespmem:v35+s17+$0x0], $0xffff  }
0x161: {  	v36 =	vsub.f32 v24, v40;
	v41 =	vmul.f32 v41, v44;
	v37 =	vcvt.f32.s32 v37;
	v40 =	vld.idx.msk [tilespmem:v42+s16+$0x0], $0xffff  }
0x162: {  	_ =	sdelay $0x1  }
0x163: {  	v42 =	vtrunc.f32 v27  }
0x164: {  	v42 =	vcvt.f32.s32 v42  }
0x165: {  	v35 =	vld.idx.msk [tilespmem:v35+s16+$0x0], $0xffff  }
0x166: {  	v45 =	vld.idx.msk [tilespmem:v33+s17+$0x0], $0xffff  }
0x167: {  	v63 =	vld.idx.msk [tilespmem:v33+s16+$0x0], $0xffff  }
0x168: {  	v46 =	vld.idx.msk [tilespmem:v37+s17+$0x0], $0xffff  }
0x169: {  	v22 =	vadd.f32 v39, v22;
	v38 =	vsub.f32 v25, v38;
	v49 =	vcvt.s32.f32 v33;
	v62 =	vld.idx.msk [tilespmem:v37+s16+$0x0], $0xffff  }
0x16a: {  	v30 =	vadd.f32 v41, v30;
	v61 =	vcvt.s32.f32 v37;
	v34 =	vsub.f32 v34, v28;
	v43 =	vld.idx.msk [tilespmem:v42+s16+$0x0], $0xffff  }
0x16b: {  	v33 =	vsub.f32 v23, v49;
	v22 =	vmin.f32 v22, $5.110000000e+02;
	v40 =	vsub.f32 v40, v31;
	v44 =	vld.idx.msk [tilespmem:v42+s17+$0x0], $0xffff  }
0x16c: {  	v39 =	vsub.f32 v26, v61;
	v29 =	vmul.f32 v34, v29;
	v20 =	vadd.f32 v30, v20  }
0x16d: {  	v35 =	vsub.f32 v35, v32;
	v53 =	vsub.f32 v63, v45;
	v36 =	vmul.f32 v40, v36  }
0x16e: {  	v60 =	vadd.f32 v29, v28;
	v20 =	vmin.f32 v20, $5.110000000e+02;
	v42 =	vcvt.s32.f32 v42  }
0x16f: {  	v51 =	vsub.f32 v62, v46;
	v35 =	vmul.f32 v35, v38;
	v50 =	vadd.f32 v36, v31  }
0x170: {  	s6 =	sshll.u32 s9, $0x8;
	v33 =	vmul.f32 v53, v33;
	v47 =	vsub.f32 v27, v42;
	v48 =	vsub.f32 v43, v44  }
0x171: {  	s6 =	sand.u32 $0x3FFFFF00, s6;
	v21 =	vadd.f32 v60, v21;
	v55 =	vmul.f32 v51, v39;
	v54 =	vadd.f32 v35, v32  }
0x172: {  	[tilespmem:s6+$0x820] =	vst v22;
	v59 =	vadd.f32 v33, v45;
	v24 =	vadd.f32 v50, v24;
	v41 =	vmul.f32 v48, v47  }
0x173: {  	s9 =	sadd.s32 $0x1, s9;
	[tilespmem:s6+$0x840] =	vst v20;
	v21 =	vmin.f32 v21, $5.110000000e+02;
	v58 =	vadd.f32 v55, v46;
	v57 =	vadd.f32 v54, v25  }
0x174: {  	p0 =	sne.s32 s9, $0x4;
	[tilespmem:s6+$0x870] =	vst v21;
	v62 =	vadd.f32 v59, v23;
	v24 =	vmin.f32 v24, $5.110000000e+02;
	v52 =	vadd.f32 v41, v44  }
.Ltmp4:
0x175: {  	v61 =	vadd.f32 v58, v26;
	[tilespmem:s6+$0x800] =	vst v24;
	v25 =	vmin.f32 v57, $5.110000000e+02;
	(pc) =	sbr.rel @p0 .LBB2_4-.Ltmp4, $4  }
0x176: {  	v20 =	vmin.f32 v62, $5.110000000e+02;
	[tilespmem:s6+$0x830] =	vst v25;
	v56 =	vadd.f32 v52, v27  }
0x177: {  	v63 =	vmin.f32 v61, $5.110000000e+02;
	[tilespmem:s6+$0x860] =	vst v20  }
0x178: {  	[tilespmem:s6+$0x850] =	vst v63;
	v27 =	vmin.f32 v56, $5.110000000e+02  }
0x179: {  	[tilespmem:s6+$0x810] =	vst v27  }
0x17a: {  	s6 =	simm.s32 $0x0  }
0x17b: {  	v20 =	vadd.s32 s6, v17;
	v21 =	vadd.s32 s6, v15;
	v23 =	vadd.s32 s6, v16  }
0x17c: {  	v24 =	vadd.s32 s6, v12;
	v25 =	vadd.s32 s6, v13;
	v26 =	vadd.s32 s6, v14  }
0x17d: {  	v22 =	vmov s6;
	v27 =	vor.u32 s6, v1;
	v28 =	vadd.s32 s6, v9  }
0x17e: {  	v29 =	vadd.s32 s6, v10;
	v30 =	vadd.s32 s6, v11;
	v31 =	vadd.s32 s6, v7  }
0x17f: {  	v32 =	vadd.s32 s6, v8;
	v33 =	vadd.s32 s6, v3;
	v34 =	vadd.s32 s6, v5  }
0x180: {  	v35 =	vadd.s32 s6, v6;
	v36 =	vadd.s32 s6, v4;
	vm3 =	vlt.s32 v21, $0x1FF  }
0x181: {  	vm4 =	vlt.s32 v23, $0x1FF;
	vm5 =	vlt.s32 v20, $0x1FF;
	vm2 =	vlt.s32 v25, $0x1FF  }
0x182: {  	vm6 =	vlt.s32 v26, $0x1FF;
	v27 =	vand.u32 $0x7F, v27;
	v37 =	vshll.u32 v22, $0x1  }
0x183: {  	vm0 =	vlt.s32 v24, $0x1FF;
	vm7 =	vgt.s32 v29, $0x0;
	vm1 =	vlt.s32 v30, $0x1FF  }
0x184: {  	vm8 =	vgt.s32 v31, $0x0;
	vm9 =	vgt.s32 v32, $0x0;
	vm10 =	vgt.s32 v28, $0x0  }
0x185: {  	vm11 =	vgt.s32 v34, $0x0;
	vm12 =	vgt.s32 v35, $0x0;
	vm13 =	vgt.s32 v33, $0x0  }
0x186: {  	vm14 =	vgt.s32 v36, $0x0;
	v20 =	vnsel vm5, $0x1FF, v20;
	v26 =	vnsel vm6, $0x1FF, v26  }
0x187: {  	v21 =	vnsel vm3, $0x1FF, v21;
	v23 =	vnsel vm4, $0x1FF, v23;
	v32 =	vnsel vm9, $0x0, v32  }
0x188: {  	v28 =	vnsel vm10, $0x0, v28;
	v38 =	vnsel vm7, $0x0, v29;
	v36 =	vnsel vm14, $0x0, v36  }
0x189: {  	s22 =	rddreg [dreg:$0x7];
	s9 =	simm.s32 $0x800;
	v35 =	vnsel vm12, $0x0, v35;
	v31 =	vnsel vm8, $0x0, v31;
	v33 =	vnsel vm13, $0x0, v33  }
0x18a: {  	[spmem:s22] =	stream.linear.scatter [tilespmem:s9], [sflag:$0x3], $0x80, $0x38;
	v34 =	vnsel vm11, $0x0, v34;
	v25 =	vnsel vm2, $0x1FF, v25;
	v24 =	vnsel vm0, $0x1FF, v24;
	[tilespmem:$0x16100] =	vst v63  }
0x18b: {  	s24 =	rddreg [dreg:$0x16];
	s25 =	simm.s32 $0x900;
	v30 =	vnsel vm1, $0x1FF, v30;
	v37 =	vand.u32 $0x300, v37;
	v36 =	vmin.u32 v36, $0x1FF  }
0x18c: {  	[spmem:s24] =	stream.linear.scatter [tilespmem:s25], [sflag:$0x3], $0x80, $0x38;
	v39 =	vand.u32 $0x7F, v33;
	v35 =	vmin.u32 v35, $0x1FF;
	v33 =	vshll.u32 v33, $0x1;
	[tilespmem:$0x16100] =	vst v63  }
0x18d: {  	s13 =	simm.s32 $0xA00;
	s9 =	rddreg [dreg:$0x17];
	v34 =	vmin.u32 v34, $0x1FF;
	v40 =	vshll.u32 v36, $0x1;
	v33 =	vand.u32 $0xFFFFFF00, v33  }
0x18e: {  	v36 =	vand.u32 $0x7F, v36;
	[spmem:s9] =	stream.linear.scatter [tilespmem:s13], [sflag:$0x3], $0x80, $0x38;
	v40 =	vand.u32 $0x300, v40;
	v33 =	vor.u32 v33, v39;
	[tilespmem:$0x16100] =	vst v63  }
0x18f: {  	s22 =	rddreg [dreg:$0x18];
	s24 =	simm.s32 $0xB00;
	v44 =	vshll.u32 v34, $0x1;
	v36 =	vor.u32 v40, v36;
	v33 =	vor.u32 $0x80, v33  }
0x190: {  	v34 =	vand.u32 $0x7F, v34;
	v39 =	vand.u32 $0x300, v44;
	[spmem:s22] =	stream.linear.scatter [tilespmem:s24], [sflag:$0x3], $0x80, $0x38;
	v36 =	vor.u32 $0x80, v36;
	[tilespmem:$0x16100] =	vst v63  }
0x191: {  	v31 =	vmin.u32 v31, $0x1FF;
	v45 =	vshll.u32 v35, $0x1;
	v34 =	vor.u32 v39, v34;
	_ =	swait.ge [sflag:s18], $0x200  }
0x192: {  	v35 =	vand.u32 $0x7F, v35;
	v39 =	vand.u32 $0x300, v45;
	v34 =	vor.u32 $0x80, v34;
	[sflag:s18] =	ssyncset.done $0x0  }
0x193: {  	v32 =	vmin.u32 v32, $0x1FF;
	v46 =	vshll.u32 v31, $0x1;
	v35 =	vor.u32 v39, v35;
	[sflag:s18] =	ssyncadd.s32 $0xFFFFFE00  }
0x194: {  	v31 =	vand.u32 $0x7F, v31;
	v39 =	vand.u32 $0x300, v46;
	v35 =	vor.u32 $0x80, v35;
	v33 =	vld.idx.msk [tilespmem:v33+s4+$0x0], $0xffff  }
0x195: {  	v28 =	vmin.u32 v28, $0x1FF;
	v47 =	vshll.u32 v32, $0x1;
	v31 =	vor.u32 v39, v31;
	v36 =	vld.idx.msk [tilespmem:v36+s4+$0x0], $0xffff  }
0x196: {  	v32 =	vand.u32 $0x7F, v32;
	v39 =	vand.u32 $0x300, v47;
	v31 =	vor.u32 $0x80, v31  }
0x197: {  	v38 =	vmin.u32 v38, $0x1FF;
	v48 =	vshll.u32 v28, $0x1;
	v32 =	vor.u32 v39, v32;
	v34 =	vld.idx.msk [tilespmem:v34+s4+$0x0], $0xffff  }
0x198: {  	v28 =	vand.u32 $0x7F, v28;
	v39 =	vand.u32 $0x300, v48;
	v32 =	vor.u32 $0x80, v32  }
0x199: {  	v49 =	vshll.u32 v38, $0x1;
	v38 =	vand.u32 $0x7F, v38;
	v28 =	vor.u32 v39, v28;
	v35 =	vld.idx.msk [tilespmem:v35+s4+$0x0], $0xffff  }
0x19a: {  	v39 =	vand.u32 $0x300, v49;
	v28 =	vor.u32 $0x80, v28;
	v33 =	vadd.f32 v36, v33  }
0x19b: {  	vm5 =	vne.s32 v22, v1;
	v51 =	vshll.u32 v30, $0x1;
	v50 =	vor.u32 v39, v38;
	v31 =	vld.idx.msk [tilespmem:v31+s4+$0x0], $0xffff  }
0x19c: {  	v27 =	vor.u32 v27, v37;
	v36 =	vor.u32 $0x80, v50;
	v33 =	vadd.f32 v34, v33  }
0x19d: {  	v30 =	vand.u32 $0x7F, v30;
	v52 =	vshll.u32 v24, $0x1;
	v24 =	vand.u32 $0x7F, v24;
	v32 =	vld.idx.msk [tilespmem:v32+s4+$0x0], $0xffff  }
0x19e: {  	v27 =	vor.u32 $0x80, v27;
	v34 =	vand.u32 $0x300, v51;
	v33 =	vadd.f32 v35, v33  }
0x19f: {  	v53 =	vshll.u32 v25, $0x1;
	v25 =	vand.u32 $0x7F, v25;
	v28 =	vld.idx.msk [tilespmem:v28+s4+$0x0], $0xffff;
	v30 =	vor.u32 v34, v30  }
0x1a0: {  	v34 =	vand.u32 $0x300, v52;
	v30 =	vor.u32 $0x80, v30;
	v31 =	vadd.f32 v31, v33  }
0x1a1: {  	v55 =	vshll.u32 v26, $0x1;
	v26 =	vand.u32 $0x7F, v26;
	v24 =	vor.u32 v34, v24;
	v54 =	vld.idx.msk [tilespmem:v36+s4+$0x0], $0xffff  }
0x1a2: {  	s25 =	simm.s32 $0x10;
	v24 =	vor.u32 $0x80, v24;
	v33 =	vand.u32 $0x300, v53;
	v31 =	vadd.f32 v32, v31  }
0x1a3: {  	v56 =	vadd.s32 s25, v15;
	v57 =	vadd.s32 s25, v16;
	v27 =	vld.idx.msk [tilespmem:v27+s4+$0x0], $0xffff;
	v25 =	vor.u32 v33, v25  }
0x1a4: {  	v25 =	vor.u32 $0x80, v25;
	v32 =	vand.u32 $0x300, v55;
	v28 =	vadd.f32 v28, v31  }
0x1a5: {  	v30 =	vld.idx.msk [tilespmem:v30+s4+$0x0], $0xffff;
	v26 =	vor.u32 v32, v26;
	v31 =	vshll.u32 v21, $0x1;
	v21 =	vand.u32 $0x7F, v21  }
0x1a6: {  	v26 =	vor.u32 $0x80, v26;
	v31 =	vand.u32 $0x300, v31;
	v28 =	vadd.f32 v54, v28  }
0x1a7: {  	v24 =	vld.idx.msk [tilespmem:v24+s4+$0x0], $0xffff;
	v21 =	vor.u32 v31, v21;
	v31 =	vshll.u32 v23, $0x1;
	v23 =	vand.u32 $0x7F, v23  }
0x1a8: {  	v21 =	vor.u32 $0x80, v21;
	v31 =	vand.u32 $0x300, v31;
	v27 =	vadd.f32 v27, v28  }
0x1a9: {  	v25 =	vld.idx.msk [tilespmem:v25+s4+$0x0], $0xffff;
	v28 =	vshll.u32 v20, $0x1;
	v23 =	vor.u32 v31, v23;
	v20 =	vand.u32 $0x7F, v20  }
0x1aa: {  	v28 =	vand.u32 $0x300, v28;
	v31 =	vor.u32 $0x80, v23;
	v23 =	vadd.f32 v30, v27  }
0x1ab: {  	v59 =	vadd.s32 s25, v14;
	v60 =	vor.u32 s25, v1;
	v26 =	vld.idx.msk [tilespmem:v26+s4+$0x0], $0xffff;
	v20 =	vor.u32 v28, v20  }
0x1ac: {  	v61 =	vadd.s32 s25, v9;
	v30 =	vor.u32 $0x80, v20;
	v24 =	vadd.f32 v24, v23  }
0x1ad: {  	v62 =	vadd.s32 s25, v7;
	v41 =	vadd.s32 s25, v8;
	v42 =	vadd.s32 s25, v6;
	v58 =	vld.idx.msk [tilespmem:v21+s4+$0x0], $0xffff  }
0x1ae: {  	v43 =	vadd.s32 s25, v4;
	vm6 =	vlt.s32 v56, $0x1FF;
	v24 =	vadd.f32 v25, v24  }
0x1af: {  	vm7 =	vlt.s32 v57, $0x1FF;
	vm9 =	vlt.s32 v59, $0x1FF;
	vm11 =	vgt.s32 v62, $0x0;
	v31 =	vld.idx.msk [tilespmem:v31+s4+$0x0], $0xffff  }
0x1b0: {  	vm12 =	vgt.s32 v41, $0x0;
	vm14 =	vgt.s32 v42, $0x0;
	v24 =	vadd.f32 v26, v24  }
0x1b1: {  	vm13 =	vgt.s32 v61, $0x0;
	vm15 =	vgt.s32 v43, $0x0;
	v37 =	vnsel vm14, $0x0, v42;
	v26 =	vld.idx.msk [tilespmem:v30+s4+$0x0], $0xffff  }
0x1b2: {  	v38 =	vnsel vm15, $0x0, v43;
	v35 =	vadd.s32 s25, v3;
	v24 =	vadd.f32 v58, v24  }
0x1b3: {  	v34 =	vnsel vm13, $0x0, v61;
	vm4 =	vgt.s32 v35, $0x0;
	v33 =	vadd.s32 s25, v5  }
0x1b4: {  	v36 =	vnsel vm12, $0x0, v41;
	vm3 =	vgt.s32 v33, $0x0;
	v22 =	vadd.f32 v31, v24  }
0x1b5: {  	v28 =	vadd.s32 s25, v17;
	v27 =	vadd.s32 s25, v13;
	v20 =	vmov s25  }
0x1b6: {  	vm8 =	vlt.s32 v28, $0x1FF;
	v23 =	vadd.s32 s25, v12;
	v22 =	vadd.f32 v26, v22  }
0x1b7: {  	vm2 =	vlt.s32 v27, $0x1FF;
	v21 =	vadd.s32 s25, v10;
	vm1 =	vlt.s32 v23, $0x1FF  }
0x1b8: {  	vm10 =	vgt.s32 v21, $0x0;
	v25 =	vadd.s32 s25, v11;
	v63 =	vmul.f32 $6.103515630e-05, v22  }
0x1b9: {  	s9 =	simm.s32 $0x400;
	v32 =	vnsel vm10, $0x0, v21;
	vm0 =	vlt.s32 v25, $0x1FF;
	v30 =	vand.u32 $0x7F, v60  }
0x1ba: {  	v31 =	vshll.u32 v20, $0x1;
	v24 =	vnsel vm7, $0x1FF, v57;
	v26 =	vnsel vm6, $0x1FF, v56;
	[tilespmem:s9+$0x0] =	vst v63  }
0x1bb: {  	s13 =	simm.s32 $0x20;
	v22 =	vnsel vm8, $0x1FF, v28;
	v28 =	vnsel vm9, $0x1FF, v59;
	[tilespmem:v29+s16+$0x0] =	vst.idx.msk vm5, v63;
	v29 =	vnsel vm11, $0x0, v62  }
.LBB2_8:
0x1bc: {  	p0 =	sne.s32 s13, $0x1F0;
	v35 =	vnsel vm4, $0x0, v35;
	v38 =	vmin.u32 v38, $0x1FF;
	v33 =	vnsel vm3, $0x0, v33  }
0x1bd: {  	v37 =	vmin.u32 v37, $0x1FF;
	v39 =	vand.u32 $0x7F, v35;
	v40 =	vshll.u32 v38, $0x1  }
0x1be: {  	v35 =	vshll.u32 v35, $0x1;
	v38 =	vand.u32 $0x7F, v38;
	v40 =	vand.u32 $0x300, v40  }
0x1bf: {  	v33 =	vmin.u32 v33, $0x1FF;
	v35 =	vand.u32 $0xFFFFFF00, v35;
	v38 =	vor.u32 v40, v38  }
0x1c0: {  	v35 =	vor.u32 v35, v39;
	v39 =	vshll.u32 v33, $0x1;
	v38 =	vor.u32 $0x80, v38  }
0x1c1: {  	v33 =	vand.u32 $0x7F, v33;
	v35 =	vor.u32 $0x80, v35;
	v39 =	vand.u32 $0x300, v39  }
0x1c2: {  	v29 =	vmin.u32 v29, $0x1FF;
	v33 =	vor.u32 v39, v33;
	v39 =	vshll.u32 v37, $0x1  }
0x1c3: {  	v37 =	vand.u32 $0x7F, v37;
	v33 =	vor.u32 $0x80, v33;
	v39 =	vand.u32 $0x300, v39  }
0x1c4: {  	v36 =	vmin.u32 v36, $0x1FF;
	v37 =	vor.u32 v39, v37;
	v39 =	vshll.u32 v29, $0x1  }
0x1c5: {  	v29 =	vand.u32 $0x7F, v29;
	v37 =	vor.u32 $0x80, v37;
	v39 =	vand.u32 $0x300, v39;
	v38 =	vld.idx.msk [tilespmem:v38+s4+$0x0], $0xffff  }
0x1c6: {  	v34 =	vmin.u32 v34, $0x1FF;
	v29 =	vor.u32 v39, v29;
	v39 =	vshll.u32 v36, $0x1;
	v35 =	vld.idx.msk [tilespmem:v35+s4+$0x0], $0xffff  }
0x1c7: {  	v36 =	vand.u32 $0x7F, v36;
	v29 =	vor.u32 $0x80, v29;
	v39 =	vand.u32 $0x300, v39  }
0x1c8: {  	v32 =	vmin.u32 v32, $0x1FF;
	v36 =	vor.u32 v39, v36;
	v39 =	vshll.u32 v34, $0x1;
	v33 =	vld.idx.msk [tilespmem:v33+s4+$0x0], $0xffff  }
0x1c9: {  	v34 =	vand.u32 $0x7F, v34;
	v36 =	vor.u32 $0x80, v36;
	v39 =	vand.u32 $0x300, v39  }
0x1ca: {  	v27 =	vnsel vm2, $0x1FF, v27;
	v34 =	vor.u32 v39, v34;
	v39 =	vshll.u32 v32, $0x1;
	v37 =	vld.idx.msk [tilespmem:v37+s4+$0x0], $0xffff  }
0x1cb: {  	v32 =	vand.u32 $0x7F, v32;
	v34 =	vor.u32 $0x80, v34;
	v39 =	vand.u32 $0x300, v39  }
0x1cc: {  	v23 =	vnsel vm1, $0x1FF, v23;
	v35 =	vadd.f32 v38, v35;
	v32 =	vor.u32 v39, v32;
	v29 =	vld.idx.msk [tilespmem:v29+s4+$0x0], $0xffff  }
0x1cd: {  	v31 =	vand.u32 $0x300, v31;
	v25 =	vnsel vm0, $0x1FF, v25;
	v32 =	vor.u32 $0x80, v32  }
0x1ce: {  	v30 =	vor.u32 v30, v31;
	v31 =	vshll.u32 v25, $0x1;
	v33 =	vadd.f32 v33, v35;
	v35 =	vld.idx.msk [tilespmem:v36+s4+$0x0], $0xffff  }
0x1cf: {  	v25 =	vand.u32 $0x7F, v25;
	v30 =	vor.u32 $0x80, v30;
	v31 =	vand.u32 $0x300, v31  }
0x1d0: {  	v25 =	vor.u32 v31, v25;
	v31 =	vshll.u32 v23, $0x1;
	v33 =	vadd.f32 v37, v33;
	v34 =	vld.idx.msk [tilespmem:v34+s4+$0x0], $0xffff  }
0x1d1: {  	v23 =	vand.u32 $0x7F, v23;
	v25 =	vor.u32 $0x80, v25;
	v31 =	vand.u32 $0x300, v31  }
0x1d2: {  	v23 =	vor.u32 v31, v23;
	v31 =	vshll.u32 v27, $0x1;
	v29 =	vadd.f32 v29, v33;
	v32 =	vld.idx.msk [tilespmem:v32+s4+$0x0], $0xffff  }
0x1d3: {  	v27 =	vand.u32 $0x7F, v27;
	v23 =	vor.u32 $0x80, v23;
	v31 =	vand.u32 $0x300, v31  }
0x1d4: {  	v27 =	vor.u32 v31, v27;
	v31 =	vshll.u32 v28, $0x1;
	v29 =	vadd.f32 v35, v29;
	v30 =	vld.idx.msk [tilespmem:v30+s4+$0x0], $0xffff  }
0x1d5: {  	v28 =	vand.u32 $0x7F, v28;
	v27 =	vor.u32 $0x80, v27;
	v31 =	vand.u32 $0x300, v31  }
0x1d6: {  	v28 =	vor.u32 v31, v28;
	v31 =	vshll.u32 v26, $0x1;
	v29 =	vadd.f32 v34, v29;
	v25 =	vld.idx.msk [tilespmem:v25+s4+$0x0], $0xffff  }
0x1d7: {  	v26 =	vand.u32 $0x7F, v26;
	v28 =	vor.u32 $0x80, v28;
	v31 =	vand.u32 $0x300, v31  }
0x1d8: {  	v26 =	vor.u32 v31, v26;
	v31 =	vshll.u32 v24, $0x1;
	v29 =	vadd.f32 v32, v29;
	v23 =	vld.idx.msk [tilespmem:v23+s4+$0x0], $0xffff  }
0x1d9: {  	v24 =	vand.u32 $0x7F, v24;
	v26 =	vor.u32 $0x80, v26;
	v31 =	vand.u32 $0x300, v31  }
0x1da: {  	v24 =	vor.u32 v31, v24;
	v29 =	vadd.f32 v30, v29;
	v30 =	vld.idx.msk [tilespmem:v27+s4+$0x0], $0xffff;
	v27 =	vshll.u32 v22, $0x1  }
0x1db: {  	v24 =	vor.u32 $0x80, v24;
	v22 =	vand.u32 $0x7F, v22;
	v27 =	vand.u32 $0x300, v27  }
0x1dc: {  	v25 =	vadd.f32 v25, v29;
	v28 =	vld.idx.msk [tilespmem:v28+s4+$0x0], $0xffff;
	v22 =	vor.u32 v27, v22  }
0x1dd: {  	v29 =	vadd.s32 s13, v17;
	v22 =	vor.u32 $0x80, v22  }
0x1de: {  	v34 =	vadd.s32 s13, v16;
	v32 =	vadd.s32 s13, v15;
	v25 =	vadd.f32 v23, v25;
	v26 =	vld.idx.msk [tilespmem:v26+s4+$0x0], $0xffff  }
0x1df: {  	v36 =	vadd.s32 s13, v14;
	v27 =	vadd.s32 s13, v13;
	v23 =	vadd.s32 s13, v12  }
0x1e0: {  	v31 =	vmov s13;
	v37 =	vor.u32 s13, v1;
	v30 =	vadd.f32 v30, v25;
	v24 =	vld.idx.msk [tilespmem:v24+s4+$0x0], $0xffff  }
0x1e1: {  	v38 =	vadd.s32 s13, v9;
	v39 =	vadd.s32 s13, v10;
	v25 =	vadd.s32 s13, v11  }
0x1e2: {  	v41 =	vadd.s32 s13, v8;
	v40 =	vadd.s32 s13, v7;
	v28 =	vadd.f32 v28, v30;
	v22 =	vld.idx.msk [tilespmem:v22+s4+$0x0], $0xffff  }
0x1e3: {  	v42 =	vadd.s32 s13, v6;
	v33 =	vadd.s32 s13, v5;
	v35 =	vadd.s32 s13, v3  }
0x1e4: {  	v43 =	vadd.s32 s13, v4;
	vm5 =	vne.s32 v20, v1;
	v20 =	vmovc v31;
	v26 =	vadd.f32 v26, v28  }
0x1e5: {  	vm7 =	vlt.s32 v34, $0x1FF;
	vm6 =	vlt.s32 v32, $0x1FF;
	vm8 =	vlt.s32 v29, $0x1FF  }
0x1e6: {  	vm9 =	vlt.s32 v36, $0x1FF;
	vm2 =	vlt.s32 v27, $0x1FF;
	v24 =	vadd.f32 v24, v26  }
0x1e7: {  	v31 =	vshll.u32 v20, $0x1;
	vm1 =	vlt.s32 v23, $0x1FF;
	v30 =	vand.u32 $0x7F, v37  }
0x1e8: {  	vm10 =	vgt.s32 v39, $0x0;
	vm0 =	vlt.s32 v25, $0x1FF;
	v22 =	vadd.f32 v22, v24  }
0x1e9: {  	vm12 =	vgt.s32 v41, $0x0;
	vm11 =	vgt.s32 v40, $0x0;
	vm13 =	vgt.s32 v38, $0x0  }
.Ltmp5:
0x1ea: {  	vm14 =	vgt.s32 v42, $0x0;
	vm3 =	vgt.s32 v33, $0x0;
	v37 =	vmul.f32 $6.103515630e-05, v22;
	(pc) =	sbr.rel @p0 .LBB2_8-.Ltmp5, $4  }
0x1eb: {  	s9 =	sadd.s32 $0x10, s9;
	vm15 =	vgt.s32 v43, $0x0;
	vm4 =	vgt.s32 v35, $0x0;
	v22 =	vnsel vm8, $0x1FF, v29  }
0x1ec: {  	v28 =	vnsel vm9, $0x1FF, v36;
	v26 =	vnsel vm6, $0x1FF, v32;
	v24 =	vnsel vm7, $0x1FF, v34;
	[tilespmem:s9+$0x0] =	vst v37  }
0x1ed: {  	v36 =	vnsel vm12, $0x0, v41;
	v32 =	vnsel vm10, $0x0, v39;
	v34 =	vnsel vm13, $0x0, v38;
	[tilespmem:v21+s16+$0x0] =	vst.idx.msk vm5, v37;
	v21 =	vmovc v39  }
0x1ee: {  	s13 =	sadd.s32 $0x10, s13;
	v38 =	vnsel vm15, $0x0, v43;
	v29 =	vnsel vm11, $0x0, v40;
	v37 =	vnsel vm14, $0x0, v42  }
0x1ef: {  	v35 =	vnsel vm4, $0x0, v35  }
0x1f0: {  	v38 =	vmin.u32 v38, $0x1FF;
	v33 =	vnsel vm3, $0x0, v33;
	v37 =	vmin.u32 v37, $0x1FF  }
0x1f1: {  	v29 =	vmin.u32 v29, $0x1FF;
	v39 =	vand.u32 $0x7F, v35;
	v40 =	vshll.u32 v38, $0x1  }
0x1f2: {  	v35 =	vshll.u32 v35, $0x1;
	v38 =	vand.u32 $0x7F, v38;
	v40 =	vand.u32 $0x300, v40  }
0x1f3: {  	v33 =	vmin.u32 v33, $0x1FF;
	v35 =	vand.u32 $0xFFFFFF00, v35;
	v38 =	vor.u32 v40, v38  }
0x1f4: {  	v43 =	vshll.u32 v33, $0x1;
	v35 =	vor.u32 v35, v39;
	v38 =	vor.u32 $0x80, v38  }
0x1f5: {  	v33 =	vand.u32 $0x7F, v33;
	v39 =	vand.u32 $0x300, v43;
	v35 =	vor.u32 $0x80, v35  }
0x1f6: {  	v36 =	vmin.u32 v36, $0x1FF;
	v44 =	vshll.u32 v37, $0x1;
	v33 =	vor.u32 v39, v33  }
0x1f7: {  	v37 =	vand.u32 $0x7F, v37;
	v39 =	vand.u32 $0x300, v44;
	v33 =	vor.u32 $0x80, v33  }
0x1f8: {  	v34 =	vmin.u32 v34, $0x1FF;
	v45 =	vshll.u32 v29, $0x1;
	v37 =	vor.u32 v39, v37  }
0x1f9: {  	v29 =	vand.u32 $0x7F, v29;
	v39 =	vand.u32 $0x300, v45;
	v37 =	vor.u32 $0x80, v37;
	v38 =	vld.idx.msk [tilespmem:v38+s4+$0x0], $0xffff  }
0x1fa: {  	v32 =	vmin.u32 v32, $0x1FF;
	v46 =	vshll.u32 v36, $0x1;
	v29 =	vor.u32 v39, v29;
	v35 =	vld.idx.msk [tilespmem:v35+s4+$0x0], $0xffff  }
0x1fb: {  	v36 =	vand.u32 $0x7F, v36;
	v39 =	vand.u32 $0x300, v46;
	v29 =	vor.u32 $0x80, v29  }
0x1fc: {  	v27 =	vnsel vm2, $0x1FF, v27;
	v47 =	vshll.u32 v34, $0x1;
	v36 =	vor.u32 v39, v36;
	v33 =	vld.idx.msk [tilespmem:v33+s4+$0x0], $0xffff  }
0x1fd: {  	v34 =	vand.u32 $0x7F, v34;
	v39 =	vand.u32 $0x300, v47;
	v36 =	vor.u32 $0x80, v36  }
0x1fe: {  	v48 =	vshll.u32 v32, $0x1;
	v32 =	vand.u32 $0x7F, v32;
	v34 =	vor.u32 v39, v34;
	v37 =	vld.idx.msk [tilespmem:v37+s4+$0x0], $0xffff  }
0x1ff: {  	v39 =	vand.u32 $0x300, v48;
	v34 =	vor.u32 $0x80, v34;
	v35 =	vadd.f32 v38, v35  }
0x200: {  	v23 =	vnsel vm1, $0x1FF, v23;
	v31 =	vand.u32 $0x300, v31;
	v32 =	vor.u32 v39, v32;
	v29 =	vld.idx.msk [tilespmem:v29+s4+$0x0], $0xffff  }
0x201: {  	v25 =	vnsel vm0, $0x1FF, v25;
	v32 =	vor.u32 $0x80, v32;
	v33 =	vadd.f32 v33, v35  }
0x202: {  	v30 =	vor.u32 v30, v31;
	v50 =	vshll.u32 v25, $0x1;
	v25 =	vand.u32 $0x7F, v25;
	v49 =	vld.idx.msk [tilespmem:v36+s4+$0x0], $0xffff  }
0x203: {  	v30 =	vor.u32 $0x80, v30;
	v35 =	vand.u32 $0x300, v50;
	v33 =	vadd.f32 v37, v33  }
0x204: {  	v51 =	vshll.u32 v23, $0x1;
	v23 =	vand.u32 $0x7F, v23;
	v34 =	vld.idx.msk [tilespmem:v34+s4+$0x0], $0xffff;
	v25 =	vor.u32 v35, v25  }
0x205: {  	v52 =	vand.u32 $0x300, v51;
	v25 =	vor.u32 $0x80, v25;
	v29 =	vadd.f32 v29, v33  }
0x206: {  	v53 =	vshll.u32 v27, $0x1;
	v27 =	vand.u32 $0x7F, v27;
	v23 =	vor.u32 v52, v23;
	v32 =	vld.idx.msk [tilespmem:v32+s4+$0x0], $0xffff  }
0x207: {  	v23 =	vor.u32 $0x80, v23;
	v33 =	vand.u32 $0x300, v53;
	v29 =	vadd.f32 v49, v29  }
0x208: {  	v54 =	vshll.u32 v28, $0x1;
	v55 =	vand.u32 $0x7F, v28;
	v30 =	vld.idx.msk [tilespmem:v30+s4+$0x0], $0xffff;
	v27 =	vor.u32 v33, v27  }
0x209: {  	v31 =	vand.u32 $0x300, v54;
	v27 =	vor.u32 $0x80, v27;
	v29 =	vadd.f32 v34, v29  }
0x20a: {  	v56 =	vshll.u32 v26, $0x1;
	v57 =	vand.u32 $0x7F, v26;
	v28 =	vor.u32 v31, v55;
	v25 =	vld.idx.msk [tilespmem:v25+s4+$0x0], $0xffff  }
0x20b: {  	v31 =	vand.u32 $0x300, v56;
	v28 =	vor.u32 $0x80, v28;
	v29 =	vadd.f32 v32, v29  }
0x20c: {  	v58 =	vshll.u32 v24, $0x1;
	v59 =	vand.u32 $0x7F, v24;
	v26 =	vor.u32 v31, v57;
	v23 =	vld.idx.msk [tilespmem:v23+s4+$0x0], $0xffff  }
0x20d: {  	v60 =	vand.u32 $0x300, v58;
	v26 =	vor.u32 $0x80, v26;
	v29 =	vadd.f32 v30, v29  }
0x20e: {  	v61 =	vshll.u32 v22, $0x1;
	v62 =	vand.u32 $0x7F, v22;
	v24 =	vor.u32 v60, v59;
	v27 =	vld.idx.msk [tilespmem:v27+s4+$0x0], $0xffff  }
0x20f: {  	v24 =	vor.u32 $0x80, v24;
	v30 =	vand.u32 $0x300, v61;
	v25 =	vadd.f32 v25, v29  }
0x210: {  	v28 =	vld.idx.msk [tilespmem:v28+s4+$0x0], $0xffff;
	v22 =	vor.u32 v30, v62  }
0x211: {  	v22 =	vor.u32 $0x80, v22;
	v23 =	vadd.f32 v23, v25  }
0x212: {  	v63 =	vld.idx.msk [tilespmem:v26+s4+$0x0], $0xffff  }
0x213: {  	v23 =	vadd.f32 v27, v23  }
0x214: {  	v24 =	vld.idx.msk [tilespmem:v24+s4+$0x0], $0xffff  }
0x215: {  	v23 =	vadd.f32 v28, v23  }
0x216: {  	v22 =	vld.idx.msk [tilespmem:v22+s4+$0x0], $0xffff  }
0x217: {  	v23 =	vadd.f32 v63, v23;
	_ =	sdelay $0x1  }
0x218: {  	v23 =	vadd.f32 v24, v23  }
0x219: {  	vm15 =	vne.s32 v20, v1  }
0x21a: {  	v20 =	vadd.f32 v22, v23;
	_ =	sdelay $0x1  }
0x21b: {  	v20 =	vmul.f32 $6.103515630e-05, v20  }
0x21c: {  	s6 =	sadd.s32 $0x10, s9  }
0x21d: {  	[tilespmem:s6+$0x0] =	vst v20  }
0x21e: {  	[tilespmem:v21+s16+$0x0] =	vst.idx.msk vm15, v20  }
0x21f: {  	v20 =	vld.idx.msk [tilespmem:v18+s17+$0x0], $0xffff;
	_ =	sdelay $0x4  }
0x220: {  	s9 =	simm.s32 $0x0;
	[tilespmem:v18+s16+$0x0] =	vst.idx.msk $0x1, v20  }
.LBB2_10:
0x221: {  	s6 =	sshll.u32 s9, $0x7  }
0x222: {  	s13 =	sor.u32 $0x20, s6  }
0x223: {  	v20 =	vor.u32 s13, v1  }
0x224: {  	s24 =	sor.u32 $0x40, s6;
	v20 =	vcvt.s32.f32 v20  }
0x225: {  	v21 =	vor.u32 s24, v1  }
0x226: {  	s25 =	sor.u32 $0x70, s6;
	v21 =	vcvt.s32.f32 v21;
	v22 =	vtrunc.f32 v20  }
0x227: {  	v24 =	vor.u32 s25, v1;
	v22 =	vcvt.f32.s32 v22  }
0x228: {  	v24 =	vcvt.s32.f32 v24;
	v23 =	vtrunc.f32 v21  }
0x229: {  	v23 =	vcvt.f32.s32 v23  }
0x22a: {  	v25 =	vor.u32 s6, v1;
	s22 =	sor.u32 $0x10, s6;
	v28 =	vtrunc.f32 v24  }
0x22b: {  	v25 =	vcvt.s32.f32 v25;
	v26 =	vor.u32 s22, v1;
	v28 =	vcvt.f32.s32 v28  }
0x22c: {  	s24 =	sor.u32 $0x30, s6;
	v26 =	vcvt.s32.f32 v26  }
0x22d: {  	s25 =	sor.u32 $0x50, s6;
	s6 =	sor.u32 $0x60, s6;
	v30 =	vor.u32 s24, v1;
	v31 =	vtrunc.f32 v25;
	v27 =	vld.idx.msk [tilespmem:v22+s17+$0x0], $0xffff  }
0x22e: {  	v34 =	vor.u32 s6, v1;
	v30 =	vcvt.s32.f32 v30;
	v42 =	vtrunc.f32 v26;
	v29 =	vld.idx.msk [tilespmem:v22+s16+$0x0], $0xffff  }
0x22f: {  	v32 =	vor.u32 s25, v1;
	v34 =	vcvt.s32.f32 v34;
	v42 =	vcvt.f32.s32 v42;
	v33 =	vld.idx.msk [tilespmem:v23+s16+$0x0], $0xffff  }
0x230: {  	v32 =	vcvt.s32.f32 v32;
	v31 =	vcvt.f32.s32 v31;
	v35 =	vld.idx.msk [tilespmem:v23+s17+$0x0], $0xffff  }
0x231: {  	v36 =	vtrunc.f32 v30;
	v38 =	vtrunc.f32 v34;
	v39 =	vld.idx.msk [tilespmem:v28+s17+$0x0], $0xffff  }
0x232: {  	v41 =	vcvt.s32.f32 v28;
	v22 =	vcvt.s32.f32 v22;
	v28 =	vld.idx.msk [tilespmem:v28+s16+$0x0], $0xffff  }
0x233: {  	v36 =	vcvt.f32.s32 v36;
	v37 =	vcvt.s32.f32 v31  }
0x234: {  	v23 =	vcvt.s32.f32 v23;
	v22 =	vsub.f32 v20, v22;
	v29 =	vsub.f32 v29, v27  }
0x235: {  	v38 =	vcvt.f32.s32 v38;
	v44 =	vcvt.s32.f32 v42;
	v49 =	vld.idx.msk [tilespmem:v42+s16+$0x0], $0xffff  }
0x236: {  	v23 =	vsub.f32 v21, v23;
	v33 =	vsub.f32 v33, v35;
	v22 =	vmul.f32 v29, v22;
	v29 =	vld.idx.msk [tilespmem:v31+s17+$0x0], $0xffff  }
0x237: {  	v40 =	vcvt.s32.f32 v36;
	v41 =	vsub.f32 v24, v41;
	v28 =	vsub.f32 v28, v39;
	v31 =	vld.idx.msk [tilespmem:v31+s16+$0x0], $0xffff  }
0x238: {  	v61 =	vsub.f32 v25, v37;
	v42 =	vld.idx.msk [tilespmem:v42+s17+$0x0], $0xffff;
	v23 =	vmul.f32 v33, v23;
	v22 =	vadd.f32 v22, v27  }
0x239: {  	v48 =	vsub.f32 v26, v44;
	v60 =	vld.idx.msk [tilespmem:v36+s16+$0x0], $0xffff;
	v28 =	vmul.f32 v28, v41;
	v27 =	vtrunc.f32 v32  }
0x23a: {  	v36 =	vld.idx.msk [tilespmem:v36+s17+$0x0], $0xffff;
	v27 =	vcvt.f32.s32 v27;
	v20 =	vadd.f32 v22, v20;
	v22 =	vadd.f32 v23, v35  }
0x23b: {  	v62 =	vsub.f32 v30, v40;
	v43 =	vld.idx.msk [tilespmem:v38+s17+$0x0], $0xffff;
	v28 =	vadd.f32 v28, v39  }
0x23c: {  	v23 =	vcvt.s32.f32 v38;
	v38 =	vld.idx.msk [tilespmem:v38+s16+$0x0], $0xffff;
	v31 =	vsub.f32 v31, v29;
	v21 =	vadd.f32 v22, v21  }
0x23d: {  	v39 =	vsub.f32 v49, v42;
	v63 =	vcvt.s32.f32 v27;
	v22 =	vmin.f32 v20, $5.110000000e+02  }
0x23e: {  	v45 =	vtrunc.f32 v22;
	v20 =	vmin.f32 v21, $5.110000000e+02;
	v21 =	vmul.f32 v31, v61  }
0x23f: {  	v23 =	vsub.f32 v34, v23;
	v31 =	vsub.f32 v60, v36;
	v46 =	vcvt.f32.s32 v45  }
0x240: {  	v40 =	vsub.f32 v32, v63;
	v47 =	vld.idx.msk [tilespmem:v27+s17+$0x0], $0xffff;
	v21 =	vadd.f32 v21, v29  }
0x241: {  	v27 =	vld.idx.msk [tilespmem:v27+s16+$0x0], $0xffff;
	v50 =	vsub.f32 v38, v43;
	v29 =	vtrunc.f32 v20;
	v31 =	vmul.f32 v31, v62  }
0x242: {  	v29 =	vcvt.f32.s32 v29;
	v21 =	vadd.f32 v21, v25;
	v25 =	vadd.f32 v28, v24  }
0x243: {  	v51 =	vcvt.s32.f32 v46;
	v23 =	vmul.f32 v50, v23;
	v28 =	vadd.f32 v31, v36  }
0x244: {  	v31 =	vcvt.s32.f32 v29;
	v24 =	vmin.f32 v21, $5.110000000e+02;
	v21 =	vmin.f32 v25, $5.110000000e+02  }
0x245: {  	v23 =	vadd.f32 v23, v43;
	v53 =	vld.idx.msk [tilespmem:v46+s17+$0x0], $0xffff;
	v25 =	vadd.f32 v28, v30;
	v28 =	vtrunc.f32 v21  }
0x246: {  	v52 =	vsub.f32 v22, v51;
	v27 =	vsub.f32 v27, v47;
	v33 =	vld.idx.msk [tilespmem:v46+s16+$0x0], $0xffff;
	v28 =	vcvt.f32.s32 v28  }
0x247: {  	v54 =	vtrunc.f32 v24;
	v23 =	vadd.f32 v23, v34;
	v58 =	vsub.f32 v20, v31  }
0x248: {  	v25 =	vmin.f32 v25, $5.110000000e+02;
	v27 =	vmul.f32 v27, v40;
	v55 =	vcvt.f32.s32 v54;
	v30 =	vld.idx.msk [tilespmem:v29+s17+$0x0], $0xffff  }
0x249: {  	v56 =	vtrunc.f32 v25;
	v57 =	vld.idx.msk [tilespmem:v29+s16+$0x0], $0xffff;
	v29 =	vmul.f32 v39, v48;
	v23 =	vmin.f32 v23, $5.110000000e+02  }
0x24a: {  	v27 =	vadd.f32 v27, v47;
	v35 =	vcvt.f32.s32 v56;
	v31 =	vcvt.s32.f32 v28  }
0x24b: {  	v59 =	vadd.f32 v29, v42;
	v60 =	vsub.f32 v33, v53;
	v29 =	vtrunc.f32 v23  }
0x24c: {  	v62 =	vcvt.s32.f32 v55;
	v27 =	vadd.f32 v27, v32;
	v33 =	vcvt.f32.s32 v29;
	v34 =	vld.idx.msk [tilespmem:v28+s16+$0x0], $0xffff  }
0x24d: {  	v29 =	vsub.f32 v21, v31;
	v61 =	vadd.f32 v59, v26;
	v36 =	vmul.f32 v60, v52;
	v28 =	vld.idx.msk [tilespmem:v28+s17+$0x0], $0xffff  }
0x24e: {  	v38 =	vcvt.s32.f32 v35;
	v26 =	vmin.f32 v27, $5.110000000e+02;
	v31 =	vld.idx.msk [tilespmem:v55+s17+$0x0], $0xffff;
	v43 =	vsub.f32 v57, v30  }
0x24f: {  	v40 =	vld.idx.msk [tilespmem:v55+s16+$0x0], $0xffff;
	v27 =	vmin.f32 v61, $5.110000000e+02;
	v39 =	vadd.f32 v36, v53;
	v63 =	vtrunc.f32 v26  }
0x250: {  	s13 =	simm.s32 $0x7F;
	v36 =	vsub.f32 v24, v62;
	v32 =	vld.idx.msk [tilespmem:v35+s17+$0x0], $0xffff;
	v41 =	vmul.f32 v43, v58;
	v37 =	vcvt.f32.s32 v63  }
.LBB2_11:
0x251: {  	p0 =	sne.s32 s13, $0x1;
	s13 =	sadd.s32 $0xFFFFFFFF, s13;
	v42 =	vtrunc.f32 v27;
	v38 =	vsub.f32 v25, v38;
	v35 =	vld.idx.msk [tilespmem:v35+s16+$0x0], $0xffff;
	v43 =	vcvt.s32.f32 v33  }
0x252: {  	v42 =	vcvt.f32.s32 v42;
	v30 =	vadd.f32 v41, v30;
	v41 =	vcvt.s32.f32 v37;
	v44 =	vld.idx.msk [tilespmem:v33+s17+$0x0], $0xffff  }
0x253: {  	v22 =	vadd.f32 v39, v22;
	v34 =	vsub.f32 v34, v28  }
0x254: {  	v39 =	vcvt.s32.f32 v42;
	v20 =	vadd.f32 v30, v20;
	v30 =	vsub.f32 v26, v41;
	v33 =	vld.idx.msk [tilespmem:v33+s16+$0x0], $0xffff  }
0x255: {  	v22 =	vmin.f32 v22, $5.110000000e+02;
	v41 =	vsub.f32 v23, v43;
	v29 =	vmul.f32 v34, v29  }
0x256: {  	v34 =	vtrunc.f32 v22;
	v40 =	vsub.f32 v40, v31;
	v20 =	vmin.f32 v20, $5.110000000e+02;
	v43 =	vld.idx.msk [tilespmem:v37+s17+$0x0], $0xffff  }
0x257: {  	v34 =	vcvt.f32.s32 v34;
	v39 =	vsub.f32 v27, v39;
	v35 =	vsub.f32 v35, v32  }
0x258: {  	v28 =	vadd.f32 v29, v28;
	v45 =	vtrunc.f32 v20;
	v36 =	vmul.f32 v40, v36;
	v40 =	vld.idx.msk [tilespmem:v42+s16+$0x0], $0xffff  }
0x259: {  	v29 =	vcvt.f32.s32 v45;
	v35 =	vmul.f32 v35, v38;
	v37 =	vld.idx.msk [tilespmem:v37+s16+$0x0], $0xffff  }
0x25a: {  	v38 =	vcvt.s32.f32 v34;
	v21 =	vadd.f32 v28, v21;
	v31 =	vadd.f32 v36, v31;
	v36 =	vld.idx.msk [tilespmem:v42+s17+$0x0], $0xffff  }
0x25b: {  	v33 =	vsub.f32 v33, v44;
	v28 =	vcvt.s32.f32 v29;
	v32 =	vadd.f32 v35, v32  }
0x25c: {  	v21 =	vmin.f32 v21, $5.110000000e+02;
	v24 =	vadd.f32 v31, v24  }
0x25d: {  	v35 =	vtrunc.f32 v21;
	v25 =	vadd.f32 v32, v25;
	v31 =	vld.idx.msk [tilespmem:v34+s17+$0x0], $0xffff  }
0x25e: {  	v33 =	vmul.f32 v33, v41;
	v24 =	vmin.f32 v24, $5.110000000e+02;
	v32 =	vld.idx.msk [tilespmem:v34+s16+$0x0], $0xffff;
	v34 =	vcvt.f32.s32 v35  }
0x25f: {  	v35 =	vtrunc.f32 v24;
	v25 =	vmin.f32 v25, $5.110000000e+02;
	v37 =	vsub.f32 v37, v43;
	v41 =	vld.idx.msk [tilespmem:v29+s16+$0x0], $0xffff  }
0x260: {  	v33 =	vadd.f32 v33, v44;
	v35 =	vcvt.f32.s32 v35;
	v40 =	vsub.f32 v40, v36  }
0x261: {  	v42 =	vtrunc.f32 v25;
	v30 =	vmul.f32 v37, v30;
	v29 =	vld.idx.msk [tilespmem:v29+s17+$0x0], $0xffff  }
0x262: {  	v23 =	vadd.f32 v33, v23;
	v37 =	vcvt.f32.s32 v42;
	v39 =	vmul.f32 v40, v39  }
0x263: {  	v38 =	vsub.f32 v22, v38;
	v33 =	vcvt.s32.f32 v35;
	v30 =	vadd.f32 v30, v43  }
0x264: {  	v23 =	vmin.f32 v23, $5.110000000e+02;
	v32 =	vsub.f32 v32, v31;
	v36 =	vadd.f32 v39, v36  }
0x265: {  	v40 =	vtrunc.f32 v23;
	v39 =	vcvt.s32.f32 v37;
	v26 =	vadd.f32 v30, v26;
	v42 =	vld.idx.msk [tilespmem:v34+s17+$0x0], $0xffff  }
0x266: {  	v32 =	vmul.f32 v32, v38;
	v38 =	vcvt.f32.s32 v40;
	v27 =	vadd.f32 v36, v27;
	v30 =	vld.idx.msk [tilespmem:v35+s17+$0x0], $0xffff  }
0x267: {  	v28 =	vsub.f32 v20, v28;
	v40 =	vcvt.s32.f32 v34;
	v36 =	vsub.f32 v41, v29;
	v34 =	vld.idx.msk [tilespmem:v34+s16+$0x0], $0xffff  }
0x268: {  	v26 =	vmin.f32 v26, $5.110000000e+02;
	v41 =	vcvt.s32.f32 v38;
	v27 =	vmin.f32 v27, $5.110000000e+02;
	v35 =	vld.idx.msk [tilespmem:v35+s16+$0x0], $0xffff  }
0x269: {  	v31 =	vadd.f32 v32, v31;
	v28 =	vmul.f32 v36, v28;
	v36 =	vtrunc.f32 v26;
	v32 =	vld.idx.msk [tilespmem:v37+s16+$0x0], $0xffff  }
0x26a: {  	v40 =	vsub.f32 v21, v40;
	v43 =	vtrunc.f32 v27;
	v36 =	vcvt.f32.s32 v36;
	v37 =	vld.idx.msk [tilespmem:v37+s17+$0x0], $0xffff  }
0x26b: {  	v43 =	vcvt.f32.s32 v43;
	v22 =	vadd.f32 v31, v22;
	v28 =	vadd.f32 v28, v29  }
0x26c: {  	v31 =	vsub.f32 v25, v39;
	v29 =	vsub.f32 v24, v33;
	v33 =	vcvt.s32.f32 v36;
	v39 =	vld.idx.msk [tilespmem:v38+s17+$0x0], $0xffff  }
0x26d: {  	v44 =	vcvt.s32.f32 v43;
	v22 =	vmin.f32 v22, $5.110000000e+02;
	v20 =	vadd.f32 v28, v20;
	v28 =	vld.idx.msk [tilespmem:v38+s16+$0x0], $0xffff  }
0x26e: {  	v34 =	vsub.f32 v34, v42;
	v35 =	vsub.f32 v35, v30;
	v38 =	vtrunc.f32 v22  }
0x26f: {  	v33 =	vsub.f32 v26, v33;
	v20 =	vmin.f32 v20, $5.110000000e+02;
	v38 =	vcvt.f32.s32 v38  }
0x270: {  	v34 =	vmul.f32 v34, v40;
	v29 =	vmul.f32 v35, v29;
	v32 =	vsub.f32 v32, v37;
	v35 =	vld.idx.msk [tilespmem:v36+s17+$0x0], $0xffff  }
0x271: {  	v41 =	vsub.f32 v23, v41;
	v40 =	vsub.f32 v27, v44;
	v44 =	vcvt.s32.f32 v38;
	v36 =	vld.idx.msk [tilespmem:v36+s16+$0x0], $0xffff  }
0x272: {  	v34 =	vadd.f32 v34, v42;
	v42 =	vtrunc.f32 v20;
	v29 =	vadd.f32 v29, v30;
	v30 =	vld.idx.msk [tilespmem:v43+s16+$0x0], $0xffff  }
0x273: {  	v31 =	vmul.f32 v32, v31;
	v32 =	vcvt.f32.s32 v42;
	v28 =	vsub.f32 v28, v39;
	v43 =	vld.idx.msk [tilespmem:v43+s17+$0x0], $0xffff  }
0x274: {  	v21 =	vadd.f32 v34, v21;
	v24 =	vadd.f32 v29, v24  }
0x275: {  	v29 =	vadd.f32 v31, v37;
	v31 =	vcvt.s32.f32 v32;
	v28 =	vmul.f32 v28, v41;
	v37 =	vld.idx.msk [tilespmem:v38+s17+$0x0], $0xffff  }
0x276: {  	v21 =	vmin.f32 v21, $5.110000000e+02;
	v41 =	vsub.f32 v22, v44;
	v24 =	vmin.f32 v24, $5.110000000e+02  }
0x277: {  	v25 =	vadd.f32 v29, v25;
	v29 =	vsub.f32 v36, v35;
	v36 =	vtrunc.f32 v21;
	v34 =	vld.idx.msk [tilespmem:v38+s16+$0x0], $0xffff  }
0x278: {  	v28 =	vadd.f32 v28, v39;
	v38 =	vtrunc.f32 v24;
	v36 =	vcvt.f32.s32 v36  }
0x279: {  	v25 =	vmin.f32 v25, $5.110000000e+02;
	v39 =	vsub.f32 v30, v43;
	v29 =	vmul.f32 v29, v33;
	v30 =	vld.idx.msk [tilespmem:v32+s17+$0x0], $0xffff  }
0x27a: {  	v23 =	vadd.f32 v28, v23;
	v42 =	vcvt.f32.s32 v38;
	v28 =	vtrunc.f32 v25;
	v32 =	vld.idx.msk [tilespmem:v32+s16+$0x0], $0xffff  }
0x27b: {  	v33 =	vmul.f32 v39, v40;
	v29 =	vadd.f32 v29, v35;
	v35 =	vcvt.f32.s32 v28  }
0x27c: {  	v44 =	vsub.f32 v20, v31;
	v23 =	vmin.f32 v23, $5.110000000e+02;
	v28 =	vcvt.s32.f32 v36  }
0x27d: {  	v31 =	vadd.f32 v33, v43;
	v38 =	vsub.f32 v34, v37;
	v33 =	vtrunc.f32 v23  }
.Ltmp6:
0x27e: {  	v26 =	vadd.f32 v29, v26;
	v29 =	vsub.f32 v21, v28;
	v33 =	vcvt.f32.s32 v33;
	v34 =	vld.idx.msk [tilespmem:v36+s16+$0x0], $0xffff;
	(pc) =	sbr.rel @p0 .LBB2_11-.Ltmp6, $4  }
0x27f: {  	v40 =	vcvt.s32.f32 v42;
	v27 =	vadd.f32 v31, v27;
	v39 =	vmul.f32 v38, v41;
	v28 =	vld.idx.msk [tilespmem:v36+s17+$0x0], $0xffff  }
0x280: {  	v26 =	vmin.f32 v26, $5.110000000e+02;
	v38 =	vcvt.s32.f32 v35;
	v41 =	vsub.f32 v32, v30;
	v31 =	vld.idx.msk [tilespmem:v42+s17+$0x0], $0xffff  }
0x281: {  	v27 =	vmin.f32 v27, $5.110000000e+02;
	v39 =	vadd.f32 v39, v37;
	v37 =	vtrunc.f32 v26;
	v32 =	vld.idx.msk [tilespmem:v35+s17+$0x0], $0xffff  }
0x282: {  	v36 =	vsub.f32 v24, v40;
	v41 =	vmul.f32 v41, v44;
	v37 =	vcvt.f32.s32 v37;
	v40 =	vld.idx.msk [tilespmem:v42+s16+$0x0], $0xffff  }
0x283: {  	_ =	sdelay $0x1  }
0x284: {  	v42 =	vtrunc.f32 v27  }
0x285: {  	v42 =	vcvt.f32.s32 v42  }
0x286: {  	v35 =	vld.idx.msk [tilespmem:v35+s16+$0x0], $0xffff  }
0x287: {  	v45 =	vld.idx.msk [tilespmem:v33+s17+$0x0], $0xffff  }
0x288: {  	v63 =	vld.idx.msk [tilespmem:v33+s16+$0x0], $0xffff  }
0x289: {  	v46 =	vld.idx.msk [tilespmem:v37+s17+$0x0], $0xffff  }
0x28a: {  	v22 =	vadd.f32 v39, v22;
	v38 =	vsub.f32 v25, v38;
	v49 =	vcvt.s32.f32 v33;
	v62 =	vld.idx.msk [tilespmem:v37+s16+$0x0], $0xffff  }
0x28b: {  	v30 =	vadd.f32 v41, v30;
	v61 =	vcvt.s32.f32 v37;
	v34 =	vsub.f32 v34, v28;
	v43 =	vld.idx.msk [tilespmem:v42+s16+$0x0], $0xffff  }
0x28c: {  	v33 =	vsub.f32 v23, v49;
	v22 =	vmin.f32 v22, $5.110000000e+02;
	v40 =	vsub.f32 v40, v31;
	v44 =	vld.idx.msk [tilespmem:v42+s17+$0x0], $0xffff  }
0x28d: {  	v39 =	vsub.f32 v26, v61;
	v29 =	vmul.f32 v34, v29;
	v20 =	vadd.f32 v30, v20  }
0x28e: {  	v35 =	vsub.f32 v35, v32;
	v53 =	vsub.f32 v63, v45;
	v36 =	vmul.f32 v40, v36  }
0x28f: {  	v60 =	vadd.f32 v29, v28;
	v20 =	vmin.f32 v20, $5.110000000e+02;
	v42 =	vcvt.s32.f32 v42  }
0x290: {  	v51 =	vsub.f32 v62, v46;
	v35 =	vmul.f32 v35, v38;
	v50 =	vadd.f32 v36, v31  }
0x291: {  	s6 =	sshll.u32 s9, $0x8;
	v33 =	vmul.f32 v53, v33;
	v47 =	vsub.f32 v27, v42;
	v48 =	vsub.f32 v43, v44  }
0x292: {  	s6 =	sand.u32 $0x3FFFFF00, s6;
	v21 =	vadd.f32 v60, v21;
	v55 =	vmul.f32 v51, v39;
	v54 =	vadd.f32 v35, v32  }
0x293: {  	[tilespmem:s6+$0x8A0] =	vst v22;
	v59 =	vadd.f32 v33, v45;
	v24 =	vadd.f32 v50, v24;
	v41 =	vmul.f32 v48, v47  }
0x294: {  	s9 =	sadd.s32 $0x1, s9;
	[tilespmem:s6+$0x8C0] =	vst v20;
	v21 =	vmin.f32 v21, $5.110000000e+02;
	v58 =	vadd.f32 v55, v46;
	v57 =	vadd.f32 v54, v25  }
0x295: {  	p0 =	sne.s32 s9, $0x4;
	[tilespmem:s6+$0x8F0] =	vst v21;
	v62 =	vadd.f32 v59, v23;
	v24 =	vmin.f32 v24, $5.110000000e+02;
	v52 =	vadd.f32 v41, v44  }
.Ltmp7:
0x296: {  	v61 =	vadd.f32 v58, v26;
	[tilespmem:s6+$0x880] =	vst v24;
	v25 =	vmin.f32 v57, $5.110000000e+02;
	(pc) =	sbr.rel @p0 .LBB2_10-.Ltmp7, $4  }
0x297: {  	v20 =	vmin.f32 v62, $5.110000000e+02;
	[tilespmem:s6+$0x8B0] =	vst v25;
	v56 =	vadd.f32 v52, v27  }
0x298: {  	v63 =	vmin.f32 v61, $5.110000000e+02;
	[tilespmem:s6+$0x8E0] =	vst v20  }
0x299: {  	[tilespmem:s6+$0x8D0] =	vst v63;
	v27 =	vmin.f32 v56, $5.110000000e+02  }
0x29a: {  	[tilespmem:s6+$0x890] =	vst v27  }
0x29b: {  	s6 =	rddreg [dreg:$0x9];
	s9 =	simm.s32 $0x880  }
0x29c: {  	[spmem:s6] =	stream.linear.scatter [tilespmem:s9], [sflag:$0x4], $0x80, $0x38;
	[tilespmem:$0x16100] =	vst v63  }
0x29d: {  	s24 =	rddreg [dreg:$0x19];
	s25 =	simm.s32 $0x980  }
0x29e: {  	[spmem:s24] =	stream.linear.scatter [tilespmem:s25], [sflag:$0x4], $0x80, $0x38;
	[tilespmem:$0x16100] =	vst v63  }
0x29f: {  	s13 =	rddreg [dreg:$0x1a];
	s22 =	simm.s32 $0xA80  }
0x2a0: {  	[spmem:s13] =	stream.linear.scatter [tilespmem:s22], [sflag:$0x4], $0x80, $0x38;
	[tilespmem:$0x16100] =	vst v63  }
0x2a1: {  	s24 =	rddreg [dreg:$0x1b];
	s25 =	simm.s32 $0xB80  }
0x2a2: {  	[spmem:s24] =	stream.linear.scatter [tilespmem:s25], [sflag:$0x4], $0x80, $0x38;
	[tilespmem:$0x16100] =	vst v63  }
0x2a3: {  	_ =	swait.ge [sflag:s19], $0x200  }
0x2a4: {  	[sflag:s19] =	ssyncset.done $0x0  }
0x2a5: {  	[sflag:s19] =	ssyncadd.s32 $0xFFFFFE00  }
0x2a6: {  	_ =	swait.ge [sflag:s20], $0x200  }
0x2a7: {  	[sflag:s20] =	ssyncset.done $0x0  }
0x2a8: {  	[sflag:s20] =	ssyncadd.s32 $0xFFFFFE00  }
0x2a9: {  	[bflag:$0x0] =	sbarrier.arrive $0xFFFF  }
0x2aa: {  	s9 =	rddreg [dreg:$0xa]  }
0x2ab: {  	s13 =	rddreg [dreg:$0x1c]  }
0x2ac: {  	[tilespmem:s21], [sflag:$0x1] =	stream.linear.gather [spmem:s9], $0x80, $0x38;
	[tilespmem:$0x16100] =	vst v63  }
0x2ad: {  	s19 =	simm.s32 $0xE00;
	s20 =	rddreg [dreg:$0x1d]  }
0x2ae: {  	[tilespmem:s19], [sflag:$0x1] =	stream.linear.gather [spmem:s13], $0x80, $0x38;
	[tilespmem:$0x16100] =	vst v63  }
0x2af: {  	s22 =	simm.s32 $0x1000;
	s24 =	rddreg [dreg:$0x1e]  }
0x2b0: {  	[tilespmem:s22], [sflag:$0x1] =	stream.linear.gather [spmem:s20], $0x80, $0x38;
	[tilespmem:$0x16100] =	vst v63  }
0x2b1: {  	s25 =	simm.s32 $0x1200;
	s13 =	rddreg [dreg:$0xb]  }
0x2b2: {  	[tilespmem:s25], [sflag:$0x1] =	stream.linear.gather [spmem:s24], $0x80, $0x38;
	[tilespmem:$0x16100] =	vst v63  }
0x2b3: {  	s19 =	simm.s32 $0xC80;
	s20 =	rddreg [dreg:$0x1f]  }
0x2b4: {  	[tilespmem:s19], [sflag:$0x1] =	stream.linear.gather [spmem:s13], $0x80, $0x38;
	[tilespmem:$0x16100] =	vst v63  }
0x2b5: {  	s22 =	simm.s32 $0xE80;
	s24 =	sld [smem:$0x7F6]  }
0x2b6: {  	[tilespmem:s22], [sflag:$0x1] =	stream.linear.gather [spmem:s20], $0x80, $0x38;
	[tilespmem:$0x16100] =	vst v63  }
0x2b7: {  	s25 =	simm.s32 $0x1080;
	s13 =	sld [smem:$0x7F7]  }
0x2b8: {  	[tilespmem:s25], [sflag:$0x1] =	stream.linear.gather [spmem:s24], $0x80, $0x38;
	[tilespmem:$0x16100] =	vst v63  }
0x2b9: {  	s19 =	simm.s32 $0x1280;
	s20 =	rddreg [dreg:$0xc]  }
0x2ba: {  	[tilespmem:s19], [sflag:$0x1] =	stream.linear.gather [spmem:s13], $0x80, $0x38;
	[tilespmem:$0x16100] =	vst v63  }
0x2bb: {  	s22 =	simm.s32 $0xD00;
	s24 =	sld [smem:$0x7F8]  }
0x2bc: {  	[tilespmem:s22], [sflag:$0x1] =	stream.linear.gather [spmem:s20], $0x80, $0x38;
	[tilespmem:$0x16100] =	vst v63  }
0x2bd: {  	s25 =	simm.s32 $0xF00;
	s13 =	sld [smem:$0x7F9]  }
0x2be: {  	[tilespmem:s25], [sflag:$0x1] =	stream.linear.gather [spmem:s24], $0x80, $0x38;
	[tilespmem:$0x16100] =	vst v63  }
0x2bf: {  	s19 =	simm.s32 $0x1100;
	s20 =	sld [smem:$0x7FA]  }
0x2c0: {  	[tilespmem:s19], [sflag:$0x1] =	stream.linear.gather [spmem:s13], $0x80, $0x38;
	[tilespmem:$0x16100] =	vst v63  }
0x2c1: {  	s22 =	simm.s32 $0x1300;
	s24 =	rddreg [dreg:$0xd]  }
0x2c2: {  	[tilespmem:s22], [sflag:$0x1] =	stream.linear.gather [spmem:s20], $0x80, $0x38;
	[tilespmem:$0x16100] =	vst v63  }
0x2c3: {  	s25 =	simm.s32 $0xD80;
	s13 =	sld [smem:$0x7FB]  }
0x2c4: {  	[tilespmem:s25], [sflag:$0x1] =	stream.linear.gather [spmem:s24], $0x80, $0x38;
	[tilespmem:$0x16100] =	vst v63  }
0x2c5: {  	s19 =	simm.s32 $0xF80;
	s20 =	sld [smem:$0x7FC]  }
0x2c6: {  	[tilespmem:s19], [sflag:$0x1] =	stream.linear.gather [spmem:s13], $0x80, $0x38;
	[tilespmem:$0x16100] =	vst v63  }
0x2c7: {  	s22 =	simm.s32 $0x1180;
	s24 =	sld [smem:$0x7FD]  }
0x2c8: {  	[tilespmem:s22], [sflag:$0x1] =	stream.linear.gather [spmem:s20], $0x80, $0x38;
	[tilespmem:$0x16100] =	vst v63  }
0x2c9: {  	s25 =	simm.s32 $0x1380  }
0x2ca: {  	[tilespmem:s25], [sflag:$0x1] =	stream.linear.gather [spmem:s24], $0x80, $0x38;
	[tilespmem:$0x16100] =	vst v63  }
0x2cb: {  	_ =	swait.ge [sflag:s15], $0x200  }
0x2cc: {  	[sflag:s15] =	ssyncset.done $0x0  }
0x2cd: {  	[sflag:s15] =	ssyncadd.s32 $0xFFFFFE00  }
0x2ce: {  	_ =	swait.ge [sflag:s15], $0x200  }
0x2cf: {  	[sflag:s15] =	ssyncset.done $0x0  }
0x2d0: {  	[sflag:s15] =	ssyncadd.s32 $0xFFFFFE00  }
0x2d1: {  	_ =	swait.ge [sflag:s15], $0x200  }
.Ltmp8:
0x2d2: {  	[sflag:s15] =	ssyncset.done $0x0;
	(pc) =	sbr.rel .LBB2_14-.Ltmp8, $4  }
0x2d3: {  	[sflag:s15] =	ssyncadd.s32 $0xFFFFFE00  }
0x2d4: {  	_ =	swait.ge [sflag:s15], $0x200  }
0x2d5: {  	s9 =	simm.s32 $0x0;
	[sflag:s15] =	ssyncset.done $0x0  }
0x2d6: {  	s19 =	simm.s32 $0x0;
	s20 =	simm.s32 $0x0;
	[sflag:s15] =	ssyncadd.s32 $0xFFFFFE00  }
.LBB2_17:
0x2d7: {  	v20 =	vld [tilespmem:$0x1980];
	_ =	sdelay $0x4  }
0x2d8: {  	v21 =	vshll.u32 v20, $0x1  }
0x2d9: {  	v20 =	vand.u32 $0x7, v20;
	v21 =	vand.u32 $0xFFFFFFF0, v21  }
0x2da: {  	v56 =	vand.u32 $0x7, v1;
	v22 =	vshrl.u32 v1, $0x3;
	v20 =	vor.u32 v20, v21  }
0x2db: {  	v22 =	vmul.u32 $0x8, v22;
	v23 =	vperm.xlane v20, v56  }
0x2dc: {  	v24 =	vor.u32 $0x8, v1  }
0x2dd: {  	v20 =	vperm.xlane v20, v24;
	v23 =	vadd.s32 v22, v23;
	_ =	sdelay $0x1  }
0x2de: {  	v20 =	vadd.s32 v22, v20;
	_ =	sdelay $0x1  }
0x2df: {  	vm0 =	vmmov $0xffff;
	s6 =	simm.s32 $0x9D00  }
0x2e0: {  	[tilespmem:s6], [sflag:$0x2] =	stream.indirect_vreg.gather [hbm4b:s1+s4], $0x80, v23, vm0, $0xb8;
	[tilespmem:$0x16100] =	vst v63  }
0x2e1: {  	s22 =	simm.s32 $0xA500  }
0x2e2: {  	[tilespmem:s22], [sflag:$0x2] =	stream.indirect_vreg.gather [hbm4b:s1+s4], $0x80, v20, vm0, $0xb8;
	[tilespmem:$0x16100] =	vst v63  }
0x2e3: {  	v20 =	vld [tilespmem:$0x1990];
	_ =	sdelay $0x4  }
0x2e4: {  	v57 =	vshll.u32 v20, $0x1  }
0x2e5: {  	v20 =	vand.u32 $0x7, v20;
	v23 =	vand.u32 $0xFFFFFFF0, v57  }
0x2e6: {  	v20 =	vor.u32 v20, v23  }
0x2e7: {  	v23 =	vperm.xlane v20, v56;
	_ =	sdelay $0x1  }
0x2e8: {  	v20 =	vperm.xlane v20, v24;
	v23 =	vadd.s32 v22, v23;
	_ =	sdelay $0x1  }
0x2e9: {  	v20 =	vadd.s32 v22, v20;
	_ =	sdelay $0x1  }
0x2ea: {  	s24 =	simm.s32 $0xAD00  }
0x2eb: {  	[tilespmem:s24], [sflag:$0x2] =	stream.indirect_vreg.gather [hbm4b:s1+s4], $0x80, v23, vm0, $0xb8;
	[tilespmem:$0x16100] =	vst v63  }
0x2ec: {  	s25 =	simm.s32 $0xB500  }
0x2ed: {  	[tilespmem:s25], [sflag:$0x2] =	stream.indirect_vreg.gather [hbm4b:s1+s4], $0x80, v20, vm0, $0xb8;
	[tilespmem:$0x16100] =	vst v63  }
0x2ee: {  	v20 =	vld [tilespmem:$0x19A0];
	_ =	sdelay $0x4  }
0x2ef: {  	v58 =	vshll.u32 v20, $0x1  }
0x2f0: {  	v20 =	vand.u32 $0x7, v20;
	v23 =	vand.u32 $0xFFFFFFF0, v58  }
0x2f1: {  	v20 =	vor.u32 v20, v23  }
0x2f2: {  	v23 =	vperm.xlane v20, v56;
	_ =	sdelay $0x1  }
0x2f3: {  	v20 =	vperm.xlane v20, v24;
	v23 =	vadd.s32 v22, v23;
	_ =	sdelay $0x1  }
0x2f4: {  	v20 =	vadd.s32 v22, v20;
	_ =	sdelay $0x2  }
0x2f5: {  	[tilespmem:s26], [sflag:$0x2] =	stream.indirect_vreg.gather [hbm4b:s1+s4], $0x80, v23, vm0, $0xb8;
	[tilespmem:$0x16100] =	vst v63  }
0x2f6: {  	_ = 	snop  }
0x2f7: {  	[tilespmem:s28], [sflag:$0x2] =	stream.indirect_vreg.gather [hbm4b:s1+s4], $0x80, v20, vm0, $0xb8;
	[tilespmem:$0x16100] =	vst v63  }
0x2f8: {  	v20 =	vld [tilespmem:$0x19B0];
	_ =	sdelay $0x4  }
0x2f9: {  	v59 =	vshll.u32 v20, $0x1  }
0x2fa: {  	v20 =	vand.u32 $0x7, v20;
	v23 =	vand.u32 $0xFFFFFFF0, v59  }
0x2fb: {  	v20 =	vor.u32 v20, v23  }
0x2fc: {  	v23 =	vperm.xlane v20, v56;
	_ =	sdelay $0x1  }
0x2fd: {  	v20 =	vperm.xlane v20, v24;
	v23 =	vadd.s32 v22, v23;
	_ =	sdelay $0x1  }
0x2fe: {  	v20 =	vadd.s32 v22, v20;
	_ =	sdelay $0x2  }
0x2ff: {  	[tilespmem:s29], [sflag:$0x2] =	stream.indirect_vreg.gather [hbm4b:s1+s4], $0x80, v23, vm0, $0xb8;
	[tilespmem:$0x16100] =	vst v63  }
0x300: {  	_ = 	snop  }
0x301: {  	[tilespmem:s30], [sflag:$0x2] =	stream.indirect_vreg.gather [hbm4b:s1+s4], $0x80, v20, vm0, $0xb8;
	[tilespmem:$0x16100] =	vst v63  }
0x302: {  	v20 =	vld [tilespmem:$0x19C0];
	_ =	sdelay $0x4  }
0x303: {  	v60 =	vshll.u32 v20, $0x1  }
0x304: {  	v20 =	vand.u32 $0x7, v20;
	v23 =	vand.u32 $0xFFFFFFF0, v60  }
0x305: {  	v20 =	vor.u32 v20, v23  }
0x306: {  	v23 =	vperm.xlane v20, v56;
	_ =	sdelay $0x1  }
0x307: {  	v20 =	vperm.xlane v20, v24;
	v23 =	vadd.s32 v22, v23;
	_ =	sdelay $0x1  }
0x308: {  	v20 =	vadd.s32 v22, v20;
	_ =	sdelay $0x2  }
0x309: {  	[tilespmem:s31], [sflag:$0x2] =	stream.indirect_vreg.gather [hbm4b:s1+s4], $0x80, v23, vm0, $0xb8;
	[tilespmem:$0x16100] =	vst v63  }
0x30a: {  	_ = 	snop  }
0x30b: {  	[tilespmem:s3], [sflag:$0x2] =	stream.indirect_vreg.gather [hbm4b:s1+s4], $0x80, v20, vm0, $0xb8;
	[tilespmem:$0x16100] =	vst v63  }
0x30c: {  	v20 =	vld [tilespmem:$0x19D0];
	_ =	sdelay $0x4  }
0x30d: {  	v61 =	vshll.u32 v20, $0x1  }
0x30e: {  	v20 =	vand.u32 $0x7, v20;
	v23 =	vand.u32 $0xFFFFFFF0, v61  }
0x30f: {  	v20 =	vor.u32 v20, v23  }
0x310: {  	v23 =	vperm.xlane v20, v56;
	_ =	sdelay $0x1  }
0x311: {  	v20 =	vperm.xlane v20, v24;
	v23 =	vadd.s32 v22, v23;
	_ =	sdelay $0x1  }
0x312: {  	v20 =	vadd.s32 v22, v20;
	_ =	sdelay $0x2  }
0x313: {  	[tilespmem:s0], [sflag:$0x2] =	stream.indirect_vreg.gather [hbm4b:s1+s4], $0x80, v23, vm0, $0xb8;
	[tilespmem:$0x16100] =	vst v63  }
0x314: {  	_ = 	snop  }
0x315: {  	[tilespmem:s5], [sflag:$0x2] =	stream.indirect_vreg.gather [hbm4b:s1+s4], $0x80, v20, vm0, $0xb8;
	[tilespmem:$0x16100] =	vst v63  }
0x316: {  	v20 =	vld [tilespmem:$0x19E0];
	_ =	sdelay $0x4  }
0x317: {  	v62 =	vshll.u32 v20, $0x1  }
0x318: {  	v20 =	vand.u32 $0x7, v20;
	v23 =	vand.u32 $0xFFFFFFF0, v62  }
0x319: {  	v20 =	vor.u32 v20, v23  }
0x31a: {  	v23 =	vperm.xlane v20, v56;
	_ =	sdelay $0x1  }
0x31b: {  	v20 =	vperm.xlane v20, v24;
	v23 =	vadd.s32 v22, v23;
	_ =	sdelay $0x1  }
0x31c: {  	v20 =	vadd.s32 v22, v20;
	_ =	sdelay $0x2  }
0x31d: {  	[tilespmem:s7], [sflag:$0x2] =	stream.indirect_vreg.gather [hbm4b:s1+s4], $0x80, v23, vm0, $0xb8;
	[tilespmem:$0x16100] =	vst v63  }
0x31e: {  	_ = 	snop  }
0x31f: {  	[tilespmem:s8], [sflag:$0x2] =	stream.indirect_vreg.gather [hbm4b:s1+s4], $0x80, v20, vm0, $0xb8;
	[tilespmem:$0x16100] =	vst v63  }
0x320: {  	v20 =	vld [tilespmem:$0x19F0];
	_ =	sdelay $0x4  }
0x321: {  	v63 =	vshll.u32 v20, $0x1  }
0x322: {  	v20 =	vand.u32 $0x7, v20;
	v23 =	vand.u32 $0xFFFFFFF0, v63  }
0x323: {  	v20 =	vor.u32 v20, v23  }
0x324: {  	v21 =	vperm.xlane v20, v56;
	_ =	sdelay $0x1  }
0x325: {  	v20 =	vperm.xlane v20, v24;
	v21 =	vadd.s32 v22, v21;
	_ =	sdelay $0x1  }
0x326: {  	v20 =	vadd.s32 v22, v20;
	_ =	sdelay $0x2  }
0x327: {  	[tilespmem:s10], [sflag:$0x2] =	stream.indirect_vreg.gather [hbm4b:s1+s4], $0x80, v21, vm0, $0xb8;
	[tilespmem:$0x16100] =	vst v63  }
0x328: {  	_ = 	snop  }
0x329: {  	[tilespmem:s11], [sflag:$0x2] =	stream.indirect_vreg.gather [hbm4b:s1+s4], $0x80, v20, vm0, $0xb8;
	[tilespmem:$0x16100] =	vst v63  }
.LBB2_18:
0x32a: {  	s20 =	sadd.s32 $0x1, s20  }
0x32b: {  	p0 =	sne.s32 s20, $0x10  }
.Ltmp9:
0x32c: {  	_ = 	snop;
	(pc) =	sbr.rel @!p0 .LBB2_19-.Ltmp9, $2  }
0x32d: {  	_ =	sdelay $0x2  }
0x32e: {  	s19 =	sadd.s32 $0x40, s19;
	s9 =	sadd.s32 $0x10, s9  }
.LBB2_14:
0x32f: {  	s13 =	sadd.s32 s19, s2  }
0x330: {  	s6 =	sand.u32 $0x70, s9;
	s13 =	sand.u32 $0x600, s13  }
0x331: {  	s13 =	sor.u32 s6, s13  }
0x332: {  	v20 =	vld [tilespmem:s13+$0xC00];
	_ =	sdelay $0x4  }
0x333: {  	v21 =	vtrunc.f32 v20  }
0x334: {  	v21 =	vcvt.f32.s32 v21;
	_ =	sdelay $0x1  }
0x335: {  	vm0 =	vgt.s32 v21, $0x0  }
0x336: {  	v21 =	vnsel vm0, $0x0, v21  }
0x337: {  	v22 =	vmin.u32 v21, $0x1FE  }
0x338: {  	v21 =	vmin.u32 v21, $0x1FD;
	v23 =	vmax.u32 v22, $0x1;
	v24 =	vcvt.s32.f32 v22  }
0x339: {  	v26 =	vshll.u32 v22, $0x2;
	v27 =	vand.u32 $0x7F, v22;
	v22 =	vadd.s32 $0x1, v22  }
0x33a: {  	v21 =	vadd.s32 $0x2, v21;
	v23 =	vsub.s32 v23, v19;
	v26 =	vand.u32 $0x600, v26  }
0x33b: {  	v54 =	vshll.u32 v22, $0x2;
	v25 =	vand.u32 $0x7F, v23;
	v23 =	vshll.u32 v23, $0x2  }
0x33c: {  	v20 =	vsub.f32 v20, v24;
	v53 =	vor.u32 v26, v27;
	v23 =	vand.u32 $0x600, v23  }
0x33d: {  	v22 =	vand.u32 $0x7F, v22;
	v24 =	vor.u32 $0x80, v53;
	v23 =	vor.u32 v23, v25  }
0x33e: {  	v55 =	vmul.f32 v20, v20;
	v25 =	vand.u32 $0xE00, v54;
	v23 =	vor.u32 $0x80, v23  }
0x33f: {  	v56 =	vshll.u32 v21, $0x2;
	v21 =	vand.u32 $0x7F, v21;
	v22 =	vor.u32 v25, v22  }
0x340: {  	v25 =	vand.u32 $0xE00, v56;
	v57 =	vmul.f32 v55, v20;
	v22 =	vor.u32 $0x80, v22  }
0x341: {  	v21 =	vor.u32 v25, v21;
	v28 =	vmul.f32 $2.500000000e+00, v55  }
0x342: {  	v21 =	vor.u32 $0x80, v21;
	v58 =	vmul.f32 $5.000000000e-01, v57;
	v27 =	vmul.f32 $1.500000000e+00, v57;
	v24 =	vld.idx.msk [tilespmem:v24+s21+$0x0], $0xffff  }
0x343: {  	v30 =	vadd.f32 v55, v55;
	v23 =	vld.idx.msk [tilespmem:v23+s21+$0x0], $0xffff  }
0x344: {  	v20 =	vmul.f32 $5.000000000e-01, v20;
	v29 =	vsub.f32 v55, v58;
	v28 =	vsub.f32 v27, v28  }
0x345: {  	v27 =	vsub.f32 v30, v27;
	v22 =	vld.idx.msk [tilespmem:v22+s21+$0x0], $0xffff  }
0x346: {  	v29 =	vsub.f32 v29, v20;
	v28 =	vadd.f32 $1.000000000e+00, v28  }
0x347: {  	v26 =	vmul.f32 $5.000000000e-01, v55;
	v21 =	vld.idx.msk [tilespmem:v21+s21+$0x0], $0xffff  }
0x348: {  	v20 =	vadd.f32 v27, v20;
	v24 =	vmul.f32 v28, v24;
	v23 =	vmul.f32 v29, v23;
	_ =	sdelay $0x1  }
0x349: {  	v25 =	vsub.f32 v58, v26;
	v20 =	vmul.f32 v20, v22;
	v23 =	vadd.f32 v24, v23;
	_ =	sdelay $0x1  }
0x34a: {  	v21 =	vmul.f32 v25, v21;
	v20 =	vadd.f32 v23, v20;
	_ =	sdelay $0x1  }
0x34b: {  	v20 =	vadd.f32 v20, v21;
	_ =	sdelay $0x1  }
0x34c: {  	v21 =	vtrunc.f32 v20  }
0x34d: {  	v21 =	vcvt.f32.s32 v21;
	_ =	sdelay $0x1  }
0x34e: {  	vm13 =	vgt.s32 v21, $0x0  }
0x34f: {  	v21 =	vnsel vm13, $0x0, v21  }
0x350: {  	v59 =	vmin.u32 v21, $0x1FE  }
0x351: {  	v21 =	vmin.u32 v21, $0x1FD;
	v60 =	vmax.u32 v59, $0x1;
	v61 =	vcvt.s32.f32 v59  }
0x352: {  	v63 =	vshll.u32 v59, $0x2;
	v30 =	vand.u32 $0x7F, v59;
	v22 =	vadd.s32 $0x1, v59  }
0x353: {  	v21 =	vadd.s32 $0x2, v21;
	v23 =	vsub.s32 v60, v19;
	v26 =	vand.u32 $0x600, v63  }
0x354: {  	v32 =	vshll.u32 v22, $0x2;
	v62 =	vand.u32 $0x7F, v23;
	v23 =	vshll.u32 v23, $0x2  }
0x355: {  	v20 =	vsub.f32 v20, v61;
	v31 =	vor.u32 v26, v30;
	v23 =	vand.u32 $0x600, v23  }
0x356: {  	v22 =	vand.u32 $0x7F, v22;
	v24 =	vor.u32 $0x100, v31;
	v23 =	vor.u32 v23, v62  }
0x357: {  	v25 =	vand.u32 $0xE00, v32;
	v33 =	vmul.f32 v20, v20;
	v23 =	vor.u32 $0x100, v23  }
0x358: {  	v34 =	vshll.u32 v21, $0x2;
	v21 =	vand.u32 $0x7F, v21;
	v22 =	vor.u32 v25, v22  }
0x359: {  	v25 =	vand.u32 $0xE00, v34;
	v22 =	vor.u32 $0x100, v22;
	v35 =	vmul.f32 v33, v20  }
0x35a: {  	v21 =	vor.u32 v25, v21;
	v37 =	vmul.f32 $2.500000000e+00, v33  }
0x35b: {  	v21 =	vor.u32 $0x100, v21;
	v36 =	vmul.f32 $5.000000000e-01, v35;
	v27 =	vmul.f32 $1.500000000e+00, v35;
	v24 =	vld.idx.msk [tilespmem:v24+s21+$0x0], $0xffff  }
0x35c: {  	v39 =	vadd.f32 v33, v33;
	v23 =	vld.idx.msk [tilespmem:v23+s21+$0x0], $0xffff  }
0x35d: {  	v20 =	vmul.f32 $5.000000000e-01, v20;
	v38 =	vsub.f32 v33, v36;
	v28 =	vsub.f32 v27, v37  }
0x35e: {  	v22 =	vld.idx.msk [tilespmem:v22+s21+$0x0], $0xffff;
	v27 =	vsub.f32 v39, v27  }
0x35f: {  	v29 =	vsub.f32 v38, v20;
	v28 =	vadd.f32 $1.000000000e+00, v28  }
0x360: {  	v26 =	vmul.f32 $5.000000000e-01, v33;
	v21 =	vld.idx.msk [tilespmem:v21+s21+$0x0], $0xffff  }
0x361: {  	v20 =	vadd.f32 v27, v20;
	v24 =	vmul.f32 v28, v24;
	v23 =	vmul.f32 v29, v23;
	_ =	sdelay $0x1  }
0x362: {  	v25 =	vsub.f32 v36, v26;
	v20 =	vmul.f32 v20, v22;
	v23 =	vadd.f32 v24, v23;
	_ =	sdelay $0x1  }
0x363: {  	v21 =	vmul.f32 v25, v21;
	v20 =	vadd.f32 v23, v20;
	_ =	sdelay $0x1  }
0x364: {  	v20 =	vadd.f32 v20, v21;
	_ =	sdelay $0x1  }
0x365: {  	v21 =	vtrunc.f32 v20  }
0x366: {  	v21 =	vcvt.f32.s32 v21;
	_ =	sdelay $0x1  }
0x367: {  	vm14 =	vgt.s32 v21, $0x0  }
0x368: {  	v21 =	vnsel vm14, $0x0, v21  }
0x369: {  	v40 =	vmin.u32 v21, $0x1FE;
	v21 =	vmin.u32 v21, $0x1FD  }
0x36a: {  	v41 =	vmax.u32 v40, $0x1;
	v42 =	vcvt.s32.f32 v40;
	v44 =	vshll.u32 v40, $0x2  }
0x36b: {  	v22 =	vadd.s32 $0x1, v40;
	v21 =	vadd.s32 $0x2, v21;
	v23 =	vsub.s32 v41, v19  }
0x36c: {  	v26 =	vand.u32 $0x600, v44;
	v46 =	vshll.u32 v22, $0x2;
	v43 =	vshll.u32 v23, $0x2  }
0x36d: {  	v20 =	vsub.f32 v20, v42;
	v45 =	vor.u32 v26, v40;
	v25 =	vand.u32 $0x600, v43  }
0x36e: {  	v22 =	vand.u32 $0x7F, v22;
	v24 =	vor.u32 $0x180, v45;
	v23 =	vor.u32 v25, v23  }
0x36f: {  	v47 =	vmul.f32 v20, v20;
	v25 =	vand.u32 $0xE00, v46;
	v23 =	vor.u32 $0x180, v23  }
0x370: {  	v48 =	vshll.u32 v21, $0x2;
	v21 =	vand.u32 $0x7F, v21;
	v22 =	vor.u32 v25, v22  }
0x371: {  	v25 =	vand.u32 $0xE00, v48;
	v49 =	vmul.f32 v47, v20;
	v22 =	vor.u32 $0x180, v22  }
0x372: {  	v21 =	vor.u32 v25, v21;
	v51 =	vmul.f32 $2.500000000e+00, v47  }
0x373: {  	v21 =	vor.u32 $0x180, v21;
	v50 =	vmul.f32 $5.000000000e-01, v49;
	v27 =	vmul.f32 $1.500000000e+00, v49;
	v24 =	vld.idx.msk [tilespmem:v24+s21+$0x0], $0xffff  }
0x374: {  	v53 =	vadd.f32 v47, v47;
	v23 =	vld.idx.msk [tilespmem:v23+s21+$0x0], $0xffff  }
0x375: {  	v20 =	vmul.f32 $5.000000000e-01, v20;
	v52 =	vsub.f32 v47, v50;
	v28 =	vsub.f32 v27, v51  }
0x376: {  	v27 =	vsub.f32 v53, v27;
	v22 =	vld.idx.msk [tilespmem:v22+s21+$0x0], $0xffff  }
0x377: {  	v29 =	vsub.f32 v52, v20;
	v28 =	vadd.f32 $1.000000000e+00, v28  }
0x378: {  	v26 =	vmul.f32 $5.000000000e-01, v47;
	v21 =	vld.idx.msk [tilespmem:v21+s21+$0x0], $0xffff  }
0x379: {  	v20 =	vadd.f32 v27, v20;
	v24 =	vmul.f32 v28, v24;
	v23 =	vmul.f32 v29, v23;
	_ =	sdelay $0x1  }
0x37a: {  	v25 =	vsub.f32 v50, v26;
	v20 =	vmul.f32 v20, v22;
	v23 =	vadd.f32 v24, v23;
	_ =	sdelay $0x1  }
0x37b: {  	v21 =	vmul.f32 v25, v21;
	v20 =	vadd.f32 v23, v20;
	_ =	sdelay $0x1  }
0x37c: {  	v20 =	vadd.f32 v20, v21;
	_ =	sdelay $0x1  }
0x37d: {  	v21 =	vtrunc.f32 v20  }
0x37e: {  	v21 =	vcvt.f32.s32 v21;
	_ =	sdelay $0x1  }
0x37f: {  	vm15 =	vgt.s32 v21, $0x0  }
0x380: {  	v21 =	vnsel vm15, $0x0, v21  }
0x381: {  	v54 =	vmin.u32 v21, $0x1FE  }
0x382: {  	v55 =	vcvt.s32.f32 v54;
	_ =	sdelay $0x1  }
0x383: {  	v23 =	vsub.f32 v20, v55;
	_ =	sdelay $0x1  }
0x384: {  	v56 =	vmul.f32 v23, v23;
	_ =	sdelay $0x1  }
0x385: {  	v57 =	vmul.f32 v56, v23;
	_ =	sdelay $0x1  }
0x386: {  	v58 =	vmul.f32 $5.000000000e-01, v57  }
0x387: {  	v59 =	vmul.f32 $2.500000000e+00, v56;
	v25 =	vmul.f32 $1.500000000e+00, v57  }
0x388: {  	v23 =	vmul.f32 $5.000000000e-01, v23;
	v61 =	vadd.f32 v56, v56;
	v60 =	vsub.f32 v56, v58  }
0x389: {  	v27 =	vsub.f32 v25, v59  }
0x38a: {  	s25 =	sshra.s32 s19, $0x2;
	s22 =	sand.u32 $0x200, s19;
	v25 =	vsub.f32 v61, v25;
	v28 =	vsub.f32 v60, v23  }
0x38b: {  	s6 =	sor.u32 s6, s22;
	[tilespmem:s25+$0x1400] =	vst v20;
	v24 =	vmul.f32 $5.000000000e-01, v56;
	v20 =	vadd.f32 $1.000000000e+00, v27  }
0x38c: {  	v23 =	vadd.f32 v25, v23;
	[tilespmem:s6+$0x1500] =	vst v28  }
0x38d: {  	v62 =	vmax.u32 v54, $0x1;
	[tilespmem:s6+$0x1580] =	vst v20;
	v20 =	vsub.f32 v58, v24  }
0x38e: {  	s24 =	sand.u32 $0x380, s19;
	p0 =	seq.s32 s20, $0x3;
	s22 =	sand.u32 $0x10, s9;
	v63 =	vsub.s32 v62, v19;
	[tilespmem:s6+$0x1600] =	vst v23  }
.Ltmp10:
0x38f: {  	s25 =	sor.u32 s22, s24;
	[tilespmem:s6+$0x1680] =	vst v20;
	v20 =	vor.u32 v0, v63;
	(pc) =	sbr.rel @p0 .LBB2_17-.Ltmp10, $4  }
0x390: {  	[tilespmem:s25+$0x1900] =	vst v20;
	v20 =	vor.u32 v0, v54  }
0x391: {  	v21 =	vmin.u32 v21, $0x1FD;
	[tilespmem:s25+$0x1920] =	vst v20;
	v20 =	vadd.s32 $0x1, v20  }
0x392: {  	[tilespmem:s25+$0x1940] =	vst v20;
	v20 =	vadd.s32 v21, v2  }
0x393: {  	[tilespmem:s25+$0x1960] =	vst v20  }
0x394: {  	p0 =	sne.s32 s20, $0x1  }
.Ltmp11:
0x395: {  	_ = 	snop;
	(pc) =	sbr.rel @p0 .LBB2_18-.Ltmp11, $1  }
0x396: {  	_ =	sdelay $0x3  }
0x397: {  	v20 =	vld [tilespmem:$0x1900];
	_ =	sdelay $0x4  }
0x398: {  	v21 =	vshll.u32 v20, $0x1  }
0x399: {  	v20 =	vand.u32 $0x7, v20;
	v21 =	vand.u32 $0xFFFFFFF0, v21  }
0x39a: {  	v56 =	vand.u32 $0x7, v1;
	v22 =	vshrl.u32 v1, $0x3;
	v20 =	vor.u32 v20, v21  }
0x39b: {  	v22 =	vmul.u32 $0x8, v22;
	v23 =	vperm.xlane v20, v56  }
0x39c: {  	v24 =	vor.u32 $0x8, v1  }
0x39d: {  	v20 =	vperm.xlane v20, v24;
	v23 =	vadd.s32 v22, v23;
	_ =	sdelay $0x1  }
0x39e: {  	v20 =	vadd.s32 v22, v20;
	_ =	sdelay $0x1  }
0x39f: {  	vm0 =	vmmov $0xffff;
	s6 =	simm.s32 $0x1D00  }
0x3a0: {  	[tilespmem:s6], [sflag:$0x1] =	stream.indirect_vreg.gather [hbm4b:s1+s4], $0x80, v23, vm0, $0xb8;
	[tilespmem:$0x16100] =	vst v63  }
0x3a1: {  	s22 =	simm.s32 $0x2500  }
0x3a2: {  	[tilespmem:s22], [sflag:$0x1] =	stream.indirect_vreg.gather [hbm4b:s1+s4], $0x80, v20, vm0, $0xb8;
	[tilespmem:$0x16100] =	vst v63  }
0x3a3: {  	v20 =	vld [tilespmem:$0x1910];
	_ =	sdelay $0x4  }
0x3a4: {  	v57 =	vshll.u32 v20, $0x1  }
0x3a5: {  	v20 =	vand.u32 $0x7, v20;
	v23 =	vand.u32 $0xFFFFFFF0, v57  }
0x3a6: {  	v20 =	vor.u32 v20, v23  }
0x3a7: {  	v23 =	vperm.xlane v20, v56;
	_ =	sdelay $0x1  }
0x3a8: {  	v20 =	vperm.xlane v20, v24;
	v23 =	vadd.s32 v22, v23;
	_ =	sdelay $0x1  }
0x3a9: {  	v20 =	vadd.s32 v22, v20;
	_ =	sdelay $0x1  }
0x3aa: {  	s24 =	simm.s32 $0x2D00  }
0x3ab: {  	[tilespmem:s24], [sflag:$0x1] =	stream.indirect_vreg.gather [hbm4b:s1+s4], $0x80, v23, vm0, $0xb8;
	[tilespmem:$0x16100] =	vst v63  }
0x3ac: {  	s25 =	simm.s32 $0x3500  }
0x3ad: {  	[tilespmem:s25], [sflag:$0x1] =	stream.indirect_vreg.gather [hbm4b:s1+s4], $0x80, v20, vm0, $0xb8;
	[tilespmem:$0x16100] =	vst v63  }
0x3ae: {  	v20 =	vld [tilespmem:$0x1920];
	_ =	sdelay $0x4  }
0x3af: {  	v58 =	vshll.u32 v20, $0x1  }
0x3b0: {  	v20 =	vand.u32 $0x7, v20;
	v23 =	vand.u32 $0xFFFFFFF0, v58  }
0x3b1: {  	v20 =	vor.u32 v20, v23  }
0x3b2: {  	v23 =	vperm.xlane v20, v56;
	_ =	sdelay $0x1  }
0x3b3: {  	v20 =	vperm.xlane v20, v24;
	v23 =	vadd.s32 v22, v23;
	_ =	sdelay $0x1  }
0x3b4: {  	v20 =	vadd.s32 v22, v20;
	_ =	sdelay $0x1  }
0x3b5: {  	s13 =	simm.s32 $0x3D00  }
0x3b6: {  	[tilespmem:s13], [sflag:$0x1] =	stream.indirect_vreg.gather [hbm4b:s1+s4], $0x80, v23, vm0, $0xb8;
	[tilespmem:$0x16100] =	vst v63  }
0x3b7: {  	s22 =	simm.s32 $0x4500  }
0x3b8: {  	[tilespmem:s22], [sflag:$0x1] =	stream.indirect_vreg.gather [hbm4b:s1+s4], $0x80, v20, vm0, $0xb8;
	[tilespmem:$0x16100] =	vst v63  }
0x3b9: {  	v20 =	vld [tilespmem:$0x1930];
	_ =	sdelay $0x4  }
0x3ba: {  	v59 =	vshll.u32 v20, $0x1  }
0x3bb: {  	v20 =	vand.u32 $0x7, v20;
	v23 =	vand.u32 $0xFFFFFFF0, v59  }
0x3bc: {  	v20 =	vor.u32 v20, v23  }
0x3bd: {  	v23 =	vperm.xlane v20, v56;
	_ =	sdelay $0x1  }
0x3be: {  	v20 =	vperm.xlane v20, v24;
	v23 =	vadd.s32 v22, v23;
	_ =	sdelay $0x1  }
0x3bf: {  	v20 =	vadd.s32 v22, v20;
	_ =	sdelay $0x1  }
0x3c0: {  	s24 =	simm.s32 $0x4D00  }
0x3c1: {  	[tilespmem:s24], [sflag:$0x1] =	stream.indirect_vreg.gather [hbm4b:s1+s4], $0x80, v23, vm0, $0xb8;
	[tilespmem:$0x16100] =	vst v63  }
0x3c2: {  	s25 =	simm.s32 $0x5500  }
0x3c3: {  	[tilespmem:s25], [sflag:$0x1] =	stream.indirect_vreg.gather [hbm4b:s1+s4], $0x80, v20, vm0, $0xb8;
	[tilespmem:$0x16100] =	vst v63  }
0x3c4: {  	v20 =	vld [tilespmem:$0x1940];
	_ =	sdelay $0x4  }
0x3c5: {  	v60 =	vshll.u32 v20, $0x1  }
0x3c6: {  	v20 =	vand.u32 $0x7, v20;
	v23 =	vand.u32 $0xFFFFFFF0, v60  }
0x3c7: {  	v20 =	vor.u32 v20, v23  }
0x3c8: {  	v23 =	vperm.xlane v20, v56;
	_ =	sdelay $0x1  }
0x3c9: {  	v20 =	vperm.xlane v20, v24;
	v23 =	vadd.s32 v22, v23;
	_ =	sdelay $0x1  }
0x3ca: {  	v20 =	vadd.s32 v22, v20;
	_ =	sdelay $0x1  }
0x3cb: {  	s13 =	simm.s32 $0x5D00  }
0x3cc: {  	[tilespmem:s13], [sflag:$0x1] =	stream.indirect_vreg.gather [hbm4b:s1+s4], $0x80, v23, vm0, $0xb8;
	[tilespmem:$0x16100] =	vst v63  }
0x3cd: {  	s22 =	simm.s32 $0x6500  }
0x3ce: {  	[tilespmem:s22], [sflag:$0x1] =	stream.indirect_vreg.gather [hbm4b:s1+s4], $0x80, v20, vm0, $0xb8;
	[tilespmem:$0x16100] =	vst v63  }
0x3cf: {  	v20 =	vld [tilespmem:$0x1950];
	_ =	sdelay $0x4  }
0x3d0: {  	v61 =	vshll.u32 v20, $0x1  }
0x3d1: {  	v20 =	vand.u32 $0x7, v20;
	v23 =	vand.u32 $0xFFFFFFF0, v61  }
0x3d2: {  	v20 =	vor.u32 v20, v23  }
0x3d3: {  	v23 =	vperm.xlane v20, v56;
	_ =	sdelay $0x1  }
0x3d4: {  	v20 =	vperm.xlane v20, v24;
	v23 =	vadd.s32 v22, v23;
	_ =	sdelay $0x1  }
0x3d5: {  	v20 =	vadd.s32 v22, v20;
	_ =	sdelay $0x1  }
0x3d6: {  	s24 =	simm.s32 $0x6D00  }
0x3d7: {  	[tilespmem:s24], [sflag:$0x1] =	stream.indirect_vreg.gather [hbm4b:s1+s4], $0x80, v23, vm0, $0xb8;
	[tilespmem:$0x16100] =	vst v63  }
0x3d8: {  	s25 =	simm.s32 $0x7500  }
0x3d9: {  	[tilespmem:s25], [sflag:$0x1] =	stream.indirect_vreg.gather [hbm4b:s1+s4], $0x80, v20, vm0, $0xb8;
	[tilespmem:$0x16100] =	vst v63  }
0x3da: {  	v20 =	vld [tilespmem:$0x1960];
	_ =	sdelay $0x4  }
0x3db: {  	v62 =	vshll.u32 v20, $0x1  }
0x3dc: {  	v20 =	vand.u32 $0x7, v20;
	v23 =	vand.u32 $0xFFFFFFF0, v62  }
0x3dd: {  	v20 =	vor.u32 v20, v23  }
0x3de: {  	v23 =	vperm.xlane v20, v56;
	_ =	sdelay $0x1  }
0x3df: {  	v20 =	vperm.xlane v20, v24;
	v23 =	vadd.s32 v22, v23;
	_ =	sdelay $0x1  }
0x3e0: {  	v20 =	vadd.s32 v22, v20;
	_ =	sdelay $0x1  }
0x3e1: {  	s13 =	simm.s32 $0x7D00  }
0x3e2: {  	[tilespmem:s13], [sflag:$0x1] =	stream.indirect_vreg.gather [hbm4b:s1+s4], $0x80, v23, vm0, $0xb8;
	[tilespmem:$0x16100] =	vst v63  }
0x3e3: {  	s22 =	simm.s32 $0x8500  }
0x3e4: {  	[tilespmem:s22], [sflag:$0x1] =	stream.indirect_vreg.gather [hbm4b:s1+s4], $0x80, v20, vm0, $0xb8;
	[tilespmem:$0x16100] =	vst v63  }
0x3e5: {  	v20 =	vld [tilespmem:$0x1970];
	_ =	sdelay $0x4  }
0x3e6: {  	v63 =	vshll.u32 v20, $0x1  }
0x3e7: {  	v20 =	vand.u32 $0x7, v20;
	v23 =	vand.u32 $0xFFFFFFF0, v63  }
0x3e8: {  	v20 =	vor.u32 v20, v23  }
0x3e9: {  	v21 =	vperm.xlane v20, v56;
	_ =	sdelay $0x1  }
0x3ea: {  	v20 =	vperm.xlane v20, v24;
	v21 =	vadd.s32 v22, v21;
	_ =	sdelay $0x1  }
0x3eb: {  	v20 =	vadd.s32 v22, v20  }
.Ltmp12:
0x3ec: {  	_ = 	snop;
	(pc) =	sbr.rel .LBB2_18-.Ltmp12, $4  }
0x3ed: {  	s24 =	simm.s32 $0x8D00  }
0x3ee: {  	[tilespmem:s24], [sflag:$0x1] =	stream.indirect_vreg.gather [hbm4b:s1+s4], $0x80, v21, vm0, $0xb8;
	[tilespmem:$0x16100] =	vst v63  }
0x3ef: {  	s25 =	simm.s32 $0x9500  }
0x3f0: {  	[tilespmem:s25], [sflag:$0x1] =	stream.indirect_vreg.gather [hbm4b:s1+s4], $0x80, v20, vm0, $0xb8;
	[tilespmem:$0x16100] =	vst v63  }
.LBB2_19:
0x3f1: {  	s6 =	rddreg [dreg:$0xe];
	s9 =	simm.s32 $0x1400  }
0x3f2: {  	[hbm4b:s6+s23] =	stream.strided.scatter [tilespmem:s9], [sflag:$0x5], $0x100, s17, s23, $0x38;
	[tilespmem:$0x16100] =	vst v63  }
0x3f3: {  	s20 =	simm.s32 $0x20;
	s6 =	simm.s32 $0x0;
	s9 =	simm.s32 $0x0  }
.LBB2_20:
0x3f4: {  	_ =	swait.ge [sflag:s15], $0x8000  }
0x3f5: {  	p0 =	seq.s32 s9, $0x0;
	[sflag:s15] =	ssyncset.done $0x0  }
0x3f6: {  	s19 =	simm.s32 @!p0 $0x3;
	[sflag:s15] =	ssyncadd.s32 $0xFFFF8000  }
0x3f7: {  	_ =	swait.ge @!p0 [sflag:s19], $0x2000  }
0x3f8: {  	s13 =	sshll.u32 s9, $0x1;
	s22 =	simm.s32 $0x0;
	[sflag:s19] =	ssyncset.done @!p0 $0x0  }
0x3f9: {  	s23 =	simm.s32 $0x0;
	[sflag:s19] =	ssyncadd.s32 @!p0 $0xFFFFE000;
	s19 =	smov.u32 s6  }
.LBB2_21:
0x3fa: {  	s24 =	sand.u32 $0x1800, s23;
	s25 =	sand.u32 $0x380, s22  }
0x3fb: {  	s24 =	sor.u32 s25, s24  }
0x3fc: {  	v59 =	vld [tilespmem:s24+$0x1D00]  }
0x3fd: {  	v60 =	vld [tilespmem:s24+$0x3D00]  }
0x3fe: {  	v26 =	vld [tilespmem:s24+$0x5D00]  }
0x3ff: {  	v27 =	vld [tilespmem:s24+$0x7D00]  }
0x400: {  	v28 =	vld [tilespmem:s24+$0x1D10]  }
0x401: {  	v29 =	vld [tilespmem:s24+$0x3D10]  }
0x402: {  	v30 =	vld [tilespmem:s24+$0x5D10]  }
0x403: {  	v31 =	vld [tilespmem:s24+$0x7D10]  }
0x404: {  	v32 =	vld [tilespmem:s24+$0x1D20]  }
0x405: {  	v33 =	vld [tilespmem:s24+$0x3D20]  }
0x406: {  	v34 =	vld [tilespmem:s24+$0x5D20]  }
0x407: {  	v35 =	vld [tilespmem:s24+$0x7D20]  }
0x408: {  	v36 =	vld [tilespmem:s24+$0x1D30]  }
0x409: {  	v37 =	vld [tilespmem:s24+$0x3D30]  }
0x40a: {  	v38 =	vld [tilespmem:s24+$0x5D30]  }
0x40b: {  	v39 =	vld [tilespmem:s24+$0x7D30]  }
0x40c: {  	v40 =	vld [tilespmem:s24+$0x1D40]  }
0x40d: {  	v41 =	vld [tilespmem:s24+$0x3D40]  }
0x40e: {  	v42 =	vld [tilespmem:s24+$0x5D40]  }
0x40f: {  	v43 =	vld [tilespmem:s24+$0x7D40]  }
0x410: {  	v44 =	vld [tilespmem:s24+$0x1D50]  }
0x411: {  	v20 =	vmov s19;
	v45 =	vld [tilespmem:s24+$0x3D50]  }
0x412: {  	v21 =	vshll.u32 v20, $0x2;
	v46 =	vld [tilespmem:s24+$0x5D50]  }
0x413: {  	v20 =	vand.u32 $0x5F, v20;
	v21 =	vand.u32 $0x200, v21;
	v47 =	vld [tilespmem:s24+$0x7D50]  }
0x414: {  	v48 =	vld [tilespmem:s24+$0x1D60];
	v20 =	vor.u32 v20, v21  }
0x415: {  	v49 =	vld [tilespmem:s24+$0x3D60];
	v21 =	vor.u32 $0x80, v20  }
0x416: {  	v50 =	vld [tilespmem:s24+$0x5D60];
	v24 =	vor.u32 $0x100, v20  }
0x417: {  	v51 =	vld [tilespmem:s24+$0x7D60];
	v25 =	vor.u32 $0x180, v20  }
0x418: {  	v52 =	vld [tilespmem:s24+$0x1D70]  }
0x419: {  	v23 =	vld.idx.msk [tilespmem:v20+s12+$0x0], $0xffff  }
0x41a: {  	v22 =	vld.idx.msk [tilespmem:v21+s12+$0x0], $0xffff  }
0x41b: {  	v20 =	vld.idx.msk [tilespmem:v24+s12+$0x0], $0xffff  }
0x41c: {  	v21 =	vld.idx.msk [tilespmem:v25+s12+$0x0], $0xffff  }
0x41d: {  	v53 =	vld [tilespmem:s24+$0x3D70]  }
0x41e: {  	v54 =	vld [tilespmem:s24+$0x5D70];
	v24 =	vmul.f32 v59, v23  }
0x41f: {  	v55 =	vld [tilespmem:s24+$0x7D70];
	v61 =	vmul.f32 v28, v23;
	v28 =	vmul.f32 v32, v23  }
0x420: {  	v56 =	vld [tilespmem:s24+$0x2100];
	v25 =	vmul.f32 v60, v22;
	v26 =	vmul.f32 v26, v20  }
0x421: {  	v32 =	vld [tilespmem:s24+$0x8110];
	v27 =	vmul.f32 v27, v21;
	v62 =	vmul.f32 v29, v22  }
0x422: {  	v29 =	vld [tilespmem:s24+$0x4100];
	v63 =	vmul.f32 v30, v20;
	v57 =	vmul.f32 v31, v21  }
0x423: {  	v31 =	vld [tilespmem:s24+$0x6100];
	v58 =	vmul.f32 v33, v22;
	v59 =	vmul.f32 v34, v20  }
0x424: {  	v33 =	vld [tilespmem:s24+$0x8100];
	v60 =	vmul.f32 v35, v21;
	v24 =	vadd.f32 v25, v24;
	v26 =	vadd.f32 v27, v26  }
0x425: {  	v35 =	vld [tilespmem:s24+$0x2110];
	v25 =	vadd.f32 v62, v61;
	v61 =	vmul.f32 v36, v23;
	v62 =	vmul.f32 v37, v22  }
0x426: {  	v34 =	vld [tilespmem:s24+$0x2120];
	v27 =	vadd.f32 v57, v63;
	v63 =	vmul.f32 v38, v20;
	v57 =	vmul.f32 v39, v21  }
0x427: {  	v37 =	vld [tilespmem:s24+$0x4110];
	v28 =	vadd.f32 v58, v28;
	v30 =	vadd.f32 v60, v59;
	v58 =	vmul.f32 v40, v23  }
0x428: {  	v39 =	vld [tilespmem:s24+$0x6110];
	v59 =	vmul.f32 v41, v22;
	v60 =	vmul.f32 v42, v20;
	v24 =	vadd.f32 v26, v24  }
0x429: {  	v38 =	vld [tilespmem:s24+$0x4120];
	v42 =	vmul.f32 v48, v23;
	v25 =	vadd.f32 v27, v25;
	v26 =	vadd.f32 v62, v61  }
0x42a: {  	v41 =	vld [tilespmem:s24+$0x6120];
	v27 =	vadd.f32 v57, v63;
	v61 =	vmul.f32 v43, v21;
	v62 =	vmul.f32 v44, v23  }
0x42b: {  	v48 =	vld [tilespmem:s24+$0x6140];
	v28 =	vadd.f32 v30, v28;
	v63 =	vmul.f32 v45, v22;
	v57 =	vmul.f32 v46, v20  }
0x42c: {  	v30 =	vadd.f32 v59, v58;
	v43 =	vld [tilespmem:s24+$0x8120];
	v58 =	vmul.f32 v47, v21;
	v59 =	vmul.f32 v49, v22  }
0x42d: {  	v45 =	vld [tilespmem:s24+$0x2130];
	v32 =	vmul.f32 v32, v21;
	v29 =	vmul.f32 v29, v22  }
0x42e: {  	v47 =	vld [tilespmem:s24+$0x4130];
	v31 =	vmul.f32 v31, v20;
	v33 =	vmul.f32 v33, v21  }
0x42f: {  	v49 =	vld [tilespmem:s24+$0x6130];
	v35 =	vmul.f32 v35, v23;
	v34 =	vmul.f32 v34, v23  }
0x430: {  	v46 =	vld [tilespmem:s24+$0x4140];
	v26 =	vadd.f32 v27, v26;
	v27 =	vadd.f32 v61, v60;
	v60 =	vmul.f32 v50, v20  }
0x431: {  	v36 =	vadd.f32 v63, v62;
	v61 =	vmul.f32 v51, v21;
	v62 =	vmul.f32 v52, v23;
	v51 =	vld [tilespmem:s24+$0x8130]  }
0x432: {  	v40 =	vadd.f32 v58, v57;
	v63 =	vmul.f32 v53, v22;
	v57 =	vmul.f32 v54, v20;
	v53 =	vld [tilespmem:s24+$0x2140]  }
0x433: {  	v58 =	vmul.f32 v55, v21;
	v42 =	vadd.f32 v59, v42;
	v59 =	vmul.f32 v56, v23;
	v50 =	vld [tilespmem:s24+$0x8140]  }
0x434: {  	v37 =	vmul.f32 v37, v22;
	v44 =	vadd.f32 v61, v60;
	v60 =	vmul.f32 v39, v20;
	v39 =	vld [tilespmem:s24+$0x6150]  }
0x435: {  	v31 =	vadd.f32 v33, v31;
	v27 =	vadd.f32 v27, v30;
	v61 =	vmul.f32 v38, v22;
	v38 =	vld [tilespmem:s24+$0x8150]  }
0x436: {  	v36 =	vadd.f32 v40, v36;
	v30 =	vadd.f32 v63, v62;
	v63 =	vmul.f32 v43, v21;
	v43 =	vld [tilespmem:s24+$0x2160]  }
0x437: {  	v40 =	vadd.f32 v58, v57;
	v29 =	vadd.f32 v29, v59;
	v55 =	vmul.f32 v47, v22;
	v47 =	vld [tilespmem:s24+$0x4160]  }
0x438: {  	v62 =	vmul.f32 v41, v20;
	v35 =	vadd.f32 v37, v35;
	v54 =	vmul.f32 v45, v23;
	v45 =	vld [tilespmem:s24+$0x4170]  }
0x439: {  	v56 =	vmul.f32 v49, v20;
	v49 =	vld [tilespmem:s24+$0x6170];
	v42 =	vadd.f32 v44, v42;
	v30 =	vadd.f32 v40, v30  }
0x43a: {  	v40 =	vld [tilespmem:s24+$0x2150];
	v32 =	vadd.f32 v32, v60;
	v29 =	vadd.f32 v31, v29  }
0x43b: {  	[tilespmem:s24+$0x11D00] =	vst v24;
	v44 =	vld [tilespmem:s24+$0x4150];
	v58 =	vadd.f32 v61, v34;
	v57 =	vmul.f32 v51, v21;
	v33 =	vadd.f32 v63, v62  }
0x43c: {  	[tilespmem:s24+$0x11D10] =	vst v25;
	v61 =	vld [tilespmem:s24+$0x2170];
	v59 =	vadd.f32 v55, v54;
	v62 =	vmul.f32 v53, v23;
	v63 =	vmul.f32 v46, v22  }
0x43d: {  	[tilespmem:s24+$0x11D20] =	vst v28;
	v34 =	vld [tilespmem:s24+$0x8160];
	v46 =	vmul.f32 v48, v20;
	v48 =	vmul.f32 v50, v21;
	v32 =	vadd.f32 v32, v35  }
0x43e: {  	[tilespmem:s24+$0x11D30] =	vst v26;
	v51 =	vld [tilespmem:s24+$0x6160];
	v60 =	vadd.f32 v57, v56;
	v24 =	vadd.f32 v33, v58;
	v55 =	vmul.f32 v39, v20  }
0x43f: {  	[tilespmem:s24+$0x11D40] =	vst v27;
	v54 =	vld [tilespmem:s24+$0x8170];
	v50 =	vadd.f32 v63, v62;
	v56 =	vmul.f32 v38, v21;
	v57 =	vmul.f32 v43, v23  }
0x440: {  	[tilespmem:s24+$0x11D50] =	vst v36;
	v26 =	vadd.f32 v48, v46;
	v52 =	vmul.f32 v40, v23;
	v53 =	vmul.f32 v44, v22  }
0x441: {  	[tilespmem:s24+$0x11D60] =	vst v42;
	v25 =	vadd.f32 v60, v59;
	v23 =	vmul.f32 v61, v23;
	v59 =	vmul.f32 v47, v22  }
0x442: {  	[tilespmem:s24+$0x11D70] =	vst v30;
	v58 =	vadd.f32 v56, v55;
	v22 =	vmul.f32 v45, v22;
	v61 =	vmul.f32 v34, v21  }
0x443: {  	[tilespmem:s24+$0x12100] =	vst v29;
	v26 =	vadd.f32 v26, v50;
	v60 =	vmul.f32 v51, v20;
	v20 =	vmul.f32 v49, v20  }
0x444: {  	[tilespmem:s24+$0x12110] =	vst v32;
	v21 =	vmul.f32 v54, v21;
	v28 =	vadd.f32 v53, v52;
	v62 =	vadd.f32 v59, v57  }
0x445: {  	p1 =	sne.s32 s23, $0x1F00;
	[tilespmem:s24+$0x12120] =	vst v24;
	v22 =	vadd.f32 v22, v23;
	v27 =	vadd.f32 v61, v60  }
.Ltmp13:
0x446: {  	[tilespmem:s24+$0x12130] =	vst v25;
	v20 =	vadd.f32 v21, v20;
	v28 =	vadd.f32 v58, v28;
	(pc) =	sbr.rel @p1 .LBB2_21-.Ltmp13, $4  }
0x447: {  	[tilespmem:s24+$0x12140] =	vst v26;
	v63 =	vadd.f32 v27, v62  }
0x448: {  	v20 =	vadd.f32 v20, v22;
	[tilespmem:s24+$0x12150] =	vst v28  }
0x449: {  	[tilespmem:s24+$0x12160] =	vst v63  }
0x44a: {  	s22 =	sadd.s32 $0x80, s22;
	s19 =	sadd.s32 $0x1, s19;
	s23 =	sadd.s32 $0x100, s23;
	[tilespmem:s24+$0x12170] =	vst v20  }
0x44b: {  	p1 =	seq.s32 s9, $0x3  }
.Ltmp14:
0x44c: {  	_ = 	snop;
	(pc) =	sbr.rel @p1 .LBB2_24-.Ltmp14, $4  }
0x44d: {  	_ = 	snop  }
0x44e: {  	s19 =	sshll.u32 s9, $0xB  }
0x44f: {  	s22 =	simm.s32 $0x11D00;
	s19 =	sadd.s32 s19, s14  }
0x450: {  	[hbm4b:s19+s4] =	stream.linear.scatter [tilespmem:s22], [sflag:$0x3], $0x2000, $0x38;
	[tilespmem:$0x16100] =	vst v63  }
0x451: {  	s19 =	sshll.u32 s9, $0x8  }
0x452: {  	s19 =	sand.u32 $0x3FFFFF00, s19  }
0x453: {  	v20 =	vld [tilespmem:s19+$0x1A00];
	_ =	sdelay $0x4  }
0x454: {  	v21 =	vshll.u32 v20, $0x1  }
0x455: {  	v20 =	vand.u32 $0x7, v20;
	v21 =	vand.u32 $0xFFFFFFF0, v21  }
0x456: {  	v56 =	vand.u32 $0x7, v1;
	v22 =	vshrl.u32 v1, $0x3;
	v20 =	vor.u32 v20, v21  }
0x457: {  	v22 =	vmul.u32 $0x8, v22;
	v23 =	vperm.xlane v20, v56  }
0x458: {  	v24 =	vor.u32 $0x8, v1  }
0x459: {  	v20 =	vperm.xlane v20, v24;
	v23 =	vadd.s32 v22, v23;
	_ =	sdelay $0x1  }
0x45a: {  	v20 =	vadd.s32 v22, v20;
	_ =	sdelay $0x1  }
0x45b: {  	vm0 =	vmmov $0xffff;
	s22 =	simm.s32 $0x1D00  }
0x45c: {  	[tilespmem:s22], [sflag:$0x1] =	stream.indirect_vreg.gather [hbm4b:s1+s4], $0x80, v23, vm0, $0xb8;
	[tilespmem:$0x16100] =	vst v63  }
0x45d: {  	s23 =	simm.s32 $0x2500  }
0x45e: {  	[tilespmem:s23], [sflag:$0x1] =	stream.indirect_vreg.gather [hbm4b:s1+s4], $0x80, v20, vm0, $0xb8;
	[tilespmem:$0x16100] =	vst v63  }
0x45f: {  	v20 =	vld [tilespmem:s19+$0x1A10];
	_ =	sdelay $0x4  }
0x460: {  	v57 =	vshll.u32 v20, $0x1  }
0x461: {  	v20 =	vand.u32 $0x7, v20;
	v23 =	vand.u32 $0xFFFFFFF0, v57  }
0x462: {  	v20 =	vor.u32 v20, v23  }
0x463: {  	v23 =	vperm.xlane v20, v56;
	_ =	sdelay $0x1  }
0x464: {  	v20 =	vperm.xlane v20, v24;
	v23 =	vadd.s32 v22, v23;
	_ =	sdelay $0x1  }
0x465: {  	v20 =	vadd.s32 v22, v20;
	_ =	sdelay $0x1  }
0x466: {  	s24 =	simm.s32 $0x2D00  }
0x467: {  	[tilespmem:s24], [sflag:$0x1] =	stream.indirect_vreg.gather [hbm4b:s1+s4], $0x80, v23, vm0, $0xb8;
	[tilespmem:$0x16100] =	vst v63  }
0x468: {  	s25 =	simm.s32 $0x3500  }
0x469: {  	[tilespmem:s25], [sflag:$0x1] =	stream.indirect_vreg.gather [hbm4b:s1+s4], $0x80, v20, vm0, $0xb8;
	[tilespmem:$0x16100] =	vst v63  }
0x46a: {  	v20 =	vld [tilespmem:s19+$0x1A20];
	_ =	sdelay $0x4  }
0x46b: {  	v58 =	vshll.u32 v20, $0x1  }
0x46c: {  	v20 =	vand.u32 $0x7, v20;
	v23 =	vand.u32 $0xFFFFFFF0, v58  }
0x46d: {  	v20 =	vor.u32 v20, v23  }
0x46e: {  	v23 =	vperm.xlane v20, v56;
	_ =	sdelay $0x1  }
0x46f: {  	v20 =	vperm.xlane v20, v24;
	v23 =	vadd.s32 v22, v23;
	_ =	sdelay $0x1  }
0x470: {  	v20 =	vadd.s32 v22, v20;
	_ =	sdelay $0x1  }
0x471: {  	s23 =	simm.s32 $0x3D00  }
0x472: {  	[tilespmem:s23], [sflag:$0x1] =	stream.indirect_vreg.gather [hbm4b:s1+s4], $0x80, v23, vm0, $0xb8;
	[tilespmem:$0x16100] =	vst v63  }
0x473: {  	s24 =	simm.s32 $0x4500  }
0x474: {  	[tilespmem:s24], [sflag:$0x1] =	stream.indirect_vreg.gather [hbm4b:s1+s4], $0x80, v20, vm0, $0xb8;
	[tilespmem:$0x16100] =	vst v63  }
0x475: {  	v20 =	vld [tilespmem:s19+$0x1A30];
	_ =	sdelay $0x4  }
0x476: {  	v59 =	vshll.u32 v20, $0x1  }
0x477: {  	v20 =	vand.u32 $0x7, v20;
	v23 =	vand.u32 $0xFFFFFFF0, v59  }
0x478: {  	v20 =	vor.u32 v20, v23  }
0x479: {  	v23 =	vperm.xlane v20, v56;
	_ =	sdelay $0x1  }
0x47a: {  	v20 =	vperm.xlane v20, v24;
	v23 =	vadd.s32 v22, v23;
	_ =	sdelay $0x1  }
0x47b: {  	v20 =	vadd.s32 v22, v20;
	_ =	sdelay $0x1  }
0x47c: {  	s25 =	simm.s32 $0x4D00  }
0x47d: {  	[tilespmem:s25], [sflag:$0x1] =	stream.indirect_vreg.gather [hbm4b:s1+s4], $0x80, v23, vm0, $0xb8;
	[tilespmem:$0x16100] =	vst v63  }
0x47e: {  	s23 =	simm.s32 $0x5500  }
0x47f: {  	[tilespmem:s23], [sflag:$0x1] =	stream.indirect_vreg.gather [hbm4b:s1+s4], $0x80, v20, vm0, $0xb8;
	[tilespmem:$0x16100] =	vst v63  }
0x480: {  	v20 =	vld [tilespmem:s19+$0x1A40];
	_ =	sdelay $0x4  }
0x481: {  	v60 =	vshll.u32 v20, $0x1  }
0x482: {  	v20 =	vand.u32 $0x7, v20;
	v23 =	vand.u32 $0xFFFFFFF0, v60  }
0x483: {  	v20 =	vor.u32 v20, v23  }
0x484: {  	v23 =	vperm.xlane v20, v56;
	_ =	sdelay $0x1  }
0x485: {  	v20 =	vperm.xlane v20, v24;
	v23 =	vadd.s32 v22, v23;
	_ =	sdelay $0x1  }
0x486: {  	v20 =	vadd.s32 v22, v20;
	_ =	sdelay $0x1  }
0x487: {  	s24 =	simm.s32 $0x5D00  }
0x488: {  	[tilespmem:s24], [sflag:$0x1] =	stream.indirect_vreg.gather [hbm4b:s1+s4], $0x80, v23, vm0, $0xb8;
	[tilespmem:$0x16100] =	vst v63  }
0x489: {  	s25 =	simm.s32 $0x6500  }
0x48a: {  	[tilespmem:s25], [sflag:$0x1] =	stream.indirect_vreg.gather [hbm4b:s1+s4], $0x80, v20, vm0, $0xb8;
	[tilespmem:$0x16100] =	vst v63  }
0x48b: {  	v20 =	vld [tilespmem:s19+$0x1A50];
	_ =	sdelay $0x4  }
0x48c: {  	v61 =	vshll.u32 v20, $0x1  }
0x48d: {  	v20 =	vand.u32 $0x7, v20;
	v23 =	vand.u32 $0xFFFFFFF0, v61  }
0x48e: {  	v20 =	vor.u32 v20, v23  }
0x48f: {  	v23 =	vperm.xlane v20, v56;
	_ =	sdelay $0x1  }
0x490: {  	v20 =	vperm.xlane v20, v24;
	v23 =	vadd.s32 v22, v23;
	_ =	sdelay $0x1  }
0x491: {  	v20 =	vadd.s32 v22, v20;
	_ =	sdelay $0x1  }
0x492: {  	s23 =	simm.s32 $0x6D00  }
0x493: {  	[tilespmem:s23], [sflag:$0x1] =	stream.indirect_vreg.gather [hbm4b:s1+s4], $0x80, v23, vm0, $0xb8;
	[tilespmem:$0x16100] =	vst v63  }
0x494: {  	s24 =	simm.s32 $0x7500  }
0x495: {  	[tilespmem:s24], [sflag:$0x1] =	stream.indirect_vreg.gather [hbm4b:s1+s4], $0x80, v20, vm0, $0xb8;
	[tilespmem:$0x16100] =	vst v63  }
0x496: {  	v20 =	vld [tilespmem:s19+$0x1A60];
	_ =	sdelay $0x4  }
0x497: {  	v62 =	vshll.u32 v20, $0x1  }
0x498: {  	v20 =	vand.u32 $0x7, v20;
	v23 =	vand.u32 $0xFFFFFFF0, v62  }
0x499: {  	v20 =	vor.u32 v20, v23  }
0x49a: {  	v23 =	vperm.xlane v20, v56;
	_ =	sdelay $0x1  }
0x49b: {  	v20 =	vperm.xlane v20, v24;
	v23 =	vadd.s32 v22, v23;
	_ =	sdelay $0x1  }
0x49c: {  	v20 =	vadd.s32 v22, v20;
	_ =	sdelay $0x1  }
0x49d: {  	s25 =	simm.s32 $0x7D00  }
0x49e: {  	[tilespmem:s25], [sflag:$0x1] =	stream.indirect_vreg.gather [hbm4b:s1+s4], $0x80, v23, vm0, $0xb8;
	[tilespmem:$0x16100] =	vst v63  }
0x49f: {  	s23 =	simm.s32 $0x8500  }
0x4a0: {  	[tilespmem:s23], [sflag:$0x1] =	stream.indirect_vreg.gather [hbm4b:s1+s4], $0x80, v20, vm0, $0xb8;
	[tilespmem:$0x16100] =	vst v63  }
0x4a1: {  	v20 =	vld [tilespmem:s19+$0x1A70];
	_ =	sdelay $0x4  }
0x4a2: {  	v63 =	vshll.u32 v20, $0x1  }
0x4a3: {  	v20 =	vand.u32 $0x7, v20;
	v23 =	vand.u32 $0xFFFFFFF0, v63  }
0x4a4: {  	v20 =	vor.u32 v20, v23  }
0x4a5: {  	v21 =	vperm.xlane v20, v56;
	_ =	sdelay $0x1  }
0x4a6: {  	v20 =	vperm.xlane v20, v24;
	v21 =	vadd.s32 v22, v21;
	_ =	sdelay $0x1  }
0x4a7: {  	v20 =	vadd.s32 v22, v20;
	_ =	sdelay $0x1  }
0x4a8: {  	s24 =	simm.s32 $0x8D00  }
0x4a9: {  	[tilespmem:s24], [sflag:$0x1] =	stream.indirect_vreg.gather [hbm4b:s1+s4], $0x80, v21, vm0, $0xb8;
	[tilespmem:$0x16100] =	vst v63  }
0x4aa: {  	s25 =	simm.s32 $0x9500  }
0x4ab: {  	[tilespmem:s25], [sflag:$0x1] =	stream.indirect_vreg.gather [hbm4b:s1+s4], $0x80, v20, vm0, $0xb8;
	[tilespmem:$0x16100] =	vst v63  }
.LBB2_24:
0x4ac: {  	_ =	swait.ge [sflag:s18], $0x8000  }
0x4ad: {  	[sflag:s18] =	ssyncset.done $0x0  }
0x4ae: {  	s19 =	simm.s32 @!p0 $0x4;
	[sflag:s18] =	ssyncadd.s32 $0xFFFF8000  }
0x4af: {  	_ =	swait.ge @!p0 [sflag:s19], $0x2000  }
0x4b0: {  	s13 =	sor.u32 $0x1, s13;
	s22 =	smov.u32 s20;
	[sflag:s19] =	ssyncset.done @!p0 $0x0  }
0x4b1: {  	s23 =	simm.s32 $0x0;
	[sflag:s19] =	ssyncadd.s32 @!p0 $0xFFFFE000;
	s19 =	simm.s32 $0x0  }
.LBB2_25:
0x4b2: {  	s24 =	sand.u32 $0x1800, s23;
	s25 =	sand.u32 $0x380, s19  }
0x4b3: {  	s24 =	sor.u32 s25, s24  }
0x4b4: {  	v59 =	vld [tilespmem:s24+$0x9D00]  }
0x4b5: {  	v60 =	vld [tilespmem:s24+$0xBD00]  }
0x4b6: {  	v26 =	vld [tilespmem:s24+$0xDD00]  }
0x4b7: {  	v27 =	vld [tilespmem:s24+$0xFD00]  }
0x4b8: {  	v28 =	vld [tilespmem:s24+$0x9D10]  }
0x4b9: {  	v29 =	vld [tilespmem:s24+$0xBD10]  }
0x4ba: {  	v30 =	vld [tilespmem:s24+$0xDD10]  }
0x4bb: {  	v31 =	vld [tilespmem:s24+$0xFD10]  }
0x4bc: {  	v32 =	vld [tilespmem:s24+$0x9D20]  }
0x4bd: {  	v33 =	vld [tilespmem:s24+$0xBD20]  }
0x4be: {  	v34 =	vld [tilespmem:s24+$0xDD20]  }
0x4bf: {  	v35 =	vld [tilespmem:s24+$0xFD20]  }
0x4c0: {  	v36 =	vld [tilespmem:s24+$0x9D30]  }
0x4c1: {  	v37 =	vld [tilespmem:s24+$0xBD30]  }
0x4c2: {  	v38 =	vld [tilespmem:s24+$0xDD30]  }
0x4c3: {  	v39 =	vld [tilespmem:s24+$0xFD30]  }
0x4c4: {  	v40 =	vld [tilespmem:s24+$0x9D40]  }
0x4c5: {  	v41 =	vld [tilespmem:s24+$0xBD40]  }
0x4c6: {  	v42 =	vld [tilespmem:s24+$0xDD40]  }
0x4c7: {  	v43 =	vld [tilespmem:s24+$0xFD40]  }
0x4c8: {  	v44 =	vld [tilespmem:s24+$0x9D50]  }
0x4c9: {  	v20 =	vmov s22;
	v45 =	vld [tilespmem:s24+$0xBD50]  }
0x4ca: {  	v21 =	vshll.u32 v20, $0x2;
	v46 =	vld [tilespmem:s24+$0xDD50]  }
0x4cb: {  	v20 =	vand.u32 $0x7F, v20;
	v21 =	vand.u32 $0x7FFFFE00, v21;
	v47 =	vld [tilespmem:s24+$0xFD50]  }
0x4cc: {  	v48 =	vld [tilespmem:s24+$0x9D60];
	v20 =	vor.u32 v20, v21  }
0x4cd: {  	v49 =	vld [tilespmem:s24+$0xBD60];
	v21 =	vor.u32 $0x80, v20  }
0x4ce: {  	v50 =	vld [tilespmem:s24+$0xDD60];
	v24 =	vor.u32 $0x100, v20  }
0x4cf: {  	v51 =	vld [tilespmem:s24+$0xFD60];
	v25 =	vor.u32 $0x180, v20  }
0x4d0: {  	v52 =	vld [tilespmem:s24+$0x9D70]  }
0x4d1: {  	v23 =	vld.idx.msk [tilespmem:v20+s12+$0x0], $0xffff  }
0x4d2: {  	v22 =	vld.idx.msk [tilespmem:v21+s12+$0x0], $0xffff  }
0x4d3: {  	v20 =	vld.idx.msk [tilespmem:v24+s12+$0x0], $0xffff  }
0x4d4: {  	v21 =	vld.idx.msk [tilespmem:v25+s12+$0x0], $0xffff  }
0x4d5: {  	v53 =	vld [tilespmem:s24+$0xBD70]  }
0x4d6: {  	v54 =	vld [tilespmem:s24+$0xDD70];
	v24 =	vmul.f32 v59, v23  }
0x4d7: {  	v55 =	vld [tilespmem:s24+$0xFD70];
	v61 =	vmul.f32 v28, v23;
	v28 =	vmul.f32 v32, v23  }
0x4d8: {  	v56 =	vld [tilespmem:s24+$0xA100];
	v25 =	vmul.f32 v60, v22;
	v26 =	vmul.f32 v26, v20  }
0x4d9: {  	v32 =	vld [tilespmem:s24+$0x10110];
	v27 =	vmul.f32 v27, v21;
	v62 =	vmul.f32 v29, v22  }
0x4da: {  	v29 =	vld [tilespmem:s24+$0xC100];
	v63 =	vmul.f32 v30, v20;
	v57 =	vmul.f32 v31, v21  }
0x4db: {  	v31 =	vld [tilespmem:s24+$0xE100];
	v58 =	vmul.f32 v33, v22;
	v59 =	vmul.f32 v34, v20  }
0x4dc: {  	v33 =	vld [tilespmem:s24+$0x10100];
	v60 =	vmul.f32 v35, v21;
	v24 =	vadd.f32 v25, v24;
	v26 =	vadd.f32 v27, v26  }
0x4dd: {  	v35 =	vld [tilespmem:s24+$0xA110];
	v25 =	vadd.f32 v62, v61;
	v61 =	vmul.f32 v36, v23;
	v62 =	vmul.f32 v37, v22  }
0x4de: {  	v34 =	vld [tilespmem:s24+$0xA120];
	v27 =	vadd.f32 v57, v63;
	v63 =	vmul.f32 v38, v20;
	v57 =	vmul.f32 v39, v21  }
0x4df: {  	v37 =	vld [tilespmem:s24+$0xC110];
	v28 =	vadd.f32 v58, v28;
	v30 =	vadd.f32 v60, v59;
	v58 =	vmul.f32 v40, v23  }
0x4e0: {  	v39 =	vld [tilespmem:s24+$0xE110];
	v59 =	vmul.f32 v41, v22;
	v60 =	vmul.f32 v42, v20;
	v24 =	vadd.f32 v26, v24  }
0x4e1: {  	v38 =	vld [tilespmem:s24+$0xC120];
	v42 =	vmul.f32 v48, v23;
	v25 =	vadd.f32 v27, v25;
	v26 =	vadd.f32 v62, v61  }
0x4e2: {  	v41 =	vld [tilespmem:s24+$0xE120];
	v27 =	vadd.f32 v57, v63;
	v61 =	vmul.f32 v43, v21;
	v62 =	vmul.f32 v44, v23  }
0x4e3: {  	v48 =	vld [tilespmem:s24+$0xE140];
	v28 =	vadd.f32 v30, v28;
	v63 =	vmul.f32 v45, v22;
	v57 =	vmul.f32 v46, v20  }
0x4e4: {  	v30 =	vadd.f32 v59, v58;
	v43 =	vld [tilespmem:s24+$0x10120];
	v58 =	vmul.f32 v47, v21;
	v59 =	vmul.f32 v49, v22  }
0x4e5: {  	v45 =	vld [tilespmem:s24+$0xA130];
	v32 =	vmul.f32 v32, v21;
	v29 =	vmul.f32 v29, v22  }
0x4e6: {  	v47 =	vld [tilespmem:s24+$0xC130];
	v31 =	vmul.f32 v31, v20;
	v33 =	vmul.f32 v33, v21  }
0x4e7: {  	v49 =	vld [tilespmem:s24+$0xE130];
	v35 =	vmul.f32 v35, v23;
	v34 =	vmul.f32 v34, v23  }
0x4e8: {  	v46 =	vld [tilespmem:s24+$0xC140];
	v26 =	vadd.f32 v27, v26;
	v27 =	vadd.f32 v61, v60;
	v60 =	vmul.f32 v50, v20  }
0x4e9: {  	v36 =	vadd.f32 v63, v62;
	v61 =	vmul.f32 v51, v21;
	v62 =	vmul.f32 v52, v23;
	v51 =	vld [tilespmem:s24+$0x10130]  }
0x4ea: {  	v40 =	vadd.f32 v58, v57;
	v63 =	vmul.f32 v53, v22;
	v57 =	vmul.f32 v54, v20;
	v53 =	vld [tilespmem:s24+$0xA140]  }
0x4eb: {  	v58 =	vmul.f32 v55, v21;
	v42 =	vadd.f32 v59, v42;
	v59 =	vmul.f32 v56, v23;
	v50 =	vld [tilespmem:s24+$0x10140]  }
0x4ec: {  	v37 =	vmul.f32 v37, v22;
	v44 =	vadd.f32 v61, v60;
	v60 =	vmul.f32 v39, v20;
	v39 =	vld [tilespmem:s24+$0xE150]  }
0x4ed: {  	v31 =	vadd.f32 v33, v31;
	v27 =	vadd.f32 v27, v30;
	v61 =	vmul.f32 v38, v22;
	v38 =	vld [tilespmem:s24+$0x10150]  }
0x4ee: {  	v36 =	vadd.f32 v40, v36;
	v30 =	vadd.f32 v63, v62;
	v63 =	vmul.f32 v43, v21;
	v43 =	vld [tilespmem:s24+$0xA160]  }
0x4ef: {  	v40 =	vadd.f32 v58, v57;
	v29 =	vadd.f32 v29, v59;
	v55 =	vmul.f32 v47, v22;
	v47 =	vld [tilespmem:s24+$0xC160]  }
0x4f0: {  	v62 =	vmul.f32 v41, v20;
	v35 =	vadd.f32 v37, v35;
	v54 =	vmul.f32 v45, v23;
	v45 =	vld [tilespmem:s24+$0xC170]  }
0x4f1: {  	v56 =	vmul.f32 v49, v20;
	v49 =	vld [tilespmem:s24+$0xE170];
	v42 =	vadd.f32 v44, v42;
	v30 =	vadd.f32 v40, v30  }
0x4f2: {  	v40 =	vld [tilespmem:s24+$0xA150];
	v32 =	vadd.f32 v32, v60;
	v29 =	vadd.f32 v31, v29  }
0x4f3: {  	[tilespmem:s24+$0x13D00] =	vst v24;
	v44 =	vld [tilespmem:s24+$0xC150];
	v58 =	vadd.f32 v61, v34;
	v57 =	vmul.f32 v51, v21;
	v33 =	vadd.f32 v63, v62  }
0x4f4: {  	[tilespmem:s24+$0x13D10] =	vst v25;
	v61 =	vld [tilespmem:s24+$0xA170];
	v59 =	vadd.f32 v55, v54;
	v62 =	vmul.f32 v53, v23;
	v63 =	vmul.f32 v46, v22  }
0x4f5: {  	[tilespmem:s24+$0x13D20] =	vst v28;
	v34 =	vld [tilespmem:s24+$0x10160];
	v46 =	vmul.f32 v48, v20;
	v48 =	vmul.f32 v50, v21;
	v32 =	vadd.f32 v32, v35  }
0x4f6: {  	[tilespmem:s24+$0x13D30] =	vst v26;
	v51 =	vld [tilespmem:s24+$0xE160];
	v60 =	vadd.f32 v57, v56;
	v24 =	vadd.f32 v33, v58;
	v55 =	vmul.f32 v39, v20  }
0x4f7: {  	[tilespmem:s24+$0x13D40] =	vst v27;
	v54 =	vld [tilespmem:s24+$0x10170];
	v50 =	vadd.f32 v63, v62;
	v56 =	vmul.f32 v38, v21;
	v57 =	vmul.f32 v43, v23  }
0x4f8: {  	[tilespmem:s24+$0x13D50] =	vst v36;
	v26 =	vadd.f32 v48, v46;
	v52 =	vmul.f32 v40, v23;
	v53 =	vmul.f32 v44, v22  }
0x4f9: {  	[tilespmem:s24+$0x13D60] =	vst v42;
	v25 =	vadd.f32 v60, v59;
	v23 =	vmul.f32 v61, v23;
	v59 =	vmul.f32 v47, v22  }
0x4fa: {  	[tilespmem:s24+$0x13D70] =	vst v30;
	v58 =	vadd.f32 v56, v55;
	v22 =	vmul.f32 v45, v22;
	v61 =	vmul.f32 v34, v21  }
0x4fb: {  	[tilespmem:s24+$0x14100] =	vst v29;
	v26 =	vadd.f32 v26, v50;
	v60 =	vmul.f32 v51, v20;
	v20 =	vmul.f32 v49, v20  }
0x4fc: {  	[tilespmem:s24+$0x14110] =	vst v32;
	v21 =	vmul.f32 v54, v21;
	v28 =	vadd.f32 v53, v52;
	v62 =	vadd.f32 v59, v57  }
0x4fd: {  	p0 =	sne.s32 s23, $0x1F00;
	[tilespmem:s24+$0x14120] =	vst v24;
	v22 =	vadd.f32 v22, v23;
	v27 =	vadd.f32 v61, v60  }
.Ltmp15:
0x4fe: {  	[tilespmem:s24+$0x14130] =	vst v25;
	v20 =	vadd.f32 v21, v20;
	v28 =	vadd.f32 v58, v28;
	(pc) =	sbr.rel @p0 .LBB2_25-.Ltmp15, $4  }
0x4ff: {  	[tilespmem:s24+$0x14140] =	vst v26;
	v63 =	vadd.f32 v27, v62  }
0x500: {  	v20 =	vadd.f32 v20, v22;
	[tilespmem:s24+$0x14150] =	vst v28  }
0x501: {  	[tilespmem:s24+$0x14160] =	vst v63  }
0x502: {  	s19 =	sadd.s32 $0x80, s19;
	s22 =	sadd.s32 $0x1, s22;
	s23 =	sadd.s32 $0x100, s23;
	[tilespmem:s24+$0x14170] =	vst v20  }
.Ltmp16:
0x503: {  	(pc) =	sbr.rel @p1 .LBB2_28-.Ltmp16, $4  }
0x504: {  	_ = 	snop  }
0x505: {  	s13 =	sshll.u32 s13, $0xA  }
0x506: {  	s19 =	simm.s32 $0x13D00;
	s13 =	sadd.s32 s13, s14  }
0x507: {  	[hbm4b:s13+s4] =	stream.linear.scatter [tilespmem:s19], [sflag:$0x4], $0x2000, $0x38;
	[tilespmem:$0x16100] =	vst v63  }
0x508: {  	s13 =	sshll.u32 s9, $0x8  }
0x509: {  	s13 =	sand.u32 $0x3FFFFF00, s13  }
0x50a: {  	v20 =	vld [tilespmem:s13+$0x1A80];
	_ =	sdelay $0x4  }
0x50b: {  	v21 =	vshll.u32 v20, $0x1  }
0x50c: {  	v20 =	vand.u32 $0x7, v20;
	v21 =	vand.u32 $0xFFFFFFF0, v21  }
0x50d: {  	v56 =	vand.u32 $0x7, v1;
	v22 =	vshrl.u32 v1, $0x3;
	v20 =	vor.u32 v20, v21  }
0x50e: {  	v22 =	vmul.u32 $0x8, v22;
	v23 =	vperm.xlane v20, v56  }
0x50f: {  	v24 =	vor.u32 $0x8, v1  }
0x510: {  	v20 =	vperm.xlane v20, v24;
	v23 =	vadd.s32 v22, v23;
	_ =	sdelay $0x1  }
0x511: {  	v20 =	vadd.s32 v22, v20;
	_ =	sdelay $0x1  }
0x512: {  	vm0 =	vmmov $0xffff;
	s19 =	simm.s32 $0x9D00  }
0x513: {  	[tilespmem:s19], [sflag:$0x2] =	stream.indirect_vreg.gather [hbm4b:s1+s4], $0x80, v23, vm0, $0xb8;
	[tilespmem:$0x16100] =	vst v63  }
0x514: {  	s23 =	simm.s32 $0xA500  }
0x515: {  	[tilespmem:s23], [sflag:$0x2] =	stream.indirect_vreg.gather [hbm4b:s1+s4], $0x80, v20, vm0, $0xb8;
	[tilespmem:$0x16100] =	vst v63  }
0x516: {  	v20 =	vld [tilespmem:s13+$0x1A90];
	_ =	sdelay $0x4  }
0x517: {  	v57 =	vshll.u32 v20, $0x1  }
0x518: {  	v20 =	vand.u32 $0x7, v20;
	v23 =	vand.u32 $0xFFFFFFF0, v57  }
0x519: {  	v20 =	vor.u32 v20, v23  }
0x51a: {  	v23 =	vperm.xlane v20, v56;
	_ =	sdelay $0x1  }
0x51b: {  	v20 =	vperm.xlane v20, v24;
	v23 =	vadd.s32 v22, v23;
	_ =	sdelay $0x1  }
0x51c: {  	v20 =	vadd.s32 v22, v20;
	_ =	sdelay $0x1  }
0x51d: {  	s24 =	simm.s32 $0xAD00  }
0x51e: {  	[tilespmem:s24], [sflag:$0x2] =	stream.indirect_vreg.gather [hbm4b:s1+s4], $0x80, v23, vm0, $0xb8;
	[tilespmem:$0x16100] =	vst v63  }
0x51f: {  	s25 =	simm.s32 $0xB500  }
0x520: {  	[tilespmem:s25], [sflag:$0x2] =	stream.indirect_vreg.gather [hbm4b:s1+s4], $0x80, v20, vm0, $0xb8;
	[tilespmem:$0x16100] =	vst v63  }
0x521: {  	v20 =	vld [tilespmem:s13+$0x1AA0];
	_ =	sdelay $0x4  }
0x522: {  	v58 =	vshll.u32 v20, $0x1  }
0x523: {  	v20 =	vand.u32 $0x7, v20;
	v23 =	vand.u32 $0xFFFFFFF0, v58  }
0x524: {  	v20 =	vor.u32 v20, v23  }
0x525: {  	v23 =	vperm.xlane v20, v56;
	_ =	sdelay $0x1  }
0x526: {  	v20 =	vperm.xlane v20, v24;
	v23 =	vadd.s32 v22, v23;
	_ =	sdelay $0x1  }
0x527: {  	v20 =	vadd.s32 v22, v20;
	_ =	sdelay $0x2  }
0x528: {  	[tilespmem:s26], [sflag:$0x2] =	stream.indirect_vreg.gather [hbm4b:s1+s4], $0x80, v23, vm0, $0xb8;
	[tilespmem:$0x16100] =	vst v63  }
0x529: {  	_ = 	snop  }
0x52a: {  	[tilespmem:s28], [sflag:$0x2] =	stream.indirect_vreg.gather [hbm4b:s1+s4], $0x80, v20, vm0, $0xb8;
	[tilespmem:$0x16100] =	vst v63  }
0x52b: {  	v20 =	vld [tilespmem:s13+$0x1AB0];
	_ =	sdelay $0x4  }
0x52c: {  	v59 =	vshll.u32 v20, $0x1  }
0x52d: {  	v20 =	vand.u32 $0x7, v20;
	v23 =	vand.u32 $0xFFFFFFF0, v59  }
0x52e: {  	v20 =	vor.u32 v20, v23  }
0x52f: {  	v23 =	vperm.xlane v20, v56;
	_ =	sdelay $0x1  }
0x530: {  	v20 =	vperm.xlane v20, v24;
	v23 =	vadd.s32 v22, v23;
	_ =	sdelay $0x1  }
0x531: {  	v20 =	vadd.s32 v22, v20;
	_ =	sdelay $0x2  }
0x532: {  	[tilespmem:s29], [sflag:$0x2] =	stream.indirect_vreg.gather [hbm4b:s1+s4], $0x80, v23, vm0, $0xb8;
	[tilespmem:$0x16100] =	vst v63  }
0x533: {  	_ = 	snop  }
0x534: {  	[tilespmem:s30], [sflag:$0x2] =	stream.indirect_vreg.gather [hbm4b:s1+s4], $0x80, v20, vm0, $0xb8;
	[tilespmem:$0x16100] =	vst v63  }
0x535: {  	v20 =	vld [tilespmem:s13+$0x1AC0];
	_ =	sdelay $0x4  }
0x536: {  	v60 =	vshll.u32 v20, $0x1  }
0x537: {  	v20 =	vand.u32 $0x7, v20;
	v23 =	vand.u32 $0xFFFFFFF0, v60  }
0x538: {  	v20 =	vor.u32 v20, v23  }
0x539: {  	v23 =	vperm.xlane v20, v56;
	_ =	sdelay $0x1  }
0x53a: {  	v20 =	vperm.xlane v20, v24;
	v23 =	vadd.s32 v22, v23;
	_ =	sdelay $0x1  }
0x53b: {  	v20 =	vadd.s32 v22, v20;
	_ =	sdelay $0x2  }
0x53c: {  	[tilespmem:s31], [sflag:$0x2] =	stream.indirect_vreg.gather [hbm4b:s1+s4], $0x80, v23, vm0, $0xb8;
	[tilespmem:$0x16100] =	vst v63  }
0x53d: {  	_ = 	snop  }
0x53e: {  	[tilespmem:s3], [sflag:$0x2] =	stream.indirect_vreg.gather [hbm4b:s1+s4], $0x80, v20, vm0, $0xb8;
	[tilespmem:$0x16100] =	vst v63  }
0x53f: {  	v20 =	vld [tilespmem:s13+$0x1AD0];
	_ =	sdelay $0x4  }
0x540: {  	v61 =	vshll.u32 v20, $0x1  }
0x541: {  	v20 =	vand.u32 $0x7, v20;
	v23 =	vand.u32 $0xFFFFFFF0, v61  }
0x542: {  	v20 =	vor.u32 v20, v23  }
0x543: {  	v23 =	vperm.xlane v20, v56;
	_ =	sdelay $0x1  }
0x544: {  	v20 =	vperm.xlane v20, v24;
	v23 =	vadd.s32 v22, v23;
	_ =	sdelay $0x1  }
0x545: {  	v20 =	vadd.s32 v22, v20;
	_ =	sdelay $0x2  }
0x546: {  	[tilespmem:s0], [sflag:$0x2] =	stream.indirect_vreg.gather [hbm4b:s1+s4], $0x80, v23, vm0, $0xb8;
	[tilespmem:$0x16100] =	vst v63  }
0x547: {  	_ = 	snop  }
0x548: {  	[tilespmem:s5], [sflag:$0x2] =	stream.indirect_vreg.gather [hbm4b:s1+s4], $0x80, v20, vm0, $0xb8;
	[tilespmem:$0x16100] =	vst v63  }
0x549: {  	v20 =	vld [tilespmem:s13+$0x1AE0];
	_ =	sdelay $0x4  }
0x54a: {  	v62 =	vshll.u32 v20, $0x1  }
0x54b: {  	v20 =	vand.u32 $0x7, v20;
	v23 =	vand.u32 $0xFFFFFFF0, v62  }
0x54c: {  	v20 =	vor.u32 v20, v23  }
0x54d: {  	v23 =	vperm.xlane v20, v56;
	_ =	sdelay $0x1  }
0x54e: {  	v20 =	vperm.xlane v20, v24;
	v23 =	vadd.s32 v22, v23;
	_ =	sdelay $0x1  }
0x54f: {  	v20 =	vadd.s32 v22, v20;
	_ =	sdelay $0x2  }
0x550: {  	[tilespmem:s7], [sflag:$0x2] =	stream.indirect_vreg.gather [hbm4b:s1+s4], $0x80, v23, vm0, $0xb8;
	[tilespmem:$0x16100] =	vst v63  }
0x551: {  	_ = 	snop  }
0x552: {  	[tilespmem:s8], [sflag:$0x2] =	stream.indirect_vreg.gather [hbm4b:s1+s4], $0x80, v20, vm0, $0xb8;
	[tilespmem:$0x16100] =	vst v63  }
0x553: {  	v20 =	vld [tilespmem:s13+$0x1AF0];
	_ =	sdelay $0x4  }
0x554: {  	v63 =	vshll.u32 v20, $0x1  }
0x555: {  	v20 =	vand.u32 $0x7, v20;
	v23 =	vand.u32 $0xFFFFFFF0, v63  }
0x556: {  	v20 =	vor.u32 v20, v23  }
0x557: {  	v21 =	vperm.xlane v20, v56;
	_ =	sdelay $0x1  }
0x558: {  	v20 =	vperm.xlane v20, v24;
	v21 =	vadd.s32 v22, v21;
	_ =	sdelay $0x1  }
0x559: {  	v20 =	vadd.s32 v22, v20  }
.Ltmp17:
0x55a: {  	_ = 	snop;
	(pc) =	sbr.rel .LBB2_20-.Ltmp17, $4  }
0x55b: {  	_ = 	snop  }
0x55c: {  	[tilespmem:s10], [sflag:$0x2] =	stream.indirect_vreg.gather [hbm4b:s1+s4], $0x80, v21, vm0, $0xb8;
	[tilespmem:$0x16100] =	vst v63  }
0x55d: {  	s9 =	sadd.s32 $0x1, s9;
	s6 =	sadd.s32 $0x40, s6;
	s20 =	sadd.s32 $0x40, s20  }
0x55e: {  	[tilespmem:s11], [sflag:$0x2] =	stream.indirect_vreg.gather [hbm4b:s1+s4], $0x80, v20, vm0, $0xb8;
	[tilespmem:$0x16100] =	vst v63  }
.LBB2_29:
0x55f: {  	_ =	sfence.sel $0x180000  }
0x560: {  	[bflag:$0x0] =	sbarrier.arrive $0xFFFF  }
0x561: {  	_ =	strace $0x90000047  }
0x562: {  	s0 =	stileid.u32;
	[bflag:$0x2] =	sbarrier.arrive $0xFFFF  }
0x563: {  	p0 =	sne.s32 s0, $0x0;
	s0 =	rddreg [dreg:$0x5]  }
0x564: {  	s0 =	sadd.s32 @!p0 $0x100000, s0  }
0x565: {  	[sflag:s0] =	ssyncadd.tile.s32 @!p0 $0x1;
	_ =	shalt  }
.Lfunc_end2:
_tile_overlayer_lowered:
.L_overlay_start_2:
0x566: {  	(tag) =	ssettag $0x2  }
0x567: {  	s0 =	rddreg [dreg:$0x0];
	s2 =	stileid.u32  }
0x568: {  	s1 =	rddreg [dreg:$0x1];
	p0 =	sne.s32 s2, $0x0  }
0x569: {  	s3 =	rddreg [dreg:$0x2];
	[bflag:$0x3] =	sbarrier.arrive $0xFFFF;
	s2 =	simm.s32 @!p0 $0x1C06  }
0x56a: {  	[timem:s3], [sflag:s2] =	dma.local @!p0 [hbm:s0], s1  }
0x56b: {  	s0 =	simm.s32 @!p0 $0x6  }
0x56c: {  	_ =	swait.ge @!p0 [sflag:s0], s1  }
0x56d: {  	s1 =	ssub.s32 @!p0 $0x0, s1;
	[sflag:s0] =	ssyncset.done @!p0 $0x0  }
0x56e: {  	[sflag:s0] =	ssyncadd.s32 @!p0 s1  }
0x56f: {  	[bflag:$0x3] =	sbarrier.arrive $0xFFFF  }
0x570: {  	_ =	shalt  }

</sc_bundles>
